<compile_context>
chip_gen: v7x
topology: tpu7x:2x2x1
jax: 0.10.2.dev20260603
libtpu: 0.0.44.dev20260713+nightly
codegen_flags: <defaults>
</compile_context>

<pallas_src>
import jax
import jax.numpy as jnp
from jax import lax
from jax.experimental import pallas as pl
from jax.experimental.pallas import tpu as pltpu
from jax.experimental.pallas import tpu_sc as plsc

N = 10000
E = 320000
CH = 128
ZD = 128
NG = 8
NP8 = N + 8
CHUNK = 128
EPT = 10112
NCHUNK = EPT // CHUNK
EP = EPT * 32
ROWS_A = 632
ROWS_LAST = N - 15 * ROWS_A
ZROWS_LAST = NP8 - 15 * ROWS_A
TAB = 3 * NP8

_G = 5
_R = N // _G

_SC_MESH = plsc.VectorSubcoreMesh(core_axis_name="c", subcore_axis_name="s")


def _qasm_body(ptab, dtab, srcp, dstp, qout,
               ptab_v, dtab_v, idxs, idxd, qbuf):
    c = lax.axis_index("c")
    s = lax.axis_index("s")
    pltpu.sync_copy(ptab, ptab_v)
    pltpu.sync_copy(dtab, dtab_v)

    def zero(i, carry):
        qbuf[pl.ds(i * 16, 16)] = jnp.zeros((16,), jnp.float32)
        return carry

    lax.fori_loop(0, CHUNK * 8 // 16, zero, 0)

    ebase = (c * 16 + s) * EPT
    iota = lax.iota(jnp.int32, 16)

    def chunk(i, carry):
        b0 = ebase + i * CHUNK
        pltpu.sync_copy(srcp.at[pl.ds(b0, CHUNK)], idxs)
        pltpu.sync_copy(dstp.at[pl.ds(b0, CHUNK)], idxd)
        for g in range(CHUNK // 16):
            isv = idxs[pl.ds(g * 16, 16)]
            idv = idxd[pl.ds(g * 16, 16)]
            sidx = g * 128 + iota * 8
            for k in range(3):
                ps = plsc.load_gather(ptab_v, [isv + (k * NP8)])
                pd = plsc.load_gather(ptab_v, [idv + (k * NP8)])
                dd = plsc.load_gather(dtab_v, [idv + (k * NP8)])
                q = (ps - pd) + dd
                plsc.store_scatter(qbuf, [sidx + k], q)
        pltpu.sync_copy(qbuf, qout.at[pl.ds(b0 * 8, CHUNK * 8)])
        return carry

    lax.fori_loop(0, NCHUNK, chunk, 0)


_qasm_call = pl.kernel(
    _qasm_body,
    out_type=jax.ShapeDtypeStruct((EP * 8,), jnp.float32),
    mesh=_SC_MESH,
    compiler_params=pltpu.CompilerParams(needs_layout_passes=False),
    scratch_types=[
        pltpu.VMEM((TAB,), jnp.float32),
        pltpu.VMEM((TAB,), jnp.float32),
        pltpu.VMEM((CHUNK,), jnp.int32),
        pltpu.VMEM((CHUNK,), jnp.int32),
        pltpu.VMEM((CHUNK * 8,), jnp.float32),
    ],
)


def _edge_body(aflat, pe, srcp, dstp, zrows, aggout,
               agg_sh, idxs, idxd, rowsa, rowsc, sema):
    c = lax.axis_index("c")
    s = lax.axis_index("s")

    @pl.when(s < 15)
    def _():
        pltpu.sync_copy(zrows, agg_sh.at[pl.ds(s * ROWS_A, ROWS_A)])

    @pl.when(s == 15)
    def _():
        pltpu.sync_copy(zrows.at[pl.ds(0, ZROWS_LAST)],
                        agg_sh.at[pl.ds(15 * ROWS_A, ZROWS_LAST)])

    plsc.subcore_barrier()

    ebase = (c * 16 + s) * EPT

    def chunk(i, carry):
        b0 = ebase + i * CHUNK
        pltpu.sync_copy(srcp.at[pl.ds(b0, CHUNK)], idxs)
        pltpu.sync_copy(dstp.at[pl.ds(b0, CHUNK)], idxd)
        cpa = pltpu.async_copy(aflat.at[idxs], rowsa, sema)
        pltpu.sync_copy(pe.at[pl.ds(b0, CHUNK)], rowsc)
        cpa.wait()

        def row(r, cr):
            for j in range(8):
                a = rowsa[r, pl.ds(j * 16, 16)]
                b = rowsc[r, pl.ds(j * 16, 16)]
                rowsa[r, pl.ds(j * 16, 16)] = jnp.maximum(a + b, 0.0)
            return cr

        lax.fori_loop(0, CHUNK, row, 0)
        pltpu.sync_copy(rowsa, agg_sh.at[idxd], add=True)
        return carry

    lax.fori_loop(0, NCHUNK, chunk, 0)
    plsc.subcore_barrier()

    @pl.when(s < 15)
    def _():
        r0 = s * ROWS_A
        pltpu.sync_copy(agg_sh.at[pl.ds(r0, ROWS_A)],
                        aggout.at[pl.ds(c * N + r0, ROWS_A)])

    @pl.when(s == 15)
    def _():
        r0 = 15 * ROWS_A
        pltpu.sync_copy(agg_sh.at[pl.ds(r0, ROWS_LAST)],
                        aggout.at[pl.ds(c * N + r0, ROWS_LAST)])


_edge_call = pl.kernel(
    _edge_body,
    out_type=jax.ShapeDtypeStruct((2 * N, CH), jnp.float32),
    mesh=_SC_MESH,
    scratch_types=[
        pltpu.VMEM_SHARED((NP8, CH), jnp.float32),
        pltpu.VMEM((CHUNK,), jnp.int32),
        pltpu.VMEM((CHUNK,), jnp.int32),
        pltpu.VMEM((CHUNK, CH), jnp.float32),
        pltpu.VMEM((CHUNK, CH), jnp.float32),
        pltpu.SemaphoreType.DMA,
    ],
)


def _mm(a, b):
    return jax.lax.dot(a, b)


def _leaky(x, sl):
    return jnp.where(x >= 0, x, sl * x)


def _rows(d):
    return pl.BlockSpec((_R, d), lambda i: (i, 0))


def _full(shape):
    return pl.BlockSpec(shape, lambda i: tuple(0 for _ in shape))


def _pcall(body, arrays, in_specs, out_shape, out_specs, grid=_G):
    return pl.pallas_call(
        body,
        grid=(grid,),
        in_specs=in_specs,
        out_shape=out_shape,
        out_specs=out_specs,
        compiler_params=pltpu.CompilerParams(
            dimension_semantics=("arbitrary",)),
    )(*arrays)


_RE = 4096


def _pe_body(q_ref, fp8, pe_ref):
    pe_ref[...] = _mm(q_ref[...], fp8[...])


def _pe_call(q, fp8):
    return pl.pallas_call(
        _pe_body,
        grid=(EP // _RE,),
        in_specs=[pl.BlockSpec((_RE, 8), lambda i: (i, 0)),
                  pl.BlockSpec((8, CH), lambda i: (0, 0))],
        out_shape=jax.ShapeDtypeStruct((EP, CH), jnp.float32),
        out_specs=pl.BlockSpec((_RE, CH), lambda i: (i, 0)),
        compiler_params=pltpu.CompilerParams(
            dimension_semantics=("arbitrary",)),
    )(q, fp8)


def _pre_body(z_ref, pp_ref, wz, wp, b1, w2, b2, bt,
              h1t, h1b, h2t, h2b, fxt, f1b,
              style_ref, x_ref, xt_ref, d_ref):
    zb = z_ref[...]
    pp = pp_ref[...]
    s = _leaky(_mm(zb, wz[...]) + _mm(pp, wp[...]) + b1[...], 0.01)
    st = _leaky(_mm(s, w2[...]) + b2[...], 0.01)
    style_ref[...] = st
    v = (2.0 * jnp.pi) * (_mm(pp, bt[...]))
    x = jnp.concatenate([jnp.cos(v), jnp.sin(v)], axis=-1)
    x_ref[...] = x
    hh = jnp.maximum(_mm(x, h1t[...]) + h1b[...], 0.0)
    d_ref[...] = jnp.tanh(_mm(hh, h2t[...]) + h2b[...])
    xt_ref[...] = _mm(x, fxt[...]) + f1b[...]


def _mida_body(aggl_ref, aggh_ref, x_ref, g1t, g1b, g2t, g2b,
               h_ref, sum_ref):
    i = pl.program_id(0)
    agg = aggl_ref[...] + aggh_ref[...]
    t = jnp.maximum(_mm(agg, g1t[...]) + g1b[...], 0.0)
    out = _mm(t, g2t[...]) + g2b[...]
    h = _leaky(x_ref[...] + out, 0.2)
    h_ref[...] = h
    bs = jnp.broadcast_to(jnp.sum(h, axis=0, keepdims=True), (8, CH))

    @pl.when(i == 0)
    def _():
        sum_ref[...] = bs

    @pl.when(i > 0)
    def _():
        sum_ref[...] += bs


def _var_body(h_ref, sum_ref, ssq_ref):
    i = pl.program_id(0)
    mu = sum_ref[0:1, :] / N
    d = h_ref[...] - mu
    bq = jnp.broadcast_to(jnp.sum(d * d, axis=0, keepdims=True), (8, CH))

    @pl.when(i == 0)
    def _():
        ssq_ref[...] = bq

    @pl.when(i > 0)
    def _():
        ssq_ref[...] += bq


def _adain(h_ref, sum_ref, ssq_ref, style_ref, wg, bg, wb, bb):
    mu = sum_ref[0:1, :] / N
    var = ssq_ref[0:1, :] / N
    st = style_ref[...]
    gamma = _mm(st, wg[...]) + bg[...]
    beta = _mm(st, wb[...]) + bb[...]
    return gamma * ((h_ref[...] - mu) / jnp.sqrt(var + 1e-5)) + beta


def _midb_next_body(h_ref, sum_ref, ssq_ref, style_ref,
                    wg, bg, wb, bb, h1t, h1b, h2t, h2b, fxt, f1b,
                    x_ref, xt_ref, d_ref):
    x = _adain(h_ref, sum_ref, ssq_ref, style_ref, wg, bg, wb, bb)
    x_ref[...] = x
    hh = jnp.maximum(_mm(x, h1t[...]) + h1b[...], 0.0)
    d_ref[...] = jnp.tanh(_mm(hh, h2t[...]) + h2b[...])
    xt_ref[...] = _mm(x, fxt[...]) + f1b[...]


def _midb_final_body(h_ref, sum_ref, ssq_ref, style_ref, boh_ref,
                     wg, bg, wb, bb, x_ref, hp_ref):
    i = pl.program_id(0)
    x = _adain(h_ref, sum_ref, ssq_ref, style_ref, wg, bg, wb, bb)
    x_ref[...] = x
    boh = boh_ref[...]
    rows = []
    for g in range(NG):
        m = jnp.where(boh[:, g:g + 1] > 0.5, x, -3.4e38)
        rows.append(jnp.max(m, axis=0, keepdims=True))
    hpb = jnp.concatenate(rows, axis=0)

    @pl.when(i == 0)
    def _():
        hp_ref[...] = hpb

    @pl.when(i > 0)
    def _():
        hp_ref[...] = jnp.maximum(hp_ref[...], hpb)


def _gc_body(hp_ref, w1, b1, w2, b2, hg_ref):
    h = _leaky(_mm(hp_ref[...], w1[...]) + b1[...], 0.01)
    hg_ref[...] = _leaky(_mm(h, w2[...]) + b2[...], 0.01)


def _tail_body(x_ref, boh_ref, hg_ref, w1x, w1h, b1, w2t, b2, w3t, b3,
               t_ref, x2_ref):
    x = x_ref[...]
    boh = boh_ref[...]
    hn = jnp.zeros_like(x)
    for g in range(NG):
        row = jnp.broadcast_to(hg_ref[g:g + 1, :], x.shape)
        hn = jnp.where(boh[:, g:g + 1] > 0.5, row, hn)
    x2_ref[...] = jnp.concatenate([x, hn], axis=-1)
    t = _leaky(_mm(x, w1x[...]) + _mm(hn, w1h[...]) + b1[...], 0.01)
    t = _leaky(_mm(t, w2t[...]) + b2[...], 0.01)
    t_ref[...] = jnp.tanh(_mm(t, w3t[...]) + b3[...]) * 0.75


def _pad_rows(w, rows):
    return jnp.pad(w, ((0, rows - w.shape[0]), (0, 0)))


def _pad_cols(w, cols):
    return jnp.pad(w, ((0, 0), (0, cols - w.shape[1])))


def _row2(b):
    return b.reshape(1, -1)


def _mkflat(t):
    return jnp.concatenate([t, jnp.zeros((8, CH), jnp.float32)], axis=0)


def _ctab(a):
    z8 = jnp.zeros((8,), jnp.float32)
    return jnp.concatenate([a[:, 0], z8, a[:, 1], z8, a[:, 2], z8])


def _block_consts(p):
    h1t = p['h1'][0].T
    h1b = _row2(p['h1'][1])
    h2t = _pad_cols(p['h2'][0].T, 8)
    h2b = _row2(jnp.pad(p['h2'][1], (0, 5)))
    fxt = p['f1'][0][:, 3:].T
    f1b = _row2(p['f1'][1])
    return h1t, h1b, h2t, h2b, fxt, f1b


def _edge_stage(xt, delta, ptab, fp8, srcp, dstp, zrows):
    qflat = _qasm_call(ptab, _ctab(delta), srcp, dstp)
    pe = _pe_call(qflat.reshape(EP, 8), fp8)
    agg2 = _edge_call(_mkflat(xt), pe, srcp, dstp, zrows)
    return agg2


def kernel(pos, edge_index, batch, z, params):
    P = params
    pos = pos.astype(jnp.float32)
    pp = jnp.pad(pos, ((0, 0), (0, 5)))
    src = edge_index[0].astype(jnp.int32)
    dst = edge_index[1].astype(jnp.int32)
    pad = EP - E
    srcp = jnp.concatenate([src, jnp.full((pad,), N, jnp.int32)])
    dstp = jnp.concatenate([dst, jnp.full((pad,), N, jnp.int32)])
    zrows = jnp.zeros((ROWS_A, CH), jnp.float32)
    ptab = _ctab(pos)
    boh = (batch[:, None] == jnp.arange(NG, dtype=batch.dtype)[None, :]
           ).astype(jnp.float32)

    w1 = P['style1'][0]
    wz = w1[:, :ZD].T
    wp = _pad_rows(w1[:, ZD:].T, 8)
    b1 = _row2(P['style1'][1])
    w2 = P['style2'][0].T
    b2 = _row2(P['style2'][1])
    bt = _pad_rows(P['B_enc'].T, 8)
    blk = [_block_consts(p) for p in P['blocks']]
    fp8 = [_pad_rows(p['f1'][0][:, :3].T, 8) for p in P['blocks']]
    styles = []
    for p in P['blocks']:
        ws, bs = p['s']
        styles.append((ws[:CH].T, _row2(bs[:CH]), ws[CH:].T, _row2(bs[CH:])))
    g1t = [p['g1'][0].T for p in P['blocks']]
    g1b = [_row2(p['g1'][1]) for p in P['blocks']]
    g2t = [p['g2'][0].T for p in P['blocks']]
    g2b = [_row2(p['g2'][1]) for p in P['blocks']]
    gc1w, gc1b = P['gc1'][0].T, _row2(P['gc1'][1])
    gc2w, gc2b = P['gc2'][0].T, _row2(P['gc2'][1])
    w1x = P['t1'][0][:, :CH].T
    w1h = P['t1'][0][:, CH:].T
    tb1 = _row2(P['t1'][1])
    w2t = P['t2'][0].T
    tb2 = _row2(P['t2'][1])
    w3t = _pad_cols(P['t3'][0].T, 8)
    tb3 = _row2(jnp.pad(P['t3'][1], (0, 5)))

    f32 = jnp.float32

    style, x, xt0, d0 = _pcall(
        _pre_body,
        [z, pp, wz, wp, b1, w2, b2, bt, *blk[0]],
        [_rows(ZD), _rows(8), _full(wz.shape), _full(wp.shape),
         _full(b1.shape), _full(w2.shape), _full(b2.shape), _full(bt.shape),
         _full(blk[0][0].shape), _full(blk[0][1].shape),
         _full(blk[0][2].shape), _full(blk[0][3].shape),
         _full(blk[0][4].shape), _full(blk[0][5].shape)],
        [jax.ShapeDtypeStruct((N, CH), f32),
         jax.ShapeDtypeStruct((N, CH), f32),
         jax.ShapeDtypeStruct((N, CH), f32),
         jax.ShapeDtypeStruct((N, 8), f32)],
        [_rows(CH), _rows(CH), _rows(CH), _rows(8)],
    )

    agg2 = _edge_stage(xt0, d0, ptab, fp8[0], srcp, dstp, zrows)

    h, hsum = _pcall(
        _mida_body,
        [agg2[:N], agg2[N:], x, g1t[0], g1b[0], g2t[0], g2b[0]],
        [_rows(CH), _rows(CH), _rows(CH), _full(g1t[0].shape),
         _full(g1b[0].shape), _full(g2t[0].shape), _full(g2b[0].shape)],
        [jax.ShapeDtypeStruct((N, CH), f32),
         jax.ShapeDtypeStruct((8, CH), f32)],
        [_rows(CH), _full((8, CH))],
    )
    hssq = _pcall(
        _var_body,
        [h, hsum],
        [_rows(CH), _full((8, CH))],
        [jax.ShapeDtypeStruct((8, CH), f32)],
        [_full((8, CH))],
    )[0]

    x1, xt1, d1 = _pcall(
        _midb_next_body,
        [h, hsum, hssq, style, *styles[0], *blk[1]],
        [_rows(CH), _full((8, CH)), _full((8, CH)), _rows(CH),
         _full(styles[0][0].shape), _full(styles[0][1].shape),
         _full(styles[0][2].shape), _full(styles[0][3].shape),
         _full(blk[1][0].shape), _full(blk[1][1].shape),
         _full(blk[1][2].shape), _full(blk[1][3].shape),
         _full(blk[1][4].shape), _full(blk[1][5].shape)],
        [jax.ShapeDtypeStruct((N, CH), f32),
         jax.ShapeDtypeStruct((N, CH), f32),
         jax.ShapeDtypeStruct((N, 8), f32)],
        [_rows(CH), _rows(CH), _rows(8)],
    )

    agg2 = _edge_stage(xt1, d1, ptab, fp8[1], srcp, dstp, zrows)

    h, hsum = _pcall(
        _mida_body,
        [agg2[:N], agg2[N:], x1, g1t[1], g1b[1], g2t[1], g2b[1]],
        [_rows(CH), _rows(CH), _rows(CH), _full(g1t[1].shape),
         _full(g1b[1].shape), _full(g2t[1].shape), _full(g2b[1].shape)],
        [jax.ShapeDtypeStruct((N, CH), f32),
         jax.ShapeDtypeStruct((8, CH), f32)],
        [_rows(CH), _full((8, CH))],
    )
    hssq = _pcall(
        _var_body,
        [h, hsum],
        [_rows(CH), _full((8, CH))],
        [jax.ShapeDtypeStruct((8, CH), f32)],
        [_full((8, CH))],
    )[0]

    xf, hp = _pcall(
        _midb_final_body,
        [h, hsum, hssq, style, boh, *styles[1]],
        [_rows(CH), _full((8, CH)), _full((8, CH)), _rows(CH), _rows(8),
         _full(styles[1][0].shape), _full(styles[1][1].shape),
         _full(styles[1][2].shape), _full(styles[1][3].shape)],
        [jax.ShapeDtypeStruct((N, CH), f32),
         jax.ShapeDtypeStruct((8, CH), f32)],
        [_rows(CH), _full((8, CH))],
    )

    hg = _pcall(
        _gc_body,
        [hp, gc1w, gc1b, gc2w, gc2b],
        [_full((8, CH)), _full(gc1w.shape), _full(gc1b.shape),
         _full(gc2w.shape), _full(gc2b.shape)],
        [jax.ShapeDtypeStruct((8, CH), f32)],
        [_full((8, CH))],
        grid=1,
    )[0]

    tpad, x2 = _pcall(
        _tail_body,
        [xf, boh, hg, w1x, w1h, tb1, w2t, tb2, w3t, tb3],
        [_rows(CH), _rows(8), _full((8, CH)), _full(w1x.shape),
         _full(w1h.shape), _full(tb1.shape), _full(w2t.shape),
         _full(tb2.shape), _full(w3t.shape), _full(tb3.shape)],
        [jax.ShapeDtypeStruct((N, 8), f32),
         jax.ShapeDtypeStruct((N, 2 * CH), f32)],
        [_rows(8), _rows(2 * CH)],
    )

    return (tpad[:, :3], x2)

# --- scband reference (transcript-rebuilt; emitter-appended) ---
"""Pipeline reference for scband-cloud-generator-31774168056052 (READ-ONLY COPY).

The authoritative reference and input builder live on the scoring server;
editing this copy changes nothing except your own understanding.
"""

import jax, jax.numpy as jnp
import numpy as np

N = 10000
E = 320000
CH = 128
ZD = 128
NG = 8
BLOCKS = 2
ENC = CH // 2


def _lin(key, fan_in, fan_out, scale=None):
    if scale is None:
        scale = 1.0 / np.sqrt(fan_in)
    W = jax.random.normal(key, (fan_out, fan_in), dtype=jnp.float32) * scale
    b = jnp.zeros((fan_out,), dtype=jnp.float32)
    return (W, b)


def _make_params(key):
    ks = iter(jax.random.split(key, 64))
    params = {}
    # rff GaussianEncoding: b ~ N(0, sigma^2), sigma=10, shape [encoded_size, input_size]
    params['B_enc'] = 10.0 * jax.random.normal(next(ks), (ENC, 3), dtype=jnp.float32)
    params['style1'] = _lin(next(ks), ZD + 3, 128)
    params['style2'] = _lin(next(ks), 128, 128)
    blocks = []
    for _ in range(BLOCKS):
        p = {}
        p['h1'] = _lin(next(ks), CH, CH)
        p['h2'] = _lin(next(ks), CH, 3)
        p['f1'] = _lin(next(ks), CH + 3, CH)
        p['g1'] = _lin(next(ks), CH, CH)
        p['g2'] = _lin(next(ks), CH, CH)
        # AdaptivePointNorm.style: weight ~ N(0,1), bias = [ones(CH), zeros(CH)]
        Ws = jax.random.normal(next(ks), (2 * CH, 128), dtype=jnp.float32)
        bs = jnp.concatenate([jnp.ones((CH,), jnp.float32), jnp.zeros((CH,), jnp.float32)])
        p['s'] = (Ws, bs)
        blocks.append(p)
    params['blocks'] = blocks
    params['gc1'] = _lin(next(ks), 128, 128)
    params['gc2'] = _lin(next(ks), 128, 128)
    params['t1'] = _lin(next(ks), 256, 128)
    params['t2'] = _lin(next(ks), 128, 64)
    params['t3'] = _lin(next(ks), 64, 3)
    return params


def setup_inputs(seed: int = 0):
    key = jax.random.key(seed)
    k1, k2, k3, k4, k5 = jax.random.split(key, 5)
    pos = jax.random.normal(k1, (N, 3), dtype=jnp.float32)
    edge_index = jax.random.randint(k2, (2, E), 0, N, dtype=jnp.int32)
    batch = jnp.sort(jax.random.randint(k3, (N,), 0, NG, dtype=jnp.int32))
    z = jax.random.normal(k4, (N, ZD), dtype=jnp.float32)
    params = _make_params(k5)
    return {"pos": pos, "edge_index": edge_index, "batch": batch, "z": z, "params": params}


def _linear(x, Wb):
    W, b = Wb
    return x @ W.T + b


def _leaky(x, s):
    return jnp.where(x >= 0, x, s * x)


def _inst_norm(x, eps=1e-5):
    mu = jnp.mean(x, axis=0, keepdims=True)
    var = jnp.var(x, axis=0, keepdims=True)
    return (x - mu) / jnp.sqrt(var + eps)


def _forward(pos, z, params, edge_index, batch):
    z = z.reshape(-1, ZD)
    s = jnp.concatenate([z, pos], axis=-1)
    s = _leaky(_linear(s, params['style1']), 0.01)
    style = _leaky(_linear(s, params['style2']), 0.01)
    # GaussianEncoding: cat([cos(2*pi*x@B^T), sin(2*pi*x@B^T)])
    v = 2.0 * jnp.pi * (pos @ params['B_enc'].T)
    x = jnp.concatenate([jnp.cos(v), jnp.sin(v)], axis=-1)
    src = edge_index[0]
    dst = edge_index[1]
    for p in params['blocks']:
        # PointGNNConv (PyG): delta = mlp_h(x_i); e = cat([pos_j - pos_i + delta, x_j]); aggr='sum'
        delta = jnp.tanh(_linear(jax.nn.relu(_linear(x, p['h1'])), p['h2']))
        e = jnp.concatenate([pos[src] - pos[dst] + delta[dst], x[src]], axis=-1)
        msg = jax.nn.relu(_linear(e, p['f1']))
        agg = jax.ops.segment_sum(msg, dst, num_segments=N)
        out = _linear(jax.nn.relu(_linear(agg, p['g1'])), p['g2'])
        h = _leaky(x + out, 0.2)
        st = _linear(style, p['s'])
        gamma = st[:, :CH]
        beta = st[:, CH:]
        x = gamma * _inst_norm(h) + beta
    hp = jax.ops.segment_max(x, batch, num_segments=NG)
    hg = _leaky(_linear(hp, params['gc1']), 0.01)
    hg = _leaky(_linear(hg, params['gc2']), 0.01)
    hn = hg[batch]
    x2 = jnp.concatenate([x, hn], axis=-1)
    t = _leaky(_linear(x2, params['t1']), 0.01)
    t = _leaky(_linear(t, params['t2']), 0.01)
    t = jnp.tanh(_linear(t, params['t3']))
    return (t * 0.75, x2)


def reference(pos, edge_index, batch, z, params):
    return _forward(pos, z, params, edge_index, batch)

if __name__ == "__main__":
    import jax
    _d = setup_inputs()
    print(jax.jit(kernel)(*tuple(_d.values())))

</pallas_src>

<mosaic_0001>
#map = affine_map<(d0, d1) -> (0)>
module attributes {stable_mosaic.version = 14 : i64} {
  func.func @_qasm_body(%arg0: i32, %arg1: i32, %arg2: memref<30024xf32, #tpu.memory_space<hbm>>, %arg3: memref<30024xf32, #tpu.memory_space<hbm>>, %arg4: memref<323584xi32, #tpu.memory_space<hbm>>, %arg5: memref<323584xi32, #tpu.memory_space<hbm>>, %arg6: memref<2588672xf32, #tpu.memory_space<hbm>>, %arg7: memref<30024xf32, #tpu.memory_space<vmem>>, %arg8: memref<30024xf32, #tpu.memory_space<vmem>>, %arg9: memref<128xi32, #tpu.memory_space<vmem>>, %arg10: memref<128xi32, #tpu.memory_space<vmem>>, %arg11: memref<1024xf32, #tpu.memory_space<vmem>>) attributes {dimension_semantics = [#tpu.dimension_semantics<core_parallel>, #tpu.dimension_semantics<subcore_parallel>], iteration_bounds = array<i64: 2, 16>, scalar_prefetch = 0 : i64, scratch_operands = 5 : i64, tpu.core_type = #tpu.core_type<sc_vector_subcore>, window_params = [{transform_indices = #map}, {transform_indices = #map}, {transform_indices = #map}, {transform_indices = #map}, {transform_indices = #map}]} {
    "tpu.region"() ({
      %run_scoped3A = tpu.sem_alloc : memref<!tpu.dma_semaphore, #tpu.memory_space<semaphore_mem>>
      tpu.enqueue_dma source(%arg2 : memref<30024xf32, #tpu.memory_space<hbm>>) target(%arg7 : memref<30024xf32, #tpu.memory_space<vmem>>) target_semaphore(%run_scoped3A : memref<!tpu.dma_semaphore, #tpu.memory_space<semaphore_mem>>)
      tpu.wait_dma2 semaphore(%run_scoped3A : memref<!tpu.dma_semaphore, #tpu.memory_space<semaphore_mem>>) src(%arg2 : memref<30024xf32, #tpu.memory_space<hbm>>) dst(%arg7 : memref<30024xf32, #tpu.memory_space<vmem>>)
      tpu.yield
    }) : () -> ()
    "tpu.region"() ({
      %run_scoped3A = tpu.sem_alloc : memref<!tpu.dma_semaphore, #tpu.memory_space<semaphore_mem>>
      tpu.enqueue_dma source(%arg3 : memref<30024xf32, #tpu.memory_space<hbm>>) target(%arg8 : memref<30024xf32, #tpu.memory_space<vmem>>) target_semaphore(%run_scoped3A : memref<!tpu.dma_semaphore, #tpu.memory_space<semaphore_mem>>)
      tpu.wait_dma2 semaphore(%run_scoped3A : memref<!tpu.dma_semaphore, #tpu.memory_space<semaphore_mem>>) src(%arg3 : memref<30024xf32, #tpu.memory_space<hbm>>) dst(%arg8 : memref<30024xf32, #tpu.memory_space<vmem>>)
      tpu.yield
    }) : () -> ()
    %scan3A = arith.constant 0 : i32
    %scan3A_0 = arith.constant 0 : i32
    %scan3A_1 = arith.constant 64 : i32
    %scan3A_2 = arith.addi %scan3A_0, %scan3A_1 : i32
    %scan3A_3 = arith.constant 1 : i32
    scf.for %scan3A_14 = %scan3A_0 to %scan3A_2 step %scan3A_3  : i32 {
      %broadcast_in_dim3A = arith.constant 0.000000e+00 : f32
      %broadcast_in_dim3A_15 = vector.broadcast %broadcast_in_dim3A : f32 to vector<16xf32>
      %mul3A_16 = arith.constant 16 : i32
      %mul3A_17 = arith.muli %scan3A_14, %mul3A_16 : i32
      %swap3A = arith.index_cast %mul3A_17 : i32 to index
      %swap3A_18 = tpu.vector_load %arg11[%swap3A] {strides = array<i32>} : memref<1024xf32, #tpu.memory_space<vmem>>, vector<16xf32>,
      tpu.vector_store %arg11[%swap3A], %broadcast_in_dim3A_15 {strides = array<i32>} : memref<1024xf32, #tpu.memory_space<vmem>>, vector<16xf32>,
    }
    %scan3A_4 = arith.constant 64 : i32
    %mul3A = arith.constant 16 : i32
    %mul3A_5 = arith.muli %arg0, %mul3A : i32
    %add3A = arith.addi %mul3A_5, %arg1 : i32
    %mul3A_6 = arith.constant 10112 : i32
    %mul3A_7 = arith.muli %add3A, %mul3A_6 : i32
    %iota3A = tpu.iota {dimensions = array<i32: 0>} : vector<16xi32>
    %scan3A_8 = arith.constant 0 : i32
    %scan3A_9 = arith.constant 0 : i32
    %scan3A_10 = arith.constant 79 : i32
    %scan3A_11 = arith.addi %scan3A_9, %scan3A_10 : i32
    %scan3A_12 = arith.constant 1 : i32
    scf.for %scan3A_14 = %scan3A_9 to %scan3A_11 step %scan3A_12  : i32 {
      %mul3A_15 = arith.constant 128 : i32
      %mul3A_16 = arith.muli %scan3A_14, %mul3A_15 : i32
      %add3A_17 = arith.addi %mul3A_7, %mul3A_16 : i32
      "tpu.region"() ({
        %run_scoped3A = tpu.sem_alloc : memref<!tpu.dma_semaphore, #tpu.memory_space<semaphore_mem>>
        %dma_start3A = tpu.memref_slice %arg4[%add3A_17] : memref<323584xi32, #tpu.memory_space<hbm>> -> memref<128xi32, #tpu.memory_space<hbm>>
        %dma_start3A_505 = tpu.memref_slice %arg4[%add3A_17] : memref<323584xi32, #tpu.memory_space<hbm>> -> memref<128xi32, #tpu.memory_space<hbm>>
        tpu.enqueue_dma source(%dma_start3A_505 : memref<128xi32, #tpu.memory_space<hbm>>) target(%arg9 : memref<128xi32, #tpu.memory_space<vmem>>) target_semaphore(%run_scoped3A : memref<!tpu.dma_semaphore, #tpu.memory_space<semaphore_mem>>)
        %dma_wait3A = tpu.memref_slice %arg4[%add3A_17] : memref<323584xi32, #tpu.memory_space<hbm>> -> memref<128xi32, #tpu.memory_space<hbm>>
        %dma_wait3A_506 = tpu.memref_slice %arg4[%add3A_17] : memref<323584xi32, #tpu.memory_space<hbm>> -> memref<128xi32, #tpu.memory_space<hbm>>
        tpu.wait_dma2 semaphore(%run_scoped3A : memref<!tpu.dma_semaphore, #tpu.memory_space<semaphore_mem>>) src(%dma_wait3A_506 : memref<128xi32, #tpu.memory_space<hbm>>) dst(%arg9 : memref<128xi32, #tpu.memory_space<vmem>>)
        tpu.yield
      }) : () -> ()
      "tpu.region"() ({
        %run_scoped3A = tpu.sem_alloc : memref<!tpu.dma_semaphore, #tpu.memory_space<semaphore_mem>>
        %dma_start3A = tpu.memref_slice %arg5[%add3A_17] : memref<323584xi32, #tpu.memory_space<hbm>> -> memref<128xi32, #tpu.memory_space<hbm>>
        %dma_start3A_505 = tpu.memref_slice %arg5[%add3A_17] : memref<323584xi32, #tpu.memory_space<hbm>> -> memref<128xi32, #tpu.memory_space<hbm>>
        tpu.enqueue_dma source(%dma_start3A_505 : memref<128xi32, #tpu.memory_space<hbm>>) target(%arg10 : memref<128xi32, #tpu.memory_space<vmem>>) target_semaphore(%run_scoped3A : memref<!tpu.dma_semaphore, #tpu.memory_space<semaphore_mem>>)
        %dma_wait3A = tpu.memref_slice %arg5[%add3A_17] : memref<323584xi32, #tpu.memory_space<hbm>> -> memref<128xi32, #tpu.memory_space<hbm>>
        %dma_wait3A_506 = tpu.memref_slice %arg5[%add3A_17] : memref<323584xi32, #tpu.memory_space<hbm>> -> memref<128xi32, #tpu.memory_space<hbm>>
        tpu.wait_dma2 semaphore(%run_scoped3A : memref<!tpu.dma_semaphore, #tpu.memory_space<semaphore_mem>>) src(%dma_wait3A_506 : memref<128xi32, #tpu.memory_space<hbm>>) dst(%arg10 : memref<128xi32, #tpu.memory_space<vmem>>)
        tpu.yield
      }) : () -> ()
      %get3A = arith.constant 0 : index
      %get3A_18 = tpu.vector_load %arg9[%get3A] {strides = array<i32>} : memref<128xi32, #tpu.memory_space<vmem>>, vector<16xi32>,
      %get3A_19 = arith.constant 0 : index
      %get3A_20 = tpu.vector_load %arg10[%get3A_19] {strides = array<i32>} : memref<128xi32, #tpu.memory_space<vmem>>, vector<16xi32>,
      %mul3A_21 = arith.constant 8 : i32
      %mul3A_22 = vector.broadcast %mul3A_21 : i32 to vector<16xi32>
      %mul3A_23 = arith.muli %iota3A, %mul3A_22 : vector<16xi32>
      %add3A_24 = arith.constant 0 : i32
      %add3A_25 = vector.broadcast %add3A_24 : i32 to vector<16xi32>
      %add3A_26 = arith.addi %add3A_25, %mul3A_23 : vector<16xi32>
      %add3A_27 = arith.constant 0 : i32
      %add3A_28 = vector.broadcast %add3A_27 : i32 to vector<16xi32>
      %add3A_29 = arith.addi %get3A_18, %add3A_28 : vector<16xi32>
      %gather3A = tpu.vector_load_idx %arg7[%add3A_29] : memref<30024xf32, #tpu.memory_space<vmem>>[vector<16xi32>], vector<16xf32>,
      %add3A_30 = arith.constant 0 : i32
      %add3A_31 = vector.broadcast %add3A_30 : i32 to vector<16xi32>
      %add3A_32 = arith.addi %get3A_20, %add3A_31 : vector<16xi32>
      %gather3A_33 = tpu.vector_load_idx %arg7[%add3A_32] : memref<30024xf32, #tpu.memory_space<vmem>>[vector<16xi32>], vector<16xf32>,
      %add3A_34 = arith.constant 0 : i32
      %add3A_35 = vector.broadcast %add3A_34 : i32 to vector<16xi32>
      %add3A_36 = arith.addi %get3A_20, %add3A_35 : vector<16xi32>
      %gather3A_37 = tpu.vector_load_idx %arg8[%add3A_36] : memref<30024xf32, #tpu.memory_space<vmem>>[vector<16xi32>], vector<16xf32>,
      %sub3A = arith.subf %gather3A, %gather3A_33 : vector<16xf32>
      %add3A_38 = arith.addf %sub3A, %gather3A_37 : vector<16xf32>
      %add3A_39 = arith.constant 0 : i32
      %add3A_40 = vector.broadcast %add3A_39 : i32 to vector<16xi32>
      %add3A_41 = arith.addi %add3A_26, %add3A_40 : vector<16xi32>
      tpu.vector_store_idx %arg11[%add3A_41], %add3A_38 : memref<1024xf32, #tpu.memory_space<vmem>>[vector<16xi32>], vector<16xf32>,
      %add3A_42 = arith.constant 10008 : i32
      %add3A_43 = vector.broadcast %add3A_42 : i32 to vector<16xi32>
      %add3A_44 = arith.addi %get3A_18, %add3A_43 : vector<16xi32>
      %gather3A_45 = tpu.vector_load_idx %arg7[%add3A_44] : memref<30024xf32, #tpu.memory_space<vmem>>[vector<16xi32>], vector<16xf32>,
      %add3A_46 = arith.constant 10008 : i32
      %add3A_47 = vector.broadcast %add3A_46 : i32 to vector<16xi32>
      %add3A_48 = arith.addi %get3A_20, %add3A_47 : vector<16xi32>
      %gather3A_49 = tpu.vector_load_idx %arg7[%add3A_48] : memref<30024xf32, #tpu.memory_space<vmem>>[vector<16xi32>], vector<16xf32>,
      %add3A_50 = arith.constant 10008 : i32
      %add3A_51 = vector.broadcast %add3A_50 : i32 to vector<16xi32>
      %add3A_52 = arith.addi %get3A_20, %add3A_51 : vector<16xi32>
      %gather3A_53 = tpu.vector_load_idx %arg8[%add3A_52] : memref<30024xf32, #tpu.memory_space<vmem>>[vector<16xi32>], vector<16xf32>,
      %sub3A_54 = arith.subf %gather3A_45, %gather3A_49 : vector<16xf32>
      %add3A_55 = arith.addf %sub3A_54, %gather3A_53 : vector<16xf32>
      %add3A_56 = arith.constant 1 : i32
      %add3A_57 = vector.broadcast %add3A_56 : i32 to vector<16xi32>
      %add3A_58 = arith.addi %add3A_26, %add3A_57 : vector<16xi32>
      tpu.vector_store_idx %arg11[%add3A_58], %add3A_55 : memref<1024xf32, #tpu.memory_space<vmem>>[vector<16xi32>], vector<16xf32>,
      %add3A_59 = arith.constant 20016 : i32
      %add3A_60 = vector.broadcast %add3A_59 : i32 to vector<16xi32>
      %add3A_61 = arith.addi %get3A_18, %add3A_60 : vector<16xi32>
      %gather3A_62 = tpu.vector_load_idx %arg7[%add3A_61] : memref<30024xf32, #tpu.memory_space<vmem>>[vector<16xi32>], vector<16xf32>,
      %add3A_63 = arith.constant 20016 : i32
      %add3A_64 = vector.broadcast %add3A_63 : i32 to vector<16xi32>
      %add3A_65 = arith.addi %get3A_20, %add3A_64 : vector<16xi32>
      %gather3A_66 = tpu.vector_load_idx %arg7[%add3A_65] : memref<30024xf32, #tpu.memory_space<vmem>>[vector<16xi32>], vector<16xf32>,
      %add3A_67 = arith.constant 20016 : i32
      %add3A_68 = vector.broadcast %add3A_67 : i32 to vector<16xi32>
      %add3A_69 = arith.addi %get3A_20, %add3A_68 : vector<16xi32>
      %gather3A_70 = tpu.vector_load_idx %arg8[%add3A_69] : memref<30024xf32, #tpu.memory_space<vmem>>[vector<16xi32>], vector<16xf32>,
      %sub3A_71 = arith.subf %gather3A_62, %gather3A_66 : vector<16xf32>
      %add3A_72 = arith.addf %sub3A_71, %gather3A_70 : vector<16xf32>
      %add3A_73 = arith.constant 2 : i32
      %add3A_74 = vector.broadcast %add3A_73 : i32 to vector<16xi32>
      %add3A_75 = arith.addi %add3A_26, %add3A_74 : vector<16xi32>
      tpu.vector_store_idx %arg11[%add3A_75], %add3A_72 : memref<1024xf32, #tpu.memory_space<vmem>>[vector<16xi32>], vector<16xf32>,
      %get3A_76 = arith.constant 16 : index
      %get3A_77 = tpu.vector_load %arg9[%get3A_76] {strides = array<i32>} : memref<128xi32, #tpu.memory_space<vmem>>, vector<16xi32>,
      %get3A_78 = arith.constant 16 : index
      %get3A_79 = tpu.vector_load %arg10[%get3A_78] {strides = array<i32>} : memref<128xi32, #tpu.memory_space<vmem>>, vector<16xi32>,
      %mul3A_80 = arith.constant 8 : i32
      %mul3A_81 = vector.broadcast %mul3A_80 : i32 to vector<16xi32>
      %mul3A_82 = arith.muli %iota3A, %mul3A_81 : vector<16xi32>
      %add3A_83 = arith.constant 128 : i32
      %add3A_84 = vector.broadcast %add3A_83 : i32 to vector<16xi32>
      %add3A_85 = arith.addi %add3A_84, %mul3A_82 : vector<16xi32>
      %add3A_86 = arith.constant 0 : i32
      %add3A_87 = vector.broadcast %add3A_86 : i32 to vector<16xi32>
      %add3A_88 = arith.addi %get3A_77, %add3A_87 : vector<16xi32>
      %gather3A_89 = tpu.vector_load_idx %arg7[%add3A_88] : memref<30024xf32, #tpu.memory_space<vmem>>[vector<16xi32>], vector<16xf32>,
      %add3A_90 = arith.constant 0 : i32
      %add3A_91 = vector.broadcast %add3A_90 : i32 to vector<16xi32>
      %add3A_92 = arith.addi %get3A_79, %add3A_91 : vector<16xi32>
      %gather3A_93 = tpu.vector_load_idx %arg7[%add3A_92] : memref<30024xf32, #tpu.memory_space<vmem>>[vector<16xi32>], vector<16xf32>,
      %add3A_94 = arith.constant 0 : i32
      %add3A_95 = vector.broadcast %add3A_94 : i32 to vector<16xi32>
      %add3A_96 = arith.addi %get3A_79, %add3A_95 : vector<16xi32>
      %gather3A_97 = tpu.vector_load_idx %arg8[%add3A_96] : memref<30024xf32, #tpu.memory_space<vmem>>[vector<16xi32>], vector<16xf32>,
      %sub3A_98 = arith.subf %gather3A_89, %gather3A_93 : vector<16xf32>
      %add3A_99 = arith.addf %sub3A_98, %gather3A_97 : vector<16xf32>
      %add3A_100 = arith.constant 0 : i32
      %add3A_101 = vector.broadcast %add3A_100 : i32 to vector<16xi32>
      %add3A_102 = arith.addi %add3A_85, %add3A_101 : vector<16xi32>
      tpu.vector_store_idx %arg11[%add3A_102], %add3A_99 : memref<1024xf32, #tpu.memory_space<vmem>>[vector<16xi32>], vector<16xf32>,
      %add3A_103 = arith.constant 10008 : i32
      %add3A_104 = vector.broadcast %add3A_103 : i32 to vector<16xi32>
      %add3A_105 = arith.addi %get3A_77, %add3A_104 : vector<16xi32>
      %gather3A_106 = tpu.vector_load_idx %arg7[%add3A_105] : memref<30024xf32, #tpu.memory_space<vmem>>[vector<16xi32>], vector<16xf32>,
      %add3A_107 = arith.constant 10008 : i32
      %add3A_108 = vector.broadcast %add3A_107 : i32 to vector<16xi32>
      %add3A_109 = arith.addi %get3A_79, %add3A_108 : vector<16xi32>
      %gather3A_110 = tpu.vector_load_idx %arg7[%add3A_109] : memref<30024xf32, #tpu.memory_space<vmem>>[vector<16xi32>], vector<16xf32>,
      %add3A_111 = arith.constant 10008 : i32
      %add3A_112 = vector.broadcast %add3A_111 : i32 to vector<16xi32>
      %add3A_113 = arith.addi %get3A_79, %add3A_112 : vector<16xi32>
      %gather3A_114 = tpu.vector_load_idx %arg8[%add3A_113] : memref<30024xf32, #tpu.memory_space<vmem>>[vector<16xi32>], vector<16xf32>,
      %sub3A_115 = arith.subf %gather3A_106, %gather3A_110 : vector<16xf32>
      %add3A_116 = arith.addf %sub3A_115, %gather3A_114 : vector<16xf32>
      %add3A_117 = arith.constant 1 : i32
      %add3A_118 = vector.broadcast %add3A_117 : i32 to vector<16xi32>
      %add3A_119 = arith.addi %add3A_85, %add3A_118 : vector<16xi32>
      tpu.vector_store_idx %arg11[%add3A_119], %add3A_116 : memref<1024xf32, #tpu.memory_space<vmem>>[vector<16xi32>], vector<16xf32>,
      %add3A_120 = arith.constant 20016 : i32
      %add3A_121 = vector.broadcast %add3A_120 : i32 to vector<16xi32>
      %add3A_122 = arith.addi %get3A_77, %add3A_121 : vector<16xi32>
      %gather3A_123 = tpu.vector_load_idx %arg7[%add3A_122] : memref<30024xf32, #tpu.memory_space<vmem>>[vector<16xi32>], vector<16xf32>,
      %add3A_124 = arith.constant 20016 : i32
      %add3A_125 = vector.broadcast %add3A_124 : i32 to vector<16xi32>
      %add3A_126 = arith.addi %get3A_79, %add3A_125 : vector<16xi32>
      %gather3A_127 = tpu.vector_load_idx %arg7[%add3A_126] : memref<30024xf32, #tpu.memory_space<vmem>>[vector<16xi32>], vector<16xf32>,
      %add3A_128 = arith.constant 20016 : i32
      %add3A_129 = vector.broadcast %add3A_128 : i32 to vector<16xi32>
      %add3A_130 = arith.addi %get3A_79, %add3A_129 : vector<16xi32>
      %gather3A_131 = tpu.vector_load_idx %arg8[%add3A_130] : memref<30024xf32, #tpu.memory_space<vmem>>[vector<16xi32>], vector<16xf32>,
      %sub3A_132 = arith.subf %gather3A_123, %gather3A_127 : vector<16xf32>
      %add3A_133 = arith.addf %sub3A_132, %gather3A_131 : vector<16xf32>
      %add3A_134 = arith.constant 2 : i32
      %add3A_135 = vector.broadcast %add3A_134 : i32 to vector<16xi32>
      %add3A_136 = arith.addi %add3A_85, %add3A_135 : vector<16xi32>
      tpu.vector_store_idx %arg11[%add3A_136], %add3A_133 : memref<1024xf32, #tpu.memory_space<vmem>>[vector<16xi32>], vector<16xf32>,
      %get3A_137 = arith.constant 32 : index
      %get3A_138 = tpu.vector_load %arg9[%get3A_137] {strides = array<i32>} : memref<128xi32, #tpu.memory_space<vmem>>, vector<16xi32>,
      %get3A_139 = arith.constant 32 : index
      %get3A_140 = tpu.vector_load %arg10[%get3A_139] {strides = array<i32>} : memref<128xi32, #tpu.memory_space<vmem>>, vector<16xi32>,
      %mul3A_141 = arith.constant 8 : i32
      %mul3A_142 = vector.broadcast %mul3A_141 : i32 to vector<16xi32>
      %mul3A_143 = arith.muli %iota3A, %mul3A_142 : vector<16xi32>
      %add3A_144 = arith.constant 256 : i32
      %add3A_145 = vector.broadcast %add3A_144 : i32 to vector<16xi32>
      %add3A_146 = arith.addi %add3A_145, %mul3A_143 : vector<16xi32>
      %add3A_147 = arith.constant 0 : i32
      %add3A_148 = vector.broadcast %add3A_147 : i32 to vector<16xi32>
      %add3A_149 = arith.addi %get3A_138, %add3A_148 : vector<16xi32>
      %gather3A_150 = tpu.vector_load_idx %arg7[%add3A_149] : memref<30024xf32, #tpu.memory_space<vmem>>[vector<16xi32>], vector<16xf32>,
      %add3A_151 = arith.constant 0 : i32
      %add3A_152 = vector.broadcast %add3A_151 : i32 to vector<16xi32>
      %add3A_153 = arith.addi %get3A_140, %add3A_152 : vector<16xi32>
      %gather3A_154 = tpu.vector_load_idx %arg7[%add3A_153] : memref<30024xf32, #tpu.memory_space<vmem>>[vector<16xi32>], vector<16xf32>,
      %add3A_155 = arith.constant 0 : i32
      %add3A_156 = vector.broadcast %add3A_155 : i32 to vector<16xi32>
      %add3A_157 = arith.addi %get3A_140, %add3A_156 : vector<16xi32>
      %gather3A_158 = tpu.vector_load_idx %arg8[%add3A_157] : memref<30024xf32, #tpu.memory_space<vmem>>[vector<16xi32>], vector<16xf32>,
      %sub3A_159 = arith.subf %gather3A_150, %gather3A_154 : vector<16xf32>
      %add3A_160 = arith.addf %sub3A_159, %gather3A_158 : vector<16xf32>
      %add3A_161 = arith.constant 0 : i32
      %add3A_162 = vector.broadcast %add3A_161 : i32 to vector<16xi32>
      %add3A_163 = arith.addi %add3A_146, %add3A_162 : vector<16xi32>
      tpu.vector_store_idx %arg11[%add3A_163], %add3A_160 : memref<1024xf32, #tpu.memory_space<vmem>>[vector<16xi32>], vector<16xf32>,
      %add3A_164 = arith.constant 10008 : i32
      %add3A_165 = vector.broadcast %add3A_164 : i32 to vector<16xi32>
      %add3A_166 = arith.addi %get3A_138, %add3A_165 : vector<16xi32>
      %gather3A_167 = tpu.vector_load_idx %arg7[%add3A_166] : memref<30024xf32, #tpu.memory_space<vmem>>[vector<16xi32>], vector<16xf32>,
      %add3A_168 = arith.constant 10008 : i32
      %add3A_169 = vector.broadcast %add3A_168 : i32 to vector<16xi32>
      %add3A_170 = arith.addi %get3A_140, %add3A_169 : vector<16xi32>
      %gather3A_171 = tpu.vector_load_idx %arg7[%add3A_170] : memref<30024xf32, #tpu.memory_space<vmem>>[vector<16xi32>], vector<16xf32>,
      %add3A_172 = arith.constant 10008 : i32
      %add3A_173 = vector.broadcast %add3A_172 : i32 to vector<16xi32>
      %add3A_174 = arith.addi %get3A_140, %add3A_173 : vector<16xi32>
      %gather3A_175 = tpu.vector_load_idx %arg8[%add3A_174] : memref<30024xf32, #tpu.memory_space<vmem>>[vector<16xi32>], vector<16xf32>,
      %sub3A_176 = arith.subf %gather3A_167, %gather3A_171 : vector<16xf32>
      %add3A_177 = arith.addf %sub3A_176, %gather3A_175 : vector<16xf32>
      %add3A_178 = arith.constant 1 : i32
      %add3A_179 = vector.broadcast %add3A_178 : i32 to vector<16xi32>
      %add3A_180 = arith.addi %add3A_146, %add3A_179 : vector<16xi32>
      tpu.vector_store_idx %arg11[%add3A_180], %add3A_177 : memref<1024xf32, #tpu.memory_space<vmem>>[vector<16xi32>], vector<16xf32>,
      %add3A_181 = arith.constant 20016 : i32
      %add3A_182 = vector.broadcast %add3A_181 : i32 to vector<16xi32>
      %add3A_183 = arith.addi %get3A_138, %add3A_182 : vector<16xi32>
      %gather3A_184 = tpu.vector_load_idx %arg7[%add3A_183] : memref<30024xf32, #tpu.memory_space<vmem>>[vector<16xi32>], vector<16xf32>,
      %add3A_185 = arith.constant 20016 : i32
      %add3A_186 = vector.broadcast %add3A_185 : i32 to vector<16xi32>
      %add3A_187 = arith.addi %get3A_140, %add3A_186 : vector<16xi32>
      %gather3A_188 = tpu.vector_load_idx %arg7[%add3A_187] : memref<30024xf32, #tpu.memory_space<vmem>>[vector<16xi32>], vector<16xf32>,
      %add3A_189 = arith.constant 20016 : i32
      %add3A_190 = vector.broadcast %add3A_189 : i32 to vector<16xi32>
      %add3A_191 = arith.addi %get3A_140, %add3A_190 : vector<16xi32>
      %gather3A_192 = tpu.vector_load_idx %arg8[%add3A_191] : memref<30024xf32, #tpu.memory_space<vmem>>[vector<16xi32>], vector<16xf32>,
      %sub3A_193 = arith.subf %gather3A_184, %gather3A_188 : vector<16xf32>
      %add3A_194 = arith.addf %sub3A_193, %gather3A_192 : vector<16xf32>
      %add3A_195 = arith.constant 2 : i32
      %add3A_196 = vector.broadcast %add3A_195 : i32 to vector<16xi32>
      %add3A_197 = arith.addi %add3A_146, %add3A_196 : vector<16xi32>
      tpu.vector_store_idx %arg11[%add3A_197], %add3A_194 : memref<1024xf32, #tpu.memory_space<vmem>>[vector<16xi32>], vector<16xf32>,
      %get3A_198 = arith.constant 48 : index
      %get3A_199 = tpu.vector_load %arg9[%get3A_198] {strides = array<i32>} : memref<128xi32, #tpu.memory_space<vmem>>, vector<16xi32>,
      %get3A_200 = arith.constant 48 : index
      %get3A_201 = tpu.vector_load %arg10[%get3A_200] {strides = array<i32>} : memref<128xi32, #tpu.memory_space<vmem>>, vector<16xi32>,
      %mul3A_202 = arith.constant 8 : i32
      %mul3A_203 = vector.broadcast %mul3A_202 : i32 to vector<16xi32>
      %mul3A_204 = arith.muli %iota3A, %mul3A_203 : vector<16xi32>
      %add3A_205 = arith.constant 384 : i32
      %add3A_206 = vector.broadcast %add3A_205 : i32 to vector<16xi32>
      %add3A_207 = arith.addi %add3A_206, %mul3A_204 : vector<16xi32>
      %add3A_208 = arith.constant 0 : i32
      %add3A_209 = vector.broadcast %add3A_208 : i32 to vector<16xi32>
      %add3A_210 = arith.addi %get3A_199, %add3A_209 : vector<16xi32>
      %gather3A_211 = tpu.vector_load_idx %arg7[%add3A_210] : memref<30024xf32, #tpu.memory_space<vmem>>[vector<16xi32>], vector<16xf32>,
      %add3A_212 = arith.constant 0 : i32
      %add3A_213 = vector.broadcast %add3A_212 : i32 to vector<16xi32>
      %add3A_214 = arith.addi %get3A_201, %add3A_213 : vector<16xi32>
      %gather3A_215 = tpu.vector_load_idx %arg7[%add3A_214] : memref<30024xf32, #tpu.memory_space<vmem>>[vector<16xi32>], vector<16xf32>,
      %add3A_216 = arith.constant 0 : i32
      %add3A_217 = vector.broadcast %add3A_216 : i32 to vector<16xi32>
      %add3A_218 = arith.addi %get3A_201, %add3A_217 : vector<16xi32>
      %gather3A_219 = tpu.vector_load_idx %arg8[%add3A_218] : memref<30024xf32, #tpu.memory_space<vmem>>[vector<16xi32>], vector<16xf32>,
      %sub3A_220 = arith.subf %gather3A_211, %gather3A_215 : vector<16xf32>
      %add3A_221 = arith.addf %sub3A_220, %gather3A_219 : vector<16xf32>
      %add3A_222 = arith.constant 0 : i32
      %add3A_223 = vector.broadcast %add3A_222 : i32 to vector<16xi32>
      %add3A_224 = arith.addi %add3A_207, %add3A_223 : vector<16xi32>
      tpu.vector_store_idx %arg11[%add3A_224], %add3A_221 : memref<1024xf32, #tpu.memory_space<vmem>>[vector<16xi32>], vector<16xf32>,
      %add3A_225 = arith.constant 10008 : i32
      %add3A_226 = vector.broadcast %add3A_225 : i32 to vector<16xi32>
      %add3A_227 = arith.addi %get3A_199, %add3A_226 : vector<16xi32>
      %gather3A_228 = tpu.vector_load_idx %arg7[%add3A_227] : memref<30024xf32, #tpu.memory_space<vmem>>[vector<16xi32>], vector<16xf32>,
      %add3A_229 = arith.constant 10008 : i32
      %add3A_230 = vector.broadcast %add3A_229 : i32 to vector<16xi32>
      %add3A_231 = arith.addi %get3A_201, %add3A_230 : vector<16xi32>
      %gather3A_232 = tpu.vector_load_idx %arg7[%add3A_231] : memref<30024xf32, #tpu.memory_space<vmem>>[vector<16xi32>], vector<16xf32>,
      %add3A_233 = arith.constant 10008 : i32
      %add3A_234 = vector.broadcast %add3A_233 : i32 to vector<16xi32>
      %add3A_235 = arith.addi %get3A_201, %add3A_234 : vector<16xi32>
      %gather3A_236 = tpu.vector_load_idx %arg8[%add3A_235] : memref<30024xf32, #tpu.memory_space<vmem>>[vector<16xi32>], vector<16xf32>,
      %sub3A_237 = arith.subf %gather3A_228, %gather3A_232 : vector<16xf32>
      %add3A_238 = arith.addf %sub3A_237, %gather3A_236 : vector<16xf32>
      %add3A_239 = arith.constant 1 : i32
      %add3A_240 = vector.broadcast %add3A_239 : i32 to vector<16xi32>
      %add3A_241 = arith.addi %add3A_207, %add3A_240 : vector<16xi32>
      tpu.vector_store_idx %arg11[%add3A_241], %add3A_238 : memref<1024xf32, #tpu.memory_space<vmem>>[vector<16xi32>], vector<16xf32>,
      %add3A_242 = arith.constant 20016 : i32
      %add3A_243 = vector.broadcast %add3A_242 : i32 to vector<16xi32>
      %add3A_244 = arith.addi %get3A_199, %add3A_243 : vector<16xi32>
      %gather3A_245 = tpu.vector_load_idx %arg7[%add3A_244] : memref<30024xf32, #tpu.memory_space<vmem>>[vector<16xi32>], vector<16xf32>,
      %add3A_246 = arith.constant 20016 : i32
      %add3A_247 = vector.broadcast %add3A_246 : i32 to vector<16xi32>
      %add3A_248 = arith.addi %get3A_201, %add3A_247 : vector<16xi32>
      %gather3A_249 = tpu.vector_load_idx %arg7[%add3A_248] : memref<30024xf32, #tpu.memory_space<vmem>>[vector<16xi32>], vector<16xf32>,
      %add3A_250 = arith.constant 20016 : i32
      %add3A_251 = vector.broadcast %add3A_250 : i32 to vector<16xi32>
      %add3A_252 = arith.addi %get3A_201, %add3A_251 : vector<16xi32>
      %gather3A_253 = tpu.vector_load_idx %arg8[%add3A_252] : memref<30024xf32, #tpu.memory_space<vmem>>[vector<16xi32>], vector<16xf32>,
      %sub3A_254 = arith.subf %gather3A_245, %gather3A_249 : vector<16xf32>
      %add3A_255 = arith.addf %sub3A_254, %gather3A_253 : vector<16xf32>
      %add3A_256 = arith.constant 2 : i32
      %add3A_257 = vector.broadcast %add3A_256 : i32 to vector<16xi32>
      %add3A_258 = arith.addi %add3A_207, %add3A_257 : vector<16xi32>
      tpu.vector_store_idx %arg11[%add3A_258], %add3A_255 : memref<1024xf32, #tpu.memory_space<vmem>>[vector<16xi32>], vector<16xf32>,
      %get3A_259 = arith.constant 64 : index
      %get3A_260 = tpu.vector_load %arg9[%get3A_259] {strides = array<i32>} : memref<128xi32, #tpu.memory_space<vmem>>, vector<16xi32>,
      %get3A_261 = arith.constant 64 : index
      %get3A_262 = tpu.vector_load %arg10[%get3A_261] {strides = array<i32>} : memref<128xi32, #tpu.memory_space<vmem>>, vector<16xi32>,
      %mul3A_263 = arith.constant 8 : i32
      %mul3A_264 = vector.broadcast %mul3A_263 : i32 to vector<16xi32>
      %mul3A_265 = arith.muli %iota3A, %mul3A_264 : vector<16xi32>
      %add3A_266 = arith.constant 512 : i32
      %add3A_267 = vector.broadcast %add3A_266 : i32 to vector<16xi32>
      %add3A_268 = arith.addi %add3A_267, %mul3A_265 : vector<16xi32>
      %add3A_269 = arith.constant 0 : i32
      %add3A_270 = vector.broadcast %add3A_269 : i32 to vector<16xi32>
      %add3A_271 = arith.addi %get3A_260, %add3A_270 : vector<16xi32>
      %gather3A_272 = tpu.vector_load_idx %arg7[%add3A_271] : memref<30024xf32, #tpu.memory_space<vmem>>[vector<16xi32>], vector<16xf32>,
      %add3A_273 = arith.constant 0 : i32
      %add3A_274 = vector.broadcast %add3A_273 : i32 to vector<16xi32>
      %add3A_275 = arith.addi %get3A_262, %add3A_274 : vector<16xi32>
      %gather3A_276 = tpu.vector_load_idx %arg7[%add3A_275] : memref<30024xf32, #tpu.memory_space<vmem>>[vector<16xi32>], vector<16xf32>,
      %add3A_277 = arith.constant 0 : i32
      %add3A_278 = vector.broadcast %add3A_277 : i32 to vector<16xi32>
      %add3A_279 = arith.addi %get3A_262, %add3A_278 : vector<16xi32>
      %gather3A_280 = tpu.vector_load_idx %arg8[%add3A_279] : memref<30024xf32, #tpu.memory_space<vmem>>[vector<16xi32>], vector<16xf32>,
      %sub3A_281 = arith.subf %gather3A_272, %gather3A_276 : vector<16xf32>
      %add3A_282 = arith.addf %sub3A_281, %gather3A_280 : vector<16xf32>
      %add3A_283 = arith.constant 0 : i32
      %add3A_284 = vector.broadcast %add3A_283 : i32 to vector<16xi32>
      %add3A_285 = arith.addi %add3A_268, %add3A_284 : vector<16xi32>
      tpu.vector_store_idx %arg11[%add3A_285], %add3A_282 : memref<1024xf32, #tpu.memory_space<vmem>>[vector<16xi32>], vector<16xf32>,
      %add3A_286 = arith.constant 10008 : i32
      %add3A_287 = vector.broadcast %add3A_286 : i32 to vector<16xi32>
      %add3A_288 = arith.addi %get3A_260, %add3A_287 : vector<16xi32>
      %gather3A_289 = tpu.vector_load_idx %arg7[%add3A_288] : memref<30024xf32, #tpu.memory_space<vmem>>[vector<16xi32>], vector<16xf32>,
      %add3A_290 = arith.constant 10008 : i32
      %add3A_291 = vector.broadcast %add3A_290 : i32 to vector<16xi32>
      %add3A_292 = arith.addi %get3A_262, %add3A_291 : vector<16xi32>
      %gather3A_293 = tpu.vector_load_idx %arg7[%add3A_292] : memref<30024xf32, #tpu.memory_space<vmem>>[vector<16xi32>], vector<16xf32>,
      %add3A_294 = arith.constant 10008 : i32
      %add3A_295 = vector.broadcast %add3A_294 : i32 to vector<16xi32>
      %add3A_296 = arith.addi %get3A_262, %add3A_295 : vector<16xi32>
      %gather3A_297 = tpu.vector_load_idx %arg8[%add3A_296] : memref<30024xf32, #tpu.memory_space<vmem>>[vector<16xi32>], vector<16xf32>,
      %sub3A_298 = arith.subf %gather3A_289, %gather3A_293 : vector<16xf32>
      %add3A_299 = arith.addf %sub3A_298, %gather3A_297 : vector<16xf32>
      %add3A_300 = arith.constant 1 : i32
      %add3A_301 = vector.broadcast %add3A_300 : i32 to vector<16xi32>
      %add3A_302 = arith.addi %add3A_268, %add3A_301 : vector<16xi32>
      tpu.vector_store_idx %arg11[%add3A_302], %add3A_299 : memref<1024xf32, #tpu.memory_space<vmem>>[vector<16xi32>], vector<16xf32>,
      %add3A_303 = arith.constant 20016 : i32
      %add3A_304 = vector.broadcast %add3A_303 : i32 to vector<16xi32>
      %add3A_305 = arith.addi %get3A_260, %add3A_304 : vector<16xi32>
      %gather3A_306 = tpu.vector_load_idx %arg7[%add3A_305] : memref<30024xf32, #tpu.memory_space<vmem>>[vector<16xi32>], vector<16xf32>,
      %add3A_307 = arith.constant 20016 : i32
      %add3A_308 = vector.broadcast %add3A_307 : i32 to vector<16xi32>
      %add3A_309 = arith.addi %get3A_262, %add3A_308 : vector<16xi32>
      %gather3A_310 = tpu.vector_load_idx %arg7[%add3A_309] : memref<30024xf32, #tpu.memory_space<vmem>>[vector<16xi32>], vector<16xf32>,
      %add3A_311 = arith.constant 20016 : i32
      %add3A_312 = vector.broadcast %add3A_311 : i32 to vector<16xi32>
      %add3A_313 = arith.addi %get3A_262, %add3A_312 : vector<16xi32>
      %gather3A_314 = tpu.vector_load_idx %arg8[%add3A_313] : memref<30024xf32, #tpu.memory_space<vmem>>[vector<16xi32>], vector<16xf32>,
      %sub3A_315 = arith.subf %gather3A_306, %gather3A_310 : vector<16xf32>
      %add3A_316 = arith.addf %sub3A_315, %gather3A_314 : vector<16xf32>
      %add3A_317 = arith.constant 2 : i32
      %add3A_318 = vector.broadcast %add3A_317 : i32 to vector<16xi32>
      %add3A_319 = arith.addi %add3A_268, %add3A_318 : vector<16xi32>
      tpu.vector_store_idx %arg11[%add3A_319], %add3A_316 : memref<1024xf32, #tpu.memory_space<vmem>>[vector<16xi32>], vector<16xf32>,
      %get3A_320 = arith.constant 80 : index
      %get3A_321 = tpu.vector_load %arg9[%get3A_320] {strides = array<i32>} : memref<128xi32, #tpu.memory_space<vmem>>, vector<16xi32>,
      %get3A_322 = arith.constant 80 : index
      %get3A_323 = tpu.vector_load %arg10[%get3A_322] {strides = array<i32>} : memref<128xi32, #tpu.memory_space<vmem>>, vector<16xi32>,
      %mul3A_324 = arith.constant 8 : i32
      %mul3A_325 = vector.broadcast %mul3A_324 : i32 to vector<16xi32>
      %mul3A_326 = arith.muli %iota3A, %mul3A_325 : vector<16xi32>
      %add3A_327 = arith.constant 640 : i32
      %add3A_328 = vector.broadcast %add3A_327 : i32 to vector<16xi32>
      %add3A_329 = arith.addi %add3A_328, %mul3A_326 : vector<16xi32>
      %add3A_330 = arith.constant 0 : i32
      %add3A_331 = vector.broadcast %add3A_330 : i32 to vector<16xi32>
      %add3A_332 = arith.addi %get3A_321, %add3A_331 : vector<16xi32>
      %gather3A_333 = tpu.vector_load_idx %arg7[%add3A_332] : memref<30024xf32, #tpu.memory_space<vmem>>[vector<16xi32>], vector<16xf32>,
      %add3A_334 = arith.constant 0 : i32
      %add3A_335 = vector.broadcast %add3A_334 : i32 to vector<16xi32>
      %add3A_336 = arith.addi %get3A_323, %add3A_335 : vector<16xi32>
      %gather3A_337 = tpu.vector_load_idx %arg7[%add3A_336] : memref<30024xf32, #tpu.memory_space<vmem>>[vector<16xi32>], vector<16xf32>,
      %add3A_338 = arith.constant 0 : i32
      %add3A_339 = vector.broadcast %add3A_338 : i32 to vector<16xi32>
      %add3A_340 = arith.addi %get3A_323, %add3A_339 : vector<16xi32>
      %gather3A_341 = tpu.vector_load_idx %arg8[%add3A_340] : memref<30024xf32, #tpu.memory_space<vmem>>[vector<16xi32>], vector<16xf32>,
      %sub3A_342 = arith.subf %gather3A_333, %gather3A_337 : vector<16xf32>
      %add3A_343 = arith.addf %sub3A_342, %gather3A_341 : vector<16xf32>
      %add3A_344 = arith.constant 0 : i32
      %add3A_345 = vector.broadcast %add3A_344 : i32 to vector<16xi32>
      %add3A_346 = arith.addi %add3A_329, %add3A_345 : vector<16xi32>
      tpu.vector_store_idx %arg11[%add3A_346], %add3A_343 : memref<1024xf32, #tpu.memory_space<vmem>>[vector<16xi32>], vector<16xf32>,
      %add3A_347 = arith.constant 10008 : i32
      %add3A_348 = vector.broadcast %add3A_347 : i32 to vector<16xi32>
      %add3A_349 = arith.addi %get3A_321, %add3A_348 : vector<16xi32>
      %gather3A_350 = tpu.vector_load_idx %arg7[%add3A_349] : memref<30024xf32, #tpu.memory_space<vmem>>[vector<16xi32>], vector<16xf32>,
      %add3A_351 = arith.constant 10008 : i32
      %add3A_352 = vector.broadcast %add3A_351 : i32 to vector<16xi32>
      %add3A_353 = arith.addi %get3A_323, %add3A_352 : vector<16xi32>
      %gather3A_354 = tpu.vector_load_idx %arg7[%add3A_353] : memref<30024xf32, #tpu.memory_space<vmem>>[vector<16xi32>], vector<16xf32>,
      %add3A_355 = arith.constant 10008 : i32
      %add3A_356 = vector.broadcast %add3A_355 : i32 to vector<16xi32>
      %add3A_357 = arith.addi %get3A_323, %add3A_356 : vector<16xi32>
      %gather3A_358 = tpu.vector_load_idx %arg8[%add3A_357] : memref<30024xf32, #tpu.memory_space<vmem>>[vector<16xi32>], vector<16xf32>,
      %sub3A_359 = arith.subf %gather3A_350, %gather3A_354 : vector<16xf32>
      %add3A_360 = arith.addf %sub3A_359, %gather3A_358 : vector<16xf32>
      %add3A_361 = arith.constant 1 : i32
      %add3A_362 = vector.broadcast %add3A_361 : i32 to vector<16xi32>
      %add3A_363 = arith.addi %add3A_329, %add3A_362 : vector<16xi32>
      tpu.vector_store_idx %arg11[%add3A_363], %add3A_360 : memref<1024xf32, #tpu.memory_space<vmem>>[vector<16xi32>], vector<16xf32>,
      %add3A_364 = arith.constant 20016 : i32
      %add3A_365 = vector.broadcast %add3A_364 : i32 to vector<16xi32>
      %add3A_366 = arith.addi %get3A_321, %add3A_365 : vector<16xi32>
      %gather3A_367 = tpu.vector_load_idx %arg7[%add3A_366] : memref<30024xf32, #tpu.memory_space<vmem>>[vector<16xi32>], vector<16xf32>,
      %add3A_368 = arith.constant 20016 : i32
      %add3A_369 = vector.broadcast %add3A_368 : i32 to vector<16xi32>
      %add3A_370 = arith.addi %get3A_323, %add3A_369 : vector<16xi32>
      %gather3A_371 = tpu.vector_load_idx %arg7[%add3A_370] : memref<30024xf32, #tpu.memory_space<vmem>>[vector<16xi32>], vector<16xf32>,
      %add3A_372 = arith.constant 20016 : i32
      %add3A_373 = vector.broadcast %add3A_372 : i32 to vector<16xi32>
      %add3A_374 = arith.addi %get3A_323, %add3A_373 : vector<16xi32>
      %gather3A_375 = tpu.vector_load_idx %arg8[%add3A_374] : memref<30024xf32, #tpu.memory_space<vmem>>[vector<16xi32>], vector<16xf32>,
      %sub3A_376 = arith.subf %gather3A_367, %gather3A_371 : vector<16xf32>
      %add3A_377 = arith.addf %sub3A_376, %gather3A_375 : vector<16xf32>
      %add3A_378 = arith.constant 2 : i32
      %add3A_379 = vector.broadcast %add3A_378 : i32 to vector<16xi32>
      %add3A_380 = arith.addi %add3A_329, %add3A_379 : vector<16xi32>
      tpu.vector_store_idx %arg11[%add3A_380], %add3A_377 : memref<1024xf32, #tpu.memory_space<vmem>>[vector<16xi32>], vector<16xf32>,
      %get3A_381 = arith.constant 96 : index
      %get3A_382 = tpu.vector_load %arg9[%get3A_381] {strides = array<i32>} : memref<128xi32, #tpu.memory_space<vmem>>, vector<16xi32>,
      %get3A_383 = arith.constant 96 : index
      %get3A_384 = tpu.vector_load %arg10[%get3A_383] {strides = array<i32>} : memref<128xi32, #tpu.memory_space<vmem>>, vector<16xi32>,
      %mul3A_385 = arith.constant 8 : i32
      %mul3A_386 = vector.broadcast %mul3A_385 : i32 to vector<16xi32>
      %mul3A_387 = arith.muli %iota3A, %mul3A_386 : vector<16xi32>
      %add3A_388 = arith.constant 768 : i32
      %add3A_389 = vector.broadcast %add3A_388 : i32 to vector<16xi32>
      %add3A_390 = arith.addi %add3A_389, %mul3A_387 : vector<16xi32>
      %add3A_391 = arith.constant 0 : i32
      %add3A_392 = vector.broadcast %add3A_391 : i32 to vector<16xi32>
      %add3A_393 = arith.addi %get3A_382, %add3A_392 : vector<16xi32>
      %gather3A_394 = tpu.vector_load_idx %arg7[%add3A_393] : memref<30024xf32, #tpu.memory_space<vmem>>[vector<16xi32>], vector<16xf32>,
      %add3A_395 = arith.constant 0 : i32
      %add3A_396 = vector.broadcast %add3A_395 : i32 to vector<16xi32>
      %add3A_397 = arith.addi %get3A_384, %add3A_396 : vector<16xi32>
      %gather3A_398 = tpu.vector_load_idx %arg7[%add3A_397] : memref<30024xf32, #tpu.memory_space<vmem>>[vector<16xi32>], vector<16xf32>,
      %add3A_399 = arith.constant 0 : i32
      %add3A_400 = vector.broadcast %add3A_399 : i32 to vector<16xi32>
      %add3A_401 = arith.addi %get3A_384, %add3A_400 : vector<16xi32>
      %gather3A_402 = tpu.vector_load_idx %arg8[%add3A_401] : memref<30024xf32, #tpu.memory_space<vmem>>[vector<16xi32>], vector<16xf32>,
      %sub3A_403 = arith.subf %gather3A_394, %gather3A_398 : vector<16xf32>
      %add3A_404 = arith.addf %sub3A_403, %gather3A_402 : vector<16xf32>
      %add3A_405 = arith.constant 0 : i32
      %add3A_406 = vector.broadcast %add3A_405 : i32 to vector<16xi32>
      %add3A_407 = arith.addi %add3A_390, %add3A_406 : vector<16xi32>
      tpu.vector_store_idx %arg11[%add3A_407], %add3A_404 : memref<1024xf32, #tpu.memory_space<vmem>>[vector<16xi32>], vector<16xf32>,
      %add3A_408 = arith.constant 10008 : i32
      %add3A_409 = vector.broadcast %add3A_408 : i32 to vector<16xi32>
      %add3A_410 = arith.addi %get3A_382, %add3A_409 : vector<16xi32>
      %gather3A_411 = tpu.vector_load_idx %arg7[%add3A_410] : memref<30024xf32, #tpu.memory_space<vmem>>[vector<16xi32>], vector<16xf32>,
      %add3A_412 = arith.constant 10008 : i32
      %add3A_413 = vector.broadcast %add3A_412 : i32 to vector<16xi32>
      %add3A_414 = arith.addi %get3A_384, %add3A_413 : vector<16xi32>
      %gather3A_415 = tpu.vector_load_idx %arg7[%add3A_414] : memref<30024xf32, #tpu.memory_space<vmem>>[vector<16xi32>], vector<16xf32>,
      %add3A_416 = arith.constant 10008 : i32
      %add3A_417 = vector.broadcast %add3A_416 : i32 to vector<16xi32>
      %add3A_418 = arith.addi %get3A_384, %add3A_417 : vector<16xi32>
      %gather3A_419 = tpu.vector_load_idx %arg8[%add3A_418] : memref<30024xf32, #tpu.memory_space<vmem>>[vector<16xi32>], vector<16xf32>,
      %sub3A_420 = arith.subf %gather3A_411, %gather3A_415 : vector<16xf32>
      %add3A_421 = arith.addf %sub3A_420, %gather3A_419 : vector<16xf32>
      %add3A_422 = arith.constant 1 : i32
      %add3A_423 = vector.broadcast %add3A_422 : i32 to vector<16xi32>
      %add3A_424 = arith.addi %add3A_390, %add3A_423 : vector<16xi32>
      tpu.vector_store_idx %arg11[%add3A_424], %add3A_421 : memref<1024xf32, #tpu.memory_space<vmem>>[vector<16xi32>], vector<16xf32>,
      %add3A_425 = arith.constant 20016 : i32
      %add3A_426 = vector.broadcast %add3A_425 : i32 to vector<16xi32>
      %add3A_427 = arith.addi %get3A_382, %add3A_426 : vector<16xi32>
      %gather3A_428 = tpu.vector_load_idx %arg7[%add3A_427] : memref<30024xf32, #tpu.memory_space<vmem>>[vector<16xi32>], vector<16xf32>,
      %add3A_429 = arith.constant 20016 : i32
      %add3A_430 = vector.broadcast %add3A_429 : i32 to vector<16xi32>
      %add3A_431 = arith.addi %get3A_384, %add3A_430 : vector<16xi32>
      %gather3A_432 = tpu.vector_load_idx %arg7[%add3A_431] : memref<30024xf32, #tpu.memory_space<vmem>>[vector<16xi32>], vector<16xf32>,
      %add3A_433 = arith.constant 20016 : i32
      %add3A_434 = vector.broadcast %add3A_433 : i32 to vector<16xi32>
      %add3A_435 = arith.addi %get3A_384, %add3A_434 : vector<16xi32>
      %gather3A_436 = tpu.vector_load_idx %arg8[%add3A_435] : memref<30024xf32, #tpu.memory_space<vmem>>[vector<16xi32>], vector<16xf32>,
      %sub3A_437 = arith.subf %gather3A_428, %gather3A_432 : vector<16xf32>
      %add3A_438 = arith.addf %sub3A_437, %gather3A_436 : vector<16xf32>
      %add3A_439 = arith.constant 2 : i32
      %add3A_440 = vector.broadcast %add3A_439 : i32 to vector<16xi32>
      %add3A_441 = arith.addi %add3A_390, %add3A_440 : vector<16xi32>
      tpu.vector_store_idx %arg11[%add3A_441], %add3A_438 : memref<1024xf32, #tpu.memory_space<vmem>>[vector<16xi32>], vector<16xf32>,
      %get3A_442 = arith.constant 112 : index
      %get3A_443 = tpu.vector_load %arg9[%get3A_442] {strides = array<i32>} : memref<128xi32, #tpu.memory_space<vmem>>, vector<16xi32>,
      %get3A_444 = arith.constant 112 : index
      %get3A_445 = tpu.vector_load %arg10[%get3A_444] {strides = array<i32>} : memref<128xi32, #tpu.memory_space<vmem>>, vector<16xi32>,
      %mul3A_446 = arith.constant 8 : i32
      %mul3A_447 = vector.broadcast %mul3A_446 : i32 to vector<16xi32>
      %mul3A_448 = arith.muli %iota3A, %mul3A_447 : vector<16xi32>
      %add3A_449 = arith.constant 896 : i32
      %add3A_450 = vector.broadcast %add3A_449 : i32 to vector<16xi32>
      %add3A_451 = arith.addi %add3A_450, %mul3A_448 : vector<16xi32>
      %add3A_452 = arith.constant 0 : i32
      %add3A_453 = vector.broadcast %add3A_452 : i32 to vector<16xi32>
      %add3A_454 = arith.addi %get3A_443, %add3A_453 : vector<16xi32>
      %gather3A_455 = tpu.vector_load_idx %arg7[%add3A_454] : memref<30024xf32, #tpu.memory_space<vmem>>[vector<16xi32>], vector<16xf32>,
      %add3A_456 = arith.constant 0 : i32
      %add3A_457 = vector.broadcast %add3A_456 : i32 to vector<16xi32>
      %add3A_458 = arith.addi %get3A_445, %add3A_457 : vector<16xi32>
      %gather3A_459 = tpu.vector_load_idx %arg7[%add3A_458] : memref<30024xf32, #tpu.memory_space<vmem>>[vector<16xi32>], vector<16xf32>,
      %add3A_460 = arith.constant 0 : i32
      %add3A_461 = vector.broadcast %add3A_460 : i32 to vector<16xi32>
      %add3A_462 = arith.addi %get3A_445, %add3A_461 : vector<16xi32>
      %gather3A_463 = tpu.vector_load_idx %arg8[%add3A_462] : memref<30024xf32, #tpu.memory_space<vmem>>[vector<16xi32>], vector<16xf32>,
      %sub3A_464 = arith.subf %gather3A_455, %gather3A_459 : vector<16xf32>
      %add3A_465 = arith.addf %sub3A_464, %gather3A_463 : vector<16xf32>
      %add3A_466 = arith.constant 0 : i32
      %add3A_467 = vector.broadcast %add3A_466 : i32 to vector<16xi32>
      %add3A_468 = arith.addi %add3A_451, %add3A_467 : vector<16xi32>
      tpu.vector_store_idx %arg11[%add3A_468], %add3A_465 : memref<1024xf32, #tpu.memory_space<vmem>>[vector<16xi32>], vector<16xf32>,
      %add3A_469 = arith.constant 10008 : i32
      %add3A_470 = vector.broadcast %add3A_469 : i32 to vector<16xi32>
      %add3A_471 = arith.addi %get3A_443, %add3A_470 : vector<16xi32>
      %gather3A_472 = tpu.vector_load_idx %arg7[%add3A_471] : memref<30024xf32, #tpu.memory_space<vmem>>[vector<16xi32>], vector<16xf32>,
      %add3A_473 = arith.constant 10008 : i32
      %add3A_474 = vector.broadcast %add3A_473 : i32 to vector<16xi32>
      %add3A_475 = arith.addi %get3A_445, %add3A_474 : vector<16xi32>
      %gather3A_476 = tpu.vector_load_idx %arg7[%add3A_475] : memref<30024xf32, #tpu.memory_space<vmem>>[vector<16xi32>], vector<16xf32>,
      %add3A_477 = arith.constant 10008 : i32
      %add3A_478 = vector.broadcast %add3A_477 : i32 to vector<16xi32>
      %add3A_479 = arith.addi %get3A_445, %add3A_478 : vector<16xi32>
      %gather3A_480 = tpu.vector_load_idx %arg8[%add3A_479] : memref<30024xf32, #tpu.memory_space<vmem>>[vector<16xi32>], vector<16xf32>,
      %sub3A_481 = arith.subf %gather3A_472, %gather3A_476 : vector<16xf32>
      %add3A_482 = arith.addf %sub3A_481, %gather3A_480 : vector<16xf32>
      %add3A_483 = arith.constant 1 : i32
      %add3A_484 = vector.broadcast %add3A_483 : i32 to vector<16xi32>
      %add3A_485 = arith.addi %add3A_451, %add3A_484 : vector<16xi32>
      tpu.vector_store_idx %arg11[%add3A_485], %add3A_482 : memref<1024xf32, #tpu.memory_space<vmem>>[vector<16xi32>], vector<16xf32>,
      %add3A_486 = arith.constant 20016 : i32
      %add3A_487 = vector.broadcast %add3A_486 : i32 to vector<16xi32>
      %add3A_488 = arith.addi %get3A_443, %add3A_487 : vector<16xi32>
      %gather3A_489 = tpu.vector_load_idx %arg7[%add3A_488] : memref<30024xf32, #tpu.memory_space<vmem>>[vector<16xi32>], vector<16xf32>,
      %add3A_490 = arith.constant 20016 : i32
      %add3A_491 = vector.broadcast %add3A_490 : i32 to vector<16xi32>
      %add3A_492 = arith.addi %get3A_445, %add3A_491 : vector<16xi32>
      %gather3A_493 = tpu.vector_load_idx %arg7[%add3A_492] : memref<30024xf32, #tpu.memory_space<vmem>>[vector<16xi32>], vector<16xf32>,
      %add3A_494 = arith.constant 20016 : i32
      %add3A_495 = vector.broadcast %add3A_494 : i32 to vector<16xi32>
      %add3A_496 = arith.addi %get3A_445, %add3A_495 : vector<16xi32>
      %gather3A_497 = tpu.vector_load_idx %arg8[%add3A_496] : memref<30024xf32, #tpu.memory_space<vmem>>[vector<16xi32>], vector<16xf32>,
      %sub3A_498 = arith.subf %gather3A_489, %gather3A_493 : vector<16xf32>
      %add3A_499 = arith.addf %sub3A_498, %gather3A_497 : vector<16xf32>
      %add3A_500 = arith.constant 2 : i32
      %add3A_501 = vector.broadcast %add3A_500 : i32 to vector<16xi32>
      %add3A_502 = arith.addi %add3A_451, %add3A_501 : vector<16xi32>
      tpu.vector_store_idx %arg11[%add3A_502], %add3A_499 : memref<1024xf32, #tpu.memory_space<vmem>>[vector<16xi32>], vector<16xf32>,
      %mul3A_503 = arith.constant 8 : i32
      %mul3A_504 = arith.muli %add3A_17, %mul3A_503 : i32
      "tpu.region"() ({
        %run_scoped3A = tpu.sem_alloc : memref<!tpu.dma_semaphore, #tpu.memory_space<semaphore_mem>>
        %dma_start3A = tpu.memref_slice %arg6[%mul3A_504] : memref<2588672xf32, #tpu.memory_space<hbm>> -> memref<1024xf32, #tpu.memory_space<hbm>>
        %dma_start3A_505 = tpu.memref_slice %arg6[%mul3A_504] : memref<2588672xf32, #tpu.memory_space<hbm>> -> memref<1024xf32, #tpu.memory_space<hbm>>
        tpu.enqueue_dma source(%arg11 : memref<1024xf32, #tpu.memory_space<vmem>>) target(%dma_start3A_505 : memref<1024xf32, #tpu.memory_space<hbm>>) target_semaphore(%run_scoped3A : memref<!tpu.dma_semaphore, #tpu.memory_space<semaphore_mem>>)
        %dma_wait3A = tpu.memref_slice %arg6[%mul3A_504] : memref<2588672xf32, #tpu.memory_space<hbm>> -> memref<1024xf32, #tpu.memory_space<hbm>>
        %dma_wait3A_506 = tpu.memref_slice %arg6[%mul3A_504] : memref<2588672xf32, #tpu.memory_space<hbm>> -> memref<1024xf32, #tpu.memory_space<hbm>>
        tpu.wait_dma2 semaphore(%run_scoped3A : memref<!tpu.dma_semaphore, #tpu.memory_space<semaphore_mem>>) src(%arg11 : memref<1024xf32, #tpu.memory_space<vmem>>) dst(%dma_wait3A_506 : memref<1024xf32, #tpu.memory_space<hbm>>)
        tpu.yield
      }) : () -> ()
    }
    %scan3A_13 = arith.constant 79 : i32
    return
  }
}

#map = affine_map<(d0, d1) -> (0)>
module attributes {stable_mosaic.version = 14 : i64} {
  func.func @_qasm_body(%arg0: i32, %arg1: i32, %arg2: memref<30024xf32, #tpu.memory_space<hbm>>, %arg3: memref<30024xf32, #tpu.memory_space<hbm>>, %arg4: memref<323584xi32, #tpu.memory_space<hbm>>, %arg5: memref<323584xi32, #tpu.memory_space<hbm>>, %arg6: memref<2588672xf32, #tpu.memory_space<hbm>>, %arg7: memref<30024xf32, #tpu.memory_space<vmem>>, %arg8: memref<30024xf32, #tpu.memory_space<vmem>>, %arg9: memref<128xi32, #tpu.memory_space<vmem>>, %arg10: memref<128xi32, #tpu.memory_space<vmem>>, %arg11: memref<1024xf32, #tpu.memory_space<vmem>>) attributes {dimension_semantics = [#tpu.dimension_semantics<core_parallel>, #tpu.dimension_semantics<subcore_parallel>], iteration_bounds = array<i64: 2, 16>, scalar_prefetch = 0 : i64, scratch_operands = 5 : i64, tpu.core_type = #tpu.core_type<sc_vector_subcore>, window_params = [{transform_indices = #map}, {transform_indices = #map}, {transform_indices = #map}, {transform_indices = #map}, {transform_indices = #map}]} {
    "tpu.region"() ({
      %run_scoped3A = tpu.sem_alloc : memref<!tpu.dma_semaphore, #tpu.memory_space<semaphore_mem>>
      tpu.enqueue_dma source(%arg2 : memref<30024xf32, #tpu.memory_space<hbm>>) target(%arg7 : memref<30024xf32, #tpu.memory_space<vmem>>) target_semaphore(%run_scoped3A : memref<!tpu.dma_semaphore, #tpu.memory_space<semaphore_mem>>)
      tpu.wait_dma2 semaphore(%run_scoped3A : memref<!tpu.dma_semaphore, #tpu.memory_space<semaphore_mem>>) src(%arg2 : memref<30024xf32, #tpu.memory_space<hbm>>) dst(%arg7 : memref<30024xf32, #tpu.memory_space<vmem>>)
      tpu.yield
    }) : () -> ()
    "tpu.region"() ({
      %run_scoped3A = tpu.sem_alloc : memref<!tpu.dma_semaphore, #tpu.memory_space<semaphore_mem>>
      tpu.enqueue_dma source(%arg3 : memref<30024xf32, #tpu.memory_space<hbm>>) target(%arg8 : memref<30024xf32, #tpu.memory_space<vmem>>) target_semaphore(%run_scoped3A : memref<!tpu.dma_semaphore, #tpu.memory_space<semaphore_mem>>)
      tpu.wait_dma2 semaphore(%run_scoped3A : memref<!tpu.dma_semaphore, #tpu.memory_space<semaphore_mem>>) src(%arg3 : memref<30024xf32, #tpu.memory_space<hbm>>) dst(%arg8 : memref<30024xf32, #tpu.memory_space<vmem>>)
      tpu.yield
    }) : () -> ()
    %scan3A = arith.constant 0 : i32
    %scan3A_0 = arith.constant 0 : i32
    %scan3A_1 = arith.constant 64 : i32
    %scan3A_2 = arith.addi %scan3A_0, %scan3A_1 : i32
    %scan3A_3 = arith.constant 1 : i32
    scf.for %scan3A_14 = %scan3A_0 to %scan3A_2 step %scan3A_3  : i32 {
      %broadcast_in_dim3A = arith.constant 0.000000e+00 : f32
      %broadcast_in_dim3A_15 = vector.broadcast %broadcast_in_dim3A : f32 to vector<16xf32>
      %mul3A_16 = arith.constant 16 : i32
      %mul3A_17 = arith.muli %scan3A_14, %mul3A_16 : i32
      %swap3A = arith.index_cast %mul3A_17 : i32 to index
      %swap3A_18 = tpu.vector_load %arg11[%swap3A] {strides = array<i32>} : memref<1024xf32, #tpu.memory_space<vmem>>, vector<16xf32>,
      tpu.vector_store %arg11[%swap3A], %broadcast_in_dim3A_15 {strides = array<i32>} : memref<1024xf32, #tpu.memory_space<vmem>>, vector<16xf32>,
    }
    %scan3A_4 = arith.constant 64 : i32
    %mul3A = arith.constant 16 : i32
    %mul3A_5 = arith.muli %arg0, %mul3A : i32
    %add3A = arith.addi %mul3A_5, %arg1 : i32
    %mul3A_6 = arith.constant 10112 : i32
    %mul3A_7 = arith.muli %add3A, %mul3A_6 : i32
    %iota3A = tpu.iota {dimensions = array<i32: 0>} : vector<16xi32>
    %scan3A_8 = arith.constant 0 : i32
    %scan3A_9 = arith.constant 0 : i32
    %scan3A_10 = arith.constant 79 : i32
    %scan3A_11 = arith.addi %scan3A_9, %scan3A_10 : i32
    %scan3A_12 = arith.constant 1 : i32
    scf.for %scan3A_14 = %scan3A_9 to %scan3A_11 step %scan3A_12  : i32 {
      %mul3A_15 = arith.constant 128 : i32
      %mul3A_16 = arith.muli %scan3A_14, %mul3A_15 : i32
      %add3A_17 = arith.addi %mul3A_7, %mul3A_16 : i32
      "tpu.region"() ({
        %run_scoped3A = tpu.sem_alloc : memref<!tpu.dma_semaphore, #tpu.memory_space<semaphore_mem>>
        %dma_start3A = tpu.memref_slice %arg4[%add3A_17] : memref<323584xi32, #tpu.memory_space<hbm>> -> memref<128xi32, #tpu.memory_space<hbm>>
        %dma_start3A_505 = tpu.memref_slice %arg4[%add3A_17] : memref<323584xi32, #tpu.memory_space<hbm>> -> memref<128xi32, #tpu.memory_space<hbm>>
        tpu.enqueue_dma source(%dma_start3A_505 : memref<128xi32, #tpu.memory_space<hbm>>) target(%arg9 : memref<128xi32, #tpu.memory_space<vmem>>) target_semaphore(%run_scoped3A : memref<!tpu.dma_semaphore, #tpu.memory_space<semaphore_mem>>)
        %dma_wait3A = tpu.memref_slice %arg4[%add3A_17] : memref<323584xi32, #tpu.memory_space<hbm>> -> memref<128xi32, #tpu.memory_space<hbm>>
        %dma_wait3A_506 = tpu.memref_slice %arg4[%add3A_17] : memref<323584xi32, #tpu.memory_space<hbm>> -> memref<128xi32, #tpu.memory_space<hbm>>
        tpu.wait_dma2 semaphore(%run_scoped3A : memref<!tpu.dma_semaphore, #tpu.memory_space<semaphore_mem>>) src(%dma_wait3A_506 : memref<128xi32, #tpu.memory_space<hbm>>) dst(%arg9 : memref<128xi32, #tpu.memory_space<vmem>>)
        tpu.yield
      }) : () -> ()
      "tpu.region"() ({
        %run_scoped3A = tpu.sem_alloc : memref<!tpu.dma_semaphore, #tpu.memory_space<semaphore_mem>>
        %dma_start3A = tpu.memref_slice %arg5[%add3A_17] : memref<323584xi32, #tpu.memory_space<hbm>> -> memref<128xi32, #tpu.memory_space<hbm>>
        %dma_start3A_505 = tpu.memref_slice %arg5[%add3A_17] : memref<323584xi32, #tpu.memory_space<hbm>> -> memref<128xi32, #tpu.memory_space<hbm>>
        tpu.enqueue_dma source(%dma_start3A_505 : memref<128xi32, #tpu.memory_space<hbm>>) target(%arg10 : memref<128xi32, #tpu.memory_space<vmem>>) target_semaphore(%run_scoped3A : memref<!tpu.dma_semaphore, #tpu.memory_space<semaphore_mem>>)
        %dma_wait3A = tpu.memref_slice %arg5[%add3A_17] : memref<323584xi32, #tpu.memory_space<hbm>> -> memref<128xi32, #tpu.memory_space<hbm>>
        %dma_wait3A_506 = tpu.memref_slice %arg5[%add3A_17] : memref<323584xi32, #tpu.memory_space<hbm>> -> memref<128xi32, #tpu.memory_space<hbm>>
        tpu.wait_dma2 semaphore(%run_scoped3A : memref<!tpu.dma_semaphore, #tpu.memory_space<semaphore_mem>>) src(%dma_wait3A_506 : memref<128xi32, #tpu.memory_space<hbm>>) dst(%arg10 : memref<128xi32, #tpu.memory_space<vmem>>)
        tpu.yield
      }) : () -> ()
      %get3A = arith.constant 0 : index
      %get3A_18 = tpu.vector_load %arg9[%get3A] {strides = array<i32>} : memref<128xi32, #tpu.memory_space<vmem>>, vector<16xi32>,
      %get3A_19 = arith.constant 0 : index
      %get3A_20 = tpu.vector_load %arg10[%get3A_19] {strides = array<i32>} : memref<128xi32, #tpu.memory_space<vmem>>, vector<16xi32>,
      %mul3A_21 = arith.constant 8 : i32
      %mul3A_22 = vector.broadcast %mul3A_21 : i32 to vector<16xi32>
      %mul3A_23 = arith.muli %iota3A, %mul3A_22 : vector<16xi32>
      %add3A_24 = arith.constant 0 : i32
      %add3A_25 = vector.broadcast %add3A_24 : i32 to vector<16xi32>
      %add3A_26 = arith.addi %add3A_25, %mul3A_23 : vector<16xi32>
      %add3A_27 = arith.constant 0 : i32
      %add3A_28 = vector.broadcast %add3A_27 : i32 to vector<16xi32>
      %add3A_29 = arith.addi %get3A_18, %add3A_28 : vector<16xi32>
      %gather3A = tpu.vector_load_idx %arg7[%add3A_29] : memref<30024xf32, #tpu.memory_space<vmem>>[vector<16xi32>], vector<16xf32>,
      %add3A_30 = arith.constant 0 : i32
      %add3A_31 = vector.broadcast %add3A_30 : i32 to vector<16xi32>
      %add3A_32 = arith.addi %get3A_20, %add3A_31 : vector<16xi32>
      %gather3A_33 = tpu.vector_load_idx %arg7[%add3A_32] : memref<30024xf32, #tpu.memory_space<vmem>>[vector<16xi32>], vector<16xf32>,
      %add3A_34 = arith.constant 0 : i32
      %add3A_35 = vector.broadcast %add3A_34 : i32 to vector<16xi32>
      %add3A_36 = arith.addi %get3A_20, %add3A_35 : vector<16xi32>
      %gather3A_37 = tpu.vector_load_idx %arg8[%add3A_36] : memref<30024xf32, #tpu.memory_space<vmem>>[vector<16xi32>], vector<16xf32>,
      %sub3A = arith.subf %gather3A, %gather3A_33 : vector<16xf32>
      %add3A_38 = arith.addf %sub3A, %gather3A_37 : vector<16xf32>
      %add3A_39 = arith.constant 0 : i32
      %add3A_40 = vector.broadcast %add3A_39 : i32 to vector<16xi32>
      %add3A_41 = arith.addi %add3A_26, %add3A_40 : vector<16xi32>
      tpu.vector_store_idx %arg11[%add3A_41], %add3A_38 : memref<1024xf32, #tpu.memory_space<vmem>>[vector<16xi32>], vector<16xf32>,
      %add3A_42 = arith.constant 10008 : i32
      %add3A_43 = vector.broadcast %add3A_42 : i32 to vector<16xi32>
      %add3A_44 = arith.addi %get3A_18, %add3A_43 : vector<16xi32>
      %gather3A_45 = tpu.vector_load_idx %arg7[%add3A_44] : memref<30024xf32, #tpu.memory_space<vmem>>[vector<16xi32>], vector<16xf32>,
      %add3A_46 = arith.constant 10008 : i32
      %add3A_47 = vector.broadcast %add3A_46 : i32 to vector<16xi32>
      %add3A_48 = arith.addi %get3A_20, %add3A_47 : vector<16xi32>
      %gather3A_49 = tpu.vector_load_idx %arg7[%add3A_48] : memref<30024xf32, #tpu.memory_space<vmem>>[vector<16xi32>], vector<16xf32>,
      %add3A_50 = arith.constant 10008 : i32
      %add3A_51 = vector.broadcast %add3A_50 : i32 to vector<16xi32>
      %add3A_52 = arith.addi %get3A_20, %add3A_51 : vector<16xi32>
      %gather3A_53 = tpu.vector_load_idx %arg8[%add3A_52] : memref<30024xf32, #tpu.memory_space<vmem>>[vector<16xi32>], vector<16xf32>,
      %sub3A_54 = arith.subf %gather3A_45, %gather3A_49 : vector<16xf32>
      %add3A_55 = arith.addf %sub3A_54, %gather3A_53 : vector<16xf32>
      %add3A_56 = arith.constant 1 : i32
      %add3A_57 = vector.broadcast %add3A_56 : i32 to vector<16xi32>
      %add3A_58 = arith.addi %add3A_26, %add3A_57 : vector<16xi32>
      tpu.vector_store_idx %arg11[%add3A_58], %add3A_55 : memref<1024xf32, #tpu.memory_space<vmem>>[vector<16xi32>], vector<16xf32>,
      %add3A_59 = arith.constant 20016 : i32
      %add3A_60 = vector.broadcast %add3A_59 : i32 to vector<16xi32>
      %add3A_61 = arith.addi %get3A_18, %add3A_60 : vector<16xi32>
      %gather3A_62 = tpu.vector_load_idx %arg7[%add3A_61] : memref<30024xf32, #tpu.memory_space<vmem>>[vector<16xi32>], vector<16xf32>,
      %add3A_63 = arith.constant 20016 : i32
      %add3A_64 = vector.broadcast %add3A_63 : i32 to vector<16xi32>
      %add3A_65 = arith.addi %get3A_20, %add3A_64 : vector<16xi32>
      %gather3A_66 = tpu.vector_load_idx %arg7[%add3A_65] : memref<30024xf32, #tpu.memory_space<vmem>>[vector<16xi32>], vector<16xf32>,
      %add3A_67 = arith.constant 20016 : i32
      %add3A_68 = vector.broadcast %add3A_67 : i32 to vector<16xi32>
      %add3A_69 = arith.addi %get3A_20, %add3A_68 : vector<16xi32>
      %gather3A_70 = tpu.vector_load_idx %arg8[%add3A_69] : memref<30024xf32, #tpu.memory_space<vmem>>[vector<16xi32>], vector<16xf32>,
      %sub3A_71 = arith.subf %gather3A_62, %gather3A_66 : vector<16xf32>
      %add3A_72 = arith.addf %sub3A_71, %gather3A_70 : vector<16xf32>
      %add3A_73 = arith.constant 2 : i32
      %add3A_74 = vector.broadcast %add3A_73 : i32 to vector<16xi32>
      %add3A_75 = arith.addi %add3A_26, %add3A_74 : vector<16xi32>
      tpu.vector_store_idx %arg11[%add3A_75], %add3A_72 : memref<1024xf32, #tpu.memory_space<vmem>>[vector<16xi32>], vector<16xf32>,
      %get3A_76 = arith.constant 16 : index
      %get3A_77 = tpu.vector_load %arg9[%get3A_76] {strides = array<i32>} : memref<128xi32, #tpu.memory_space<vmem>>, vector<16xi32>,
      %get3A_78 = arith.constant 16 : index
      %get3A_79 = tpu.vector_load %arg10[%get3A_78] {strides = array<i32>} : memref<128xi32, #tpu.memory_space<vmem>>, vector<16xi32>,
      %mul3A_80 = arith.constant 8 : i32
      %mul3A_81 = vector.broadcast %mul3A_80 : i32 to vector<16xi32>
      %mul3A_82 = arith.muli %iota3A, %mul3A_81 : vector<16xi32>
      %add3A_83 = arith.constant 128 : i32
      %add3A_84 = vector.broadcast %add3A_83 : i32 to vector<16xi32>
      %add3A_85 = arith.addi %add3A_84, %mul3A_82 : vector<16xi32>
      %add3A_86 = arith.constant 0 : i32
      %add3A_87 = vector.broadcast %add3A_86 : i32 to vector<16xi32>
      %add3A_88 = arith.addi %get3A_77, %add3A_87 : vector<16xi32>
      %gather3A_89 = tpu.vector_load_idx %arg7[%add3A_88] : memref<30024xf32, #tpu.memory_space<vmem>>[vector<16xi32>], vector<16xf32>,
      %add3A_90 = arith.constant 0 : i32
      %add3A_91 = vector.broadcast %add3A_90 : i32 to vector<16xi32>
      %add3A_92 = arith.addi %get3A_79, %add3A_91 : vector<16xi32>
      %gather3A_93 = tpu.vector_load_idx %arg7[%add3A_92] : memref<30024xf32, #tpu.memory_space<vmem>>[vector<16xi32>], vector<16xf32>,
      %add3A_94 = arith.constant 0 : i32
      %add3A_95 = vector.broadcast %add3A_94 : i32 to vector<16xi32>
      %add3A_96 = arith.addi %get3A_79, %add3A_95 : vector<16xi32>
      %gather3A_97 = tpu.vector_load_idx %arg8[%add3A_96] : memref<30024xf32, #tpu.memory_space<vmem>>[vector<16xi32>], vector<16xf32>,
      %sub3A_98 = arith.subf %gather3A_89, %gather3A_93 : vector<16xf32>
      %add3A_99 = arith.addf %sub3A_98, %gather3A_97 : vector<16xf32>
      %add3A_100 = arith.constant 0 : i32
      %add3A_101 = vector.broadcast %add3A_100 : i32 to vector<16xi32>
      %add3A_102 = arith.addi %add3A_85, %add3A_101 : vector<16xi32>
      tpu.vector_store_idx %arg11[%add3A_102], %add3A_99 : memref<1024xf32, #tpu.memory_space<vmem>>[vector<16xi32>], vector<16xf32>,
      %add3A_103 = arith.constant 10008 : i32
      %add3A_104 = vector.broadcast %add3A_103 : i32 to vector<16xi32>
      %add3A_105 = arith.addi %get3A_77, %add3A_104 : vector<16xi32>
      %gather3A_106 = tpu.vector_load_idx %arg7[%add3A_105] : memref<30024xf32, #tpu.memory_space<vmem>>[vector<16xi32>], vector<16xf32>,
      %add3A_107 = arith.constant 10008 : i32
      %add3A_108 = vector.broadcast %add3A_107 : i32 to vector<16xi32>
      %add3A_109 = arith.addi %get3A_79, %add3A_108 : vector<16xi32>
      %gather3A_110 = tpu.vector_load_idx %arg7[%add3A_109] : memref<30024xf32, #tpu.memory_space<vmem>>[vector<16xi32>], vector<16xf32>,
      %add3A_111 = arith.constant 10008 : i32
      %add3A_112 = vector.broadcast %add3A_111 : i32 to vector<16xi32>
      %add3A_113 = arith.addi %get3A_79, %add3A_112 : vector<16xi32>
      %gather3A_114 = tpu.vector_load_idx %arg8[%add3A_113] : memref<30024xf32, #tpu.memory_space<vmem>>[vector<16xi32>], vector<16xf32>,
      %sub3A_115 = arith.subf %gather3A_106, %gather3A_110 : vector<16xf32>
      %add3A_116 = arith.addf %sub3A_115, %gather3A_114 : vector<16xf32>
      %add3A_117 = arith.constant 1 : i32
      %add3A_118 = vector.broadcast %add3A_117 : i32 to vector<16xi32>
      %add3A_119 = arith.addi %add3A_85, %add3A_118 : vector<16xi32>
      tpu.vector_store_idx %arg11[%add3A_119], %add3A_116 : memref<1024xf32, #tpu.memory_space<vmem>>[vector<16xi32>], vector<16xf32>,
      %add3A_120 = arith.constant 20016 : i32
      %add3A_121 = vector.broadcast %add3A_120 : i32 to vector<16xi32>
      %add3A_122 = arith.addi %get3A_77, %add3A_121 : vector<16xi32>
      %gather3A_123 = tpu.vector_load_idx %arg7[%add3A_122] : memref<30024xf32, #tpu.memory_space<vmem>>[vector<16xi32>], vector<16xf32>,
      %add3A_124 = arith.constant 20016 : i32
      %add3A_125 = vector.broadcast %add3A_124 : i32 to vector<16xi32>
      %add3A_126 = arith.addi %get3A_79, %add3A_125 : vector<16xi32>
      %gather3A_127 = tpu.vector_load_idx %arg7[%add3A_126] : memref<30024xf32, #tpu.memory_space<vmem>>[vector<16xi32>], vector<16xf32>,
      %add3A_128 = arith.constant 20016 : i32
      %add3A_129 = vector.broadcast %add3A_128 : i32 to vector<16xi32>
      %add3A_130 = arith.addi %get3A_79, %add3A_129 : vector<16xi32>
      %gather3A_131 = tpu.vector_load_idx %arg8[%add3A_130] : memref<30024xf32, #tpu.memory_space<vmem>>[vector<16xi32>], vector<16xf32>,
      %sub3A_132 = arith.subf %gather3A_123, %gather3A_127 : vector<16xf32>
      %add3A_133 = arith.addf %sub3A_132, %gather3A_131 : vector<16xf32>
      %add3A_134 = arith.constant 2 : i32
      %add3A_135 = vector.broadcast %add3A_134 : i32 to vector<16xi32>
      %add3A_136 = arith.addi %add3A_85, %add3A_135 : vector<16xi32>
      tpu.vector_store_idx %arg11[%add3A_136], %add3A_133 : memref<1024xf32, #tpu.memory_space<vmem>>[vector<16xi32>], vector<16xf32>,
      %get3A_137 = arith.constant 32 : index
      %get3A_138 = tpu.vector_load %arg9[%get3A_137] {strides = array<i32>} : memref<128xi32, #tpu.memory_space<vmem>>, vector<16xi32>,
      %get3A_139 = arith.constant 32 : index
      %get3A_140 = tpu.vector_load %arg10[%get3A_139] {strides = array<i32>} : memref<128xi32, #tpu.memory_space<vmem>>, vector<16xi32>,
      %mul3A_141 = arith.constant 8 : i32
      %mul3A_142 = vector.broadcast %mul3A_141 : i32 to vector<16xi32>
      %mul3A_143 = arith.muli %iota3A, %mul3A_142 : vector<16xi32>
      %add3A_144 = arith.constant 256 : i32
      %add3A_145 = vector.broadcast %add3A_144 : i32 to vector<16xi32>
      %add3A_146 = arith.addi %add3A_145, %mul3A_143 : vector<16xi32>
      %add3A_147 = arith.constant 0 : i32
      %add3A_148 = vector.broadcast %add3A_147 : i32 to vector<16xi32>
      %add3A_149 = arith.addi %get3A_138, %add3A_148 : vector<16xi32>
      %gather3A_150 = tpu.vector_load_idx %arg7[%add3A_149] : memref<30024xf32, #tpu.memory_space<vmem>>[vector<16xi32>], vector<16xf32>,
      %add3A_151 = arith.constant 0 : i32
      %add3A_152 = vector.broadcast %add3A_151 : i32 to vector<16xi32>
      %add3A_153 = arith.addi %get3A_140, %add3A_152 : vector<16xi32>
      %gather3A_154 = tpu.vector_load_idx %arg7[%add3A_153] : memref<30024xf32, #tpu.memory_space<vmem>>[vector<16xi32>], vector<16xf32>,
      %add3A_155 = arith.constant 0 : i32
      %add3A_156 = vector.broadcast %add3A_155 : i32 to vector<16xi32>
      %add3A_157 = arith.addi %get3A_140, %add3A_156 : vector<16xi32>
      %gather3A_158 = tpu.vector_load_idx %arg8[%add3A_157] : memref<30024xf32, #tpu.memory_space<vmem>>[vector<16xi32>], vector<16xf32>,
      %sub3A_159 = arith.subf %gather3A_150, %gather3A_154 : vector<16xf32>
      %add3A_160 = arith.addf %sub3A_159, %gather3A_158 : vector<16xf32>
      %add3A_161 = arith.constant 0 : i32
      %add3A_162 = vector.broadcast %add3A_161 : i32 to vector<16xi32>
      %add3A_163 = arith.addi %add3A_146, %add3A_162 : vector<16xi32>
      tpu.vector_store_idx %arg11[%add3A_163], %add3A_160 : memref<1024xf32, #tpu.memory_space<vmem>>[vector<16xi32>], vector<16xf32>,
      %add3A_164 = arith.constant 10008 : i32
      %add3A_165 = vector.broadcast %add3A_164 : i32 to vector<16xi32>
      %add3A_166 = arith.addi %get3A_138, %add3A_165 : vector<16xi32>
      %gather3A_167 = tpu.vector_load_idx %arg7[%add3A_166] : memref<30024xf32, #tpu.memory_space<vmem>>[vector<16xi32>], vector<16xf32>,
      %add3A_168 = arith.constant 10008 : i32
      %add3A_169 = vector.broadcast %add3A_168 : i32 to vector<16xi32>
      %add3A_170 = arith.addi %get3A_140, %add3A_169 : vector<16xi32>
      %gather3A_171 = tpu.vector_load_idx %arg7[%add3A_170] : memref<30024xf32, #tpu.memory_space<vmem>>[vector<16xi32>], vector<16xf32>,
      %add3A_172 = arith.constant 10008 : i32
      %add3A_173 = vector.broadcast %add3A_172 : i32 to vector<16xi32>
      %add3A_174 = arith.addi %get3A_140, %add3A_173 : vector<16xi32>
      %gather3A_175 = tpu.vector_load_idx %arg8[%add3A_174] : memref<30024xf32, #tpu.memory_space<vmem>>[vector<16xi32>], vector<16xf32>,
      %sub3A_176 = arith.subf %gather3A_167, %gather3A_171 : vector<16xf32>
      %add3A_177 = arith.addf %sub3A_176, %gather3A_175 : vector<16xf32>
      %add3A_178 = arith.constant 1 : i32
      %add3A_179 = vector.broadcast %add3A_178 : i32 to vector<16xi32>
      %add3A_180 = arith.addi %add3A_146, %add3A_179 : vector<16xi32>
      tpu.vector_store_idx %arg11[%add3A_180], %add3A_177 : memref<1024xf32, #tpu.memory_space<vmem>>[vector<16xi32>], vector<16xf32>,
      %add3A_181 = arith.constant 20016 : i32
      %add3A_182 = vector.broadcast %add3A_181 : i32 to vector<16xi32>
      %add3A_183 = arith.addi %get3A_138, %add3A_182 : vector<16xi32>
      %gather3A_184 = tpu.vector_load_idx %arg7[%add3A_183] : memref<30024xf32, #tpu.memory_space<vmem>>[vector<16xi32>], vector<16xf32>,
      %add3A_185 = arith.constant 20016 : i32
      %add3A_186 = vector.broadcast %add3A_185 : i32 to vector<16xi32>
      %add3A_187 = arith.addi %get3A_140, %add3A_186 : vector<16xi32>
      %gather3A_188 = tpu.vector_load_idx %arg7[%add3A_187] : memref<30024xf32, #tpu.memory_space<vmem>>[vector<16xi32>], vector<16xf32>,
      %add3A_189 = arith.constant 20016 : i32
      %add3A_190 = vector.broadcast %add3A_189 : i32 to vector<16xi32>
      %add3A_191 = arith.addi %get3A_140, %add3A_190 : vector<16xi32>
      %gather3A_192 = tpu.vector_load_idx %arg8[%add3A_191] : memref<30024xf32, #tpu.memory_space<vmem>>[vector<16xi32>], vector<16xf32>,
      %sub3A_193 = arith.subf %gather3A_184, %gather3A_188 : vector<16xf32>
      %add3A_194 = arith.addf %sub3A_193, %gather3A_192 : vector<16xf32>
      %add3A_195 = arith.constant 2 : i32
      %add3A_196 = vector.broadcast %add3A_195 : i32 to vector<16xi32>
      %add3A_197 = arith.addi %add3A_146, %add3A_196 : vector<16xi32>
      tpu.vector_store_idx %arg11[%add3A_197], %add3A_194 : memref<1024xf32, #tpu.memory_space<vmem>>[vector<16xi32>], vector<16xf32>,
      %get3A_198 = arith.constant 48 : index
      %get3A_199 = tpu.vector_load %arg9[%get3A_198] {strides = array<i32>} : memref<128xi32, #tpu.memory_space<vmem>>, vector<16xi32>,
      %get3A_200 = arith.constant 48 : index
      %get3A_201 = tpu.vector_load %arg10[%get3A_200] {strides = array<i32>} : memref<128xi32, #tpu.memory_space<vmem>>, vector<16xi32>,
      %mul3A_202 = arith.constant 8 : i32
      %mul3A_203 = vector.broadcast %mul3A_202 : i32 to vector<16xi32>
      %mul3A_204 = arith.muli %iota3A, %mul3A_203 : vector<16xi32>
      %add3A_205 = arith.constant 384 : i32
      %add3A_206 = vector.broadcast %add3A_205 : i32 to vector<16xi32>
      %add3A_207 = arith.addi %add3A_206, %mul3A_204 : vector<16xi32>
      %add3A_208 = arith.constant 0 : i32
      %add3A_209 = vector.broadcast %add3A_208 : i32 to vector<16xi32>
      %add3A_210 = arith.addi %get3A_199, %add3A_209 : vector<16xi32>
      %gather3A_211 = tpu.vector_load_idx %arg7[%add3A_210] : memref<30024xf32, #tpu.memory_space<vmem>>[vector<16xi32>], vector<16xf32>,
      %add3A_212 = arith.constant 0 : i32
      %add3A_213 = vector.broadcast %add3A_212 : i32 to vector<16xi32>
      %add3A_214 = arith.addi %get3A_201, %add3A_213 : vector<16xi32>
      %gather3A_215 = tpu.vector_load_idx %arg7[%add3A_214] : memref<30024xf32, #tpu.memory_space<vmem>>[vector<16xi32>], vector<16xf32>,
      %add3A_216 = arith.constant 0 : i32
      %add3A_217 = vector.broadcast %add3A_216 : i32 to vector<16xi32>
      %add3A_218 = arith.addi %get3A_201, %add3A_217 : vector<16xi32>
      %gather3A_219 = tpu.vector_load_idx %arg8[%add3A_218] : memref<30024xf32, #tpu.memory_space<vmem>>[vector<16xi32>], vector<16xf32>,
      %sub3A_220 = arith.subf %gather3A_211, %gather3A_215 : vector<16xf32>
      %add3A_221 = arith.addf %sub3A_220, %gather3A_219 : vector<16xf32>
      %add3A_222 = arith.constant 0 : i32
      %add3A_223 = vector.broadcast %add3A_222 : i32 to vector<16xi32>
      %add3A_224 = arith.addi %add3A_207, %add3A_223 : vector<16xi32>
      tpu.vector_store_idx %arg11[%add3A_224], %add3A_221 : memref<1024xf32, #tpu.memory_space<vmem>>[vector<16xi32>], vector<16xf32>,
      %add3A_225 = arith.constant 10008 : i32
      %add3A_226 = vector.broadcast %add3A_225 : i32 to vector<16xi32>
      %add3A_227 = arith.addi %get3A_199, %add3A_226 : vector<16xi32>
      %gather3A_228 = tpu.vector_load_idx %arg7[%add3A_227] : memref<30024xf32, #tpu.memory_space<vmem>>[vector<16xi32>], vector<16xf32>,
      %add3A_229 = arith.constant 10008 : i32
      %add3A_230 = vector.broadcast %add3A_229 : i32 to vector<16xi32>
      %add3A_231 = arith.addi %get3A_201, %add3A_230 : vector<16xi32>
      %gather3A_232 = tpu.vector_load_idx %arg7[%add3A_231] : memref<30024xf32, #tpu.memory_space<vmem>>[vector<16xi32>], vector<16xf32>,
      %add3A_233 = arith.constant 10008 : i32
      %add3A_234 = vector.broadcast %add3A_233 : i32 to vector<16xi32>
      %add3A_235 = arith.addi %get3A_201, %add3A_234 : vector<16xi32>
      %gather3A_236 = tpu.vector_load_idx %arg8[%add3A_235] : memref<30024xf32, #tpu.memory_space<vmem>>[vector<16xi32>], vector<16xf32>,
      %sub3A_237 = arith.subf %gather3A_228, %gather3A_232 : vector<16xf32>
      %add3A_238 = arith.addf %sub3A_237, %gather3A_236 : vector<16xf32>
      %add3A_239 = arith.constant 1 : i32
      %add3A_240 = vector.broadcast %add3A_239 : i32 to vector<16xi32>
      %add3A_241 = arith.addi %add3A_207, %add3A_240 : vector<16xi32>
      tpu.vector_store_idx %arg11[%add3A_241], %add3A_238 : memref<1024xf32, #tpu.memory_space<vmem>>[vector<16xi32>], vector<16xf32>,
      %add3A_242 = arith.constant 20016 : i32
      %add3A_243 = vector.broadcast %add3A_242 : i32 to vector<16xi32>
      %add3A_244 = arith.addi %get3A_199, %add3A_243 : vector<16xi32>
      %gather3A_245 = tpu.vector_load_idx %arg7[%add3A_244] : memref<30024xf32, #tpu.memory_space<vmem>>[vector<16xi32>], vector<16xf32>,
      %add3A_246 = arith.constant 20016 : i32
      %add3A_247 = vector.broadcast %add3A_246 : i32 to vector<16xi32>
      %add3A_248 = arith.addi %get3A_201, %add3A_247 : vector<16xi32>
      %gather3A_249 = tpu.vector_load_idx %arg7[%add3A_248] : memref<30024xf32, #tpu.memory_space<vmem>>[vector<16xi32>], vector<16xf32>,
      %add3A_250 = arith.constant 20016 : i32
      %add3A_251 = vector.broadcast %add3A_250 : i32 to vector<16xi32>
      %add3A_252 = arith.addi %get3A_201, %add3A_251 : vector<16xi32>
      %gather3A_253 = tpu.vector_load_idx %arg8[%add3A_252] : memref<30024xf32, #tpu.memory_space<vmem>>[vector<16xi32>], vector<16xf32>,
      %sub3A_254 = arith.subf %gather3A_245, %gather3A_249 : vector<16xf32>
      %add3A_255 = arith.addf %sub3A_254, %gather3A_253 : vector<16xf32>
      %add3A_256 = arith.constant 2 : i32
      %add3A_257 = vector.broadcast %add3A_256 : i32 to vector<16xi32>
      %add3A_258 = arith.addi %add3A_207, %add3A_257 : vector<16xi32>
      tpu.vector_store_idx %arg11[%add3A_258], %add3A_255 : memref<1024xf32, #tpu.memory_space<vmem>>[vector<16xi32>], vector<16xf32>,
      %get3A_259 = arith.constant 64 : index
      %get3A_260 = tpu.vector_load %arg9[%get3A_259] {strides = array<i32>} : memref<128xi32, #tpu.memory_space<vmem>>, vector<16xi32>,
      %get3A_261 = arith.constant 64 : index
      %get3A_262 = tpu.vector_load %arg10[%get3A_261] {strides = array<i32>} : memref<128xi32, #tpu.memory_space<vmem>>, vector<16xi32>,
      %mul3A_263 = arith.constant 8 : i32
      %mul3A_264 = vector.broadcast %mul3A_263 : i32 to vector<16xi32>
      %mul3A_265 = arith.muli %iota3A, %mul3A_264 : vector<16xi32>
      %add3A_266 = arith.constant 512 : i32
      %add3A_267 = vector.broadcast %add3A_266 : i32 to vector<16xi32>
      %add3A_268 = arith.addi %add3A_267, %mul3A_265 : vector<16xi32>
      %add3A_269 = arith.constant 0 : i32
      %add3A_270 = vector.broadcast %add3A_269 : i32 to vector<16xi32>
      %add3A_271 = arith.addi %get3A_260, %add3A_270 : vector<16xi32>
      %gather3A_272 = tpu.vector_load_idx %arg7[%add3A_271] : memref<30024xf32, #tpu.memory_space<vmem>>[vector<16xi32>], vector<16xf32>,
      %add3A_273 = arith.constant 0 : i32
      %add3A_274 = vector.broadcast %add3A_273 : i32 to vector<16xi32>
      %add3A_275 = arith.addi %get3A_262, %add3A_274 : vector<16xi32>
      %gather3A_276 = tpu.vector_load_idx %arg7[%add3A_275] : memref<30024xf32, #tpu.memory_space<vmem>>[vector<16xi32>], vector<16xf32>,
      %add3A_277 = arith.constant 0 : i32
      %add3A_278 = vector.broadcast %add3A_277 : i32 to vector<16xi32>
      %add3A_279 = arith.addi %get3A_262, %add3A_278 : vector<16xi32>
      %gather3A_280 = tpu.vector_load_idx %arg8[%add3A_279] : memref<30024xf32, #tpu.memory_space<vmem>>[vector<16xi32>], vector<16xf32>,
      %sub3A_281 = arith.subf %gather3A_272, %gather3A_276 : vector<16xf32>
      %add3A_282 = arith.addf %sub3A_281, %gather3A_280 : vector<16xf32>
      %add3A_283 = arith.constant 0 : i32
      %add3A_284 = vector.broadcast %add3A_283 : i32 to vector<16xi32>
      %add3A_285 = arith.addi %add3A_268, %add3A_284 : vector<16xi32>
      tpu.vector_store_idx %arg11[%add3A_285], %add3A_282 : memref<1024xf32, #tpu.memory_space<vmem>>[vector<16xi32>], vector<16xf32>,
      %add3A_286 = arith.constant 10008 : i32
      %add3A_287 = vector.broadcast %add3A_286 : i32 to vector<16xi32>
      %add3A_288 = arith.addi %get3A_260, %add3A_287 : vector<16xi32>
      %gather3A_289 = tpu.vector_load_idx %arg7[%add3A_288] : memref<30024xf32, #tpu.memory_space<vmem>>[vector<16xi32>], vector<16xf32>,
      %add3A_290 = arith.constant 10008 : i32
      %add3A_291 = vector.broadcast %add3A_290 : i32 to vector<16xi32>
      %add3A_292 = arith.addi %get3A_262, %add3A_291 : vector<16xi32>
      %gather3A_293 = tpu.vector_load_idx %arg7[%add3A_292] : memref<30024xf32, #tpu.memory_space<vmem>>[vector<16xi32>], vector<16xf32>,
      %add3A_294 = arith.constant 10008 : i32
      %add3A_295 = vector.broadcast %add3A_294 : i32 to vector<16xi32>
      %add3A_296 = arith.addi %get3A_262, %add3A_295 : vector<16xi32>
      %gather3A_297 = tpu.vector_load_idx %arg8[%add3A_296] : memref<30024xf32, #tpu.memory_space<vmem>>[vector<16xi32>], vector<16xf32>,
      %sub3A_298 = arith.subf %gather3A_289, %gather3A_293 : vector<16xf32>
      %add3A_299 = arith.addf %sub3A_298, %gather3A_297 : vector<16xf32>
      %add3A_300 = arith.constant 1 : i32
      %add3A_301 = vector.broadcast %add3A_300 : i32 to vector<16xi32>
      %add3A_302 = arith.addi %add3A_268, %add3A_301 : vector<16xi32>
      tpu.vector_store_idx %arg11[%add3A_302], %add3A_299 : memref<1024xf32, #tpu.memory_space<vmem>>[vector<16xi32>], vector<16xf32>,
      %add3A_303 = arith.constant 20016 : i32
      %add3A_304 = vector.broadcast %add3A_303 : i32 to vector<16xi32>
      %add3A_305 = arith.addi %get3A_260, %add3A_304 : vector<16xi32>
      %gather3A_306 = tpu.vector_load_idx %arg7[%add3A_305] : memref<30024xf32, #tpu.memory_space<vmem>>[vector<16xi32>], vector<16xf32>,
      %add3A_307 = arith.constant 20016 : i32
      %add3A_308 = vector.broadcast %add3A_307 : i32 to vector<16xi32>
      %add3A_309 = arith.addi %get3A_262, %add3A_308 : vector<16xi32>
      %gather3A_310 = tpu.vector_load_idx %arg7[%add3A_309] : memref<30024xf32, #tpu.memory_space<vmem>>[vector<16xi32>], vector<16xf32>,
      %add3A_311 = arith.constant 20016 : i32
      %add3A_312 = vector.broadcast %add3A_311 : i32 to vector<16xi32>
      %add3A_313 = arith.addi %get3A_262, %add3A_312 : vector<16xi32>
      %gather3A_314 = tpu.vector_load_idx %arg8[%add3A_313] : memref<30024xf32, #tpu.memory_space<vmem>>[vector<16xi32>], vector<16xf32>,
      %sub3A_315 = arith.subf %gather3A_306, %gather3A_310 : vector<16xf32>
      %add3A_316 = arith.addf %sub3A_315, %gather3A_314 : vector<16xf32>
      %add3A_317 = arith.constant 2 : i32
      %add3A_318 = vector.broadcast %add3A_317 : i32 to vector<16xi32>
      %add3A_319 = arith.addi %add3A_268, %add3A_318 : vector<16xi32>
      tpu.vector_store_idx %arg11[%add3A_319], %add3A_316 : memref<1024xf32, #tpu.memory_space<vmem>>[vector<16xi32>], vector<16xf32>,
      %get3A_320 = arith.constant 80 : index
      %get3A_321 = tpu.vector_load %arg9[%get3A_320] {strides = array<i32>} : memref<128xi32, #tpu.memory_space<vmem>>, vector<16xi32>,
      %get3A_322 = arith.constant 80 : index
      %get3A_323 = tpu.vector_load %arg10[%get3A_322] {strides = array<i32>} : memref<128xi32, #tpu.memory_space<vmem>>, vector<16xi32>,
      %mul3A_324 = arith.constant 8 : i32
      %mul3A_325 = vector.broadcast %mul3A_324 : i32 to vector<16xi32>
      %mul3A_326 = arith.muli %iota3A, %mul3A_325 : vector<16xi32>
      %add3A_327 = arith.constant 640 : i32
      %add3A_328 = vector.broadcast %add3A_327 : i32 to vector<16xi32>
      %add3A_329 = arith.addi %add3A_328, %mul3A_326 : vector<16xi32>
      %add3A_330 = arith.constant 0 : i32
      %add3A_331 = vector.broadcast %add3A_330 : i32 to vector<16xi32>
      %add3A_332 = arith.addi %get3A_321, %add3A_331 : vector<16xi32>
      %gather3A_333 = tpu.vector_load_idx %arg7[%add3A_332] : memref<30024xf32, #tpu.memory_space<vmem>>[vector<16xi32>], vector<16xf32>,
      %add3A_334 = arith.constant 0 : i32
      %add3A_335 = vector.broadcast %add3A_334 : i32 to vector<16xi32>
      %add3A_336 = arith.addi %get3A_323, %add3A_335 : vector<16xi32>
      %gather3A_337 = tpu.vector_load_idx %arg7[%add3A_336] : memref<30024xf32, #tpu.memory_space<vmem>>[vector<16xi32>], vector<16xf32>,
      %add3A_338 = arith.constant 0 : i32
      %add3A_339 = vector.broadcast %add3A_338 : i32 to vector<16xi32>
      %add3A_340 = arith.addi %get3A_323, %add3A_339 : vector<16xi32>
      %gather3A_341 = tpu.vector_load_idx %arg8[%add3A_340] : memref<30024xf32, #tpu.memory_space<vmem>>[vector<16xi32>], vector<16xf32>,
      %sub3A_342 = arith.subf %gather3A_333, %gather3A_337 : vector<16xf32>
      %add3A_343 = arith.addf %sub3A_342, %gather3A_341 : vector<16xf32>
      %add3A_344 = arith.constant 0 : i32
      %add3A_345 = vector.broadcast %add3A_344 : i32 to vector<16xi32>
      %add3A_346 = arith.addi %add3A_329, %add3A_345 : vector<16xi32>
      tpu.vector_store_idx %arg11[%add3A_346], %add3A_343 : memref<1024xf32, #tpu.memory_space<vmem>>[vector<16xi32>], vector<16xf32>,
      %add3A_347 = arith.constant 10008 : i32
      %add3A_348 = vector.broadcast %add3A_347 : i32 to vector<16xi32>
      %add3A_349 = arith.addi %get3A_321, %add3A_348 : vector<16xi32>
      %gather3A_350 = tpu.vector_load_idx %arg7[%add3A_349] : memref<30024xf32, #tpu.memory_space<vmem>>[vector<16xi32>], vector<16xf32>,
      %add3A_351 = arith.constant 10008 : i32
      %add3A_352 = vector.broadcast %add3A_351 : i32 to vector<16xi32>
      %add3A_353 = arith.addi %get3A_323, %add3A_352 : vector<16xi32>
      %gather3A_354 = tpu.vector_load_idx %arg7[%add3A_353] : memref<30024xf32, #tpu.memory_space<vmem>>[vector<16xi32>], vector<16xf32>,
      %add3A_355 = arith.constant 10008 : i32
      %add3A_356 = vector.broadcast %add3A_355 : i32 to vector<16xi32>
      %add3A_357 = arith.addi %get3A_323, %add3A_356 : vector<16xi32>
      %gather3A_358 = tpu.vector_load_idx %arg8[%add3A_357] : memref<30024xf32, #tpu.memory_space<vmem>>[vector<16xi32>], vector<16xf32>,
      %sub3A_359 = arith.subf %gather3A_350, %gather3A_354 : vector<16xf32>
      %add3A_360 = arith.addf %sub3A_359, %gather3A_358 : vector<16xf32>
      %add3A_361 = arith.constant 1 : i32
      %add3A_362 = vector.broadcast %add3A_361 : i32 to vector<16xi32>
      %add3A_363 = arith.addi %add3A_329, %add3A_362 : vector<16xi32>
      tpu.vector_store_idx %arg11[%add3A_363], %add3A_360 : memref<1024xf32, #tpu.memory_space<vmem>>[vector<16xi32>], vector<16xf32>,
      %add3A_364 = arith.constant 20016 : i32
      %add3A_365 = vector.broadcast %add3A_364 : i32 to vector<16xi32>
      %add3A_366 = arith.addi %get3A_321, %add3A_365 : vector<16xi32>
      %gather3A_367 = tpu.vector_load_idx %arg7[%add3A_366] : memref<30024xf32, #tpu.memory_space<vmem>>[vector<16xi32>], vector<16xf32>,
      %add3A_368 = arith.constant 20016 : i32
      %add3A_369 = vector.broadcast %add3A_368 : i32 to vector<16xi32>
      %add3A_370 = arith.addi %get3A_323, %add3A_369 : vector<16xi32>
      %gather3A_371 = tpu.vector_load_idx %arg7[%add3A_370] : memref<30024xf32, #tpu.memory_space<vmem>>[vector<16xi32>], vector<16xf32>,
      %add3A_372 = arith.constant 20016 : i32
      %add3A_373 = vector.broadcast %add3A_372 : i32 to vector<16xi32>
      %add3A_374 = arith.addi %get3A_323, %add3A_373 : vector<16xi32>
      %gather3A_375 = tpu.vector_load_idx %arg8[%add3A_374] : memref<30024xf32, #tpu.memory_space<vmem>>[vector<16xi32>], vector<16xf32>,
      %sub3A_376 = arith.subf %gather3A_367, %gather3A_371 : vector<16xf32>
      %add3A_377 = arith.addf %sub3A_376, %gather3A_375 : vector<16xf32>
      %add3A_378 = arith.constant 2 : i32
      %add3A_379 = vector.broadcast %add3A_378 : i32 to vector<16xi32>
      %add3A_380 = arith.addi %add3A_329, %add3A_379 : vector<16xi32>
      tpu.vector_store_idx %arg11[%add3A_380], %add3A_377 : memref<1024xf32, #tpu.memory_space<vmem>>[vector<16xi32>], vector<16xf32>,
      %get3A_381 = arith.constant 96 : index
      %get3A_382 = tpu.vector_load %arg9[%get3A_381] {strides = array<i32>} : memref<128xi32, #tpu.memory_space<vmem>>, vector<16xi32>,
      %get3A_383 = arith.constant 96 : index
      %get3A_384 = tpu.vector_load %arg10[%get3A_383] {strides = array<i32>} : memref<128xi32, #tpu.memory_space<vmem>>, vector<16xi32>,
      %mul3A_385 = arith.constant 8 : i32
      %mul3A_386 = vector.broadcast %mul3A_385 : i32 to vector<16xi32>
      %mul3A_387 = arith.muli %iota3A, %mul3A_386 : vector<16xi32>
      %add3A_388 = arith.constant 768 : i32
      %add3A_389 = vector.broadcast %add3A_388 : i32 to vector<16xi32>
      %add3A_390 = arith.addi %add3A_389, %mul3A_387 : vector<16xi32>
      %add3A_391 = arith.constant 0 : i32
      %add3A_392 = vector.broadcast %add3A_391 : i32 to vector<16xi32>
      %add3A_393 = arith.addi %get3A_382, %add3A_392 : vector<16xi32>
      %gather3A_394 = tpu.vector_load_idx %arg7[%add3A_393] : memref<30024xf32, #tpu.memory_space<vmem>>[vector<16xi32>], vector<16xf32>,
      %add3A_395 = arith.constant 0 : i32
      %add3A_396 = vector.broadcast %add3A_395 : i32 to vector<16xi32>
      %add3A_397 = arith.addi %get3A_384, %add3A_396 : vector<16xi32>
      %gather3A_398 = tpu.vector_load_idx %arg7[%add3A_397] : memref<30024xf32, #tpu.memory_space<vmem>>[vector<16xi32>], vector<16xf32>,
      %add3A_399 = arith.constant 0 : i32
      %add3A_400 = vector.broadcast %add3A_399 : i32 to vector<16xi32>
      %add3A_401 = arith.addi %get3A_384, %add3A_400 : vector<16xi32>
      %gather3A_402 = tpu.vector_load_idx %arg8[%add3A_401] : memref<30024xf32, #tpu.memory_space<vmem>>[vector<16xi32>], vector<16xf32>,
      %sub3A_403 = arith.subf %gather3A_394, %gather3A_398 : vector<16xf32>
      %add3A_404 = arith.addf %sub3A_403, %gather3A_402 : vector<16xf32>
      %add3A_405 = arith.constant 0 : i32
      %add3A_406 = vector.broadcast %add3A_405 : i32 to vector<16xi32>
      %add3A_407 = arith.addi %add3A_390, %add3A_406 : vector<16xi32>
      tpu.vector_store_idx %arg11[%add3A_407], %add3A_404 : memref<1024xf32, #tpu.memory_space<vmem>>[vector<16xi32>], vector<16xf32>,
      %add3A_408 = arith.constant 10008 : i32
      %add3A_409 = vector.broadcast %add3A_408 : i32 to vector<16xi32>
      %add3A_410 = arith.addi %get3A_382, %add3A_409 : vector<16xi32>
      %gather3A_411 = tpu.vector_load_idx %arg7[%add3A_410] : memref<30024xf32, #tpu.memory_space<vmem>>[vector<16xi32>], vector<16xf32>,
      %add3A_412 = arith.constant 10008 : i32
      %add3A_413 = vector.broadcast %add3A_412 : i32 to vector<16xi32>
      %add3A_414 = arith.addi %get3A_384, %add3A_413 : vector<16xi32>
      %gather3A_415 = tpu.vector_load_idx %arg7[%add3A_414] : memref<30024xf32, #tpu.memory_space<vmem>>[vector<16xi32>], vector<16xf32>,
      %add3A_416 = arith.constant 10008 : i32
      %add3A_417 = vector.broadcast %add3A_416 : i32 to vector<16xi32>
      %add3A_418 = arith.addi %get3A_384, %add3A_417 : vector<16xi32>
      %gather3A_419 = tpu.vector_load_idx %arg8[%add3A_418] : memref<30024xf32, #tpu.memory_space<vmem>>[vector<16xi32>], vector<16xf32>,
      %sub3A_420 = arith.subf %gather3A_411, %gather3A_415 : vector<16xf32>
      %add3A_421 = arith.addf %sub3A_420, %gather3A_419 : vector<16xf32>
      %add3A_422 = arith.constant 1 : i32
      %add3A_423 = vector.broadcast %add3A_422 : i32 to vector<16xi32>
      %add3A_424 = arith.addi %add3A_390, %add3A_423 : vector<16xi32>
      tpu.vector_store_idx %arg11[%add3A_424], %add3A_421 : memref<1024xf32, #tpu.memory_space<vmem>>[vector<16xi32>], vector<16xf32>,
      %add3A_425 = arith.constant 20016 : i32
      %add3A_426 = vector.broadcast %add3A_425 : i32 to vector<16xi32>
      %add3A_427 = arith.addi %get3A_382, %add3A_426 : vector<16xi32>
      %gather3A_428 = tpu.vector_load_idx %arg7[%add3A_427] : memref<30024xf32, #tpu.memory_space<vmem>>[vector<16xi32>], vector<16xf32>,
      %add3A_429 = arith.constant 20016 : i32
      %add3A_430 = vector.broadcast %add3A_429 : i32 to vector<16xi32>
      %add3A_431 = arith.addi %get3A_384, %add3A_430 : vector<16xi32>
      %gather3A_432 = tpu.vector_load_idx %arg7[%add3A_431] : memref<30024xf32, #tpu.memory_space<vmem>>[vector<16xi32>], vector<16xf32>,
      %add3A_433 = arith.constant 20016 : i32
      %add3A_434 = vector.broadcast %add3A_433 : i32 to vector<16xi32>
      %add3A_435 = arith.addi %get3A_384, %add3A_434 : vector<16xi32>
      %gather3A_436 = tpu.vector_load_idx %arg8[%add3A_435] : memref<30024xf32, #tpu.memory_space<vmem>>[vector<16xi32>], vector<16xf32>,
      %sub3A_437 = arith.subf %gather3A_428, %gather3A_432 : vector<16xf32>
      %add3A_438 = arith.addf %sub3A_437, %gather3A_436 : vector<16xf32>
      %add3A_439 = arith.constant 2 : i32
      %add3A_440 = vector.broadcast %add3A_439 : i32 to vector<16xi32>
      %add3A_441 = arith.addi %add3A_390, %add3A_440 : vector<16xi32>
      tpu.vector_store_idx %arg11[%add3A_441], %add3A_438 : memref<1024xf32, #tpu.memory_space<vmem>>[vector<16xi32>], vector<16xf32>,
      %get3A_442 = arith.constant 112 : index
      %get3A_443 = tpu.vector_load %arg9[%get3A_442] {strides = array<i32>} : memref<128xi32, #tpu.memory_space<vmem>>, vector<16xi32>,
      %get3A_444 = arith.constant 112 : index
      %get3A_445 = tpu.vector_load %arg10[%get3A_444] {strides = array<i32>} : memref<128xi32, #tpu.memory_space<vmem>>, vector<16xi32>,
      %mul3A_446 = arith.constant 8 : i32
      %mul3A_447 = vector.broadcast %mul3A_446 : i32 to vector<16xi32>
      %mul3A_448 = arith.muli %iota3A, %mul3A_447 : vector<16xi32>
      %add3A_449 = arith.constant 896 : i32
      %add3A_450 = vector.broadcast %add3A_449 : i32 to vector<16xi32>
      %add3A_451 = arith.addi %add3A_450, %mul3A_448 : vector<16xi32>
      %add3A_452 = arith.constant 0 : i32
      %add3A_453 = vector.broadcast %add3A_452 : i32 to vector<16xi32>
      %add3A_454 = arith.addi %get3A_443, %add3A_453 : vector<16xi32>
      %gather3A_455 = tpu.vector_load_idx %arg7[%add3A_454] : memref<30024xf32, #tpu.memory_space<vmem>>[vector<16xi32>], vector<16xf32>,
      %add3A_456 = arith.constant 0 : i32
      %add3A_457 = vector.broadcast %add3A_456 : i32 to vector<16xi32>
      %add3A_458 = arith.addi %get3A_445, %add3A_457 : vector<16xi32>
      %gather3A_459 = tpu.vector_load_idx %arg7[%add3A_458] : memref<30024xf32, #tpu.memory_space<vmem>>[vector<16xi32>], vector<16xf32>,
      %add3A_460 = arith.constant 0 : i32
      %add3A_461 = vector.broadcast %add3A_460 : i32 to vector<16xi32>
      %add3A_462 = arith.addi %get3A_445, %add3A_461 : vector<16xi32>
      %gather3A_463 = tpu.vector_load_idx %arg8[%add3A_462] : memref<30024xf32, #tpu.memory_space<vmem>>[vector<16xi32>], vector<16xf32>,
      %sub3A_464 = arith.subf %gather3A_455, %gather3A_459 : vector<16xf32>
      %add3A_465 = arith.addf %sub3A_464, %gather3A_463 : vector<16xf32>
      %add3A_466 = arith.constant 0 : i32
      %add3A_467 = vector.broadcast %add3A_466 : i32 to vector<16xi32>
      %add3A_468 = arith.addi %add3A_451, %add3A_467 : vector<16xi32>
      tpu.vector_store_idx %arg11[%add3A_468], %add3A_465 : memref<1024xf32, #tpu.memory_space<vmem>>[vector<16xi32>], vector<16xf32>,
      %add3A_469 = arith.constant 10008 : i32
      %add3A_470 = vector.broadcast %add3A_469 : i32 to vector<16xi32>
      %add3A_471 = arith.addi %get3A_443, %add3A_470 : vector<16xi32>
      %gather3A_472 = tpu.vector_load_idx %arg7[%add3A_471] : memref<30024xf32, #tpu.memory_space<vmem>>[vector<16xi32>], vector<16xf32>,
      %add3A_473 = arith.constant 10008 : i32
      %add3A_474 = vector.broadcast %add3A_473 : i32 to vector<16xi32>
      %add3A_475 = arith.addi %get3A_445, %add3A_474 : vector<16xi32>
      %gather3A_476 = tpu.vector_load_idx %arg7[%add3A_475] : memref<30024xf32, #tpu.memory_space<vmem>>[vector<16xi32>], vector<16xf32>,
      %add3A_477 = arith.constant 10008 : i32
      %add3A_478 = vector.broadcast %add3A_477 : i32 to vector<16xi32>
      %add3A_479 = arith.addi %get3A_445, %add3A_478 : vector<16xi32>
      %gather3A_480 = tpu.vector_load_idx %arg8[%add3A_479] : memref<30024xf32, #tpu.memory_space<vmem>>[vector<16xi32>], vector<16xf32>,
      %sub3A_481 = arith.subf %gather3A_472, %gather3A_476 : vector<16xf32>
      %add3A_482 = arith.addf %sub3A_481, %gather3A_480 : vector<16xf32>
      %add3A_483 = arith.constant 1 : i32
      %add3A_484 = vector.broadcast %add3A_483 : i32 to vector<16xi32>
      %add3A_485 = arith.addi %add3A_451, %add3A_484 : vector<16xi32>
      tpu.vector_store_idx %arg11[%add3A_485], %add3A_482 : memref<1024xf32, #tpu.memory_space<vmem>>[vector<16xi32>], vector<16xf32>,
      %add3A_486 = arith.constant 20016 : i32
      %add3A_487 = vector.broadcast %add3A_486 : i32 to vector<16xi32>
      %add3A_488 = arith.addi %get3A_443, %add3A_487 : vector<16xi32>
      %gather3A_489 = tpu.vector_load_idx %arg7[%add3A_488] : memref<30024xf32, #tpu.memory_space<vmem>>[vector<16xi32>], vector<16xf32>,
      %add3A_490 = arith.constant 20016 : i32
      %add3A_491 = vector.broadcast %add3A_490 : i32 to vector<16xi32>
      %add3A_492 = arith.addi %get3A_445, %add3A_491 : vector<16xi32>
      %gather3A_493 = tpu.vector_load_idx %arg7[%add3A_492] : memref<30024xf32, #tpu.memory_space<vmem>>[vector<16xi32>], vector<16xf32>,
      %add3A_494 = arith.constant 20016 : i32
      %add3A_495 = vector.broadcast %add3A_494 : i32 to vector<16xi32>
      %add3A_496 = arith.addi %get3A_445, %add3A_495 : vector<16xi32>
      %gather3A_497 = tpu.vector_load_idx %arg8[%add3A_496] : memref<30024xf32, #tpu.memory_space<vmem>>[vector<16xi32>], vector<16xf32>,
      %sub3A_498 = arith.subf %gather3A_489, %gather3A_493 : vector<16xf32>
      %add3A_499 = arith.addf %sub3A_498, %gather3A_497 : vector<16xf32>
      %add3A_500 = arith.constant 2 : i32
      %add3A_501 = vector.broadcast %add3A_500 : i32 to vector<16xi32>
      %add3A_502 = arith.addi %add3A_451, %add3A_501 : vector<16xi32>
      tpu.vector_store_idx %arg11[%add3A_502], %add3A_499 : memref<1024xf32, #tpu.memory_space<vmem>>[vector<16xi32>], vector<16xf32>,
      %mul3A_503 = arith.constant 8 : i32
      %mul3A_504 = arith.muli %add3A_17, %mul3A_503 : i32
      "tpu.region"() ({
        %run_scoped3A = tpu.sem_alloc : memref<!tpu.dma_semaphore, #tpu.memory_space<semaphore_mem>>
        %dma_start3A = tpu.memref_slice %arg6[%mul3A_504] : memref<2588672xf32, #tpu.memory_space<hbm>> -> memref<1024xf32, #tpu.memory_space<hbm>>
        %dma_start3A_505 = tpu.memref_slice %arg6[%mul3A_504] : memref<2588672xf32, #tpu.memory_space<hbm>> -> memref<1024xf32, #tpu.memory_space<hbm>>
        tpu.enqueue_dma source(%arg11 : memref<1024xf32, #tpu.memory_space<vmem>>) target(%dma_start3A_505 : memref<1024xf32, #tpu.memory_space<hbm>>) target_semaphore(%run_scoped3A : memref<!tpu.dma_semaphore, #tpu.memory_space<semaphore_mem>>)
        %dma_wait3A = tpu.memref_slice %arg6[%mul3A_504] : memref<2588672xf32, #tpu.memory_space<hbm>> -> memref<1024xf32, #tpu.memory_space<hbm>>
        %dma_wait3A_506 = tpu.memref_slice %arg6[%mul3A_504] : memref<2588672xf32, #tpu.memory_space<hbm>> -> memref<1024xf32, #tpu.memory_space<hbm>>
        tpu.wait_dma2 semaphore(%run_scoped3A : memref<!tpu.dma_semaphore, #tpu.memory_space<semaphore_mem>>) src(%arg11 : memref<1024xf32, #tpu.memory_space<vmem>>) dst(%dma_wait3A_506 : memref<1024xf32, #tpu.memory_space<hbm>>)
        tpu.yield
      }) : () -> ()
    }
    %scan3A_13 = arith.constant 79 : i32
    return
  }
}

#map = affine_map<(d0, d1) -> (0, 0)>
#map1 = affine_map<(d0, d1) -> (0)>
module attributes {stable_mosaic.version = 14 : i64} {
  func.func @_edge_body(%arg0: i32, %arg1: i32, %arg2: memref<10008x128xf32, #tpu.memory_space<hbm>>, %arg3: memref<323584x128xf32, #tpu.memory_space<hbm>>, %arg4: memref<323584xi32, #tpu.memory_space<hbm>>, %arg5: memref<323584xi32, #tpu.memory_space<hbm>>, %arg6: memref<632x128xf32, #tpu.memory_space<hbm>>, %arg7: memref<20000x128xf32, #tpu.memory_space<hbm>>, %arg8: memref<10008x128xf32, #tpu.memory_space<vmem_shared>>, %arg9: memref<128xi32, #tpu.memory_space<vmem>>, %arg10: memref<128xi32, #tpu.memory_space<vmem>>, %arg11: memref<128x128xf32, #tpu.memory_space<vmem>>, %arg12: memref<128x128xf32, #tpu.memory_space<vmem>>, %arg13: memref<!tpu.dma_semaphore, #tpu.memory_space<semaphore_mem>>) attributes {dimension_semantics = [#tpu.dimension_semantics<core_parallel>, #tpu.dimension_semantics<subcore_parallel>], iteration_bounds = array<i64: 2, 16>, scalar_prefetch = 0 : i64, scratch_operands = 6 : i64, tpu.core_type = #tpu.core_type<sc_vector_subcore>, window_params = [{transform_indices = #map}, {transform_indices = #map}, {transform_indices = #map1}, {transform_indices = #map1}, {transform_indices = #map}, {transform_indices = #map}]} {
    %lt3A = arith.constant 15 : i32
    %lt3A_0 = arith.cmpi slt, %arg1, %lt3A : i32
    %convert_element_type3A = arith.extui %lt3A_0 : i1 to i32
    %cond3A = arith.constant 0 : i32
    %cond3A_1 = arith.cmpi ne, %convert_element_type3A, %cond3A : i32
    scf.if %cond3A_1 {
      %mul3A_25 = arith.constant 632 : i32
      %mul3A_26 = arith.muli %arg1, %mul3A_25 : i32
      "tpu.region"() ({
        %run_scoped3A = tpu.sem_alloc : memref<!tpu.dma_semaphore, #tpu.memory_space<semaphore_mem>>
        %dma_start3A = arith.constant 0 : i32
        %dma_start3A_27 = tpu.memref_slice %arg8[%mul3A_26, %dma_start3A] : memref<10008x128xf32, #tpu.memory_space<vmem_shared>> -> memref<632x128xf32, #tpu.memory_space<vmem_shared>>
        tpu.enqueue_dma source(%arg6 : memref<632x128xf32, #tpu.memory_space<hbm>>) target(%dma_start3A_27 : memref<632x128xf32, #tpu.memory_space<vmem_shared>>) target_semaphore(%run_scoped3A : memref<!tpu.dma_semaphore, #tpu.memory_space<semaphore_mem>>)
        %dma_wait3A = arith.constant 0 : i32
        %dma_wait3A_28 = tpu.memref_slice %arg8[%mul3A_26, %dma_wait3A] : memref<10008x128xf32, #tpu.memory_space<vmem_shared>> -> memref<632x128xf32, #tpu.memory_space<vmem_shared>>
        tpu.wait_dma2 semaphore(%run_scoped3A : memref<!tpu.dma_semaphore, #tpu.memory_space<semaphore_mem>>) src(%arg6 : memref<632x128xf32, #tpu.memory_space<hbm>>) dst(%dma_wait3A_28 : memref<632x128xf32, #tpu.memory_space<vmem_shared>>)
        tpu.yield
      }) : () -> ()
    } else {
    }
    %eq3A = arith.constant 15 : i32
    %eq3A_2 = arith.cmpi eq, %arg1, %eq3A : i32
    %convert_element_type3A_3 = arith.extui %eq3A_2 : i1 to i32
    %cond3A_4 = arith.constant 0 : i32
    %cond3A_5 = arith.cmpi ne, %convert_element_type3A_3, %cond3A_4 : i32
    scf.if %cond3A_5 {
      "tpu.region"() ({
        %run_scoped3A = tpu.sem_alloc : memref<!tpu.dma_semaphore, #tpu.memory_space<semaphore_mem>>
        %dma_start3A = arith.constant 9480 : i32
        %dma_start3A_25 = arith.constant 0 : i32
        %dma_start3A_26 = tpu.memref_slice %arg8[%dma_start3A, %dma_start3A_25] : memref<10008x128xf32, #tpu.memory_space<vmem_shared>> -> memref<528x128xf32, #tpu.memory_space<vmem_shared>>
        %dma_start3A_27 = arith.constant 0 : i32
        %dma_start3A_28 = arith.constant 0 : i32
        %dma_start3A_29 = tpu.memref_slice %arg6[%dma_start3A_27, %dma_start3A_28] : memref<632x128xf32, #tpu.memory_space<hbm>> -> memref<528x128xf32, #tpu.memory_space<hbm>>
        tpu.enqueue_dma source(%dma_start3A_29 : memref<528x128xf32, #tpu.memory_space<hbm>>) target(%dma_start3A_26 : memref<528x128xf32, #tpu.memory_space<vmem_shared>>) target_semaphore(%run_scoped3A : memref<!tpu.dma_semaphore, #tpu.memory_space<semaphore_mem>>)
        %dma_wait3A = arith.constant 9480 : i32
        %dma_wait3A_30 = arith.constant 0 : i32
        %dma_wait3A_31 = tpu.memref_slice %arg8[%dma_wait3A, %dma_wait3A_30] : memref<10008x128xf32, #tpu.memory_space<vmem_shared>> -> memref<528x128xf32, #tpu.memory_space<vmem_shared>>
        %dma_wait3A_32 = arith.constant 0 : i32
        %dma_wait3A_33 = arith.constant 0 : i32
        %dma_wait3A_34 = tpu.memref_slice %arg6[%dma_wait3A_32, %dma_wait3A_33] : memref<632x128xf32, #tpu.memory_space<hbm>> -> memref<528x128xf32, #tpu.memory_space<hbm>>
        tpu.wait_dma2 semaphore(%run_scoped3A : memref<!tpu.dma_semaphore, #tpu.memory_space<semaphore_mem>>) src(%dma_wait3A_34 : memref<528x128xf32, #tpu.memory_space<hbm>>) dst(%dma_wait3A_31 : memref<528x128xf32, #tpu.memory_space<vmem_shared>>)
        tpu.yield
      }) : () -> ()
    } else {
    }
    %barrier3A = arith.constant 0 : index
    tpu.barrier barrier_id(%barrier3A)
    %mul3A = arith.constant 16 : i32
    %mul3A_6 = arith.muli %arg0, %mul3A : i32
    %add3A = arith.addi %mul3A_6, %arg1 : i32
    %mul3A_7 = arith.constant 10112 : i32
    %mul3A_8 = arith.muli %add3A, %mul3A_7 : i32
    %scan3A = arith.constant 0 : i32
    %scan3A_9 = arith.constant 0 : i32
    %scan3A_10 = arith.constant 79 : i32
    %scan3A_11 = arith.addi %scan3A_9, %scan3A_10 : i32
    %scan3A_12 = arith.constant 1 : i32
    scf.for %scan3A_25 = %scan3A_9 to %scan3A_11 step %scan3A_12  : i32 {
      %mul3A_26 = arith.constant 128 : i32
      %mul3A_27 = arith.muli %scan3A_25, %mul3A_26 : i32
      %add3A_28 = arith.addi %mul3A_8, %mul3A_27 : i32
      "tpu.region"() ({
        %run_scoped3A = tpu.sem_alloc : memref<!tpu.dma_semaphore, #tpu.memory_space<semaphore_mem>>
        %dma_start3A_39 = tpu.memref_slice %arg4[%add3A_28] : memref<323584xi32, #tpu.memory_space<hbm>> -> memref<128xi32, #tpu.memory_space<hbm>>
        %dma_start3A_40 = tpu.memref_slice %arg4[%add3A_28] : memref<323584xi32, #tpu.memory_space<hbm>> -> memref<128xi32, #tpu.memory_space<hbm>>
        tpu.enqueue_dma source(%dma_start3A_40 : memref<128xi32, #tpu.memory_space<hbm>>) target(%arg9 : memref<128xi32, #tpu.memory_space<vmem>>) target_semaphore(%run_scoped3A : memref<!tpu.dma_semaphore, #tpu.memory_space<semaphore_mem>>)
        %dma_wait3A_41 = tpu.memref_slice %arg4[%add3A_28] : memref<323584xi32, #tpu.memory_space<hbm>> -> memref<128xi32, #tpu.memory_space<hbm>>
        %dma_wait3A_42 = tpu.memref_slice %arg4[%add3A_28] : memref<323584xi32, #tpu.memory_space<hbm>> -> memref<128xi32, #tpu.memory_space<hbm>>
        tpu.wait_dma2 semaphore(%run_scoped3A : memref<!tpu.dma_semaphore, #tpu.memory_space<semaphore_mem>>) src(%dma_wait3A_42 : memref<128xi32, #tpu.memory_space<hbm>>) dst(%arg9 : memref<128xi32, #tpu.memory_space<vmem>>)
        tpu.yield
      }) : () -> ()
      "tpu.region"() ({
        %run_scoped3A = tpu.sem_alloc : memref<!tpu.dma_semaphore, #tpu.memory_space<semaphore_mem>>
        %dma_start3A_39 = tpu.memref_slice %arg5[%add3A_28] : memref<323584xi32, #tpu.memory_space<hbm>> -> memref<128xi32, #tpu.memory_space<hbm>>
        %dma_start3A_40 = tpu.memref_slice %arg5[%add3A_28] : memref<323584xi32, #tpu.memory_space<hbm>> -> memref<128xi32, #tpu.memory_space<hbm>>
        tpu.enqueue_dma source(%dma_start3A_40 : memref<128xi32, #tpu.memory_space<hbm>>) target(%arg10 : memref<128xi32, #tpu.memory_space<vmem>>) target_semaphore(%run_scoped3A : memref<!tpu.dma_semaphore, #tpu.memory_space<semaphore_mem>>)
        %dma_wait3A_41 = tpu.memref_slice %arg5[%add3A_28] : memref<323584xi32, #tpu.memory_space<hbm>> -> memref<128xi32, #tpu.memory_space<hbm>>
        %dma_wait3A_42 = tpu.memref_slice %arg5[%add3A_28] : memref<323584xi32, #tpu.memory_space<hbm>> -> memref<128xi32, #tpu.memory_space<hbm>>
        tpu.wait_dma2 semaphore(%run_scoped3A : memref<!tpu.dma_semaphore, #tpu.memory_space<semaphore_mem>>) src(%dma_wait3A_42 : memref<128xi32, #tpu.memory_space<hbm>>) dst(%arg10 : memref<128xi32, #tpu.memory_space<vmem>>)
        tpu.yield
      }) : () -> ()
      %dma_start3A = arith.constant 0 : i32
      %dma_start3A_29 = arith.constant 0 : i32
      %dma_start3A_30 = tpu.memref_slice %arg2[%dma_start3A, %dma_start3A_29] : memref<10008x128xf32, #tpu.memory_space<hbm>> -> memref<10008x128xf32, #tpu.memory_space<hbm>>
      tpu.enqueue_indirect_dma source(%dma_start3A_30 : memref<10008x128xf32, #tpu.memory_space<hbm>>) target(%arg11 : memref<128x128xf32, #tpu.memory_space<vmem>>) offsets(%arg9 : memref<128xi32, #tpu.memory_space<vmem>>) semaphore(%arg13 : memref<!tpu.dma_semaphore, #tpu.memory_space<semaphore_mem>>)
      "tpu.region"() ({
        %run_scoped3A = tpu.sem_alloc : memref<!tpu.dma_semaphore, #tpu.memory_space<semaphore_mem>>
        %dma_start3A_39 = arith.constant 0 : i32
        %dma_start3A_40 = tpu.memref_slice %arg3[%add3A_28, %dma_start3A_39] : memref<323584x128xf32, #tpu.memory_space<hbm>> -> memref<128x128xf32, #tpu.memory_space<hbm>>
        %dma_start3A_41 = arith.constant 0 : i32
        %dma_start3A_42 = tpu.memref_slice %arg3[%add3A_28, %dma_start3A_41] : memref<323584x128xf32, #tpu.memory_space<hbm>> -> memref<128x128xf32, #tpu.memory_space<hbm>>
        tpu.enqueue_dma source(%dma_start3A_42 : memref<128x128xf32, #tpu.memory_space<hbm>>) target(%arg12 : memref<128x128xf32, #tpu.memory_space<vmem>>) target_semaphore(%run_scoped3A : memref<!tpu.dma_semaphore, #tpu.memory_space<semaphore_mem>>)
        %dma_wait3A_43 = arith.constant 0 : i32
        %dma_wait3A_44 = tpu.memref_slice %arg3[%add3A_28, %dma_wait3A_43] : memref<323584x128xf32, #tpu.memory_space<hbm>> -> memref<128x128xf32, #tpu.memory_space<hbm>>
        %dma_wait3A_45 = arith.constant 0 : i32
        %dma_wait3A_46 = tpu.memref_slice %arg3[%add3A_28, %dma_wait3A_45] : memref<323584x128xf32, #tpu.memory_space<hbm>> -> memref<128x128xf32, #tpu.memory_space<hbm>>
        tpu.wait_dma2 semaphore(%run_scoped3A : memref<!tpu.dma_semaphore, #tpu.memory_space<semaphore_mem>>) src(%dma_wait3A_46 : memref<128x128xf32, #tpu.memory_space<hbm>>) dst(%arg12 : memref<128x128xf32, #tpu.memory_space<vmem>>)
        tpu.yield
      }) : () -> ()
      %dma_wait3A = arith.constant 0 : i32
      %dma_wait3A_31 = arith.constant 0 : i32
      %dma_wait3A_32 = tpu.memref_slice %arg2[%dma_wait3A, %dma_wait3A_31] : memref<10008x128xf32, #tpu.memory_space<hbm>> -> memref<10008x128xf32, #tpu.memory_space<hbm>>
      tpu.wait_indirect_dma semaphore(%arg13 : memref<!tpu.dma_semaphore, #tpu.memory_space<semaphore_mem>>) src(%dma_wait3A_32 : memref<10008x128xf32, #tpu.memory_space<hbm>>) dst(%arg11 : memref<128x128xf32, #tpu.memory_space<vmem>>)
      %scan3A_33 = arith.constant 0 : i32
      %scan3A_34 = arith.constant 0 : i32
      %scan3A_35 = arith.constant 128 : i32
      %scan3A_36 = arith.addi %scan3A_34, %scan3A_35 : i32
      %scan3A_37 = arith.constant 1 : i32
      scf.for %scan3A_39 = %scan3A_34 to %scan3A_36 step %scan3A_37  : i32 {
        %get3A = arith.index_cast %scan3A_39 : i32 to index
        %get3A_40 = arith.constant 0 : index
        %get3A_41 = tpu.vector_load %arg11[%get3A, %get3A_40] {strides = array<i32>} : memref<128x128xf32, #tpu.memory_space<vmem>>, vector<1x16xf32>,
        %get3A_42 = vector.shape_cast %get3A_41 : vector<1x16xf32> to vector<16xf32>
        %get3A_43 = arith.index_cast %scan3A_39 : i32 to index
        %get3A_44 = arith.constant 0 : index
        %get3A_45 = tpu.vector_load %arg12[%get3A_43, %get3A_44] {strides = array<i32>} : memref<128x128xf32, #tpu.memory_space<vmem>>, vector<1x16xf32>,
        %get3A_46 = vector.shape_cast %get3A_45 : vector<1x16xf32> to vector<16xf32>
        %add3A_47 = arith.addf %get3A_42, %get3A_46 : vector<16xf32>
        %max3A = arith.constant 0.000000e+00 : f32
        %max3A_48 = vector.broadcast %max3A : f32 to vector<16xf32>
        %max3A_49 = arith.maximumf %add3A_47, %max3A_48 : vector<16xf32>
        %swap3A = arith.index_cast %scan3A_39 : i32 to index
        %swap3A_50 = arith.constant 0 : index
        %swap3A_51 = tpu.vector_load %arg11[%swap3A, %swap3A_50] {strides = array<i32>} : memref<128x128xf32, #tpu.memory_space<vmem>>, vector<1x16xf32>,
        %swap3A_52 = vector.shape_cast %swap3A_51 : vector<1x16xf32> to vector<16xf32>
        %swap3A_53 = vector.shape_cast %max3A_49 : vector<16xf32> to vector<1x16xf32>
        tpu.vector_store %arg11[%swap3A, %swap3A_50], %swap3A_53 {strides = array<i32>} : memref<128x128xf32, #tpu.memory_space<vmem>>, vector<1x16xf32>,
        %get3A_54 = arith.index_cast %scan3A_39 : i32 to index
        %get3A_55 = arith.constant 16 : index
        %get3A_56 = tpu.vector_load %arg11[%get3A_54, %get3A_55] {strides = array<i32>} : memref<128x128xf32, #tpu.memory_space<vmem>>, vector<1x16xf32>,
        %get3A_57 = vector.shape_cast %get3A_56 : vector<1x16xf32> to vector<16xf32>
        %get3A_58 = arith.index_cast %scan3A_39 : i32 to index
        %get3A_59 = arith.constant 16 : index
        %get3A_60 = tpu.vector_load %arg12[%get3A_58, %get3A_59] {strides = array<i32>} : memref<128x128xf32, #tpu.memory_space<vmem>>, vector<1x16xf32>,
        %get3A_61 = vector.shape_cast %get3A_60 : vector<1x16xf32> to vector<16xf32>
        %add3A_62 = arith.addf %get3A_57, %get3A_61 : vector<16xf32>
        %max3A_63 = arith.constant 0.000000e+00 : f32
        %max3A_64 = vector.broadcast %max3A_63 : f32 to vector<16xf32>
        %max3A_65 = arith.maximumf %add3A_62, %max3A_64 : vector<16xf32>
        %swap3A_66 = arith.index_cast %scan3A_39 : i32 to index
        %swap3A_67 = arith.constant 16 : index
        %swap3A_68 = tpu.vector_load %arg11[%swap3A_66, %swap3A_67] {strides = array<i32>} : memref<128x128xf32, #tpu.memory_space<vmem>>, vector<1x16xf32>,
        %swap3A_69 = vector.shape_cast %swap3A_68 : vector<1x16xf32> to vector<16xf32>
        %swap3A_70 = vector.shape_cast %max3A_65 : vector<16xf32> to vector<1x16xf32>
        tpu.vector_store %arg11[%swap3A_66, %swap3A_67], %swap3A_70 {strides = array<i32>} : memref<128x128xf32, #tpu.memory_space<vmem>>, vector<1x16xf32>,
        %get3A_71 = arith.index_cast %scan3A_39 : i32 to index
        %get3A_72 = arith.constant 32 : index
        %get3A_73 = tpu.vector_load %arg11[%get3A_71, %get3A_72] {strides = array<i32>} : memref<128x128xf32, #tpu.memory_space<vmem>>, vector<1x16xf32>,
        %get3A_74 = vector.shape_cast %get3A_73 : vector<1x16xf32> to vector<16xf32>
        %get3A_75 = arith.index_cast %scan3A_39 : i32 to index
        %get3A_76 = arith.constant 32 : index
        %get3A_77 = tpu.vector_load %arg12[%get3A_75, %get3A_76] {strides = array<i32>} : memref<128x128xf32, #tpu.memory_space<vmem>>, vector<1x16xf32>,
        %get3A_78 = vector.shape_cast %get3A_77 : vector<1x16xf32> to vector<16xf32>
        %add3A_79 = arith.addf %get3A_74, %get3A_78 : vector<16xf32>
        %max3A_80 = arith.constant 0.000000e+00 : f32
        %max3A_81 = vector.broadcast %max3A_80 : f32 to vector<16xf32>
        %max3A_82 = arith.maximumf %add3A_79, %max3A_81 : vector<16xf32>
        %swap3A_83 = arith.index_cast %scan3A_39 : i32 to index
        %swap3A_84 = arith.constant 32 : index
        %swap3A_85 = tpu.vector_load %arg11[%swap3A_83, %swap3A_84] {strides = array<i32>} : memref<128x128xf32, #tpu.memory_space<vmem>>, vector<1x16xf32>,
        %swap3A_86 = vector.shape_cast %swap3A_85 : vector<1x16xf32> to vector<16xf32>
        %swap3A_87 = vector.shape_cast %max3A_82 : vector<16xf32> to vector<1x16xf32>
        tpu.vector_store %arg11[%swap3A_83, %swap3A_84], %swap3A_87 {strides = array<i32>} : memref<128x128xf32, #tpu.memory_space<vmem>>, vector<1x16xf32>,
        %get3A_88 = arith.index_cast %scan3A_39 : i32 to index
        %get3A_89 = arith.constant 48 : index
        %get3A_90 = tpu.vector_load %arg11[%get3A_88, %get3A_89] {strides = array<i32>} : memref<128x128xf32, #tpu.memory_space<vmem>>, vector<1x16xf32>,
        %get3A_91 = vector.shape_cast %get3A_90 : vector<1x16xf32> to vector<16xf32>
        %get3A_92 = arith.index_cast %scan3A_39 : i32 to index
        %get3A_93 = arith.constant 48 : index
        %get3A_94 = tpu.vector_load %arg12[%get3A_92, %get3A_93] {strides = array<i32>} : memref<128x128xf32, #tpu.memory_space<vmem>>, vector<1x16xf32>,
        %get3A_95 = vector.shape_cast %get3A_94 : vector<1x16xf32> to vector<16xf32>
        %add3A_96 = arith.addf %get3A_91, %get3A_95 : vector<16xf32>
        %max3A_97 = arith.constant 0.000000e+00 : f32
        %max3A_98 = vector.broadcast %max3A_97 : f32 to vector<16xf32>
        %max3A_99 = arith.maximumf %add3A_96, %max3A_98 : vector<16xf32>
        %swap3A_100 = arith.index_cast %scan3A_39 : i32 to index
        %swap3A_101 = arith.constant 48 : index
        %swap3A_102 = tpu.vector_load %arg11[%swap3A_100, %swap3A_101] {strides = array<i32>} : memref<128x128xf32, #tpu.memory_space<vmem>>, vector<1x16xf32>,
        %swap3A_103 = vector.shape_cast %swap3A_102 : vector<1x16xf32> to vector<16xf32>
        %swap3A_104 = vector.shape_cast %max3A_99 : vector<16xf32> to vector<1x16xf32>
        tpu.vector_store %arg11[%swap3A_100, %swap3A_101], %swap3A_104 {strides = array<i32>} : memref<128x128xf32, #tpu.memory_space<vmem>>, vector<1x16xf32>,
        %get3A_105 = arith.index_cast %scan3A_39 : i32 to index
        %get3A_106 = arith.constant 64 : index
        %get3A_107 = tpu.vector_load %arg11[%get3A_105, %get3A_106] {strides = array<i32>} : memref<128x128xf32, #tpu.memory_space<vmem>>, vector<1x16xf32>,
        %get3A_108 = vector.shape_cast %get3A_107 : vector<1x16xf32> to vector<16xf32>
        %get3A_109 = arith.index_cast %scan3A_39 : i32 to index
        %get3A_110 = arith.constant 64 : index
        %get3A_111 = tpu.vector_load %arg12[%get3A_109, %get3A_110] {strides = array<i32>} : memref<128x128xf32, #tpu.memory_space<vmem>>, vector<1x16xf32>,
        %get3A_112 = vector.shape_cast %get3A_111 : vector<1x16xf32> to vector<16xf32>
        %add3A_113 = arith.addf %get3A_108, %get3A_112 : vector<16xf32>
        %max3A_114 = arith.constant 0.000000e+00 : f32
        %max3A_115 = vector.broadcast %max3A_114 : f32 to vector<16xf32>
        %max3A_116 = arith.maximumf %add3A_113, %max3A_115 : vector<16xf32>
        %swap3A_117 = arith.index_cast %scan3A_39 : i32 to index
        %swap3A_118 = arith.constant 64 : index
        %swap3A_119 = tpu.vector_load %arg11[%swap3A_117, %swap3A_118] {strides = array<i32>} : memref<128x128xf32, #tpu.memory_space<vmem>>, vector<1x16xf32>,
        %swap3A_120 = vector.shape_cast %swap3A_119 : vector<1x16xf32> to vector<16xf32>
        %swap3A_121 = vector.shape_cast %max3A_116 : vector<16xf32> to vector<1x16xf32>
        tpu.vector_store %arg11[%swap3A_117, %swap3A_118], %swap3A_121 {strides = array<i32>} : memref<128x128xf32, #tpu.memory_space<vmem>>, vector<1x16xf32>,
        %get3A_122 = arith.index_cast %scan3A_39 : i32 to index
        %get3A_123 = arith.constant 80 : index
        %get3A_124 = tpu.vector_load %arg11[%get3A_122, %get3A_123] {strides = array<i32>} : memref<128x128xf32, #tpu.memory_space<vmem>>, vector<1x16xf32>,
        %get3A_125 = vector.shape_cast %get3A_124 : vector<1x16xf32> to vector<16xf32>
        %get3A_126 = arith.index_cast %scan3A_39 : i32 to index
        %get3A_127 = arith.constant 80 : index
        %get3A_128 = tpu.vector_load %arg12[%get3A_126, %get3A_127] {strides = array<i32>} : memref<128x128xf32, #tpu.memory_space<vmem>>, vector<1x16xf32>,
        %get3A_129 = vector.shape_cast %get3A_128 : vector<1x16xf32> to vector<16xf32>
        %add3A_130 = arith.addf %get3A_125, %get3A_129 : vector<16xf32>
        %max3A_131 = arith.constant 0.000000e+00 : f32
        %max3A_132 = vector.broadcast %max3A_131 : f32 to vector<16xf32>
        %max3A_133 = arith.maximumf %add3A_130, %max3A_132 : vector<16xf32>
        %swap3A_134 = arith.index_cast %scan3A_39 : i32 to index
        %swap3A_135 = arith.constant 80 : index
        %swap3A_136 = tpu.vector_load %arg11[%swap3A_134, %swap3A_135] {strides = array<i32>} : memref<128x128xf32, #tpu.memory_space<vmem>>, vector<1x16xf32>,
        %swap3A_137 = vector.shape_cast %swap3A_136 : vector<1x16xf32> to vector<16xf32>
        %swap3A_138 = vector.shape_cast %max3A_133 : vector<16xf32> to vector<1x16xf32>
        tpu.vector_store %arg11[%swap3A_134, %swap3A_135], %swap3A_138 {strides = array<i32>} : memref<128x128xf32, #tpu.memory_space<vmem>>, vector<1x16xf32>,
        %get3A_139 = arith.index_cast %scan3A_39 : i32 to index
        %get3A_140 = arith.constant 96 : index
        %get3A_141 = tpu.vector_load %arg11[%get3A_139, %get3A_140] {strides = array<i32>} : memref<128x128xf32, #tpu.memory_space<vmem>>, vector<1x16xf32>,
        %get3A_142 = vector.shape_cast %get3A_141 : vector<1x16xf32> to vector<16xf32>
        %get3A_143 = arith.index_cast %scan3A_39 : i32 to index
        %get3A_144 = arith.constant 96 : index
        %get3A_145 = tpu.vector_load %arg12[%get3A_143, %get3A_144] {strides = array<i32>} : memref<128x128xf32, #tpu.memory_space<vmem>>, vector<1x16xf32>,
        %get3A_146 = vector.shape_cast %get3A_145 : vector<1x16xf32> to vector<16xf32>
        %add3A_147 = arith.addf %get3A_142, %get3A_146 : vector<16xf32>
        %max3A_148 = arith.constant 0.000000e+00 : f32
        %max3A_149 = vector.broadcast %max3A_148 : f32 to vector<16xf32>
        %max3A_150 = arith.maximumf %add3A_147, %max3A_149 : vector<16xf32>
        %swap3A_151 = arith.index_cast %scan3A_39 : i32 to index
        %swap3A_152 = arith.constant 96 : index
        %swap3A_153 = tpu.vector_load %arg11[%swap3A_151, %swap3A_152] {strides = array<i32>} : memref<128x128xf32, #tpu.memory_space<vmem>>, vector<1x16xf32>,
        %swap3A_154 = vector.shape_cast %swap3A_153 : vector<1x16xf32> to vector<16xf32>
        %swap3A_155 = vector.shape_cast %max3A_150 : vector<16xf32> to vector<1x16xf32>
        tpu.vector_store %arg11[%swap3A_151, %swap3A_152], %swap3A_155 {strides = array<i32>} : memref<128x128xf32, #tpu.memory_space<vmem>>, vector<1x16xf32>,
        %get3A_156 = arith.index_cast %scan3A_39 : i32 to index
        %get3A_157 = arith.constant 112 : index
        %get3A_158 = tpu.vector_load %arg11[%get3A_156, %get3A_157] {strides = array<i32>} : memref<128x128xf32, #tpu.memory_space<vmem>>, vector<1x16xf32>,
        %get3A_159 = vector.shape_cast %get3A_158 : vector<1x16xf32> to vector<16xf32>
        %get3A_160 = arith.index_cast %scan3A_39 : i32 to index
        %get3A_161 = arith.constant 112 : index
        %get3A_162 = tpu.vector_load %arg12[%get3A_160, %get3A_161] {strides = array<i32>} : memref<128x128xf32, #tpu.memory_space<vmem>>, vector<1x16xf32>,
        %get3A_163 = vector.shape_cast %get3A_162 : vector<1x16xf32> to vector<16xf32>
        %add3A_164 = arith.addf %get3A_159, %get3A_163 : vector<16xf32>
        %max3A_165 = arith.constant 0.000000e+00 : f32
        %max3A_166 = vector.broadcast %max3A_165 : f32 to vector<16xf32>
        %max3A_167 = arith.maximumf %add3A_164, %max3A_166 : vector<16xf32>
        %swap3A_168 = arith.index_cast %scan3A_39 : i32 to index
        %swap3A_169 = arith.constant 112 : index
        %swap3A_170 = tpu.vector_load %arg11[%swap3A_168, %swap3A_169] {strides = array<i32>} : memref<128x128xf32, #tpu.memory_space<vmem>>, vector<1x16xf32>,
        %swap3A_171 = vector.shape_cast %swap3A_170 : vector<1x16xf32> to vector<16xf32>
        %swap3A_172 = vector.shape_cast %max3A_167 : vector<16xf32> to vector<1x16xf32>
        tpu.vector_store %arg11[%swap3A_168, %swap3A_169], %swap3A_172 {strides = array<i32>} : memref<128x128xf32, #tpu.memory_space<vmem>>, vector<1x16xf32>,
      }
      %scan3A_38 = arith.constant 128 : i32
      "tpu.region"() ({
        %run_scoped3A = tpu.sem_alloc : memref<!tpu.dma_semaphore, #tpu.memory_space<semaphore_mem>>
        %dma_start3A_39 = arith.constant 0 : i32
        %dma_start3A_40 = arith.constant 0 : i32
        %dma_start3A_41 = tpu.memref_slice %arg8[%dma_start3A_39, %dma_start3A_40] : memref<10008x128xf32, #tpu.memory_space<vmem_shared>> -> memref<10008x128xf32, #tpu.memory_space<vmem_shared>>
        tpu.enqueue_indirect_dma source(%arg11 : memref<128x128xf32, #tpu.memory_space<vmem>>) target(%dma_start3A_41 : memref<10008x128xf32, #tpu.memory_space<vmem_shared>>) offsets(%arg10 : memref<128xi32, #tpu.memory_space<vmem>>) semaphore(%run_scoped3A : memref<!tpu.dma_semaphore, #tpu.memory_space<semaphore_mem>>) {add = true}
        %dma_wait3A_42 = arith.constant 0 : i32
        %dma_wait3A_43 = arith.constant 0 : i32
        %dma_wait3A_44 = tpu.memref_slice %arg8[%dma_wait3A_42, %dma_wait3A_43] : memref<10008x128xf32, #tpu.memory_space<vmem_shared>> -> memref<10008x128xf32, #tpu.memory_space<vmem_shared>>
        tpu.wait_indirect_dma semaphore(%run_scoped3A : memref<!tpu.dma_semaphore, #tpu.memory_space<semaphore_mem>>) src(%arg11 : memref<128x128xf32, #tpu.memory_space<vmem>>) dst(%dma_wait3A_44 : memref<10008x128xf32, #tpu.memory_space<vmem_shared>>)
        tpu.yield
      }) : () -> ()
    }
    %scan3A_13 = arith.constant 79 : i32
    %barrier3A_14 = arith.constant 0 : index
    tpu.barrier barrier_id(%barrier3A_14)
    %lt3A_15 = arith.constant 15 : i32
    %lt3A_16 = arith.cmpi slt, %arg1, %lt3A_15 : i32
    %convert_element_type3A_17 = arith.extui %lt3A_16 : i1 to i32
    %cond3A_18 = arith.constant 0 : i32
    %cond3A_19 = arith.cmpi ne, %convert_element_type3A_17, %cond3A_18 : i32
    scf.if %cond3A_19 {
      %mul3A_25 = arith.constant 632 : i32
      %mul3A_26 = arith.muli %arg1, %mul3A_25 : i32
      %mul3A_27 = arith.constant 10000 : i32
      %mul3A_28 = arith.muli %arg0, %mul3A_27 : i32
      %add3A_29 = arith.addi %mul3A_28, %mul3A_26 : i32
      "tpu.region"() ({
        %run_scoped3A = tpu.sem_alloc : memref<!tpu.dma_semaphore, #tpu.memory_space<semaphore_mem>>
        %dma_start3A = arith.constant 0 : i32
        %dma_start3A_30 = tpu.memref_slice %arg7[%add3A_29, %dma_start3A] : memref<20000x128xf32, #tpu.memory_space<hbm>> -> memref<632x128xf32, #tpu.memory_space<hbm>>
        %dma_start3A_31 = arith.constant 0 : i32
        %dma_start3A_32 = tpu.memref_slice %arg8[%mul3A_26, %dma_start3A_31] : memref<10008x128xf32, #tpu.memory_space<vmem_shared>> -> memref<632x128xf32, #tpu.memory_space<vmem_shared>>
        tpu.enqueue_dma source(%dma_start3A_32 : memref<632x128xf32, #tpu.memory_space<vmem_shared>>) target(%dma_start3A_30 : memref<632x128xf32, #tpu.memory_space<hbm>>) target_semaphore(%run_scoped3A : memref<!tpu.dma_semaphore, #tpu.memory_space<semaphore_mem>>)
        %dma_wait3A = arith.constant 0 : i32
        %dma_wait3A_33 = tpu.memref_slice %arg7[%add3A_29, %dma_wait3A] : memref<20000x128xf32, #tpu.memory_space<hbm>> -> memref<632x128xf32, #tpu.memory_space<hbm>>
        %dma_wait3A_34 = arith.constant 0 : i32
        %dma_wait3A_35 = tpu.memref_slice %arg8[%mul3A_26, %dma_wait3A_34] : memref<10008x128xf32, #tpu.memory_space<vmem_shared>> -> memref<632x128xf32, #tpu.memory_space<vmem_shared>>
        tpu.wait_dma2 semaphore(%run_scoped3A : memref<!tpu.dma_semaphore, #tpu.memory_space<semaphore_mem>>) src(%dma_wait3A_35 : memref<632x128xf32, #tpu.memory_space<vmem_shared>>) dst(%dma_wait3A_33 : memref<632x128xf32, #tpu.memory_space<hbm>>)
        tpu.yield
      }) : () -> ()
    } else {
    }
    %eq3A_20 = arith.constant 15 : i32
    %eq3A_21 = arith.cmpi eq, %arg1, %eq3A_20 : i32
    %convert_element_type3A_22 = arith.extui %eq3A_21 : i1 to i32
    %cond3A_23 = arith.constant 0 : i32
    %cond3A_24 = arith.cmpi ne, %convert_element_type3A_22, %cond3A_23 : i32
    scf.if %cond3A_24 {
      %mul3A_25 = arith.constant 10000 : i32
      %mul3A_26 = arith.muli %arg0, %mul3A_25 : i32
      %add3A_27 = arith.constant 9480 : i32
      %add3A_28 = arith.addi %mul3A_26, %add3A_27 : i32
      "tpu.region"() ({
        %run_scoped3A = tpu.sem_alloc : memref<!tpu.dma_semaphore, #tpu.memory_space<semaphore_mem>>
        %dma_start3A = arith.constant 0 : i32
        %dma_start3A_29 = tpu.memref_slice %arg7[%add3A_28, %dma_start3A] : memref<20000x128xf32, #tpu.memory_space<hbm>> -> memref<520x128xf32, #tpu.memory_space<hbm>>
        %dma_start3A_30 = arith.constant 9480 : i32
        %dma_start3A_31 = arith.constant 0 : i32
        %dma_start3A_32 = tpu.memref_slice %arg8[%dma_start3A_30, %dma_start3A_31] : memref<10008x128xf32, #tpu.memory_space<vmem_shared>> -> memref<520x128xf32, #tpu.memory_space<vmem_shared>>
        tpu.enqueue_dma source(%dma_start3A_32 : memref<520x128xf32, #tpu.memory_space<vmem_shared>>) target(%dma_start3A_29 : memref<520x128xf32, #tpu.memory_space<hbm>>) target_semaphore(%run_scoped3A : memref<!tpu.dma_semaphore, #tpu.memory_space<semaphore_mem>>)
        %dma_wait3A = arith.constant 0 : i32
        %dma_wait3A_33 = tpu.memref_slice %arg7[%add3A_28, %dma_wait3A] : memref<20000x128xf32, #tpu.memory_space<hbm>> -> memref<520x128xf32, #tpu.memory_space<hbm>>
        %dma_wait3A_34 = arith.constant 9480 : i32
        %dma_wait3A_35 = arith.constant 0 : i32
        %dma_wait3A_36 = tpu.memref_slice %arg8[%dma_wait3A_34, %dma_wait3A_35] : memref<10008x128xf32, #tpu.memory_space<vmem_shared>> -> memref<520x128xf32, #tpu.memory_space<vmem_shared>>
        tpu.wait_dma2 semaphore(%run_scoped3A : memref<!tpu.dma_semaphore, #tpu.memory_space<semaphore_mem>>) src(%dma_wait3A_36 : memref<520x128xf32, #tpu.memory_space<vmem_shared>>) dst(%dma_wait3A_33 : memref<520x128xf32, #tpu.memory_space<hbm>>)
        tpu.yield
      }) : () -> ()
    } else {
    }
    return
  }
}

#map = affine_map<(d0, d1) -> (0, 0)>
#map1 = affine_map<(d0, d1) -> (0)>
module attributes {stable_mosaic.version = 14 : i64} {
  func.func @_edge_body(%arg0: i32, %arg1: i32, %arg2: memref<10008x128xf32, #tpu.memory_space<hbm>>, %arg3: memref<323584x128xf32, #tpu.memory_space<hbm>>, %arg4: memref<323584xi32, #tpu.memory_space<hbm>>, %arg5: memref<323584xi32, #tpu.memory_space<hbm>>, %arg6: memref<632x128xf32, #tpu.memory_space<hbm>>, %arg7: memref<20000x128xf32, #tpu.memory_space<hbm>>, %arg8: memref<10008x128xf32, #tpu.memory_space<vmem_shared>>, %arg9: memref<128xi32, #tpu.memory_space<vmem>>, %arg10: memref<128xi32, #tpu.memory_space<vmem>>, %arg11: memref<128x128xf32, #tpu.memory_space<vmem>>, %arg12: memref<128x128xf32, #tpu.memory_space<vmem>>, %arg13: memref<!tpu.dma_semaphore, #tpu.memory_space<semaphore_mem>>) attributes {dimension_semantics = [#tpu.dimension_semantics<core_parallel>, #tpu.dimension_semantics<subcore_parallel>], iteration_bounds = array<i64: 2, 16>, scalar_prefetch = 0 : i64, scratch_operands = 6 : i64, tpu.core_type = #tpu.core_type<sc_vector_subcore>, window_params = [{transform_indices = #map}, {transform_indices = #map}, {transform_indices = #map1}, {transform_indices = #map1}, {transform_indices = #map}, {transform_indices = #map}]} {
    %lt3A = arith.constant 15 : i32
    %lt3A_0 = arith.cmpi slt, %arg1, %lt3A : i32
    %convert_element_type3A = arith.extui %lt3A_0 : i1 to i32
    %cond3A = arith.constant 0 : i32
    %cond3A_1 = arith.cmpi ne, %convert_element_type3A, %cond3A : i32
    scf.if %cond3A_1 {
      %mul3A_25 = arith.constant 632 : i32
      %mul3A_26 = arith.muli %arg1, %mul3A_25 : i32
      "tpu.region"() ({
        %run_scoped3A = tpu.sem_alloc : memref<!tpu.dma_semaphore, #tpu.memory_space<semaphore_mem>>
        %dma_start3A = arith.constant 0 : i32
        %dma_start3A_27 = tpu.memref_slice %arg8[%mul3A_26, %dma_start3A] : memref<10008x128xf32, #tpu.memory_space<vmem_shared>> -> memref<632x128xf32, #tpu.memory_space<vmem_shared>>
        tpu.enqueue_dma source(%arg6 : memref<632x128xf32, #tpu.memory_space<hbm>>) target(%dma_start3A_27 : memref<632x128xf32, #tpu.memory_space<vmem_shared>>) target_semaphore(%run_scoped3A : memref<!tpu.dma_semaphore, #tpu.memory_space<semaphore_mem>>)
        %dma_wait3A = arith.constant 0 : i32
        %dma_wait3A_28 = tpu.memref_slice %arg8[%mul3A_26, %dma_wait3A] : memref<10008x128xf32, #tpu.memory_space<vmem_shared>> -> memref<632x128xf32, #tpu.memory_space<vmem_shared>>
        tpu.wait_dma2 semaphore(%run_scoped3A : memref<!tpu.dma_semaphore, #tpu.memory_space<semaphore_mem>>) src(%arg6 : memref<632x128xf32, #tpu.memory_space<hbm>>) dst(%dma_wait3A_28 : memref<632x128xf32, #tpu.memory_space<vmem_shared>>)
        tpu.yield
      }) : () -> ()
    } else {
    }
    %eq3A = arith.constant 15 : i32
    %eq3A_2 = arith.cmpi eq, %arg1, %eq3A : i32
    %convert_element_type3A_3 = arith.extui %eq3A_2 : i1 to i32
    %cond3A_4 = arith.constant 0 : i32
    %cond3A_5 = arith.cmpi ne, %convert_element_type3A_3, %cond3A_4 : i32
    scf.if %cond3A_5 {
      "tpu.region"() ({
        %run_scoped3A = tpu.sem_alloc : memref<!tpu.dma_semaphore, #tpu.memory_space<semaphore_mem>>
        %dma_start3A = arith.constant 9480 : i32
        %dma_start3A_25 = arith.constant 0 : i32
        %dma_start3A_26 = tpu.memref_slice %arg8[%dma_start3A, %dma_start3A_25] : memref<10008x128xf32, #tpu.memory_space<vmem_shared>> -> memref<528x128xf32, #tpu.memory_space<vmem_shared>>
        %dma_start3A_27 = arith.constant 0 : i32
        %dma_start3A_28 = arith.constant 0 : i32
        %dma_start3A_29 = tpu.memref_slice %arg6[%dma_start3A_27, %dma_start3A_28] : memref<632x128xf32, #tpu.memory_space<hbm>> -> memref<528x128xf32, #tpu.memory_space<hbm>>
        tpu.enqueue_dma source(%dma_start3A_29 : memref<528x128xf32, #tpu.memory_space<hbm>>) target(%dma_start3A_26 : memref<528x128xf32, #tpu.memory_space<vmem_shared>>) target_semaphore(%run_scoped3A : memref<!tpu.dma_semaphore, #tpu.memory_space<semaphore_mem>>)
        %dma_wait3A = arith.constant 9480 : i32
        %dma_wait3A_30 = arith.constant 0 : i32
        %dma_wait3A_31 = tpu.memref_slice %arg8[%dma_wait3A, %dma_wait3A_30] : memref<10008x128xf32, #tpu.memory_space<vmem_shared>> -> memref<528x128xf32, #tpu.memory_space<vmem_shared>>
        %dma_wait3A_32 = arith.constant 0 : i32
        %dma_wait3A_33 = arith.constant 0 : i32
        %dma_wait3A_34 = tpu.memref_slice %arg6[%dma_wait3A_32, %dma_wait3A_33] : memref<632x128xf32, #tpu.memory_space<hbm>> -> memref<528x128xf32, #tpu.memory_space<hbm>>
        tpu.wait_dma2 semaphore(%run_scoped3A : memref<!tpu.dma_semaphore, #tpu.memory_space<semaphore_mem>>) src(%dma_wait3A_34 : memref<528x128xf32, #tpu.memory_space<hbm>>) dst(%dma_wait3A_31 : memref<528x128xf32, #tpu.memory_space<vmem_shared>>)
        tpu.yield
      }) : () -> ()
    } else {
    }
    %barrier3A = arith.constant 0 : index
    tpu.barrier barrier_id(%barrier3A)
    %mul3A = arith.constant 16 : i32
    %mul3A_6 = arith.muli %arg0, %mul3A : i32
    %add3A = arith.addi %mul3A_6, %arg1 : i32
    %mul3A_7 = arith.constant 10112 : i32
    %mul3A_8 = arith.muli %add3A, %mul3A_7 : i32
    %scan3A = arith.constant 0 : i32
    %scan3A_9 = arith.constant 0 : i32
    %scan3A_10 = arith.constant 79 : i32
    %scan3A_11 = arith.addi %scan3A_9, %scan3A_10 : i32
    %scan3A_12 = arith.constant 1 : i32
    scf.for %scan3A_25 = %scan3A_9 to %scan3A_11 step %scan3A_12  : i32 {
      %mul3A_26 = arith.constant 128 : i32
      %mul3A_27 = arith.muli %scan3A_25, %mul3A_26 : i32
      %add3A_28 = arith.addi %mul3A_8, %mul3A_27 : i32
      "tpu.region"() ({
        %run_scoped3A = tpu.sem_alloc : memref<!tpu.dma_semaphore, #tpu.memory_space<semaphore_mem>>
        %dma_start3A_39 = tpu.memref_slice %arg4[%add3A_28] : memref<323584xi32, #tpu.memory_space<hbm>> -> memref<128xi32, #tpu.memory_space<hbm>>
        %dma_start3A_40 = tpu.memref_slice %arg4[%add3A_28] : memref<323584xi32, #tpu.memory_space<hbm>> -> memref<128xi32, #tpu.memory_space<hbm>>
        tpu.enqueue_dma source(%dma_start3A_40 : memref<128xi32, #tpu.memory_space<hbm>>) target(%arg9 : memref<128xi32, #tpu.memory_space<vmem>>) target_semaphore(%run_scoped3A : memref<!tpu.dma_semaphore, #tpu.memory_space<semaphore_mem>>)
        %dma_wait3A_41 = tpu.memref_slice %arg4[%add3A_28] : memref<323584xi32, #tpu.memory_space<hbm>> -> memref<128xi32, #tpu.memory_space<hbm>>
        %dma_wait3A_42 = tpu.memref_slice %arg4[%add3A_28] : memref<323584xi32, #tpu.memory_space<hbm>> -> memref<128xi32, #tpu.memory_space<hbm>>
        tpu.wait_dma2 semaphore(%run_scoped3A : memref<!tpu.dma_semaphore, #tpu.memory_space<semaphore_mem>>) src(%dma_wait3A_42 : memref<128xi32, #tpu.memory_space<hbm>>) dst(%arg9 : memref<128xi32, #tpu.memory_space<vmem>>)
        tpu.yield
      }) : () -> ()
      "tpu.region"() ({
        %run_scoped3A = tpu.sem_alloc : memref<!tpu.dma_semaphore, #tpu.memory_space<semaphore_mem>>
        %dma_start3A_39 = tpu.memref_slice %arg5[%add3A_28] : memref<323584xi32, #tpu.memory_space<hbm>> -> memref<128xi32, #tpu.memory_space<hbm>>
        %dma_start3A_40 = tpu.memref_slice %arg5[%add3A_28] : memref<323584xi32, #tpu.memory_space<hbm>> -> memref<128xi32, #tpu.memory_space<hbm>>
        tpu.enqueue_dma source(%dma_start3A_40 : memref<128xi32, #tpu.memory_space<hbm>>) target(%arg10 : memref<128xi32, #tpu.memory_space<vmem>>) target_semaphore(%run_scoped3A : memref<!tpu.dma_semaphore, #tpu.memory_space<semaphore_mem>>)
        %dma_wait3A_41 = tpu.memref_slice %arg5[%add3A_28] : memref<323584xi32, #tpu.memory_space<hbm>> -> memref<128xi32, #tpu.memory_space<hbm>>
        %dma_wait3A_42 = tpu.memref_slice %arg5[%add3A_28] : memref<323584xi32, #tpu.memory_space<hbm>> -> memref<128xi32, #tpu.memory_space<hbm>>
        tpu.wait_dma2 semaphore(%run_scoped3A : memref<!tpu.dma_semaphore, #tpu.memory_space<semaphore_mem>>) src(%dma_wait3A_42 : memref<128xi32, #tpu.memory_space<hbm>>) dst(%arg10 : memref<128xi32, #tpu.memory_space<vmem>>)
        tpu.yield
      }) : () -> ()
      %dma_start3A = arith.constant 0 : i32
      %dma_start3A_29 = arith.constant 0 : i32
      %dma_start3A_30 = tpu.memref_slice %arg2[%dma_start3A, %dma_start3A_29] : memref<10008x128xf32, #tpu.memory_space<hbm>> -> memref<10008x128xf32, #tpu.memory_space<hbm>>
      tpu.enqueue_indirect_dma source(%dma_start3A_30 : memref<10008x128xf32, #tpu.memory_space<hbm>>) target(%arg11 : memref<128x128xf32, #tpu.memory_space<vmem>>) offsets(%arg9 : memref<128xi32, #tpu.memory_space<vmem>>) semaphore(%arg13 : memref<!tpu.dma_semaphore, #tpu.memory_space<semaphore_mem>>)
      "tpu.region"() ({
        %run_scoped3A = tpu.sem_alloc : memref<!tpu.dma_semaphore, #tpu.memory_space<semaphore_mem>>
        %dma_start3A_39 = arith.constant 0 : i32
        %dma_start3A_40 = tpu.memref_slice %arg3[%add3A_28, %dma_start3A_39] : memref<323584x128xf32, #tpu.memory_space<hbm>> -> memref<128x128xf32, #tpu.memory_space<hbm>>
        %dma_start3A_41 = arith.constant 0 : i32
        %dma_start3A_42 = tpu.memref_slice %arg3[%add3A_28, %dma_start3A_41] : memref<323584x128xf32, #tpu.memory_space<hbm>> -> memref<128x128xf32, #tpu.memory_space<hbm>>
        tpu.enqueue_dma source(%dma_start3A_42 : memref<128x128xf32, #tpu.memory_space<hbm>>) target(%arg12 : memref<128x128xf32, #tpu.memory_space<vmem>>) target_semaphore(%run_scoped3A : memref<!tpu.dma_semaphore, #tpu.memory_space<semaphore_mem>>)
        %dma_wait3A_43 = arith.constant 0 : i32
        %dma_wait3A_44 = tpu.memref_slice %arg3[%add3A_28, %dma_wait3A_43] : memref<323584x128xf32, #tpu.memory_space<hbm>> -> memref<128x128xf32, #tpu.memory_space<hbm>>
        %dma_wait3A_45 = arith.constant 0 : i32
        %dma_wait3A_46 = tpu.memref_slice %arg3[%add3A_28, %dma_wait3A_45] : memref<323584x128xf32, #tpu.memory_space<hbm>> -> memref<128x128xf32, #tpu.memory_space<hbm>>
        tpu.wait_dma2 semaphore(%run_scoped3A : memref<!tpu.dma_semaphore, #tpu.memory_space<semaphore_mem>>) src(%dma_wait3A_46 : memref<128x128xf32, #tpu.memory_space<hbm>>) dst(%arg12 : memref<128x128xf32, #tpu.memory_space<vmem>>)
        tpu.yield
      }) : () -> ()
      %dma_wait3A = arith.constant 0 : i32
      %dma_wait3A_31 = arith.constant 0 : i32
      %dma_wait3A_32 = tpu.memref_slice %arg2[%dma_wait3A, %dma_wait3A_31] : memref<10008x128xf32, #tpu.memory_space<hbm>> -> memref<10008x128xf32, #tpu.memory_space<hbm>>
      tpu.wait_indirect_dma semaphore(%arg13 : memref<!tpu.dma_semaphore, #tpu.memory_space<semaphore_mem>>) src(%dma_wait3A_32 : memref<10008x128xf32, #tpu.memory_space<hbm>>) dst(%arg11 : memref<128x128xf32, #tpu.memory_space<vmem>>)
      %scan3A_33 = arith.constant 0 : i32
      %scan3A_34 = arith.constant 0 : i32
      %scan3A_35 = arith.constant 128 : i32
      %scan3A_36 = arith.addi %scan3A_34, %scan3A_35 : i32
      %scan3A_37 = arith.constant 1 : i32
      scf.for %scan3A_39 = %scan3A_34 to %scan3A_36 step %scan3A_37  : i32 {
        %get3A = arith.index_cast %scan3A_39 : i32 to index
        %get3A_40 = arith.constant 0 : index
        %get3A_41 = tpu.vector_load %arg11[%get3A, %get3A_40] {strides = array<i32>} : memref<128x128xf32, #tpu.memory_space<vmem>>, vector<1x16xf32>,
        %get3A_42 = vector.shape_cast %get3A_41 : vector<1x16xf32> to vector<16xf32>
        %get3A_43 = arith.index_cast %scan3A_39 : i32 to index
        %get3A_44 = arith.constant 0 : index
        %get3A_45 = tpu.vector_load %arg12[%get3A_43, %get3A_44] {strides = array<i32>} : memref<128x128xf32, #tpu.memory_space<vmem>>, vector<1x16xf32>,
        %get3A_46 = vector.shape_cast %get3A_45 : vector<1x16xf32> to vector<16xf32>
        %add3A_47 = arith.addf %get3A_42, %get3A_46 : vector<16xf32>
        %max3A = arith.constant 0.000000e+00 : f32
        %max3A_48 = vector.broadcast %max3A : f32 to vector<16xf32>
        %max3A_49 = arith.maximumf %add3A_47, %max3A_48 : vector<16xf32>
        %swap3A = arith.index_cast %scan3A_39 : i32 to index
        %swap3A_50 = arith.constant 0 : index
        %swap3A_51 = tpu.vector_load %arg11[%swap3A, %swap3A_50] {strides = array<i32>} : memref<128x128xf32, #tpu.memory_space<vmem>>, vector<1x16xf32>,
        %swap3A_52 = vector.shape_cast %swap3A_51 : vector<1x16xf32> to vector<16xf32>
        %swap3A_53 = vector.shape_cast %max3A_49 : vector<16xf32> to vector<1x16xf32>
        tpu.vector_store %arg11[%swap3A, %swap3A_50], %swap3A_53 {strides = array<i32>} : memref<128x128xf32, #tpu.memory_space<vmem>>, vector<1x16xf32>,
        %get3A_54 = arith.index_cast %scan3A_39 : i32 to index
        %get3A_55 = arith.constant 16 : index
        %get3A_56 = tpu.vector_load %arg11[%get3A_54, %get3A_55] {strides = array<i32>} : memref<128x128xf32, #tpu.memory_space<vmem>>, vector<1x16xf32>,
        %get3A_57 = vector.shape_cast %get3A_56 : vector<1x16xf32> to vector<16xf32>
        %get3A_58 = arith.index_cast %scan3A_39 : i32 to index
        %get3A_59 = arith.constant 16 : index
        %get3A_60 = tpu.vector_load %arg12[%get3A_58, %get3A_59] {strides = array<i32>} : memref<128x128xf32, #tpu.memory_space<vmem>>, vector<1x16xf32>,
        %get3A_61 = vector.shape_cast %get3A_60 : vector<1x16xf32> to vector<16xf32>
        %add3A_62 = arith.addf %get3A_57, %get3A_61 : vector<16xf32>
        %max3A_63 = arith.constant 0.000000e+00 : f32
        %max3A_64 = vector.broadcast %max3A_63 : f32 to vector<16xf32>
        %max3A_65 = arith.maximumf %add3A_62, %max3A_64 : vector<16xf32>
        %swap3A_66 = arith.index_cast %scan3A_39 : i32 to index
        %swap3A_67 = arith.constant 16 : index
        %swap3A_68 = tpu.vector_load %arg11[%swap3A_66, %swap3A_67] {strides = array<i32>} : memref<128x128xf32, #tpu.memory_space<vmem>>, vector<1x16xf32>,
        %swap3A_69 = vector.shape_cast %swap3A_68 : vector<1x16xf32> to vector<16xf32>
        %swap3A_70 = vector.shape_cast %max3A_65 : vector<16xf32> to vector<1x16xf32>
        tpu.vector_store %arg11[%swap3A_66, %swap3A_67], %swap3A_70 {strides = array<i32>} : memref<128x128xf32, #tpu.memory_space<vmem>>, vector<1x16xf32>,
        %get3A_71 = arith.index_cast %scan3A_39 : i32 to index
        %get3A_72 = arith.constant 32 : index
        %get3A_73 = tpu.vector_load %arg11[%get3A_71, %get3A_72] {strides = array<i32>} : memref<128x128xf32, #tpu.memory_space<vmem>>, vector<1x16xf32>,
        %get3A_74 = vector.shape_cast %get3A_73 : vector<1x16xf32> to vector<16xf32>
        %get3A_75 = arith.index_cast %scan3A_39 : i32 to index
        %get3A_76 = arith.constant 32 : index
        %get3A_77 = tpu.vector_load %arg12[%get3A_75, %get3A_76] {strides = array<i32>} : memref<128x128xf32, #tpu.memory_space<vmem>>, vector<1x16xf32>,
        %get3A_78 = vector.shape_cast %get3A_77 : vector<1x16xf32> to vector<16xf32>
        %add3A_79 = arith.addf %get3A_74, %get3A_78 : vector<16xf32>
        %max3A_80 = arith.constant 0.000000e+00 : f32
        %max3A_81 = vector.broadcast %max3A_80 : f32 to vector<16xf32>
        %max3A_82 = arith.maximumf %add3A_79, %max3A_81 : vector<16xf32>
        %swap3A_83 = arith.index_cast %scan3A_39 : i32 to index
        %swap3A_84 = arith.constant 32 : index
        %swap3A_85 = tpu.vector_load %arg11[%swap3A_83, %swap3A_84] {strides = array<i32>} : memref<128x128xf32, #tpu.memory_space<vmem>>, vector<1x16xf32>,
        %swap3A_86 = vector.shape_cast %swap3A_85 : vector<1x16xf32> to vector<16xf32>
        %swap3A_87 = vector.shape_cast %max3A_82 : vector<16xf32> to vector<1x16xf32>
        tpu.vector_store %arg11[%swap3A_83, %swap3A_84], %swap3A_87 {strides = array<i32>} : memref<128x128xf32, #tpu.memory_space<vmem>>, vector<1x16xf32>,
        %get3A_88 = arith.index_cast %scan3A_39 : i32 to index
        %get3A_89 = arith.constant 48 : index
        %get3A_90 = tpu.vector_load %arg11[%get3A_88, %get3A_89] {strides = array<i32>} : memref<128x128xf32, #tpu.memory_space<vmem>>, vector<1x16xf32>,
        %get3A_91 = vector.shape_cast %get3A_90 : vector<1x16xf32> to vector<16xf32>
        %get3A_92 = arith.index_cast %scan3A_39 : i32 to index
        %get3A_93 = arith.constant 48 : index
        %get3A_94 = tpu.vector_load %arg12[%get3A_92, %get3A_93] {strides = array<i32>} : memref<128x128xf32, #tpu.memory_space<vmem>>, vector<1x16xf32>,
        %get3A_95 = vector.shape_cast %get3A_94 : vector<1x16xf32> to vector<16xf32>
        %add3A_96 = arith.addf %get3A_91, %get3A_95 : vector<16xf32>
        %max3A_97 = arith.constant 0.000000e+00 : f32
        %max3A_98 = vector.broadcast %max3A_97 : f32 to vector<16xf32>
        %max3A_99 = arith.maximumf %add3A_96, %max3A_98 : vector<16xf32>
        %swap3A_100 = arith.index_cast %scan3A_39 : i32 to index
        %swap3A_101 = arith.constant 48 : index
        %swap3A_102 = tpu.vector_load %arg11[%swap3A_100, %swap3A_101] {strides = array<i32>} : memref<128x128xf32, #tpu.memory_space<vmem>>, vector<1x16xf32>,
        %swap3A_103 = vector.shape_cast %swap3A_102 : vector<1x16xf32> to vector<16xf32>
        %swap3A_104 = vector.shape_cast %max3A_99 : vector<16xf32> to vector<1x16xf32>
        tpu.vector_store %arg11[%swap3A_100, %swap3A_101], %swap3A_104 {strides = array<i32>} : memref<128x128xf32, #tpu.memory_space<vmem>>, vector<1x16xf32>,
        %get3A_105 = arith.index_cast %scan3A_39 : i32 to index
        %get3A_106 = arith.constant 64 : index
        %get3A_107 = tpu.vector_load %arg11[%get3A_105, %get3A_106] {strides = array<i32>} : memref<128x128xf32, #tpu.memory_space<vmem>>, vector<1x16xf32>,
        %get3A_108 = vector.shape_cast %get3A_107 : vector<1x16xf32> to vector<16xf32>
        %get3A_109 = arith.index_cast %scan3A_39 : i32 to index
        %get3A_110 = arith.constant 64 : index
        %get3A_111 = tpu.vector_load %arg12[%get3A_109, %get3A_110] {strides = array<i32>} : memref<128x128xf32, #tpu.memory_space<vmem>>, vector<1x16xf32>,
        %get3A_112 = vector.shape_cast %get3A_111 : vector<1x16xf32> to vector<16xf32>
        %add3A_113 = arith.addf %get3A_108, %get3A_112 : vector<16xf32>
        %max3A_114 = arith.constant 0.000000e+00 : f32
        %max3A_115 = vector.broadcast %max3A_114 : f32 to vector<16xf32>
        %max3A_116 = arith.maximumf %add3A_113, %max3A_115 : vector<16xf32>
        %swap3A_117 = arith.index_cast %scan3A_39 : i32 to index
        %swap3A_118 = arith.constant 64 : index
        %swap3A_119 = tpu.vector_load %arg11[%swap3A_117, %swap3A_118] {strides = array<i32>} : memref<128x128xf32, #tpu.memory_space<vmem>>, vector<1x16xf32>,
        %swap3A_120 = vector.shape_cast %swap3A_119 : vector<1x16xf32> to vector<16xf32>
        %swap3A_121 = vector.shape_cast %max3A_116 : vector<16xf32> to vector<1x16xf32>
        tpu.vector_store %arg11[%swap3A_117, %swap3A_118], %swap3A_121 {strides = array<i32>} : memref<128x128xf32, #tpu.memory_space<vmem>>, vector<1x16xf32>,
        %get3A_122 = arith.index_cast %scan3A_39 : i32 to index
        %get3A_123 = arith.constant 80 : index
        %get3A_124 = tpu.vector_load %arg11[%get3A_122, %get3A_123] {strides = array<i32>} : memref<128x128xf32, #tpu.memory_space<vmem>>, vector<1x16xf32>,
        %get3A_125 = vector.shape_cast %get3A_124 : vector<1x16xf32> to vector<16xf32>
        %get3A_126 = arith.index_cast %scan3A_39 : i32 to index
        %get3A_127 = arith.constant 80 : index
        %get3A_128 = tpu.vector_load %arg12[%get3A_126, %get3A_127] {strides = array<i32>} : memref<128x128xf32, #tpu.memory_space<vmem>>, vector<1x16xf32>,
        %get3A_129 = vector.shape_cast %get3A_128 : vector<1x16xf32> to vector<16xf32>
        %add3A_130 = arith.addf %get3A_125, %get3A_129 : vector<16xf32>
        %max3A_131 = arith.constant 0.000000e+00 : f32
        %max3A_132 = vector.broadcast %max3A_131 : f32 to vector<16xf32>
        %max3A_133 = arith.maximumf %add3A_130, %max3A_132 : vector<16xf32>
        %swap3A_134 = arith.index_cast %scan3A_39 : i32 to index
        %swap3A_135 = arith.constant 80 : index
        %swap3A_136 = tpu.vector_load %arg11[%swap3A_134, %swap3A_135] {strides = array<i32>} : memref<128x128xf32, #tpu.memory_space<vmem>>, vector<1x16xf32>,
        %swap3A_137 = vector.shape_cast %swap3A_136 : vector<1x16xf32> to vector<16xf32>
        %swap3A_138 = vector.shape_cast %max3A_133 : vector<16xf32> to vector<1x16xf32>
        tpu.vector_store %arg11[%swap3A_134, %swap3A_135], %swap3A_138 {strides = array<i32>} : memref<128x128xf32, #tpu.memory_space<vmem>>, vector<1x16xf32>,
        %get3A_139 = arith.index_cast %scan3A_39 : i32 to index
        %get3A_140 = arith.constant 96 : index
        %get3A_141 = tpu.vector_load %arg11[%get3A_139, %get3A_140] {strides = array<i32>} : memref<128x128xf32, #tpu.memory_space<vmem>>, vector<1x16xf32>,
        %get3A_142 = vector.shape_cast %get3A_141 : vector<1x16xf32> to vector<16xf32>
        %get3A_143 = arith.index_cast %scan3A_39 : i32 to index
        %get3A_144 = arith.constant 96 : index
        %get3A_145 = tpu.vector_load %arg12[%get3A_143, %get3A_144] {strides = array<i32>} : memref<128x128xf32, #tpu.memory_space<vmem>>, vector<1x16xf32>,
        %get3A_146 = vector.shape_cast %get3A_145 : vector<1x16xf32> to vector<16xf32>
        %add3A_147 = arith.addf %get3A_142, %get3A_146 : vector<16xf32>
        %max3A_148 = arith.constant 0.000000e+00 : f32
        %max3A_149 = vector.broadcast %max3A_148 : f32 to vector<16xf32>
        %max3A_150 = arith.maximumf %add3A_147, %max3A_149 : vector<16xf32>
        %swap3A_151 = arith.index_cast %scan3A_39 : i32 to index
        %swap3A_152 = arith.constant 96 : index
        %swap3A_153 = tpu.vector_load %arg11[%swap3A_151, %swap3A_152] {strides = array<i32>} : memref<128x128xf32, #tpu.memory_space<vmem>>, vector<1x16xf32>,
        %swap3A_154 = vector.shape_cast %swap3A_153 : vector<1x16xf32> to vector<16xf32>
        %swap3A_155 = vector.shape_cast %max3A_150 : vector<16xf32> to vector<1x16xf32>
        tpu.vector_store %arg11[%swap3A_151, %swap3A_152], %swap3A_155 {strides = array<i32>} : memref<128x128xf32, #tpu.memory_space<vmem>>, vector<1x16xf32>,
        %get3A_156 = arith.index_cast %scan3A_39 : i32 to index
        %get3A_157 = arith.constant 112 : index
        %get3A_158 = tpu.vector_load %arg11[%get3A_156, %get3A_157] {strides = array<i32>} : memref<128x128xf32, #tpu.memory_space<vmem>>, vector<1x16xf32>,
        %get3A_159 = vector.shape_cast %get3A_158 : vector<1x16xf32> to vector<16xf32>
        %get3A_160 = arith.index_cast %scan3A_39 : i32 to index
        %get3A_161 = arith.constant 112 : index
        %get3A_162 = tpu.vector_load %arg12[%get3A_160, %get3A_161] {strides = array<i32>} : memref<128x128xf32, #tpu.memory_space<vmem>>, vector<1x16xf32>,
        %get3A_163 = vector.shape_cast %get3A_162 : vector<1x16xf32> to vector<16xf32>
        %add3A_164 = arith.addf %get3A_159, %get3A_163 : vector<16xf32>
        %max3A_165 = arith.constant 0.000000e+00 : f32
        %max3A_166 = vector.broadcast %max3A_165 : f32 to vector<16xf32>
        %max3A_167 = arith.maximumf %add3A_164, %max3A_166 : vector<16xf32>
        %swap3A_168 = arith.index_cast %scan3A_39 : i32 to index
        %swap3A_169 = arith.constant 112 : index
        %swap3A_170 = tpu.vector_load %arg11[%swap3A_168, %swap3A_169] {strides = array<i32>} : memref<128x128xf32, #tpu.memory_space<vmem>>, vector<1x16xf32>,
        %swap3A_171 = vector.shape_cast %swap3A_170 : vector<1x16xf32> to vector<16xf32>
        %swap3A_172 = vector.shape_cast %max3A_167 : vector<16xf32> to vector<1x16xf32>
        tpu.vector_store %arg11[%swap3A_168, %swap3A_169], %swap3A_172 {strides = array<i32>} : memref<128x128xf32, #tpu.memory_space<vmem>>, vector<1x16xf32>,
      }
      %scan3A_38 = arith.constant 128 : i32
      "tpu.region"() ({
        %run_scoped3A = tpu.sem_alloc : memref<!tpu.dma_semaphore, #tpu.memory_space<semaphore_mem>>
        %dma_start3A_39 = arith.constant 0 : i32
        %dma_start3A_40 = arith.constant 0 : i32
        %dma_start3A_41 = tpu.memref_slice %arg8[%dma_start3A_39, %dma_start3A_40] : memref<10008x128xf32, #tpu.memory_space<vmem_shared>> -> memref<10008x128xf32, #tpu.memory_space<vmem_shared>>
        tpu.enqueue_indirect_dma source(%arg11 : memref<128x128xf32, #tpu.memory_space<vmem>>) target(%dma_start3A_41 : memref<10008x128xf32, #tpu.memory_space<vmem_shared>>) offsets(%arg10 : memref<128xi32, #tpu.memory_space<vmem>>) semaphore(%run_scoped3A : memref<!tpu.dma_semaphore, #tpu.memory_space<semaphore_mem>>) {add = true}
        %dma_wait3A_42 = arith.constant 0 : i32
        %dma_wait3A_43 = arith.constant 0 : i32
        %dma_wait3A_44 = tpu.memref_slice %arg8[%dma_wait3A_42, %dma_wait3A_43] : memref<10008x128xf32, #tpu.memory_space<vmem_shared>> -> memref<10008x128xf32, #tpu.memory_space<vmem_shared>>
        tpu.wait_indirect_dma semaphore(%run_scoped3A : memref<!tpu.dma_semaphore, #tpu.memory_space<semaphore_mem>>) src(%arg11 : memref<128x128xf32, #tpu.memory_space<vmem>>) dst(%dma_wait3A_44 : memref<10008x128xf32, #tpu.memory_space<vmem_shared>>)
        tpu.yield
      }) : () -> ()
    }
    %scan3A_13 = arith.constant 79 : i32
    %barrier3A_14 = arith.constant 0 : index
    tpu.barrier barrier_id(%barrier3A_14)
    %lt3A_15 = arith.constant 15 : i32
    %lt3A_16 = arith.cmpi slt, %arg1, %lt3A_15 : i32
    %convert_element_type3A_17 = arith.extui %lt3A_16 : i1 to i32
    %cond3A_18 = arith.constant 0 : i32
    %cond3A_19 = arith.cmpi ne, %convert_element_type3A_17, %cond3A_18 : i32
    scf.if %cond3A_19 {
      %mul3A_25 = arith.constant 632 : i32
      %mul3A_26 = arith.muli %arg1, %mul3A_25 : i32
      %mul3A_27 = arith.constant 10000 : i32
      %mul3A_28 = arith.muli %arg0, %mul3A_27 : i32
      %add3A_29 = arith.addi %mul3A_28, %mul3A_26 : i32
      "tpu.region"() ({
        %run_scoped3A = tpu.sem_alloc : memref<!tpu.dma_semaphore, #tpu.memory_space<semaphore_mem>>
        %dma_start3A = arith.constant 0 : i32
        %dma_start3A_30 = tpu.memref_slice %arg7[%add3A_29, %dma_start3A] : memref<20000x128xf32, #tpu.memory_space<hbm>> -> memref<632x128xf32, #tpu.memory_space<hbm>>
        %dma_start3A_31 = arith.constant 0 : i32
        %dma_start3A_32 = tpu.memref_slice %arg8[%mul3A_26, %dma_start3A_31] : memref<10008x128xf32, #tpu.memory_space<vmem_shared>> -> memref<632x128xf32, #tpu.memory_space<vmem_shared>>
        tpu.enqueue_dma source(%dma_start3A_32 : memref<632x128xf32, #tpu.memory_space<vmem_shared>>) target(%dma_start3A_30 : memref<632x128xf32, #tpu.memory_space<hbm>>) target_semaphore(%run_scoped3A : memref<!tpu.dma_semaphore, #tpu.memory_space<semaphore_mem>>)
        %dma_wait3A = arith.constant 0 : i32
        %dma_wait3A_33 = tpu.memref_slice %arg7[%add3A_29, %dma_wait3A] : memref<20000x128xf32, #tpu.memory_space<hbm>> -> memref<632x128xf32, #tpu.memory_space<hbm>>
        %dma_wait3A_34 = arith.constant 0 : i32
        %dma_wait3A_35 = tpu.memref_slice %arg8[%mul3A_26, %dma_wait3A_34] : memref<10008x128xf32, #tpu.memory_space<vmem_shared>> -> memref<632x128xf32, #tpu.memory_space<vmem_shared>>
        tpu.wait_dma2 semaphore(%run_scoped3A : memref<!tpu.dma_semaphore, #tpu.memory_space<semaphore_mem>>) src(%dma_wait3A_35 : memref<632x128xf32, #tpu.memory_space<vmem_shared>>) dst(%dma_wait3A_33 : memref<632x128xf32, #tpu.memory_space<hbm>>)
        tpu.yield
      }) : () -> ()
    } else {
    }
    %eq3A_20 = arith.constant 15 : i32
    %eq3A_21 = arith.cmpi eq, %arg1, %eq3A_20 : i32
    %convert_element_type3A_22 = arith.extui %eq3A_21 : i1 to i32
    %cond3A_23 = arith.constant 0 : i32
    %cond3A_24 = arith.cmpi ne, %convert_element_type3A_22, %cond3A_23 : i32
    scf.if %cond3A_24 {
      %mul3A_25 = arith.constant 10000 : i32
      %mul3A_26 = arith.muli %arg0, %mul3A_25 : i32
      %add3A_27 = arith.constant 9480 : i32
      %add3A_28 = arith.addi %mul3A_26, %add3A_27 : i32
      "tpu.region"() ({
        %run_scoped3A = tpu.sem_alloc : memref<!tpu.dma_semaphore, #tpu.memory_space<semaphore_mem>>
        %dma_start3A = arith.constant 0 : i32
        %dma_start3A_29 = tpu.memref_slice %arg7[%add3A_28, %dma_start3A] : memref<20000x128xf32, #tpu.memory_space<hbm>> -> memref<520x128xf32, #tpu.memory_space<hbm>>
        %dma_start3A_30 = arith.constant 9480 : i32
        %dma_start3A_31 = arith.constant 0 : i32
        %dma_start3A_32 = tpu.memref_slice %arg8[%dma_start3A_30, %dma_start3A_31] : memref<10008x128xf32, #tpu.memory_space<vmem_shared>> -> memref<520x128xf32, #tpu.memory_space<vmem_shared>>
        tpu.enqueue_dma source(%dma_start3A_32 : memref<520x128xf32, #tpu.memory_space<vmem_shared>>) target(%dma_start3A_29 : memref<520x128xf32, #tpu.memory_space<hbm>>) target_semaphore(%run_scoped3A : memref<!tpu.dma_semaphore, #tpu.memory_space<semaphore_mem>>)
        %dma_wait3A = arith.constant 0 : i32
        %dma_wait3A_33 = tpu.memref_slice %arg7[%add3A_28, %dma_wait3A] : memref<20000x128xf32, #tpu.memory_space<hbm>> -> memref<520x128xf32, #tpu.memory_space<hbm>>
        %dma_wait3A_34 = arith.constant 9480 : i32
        %dma_wait3A_35 = arith.constant 0 : i32
        %dma_wait3A_36 = tpu.memref_slice %arg8[%dma_wait3A_34, %dma_wait3A_35] : memref<10008x128xf32, #tpu.memory_space<vmem_shared>> -> memref<520x128xf32, #tpu.memory_space<vmem_shared>>
        tpu.wait_dma2 semaphore(%run_scoped3A : memref<!tpu.dma_semaphore, #tpu.memory_space<semaphore_mem>>) src(%dma_wait3A_36 : memref<520x128xf32, #tpu.memory_space<vmem_shared>>) dst(%dma_wait3A_33 : memref<520x128xf32, #tpu.memory_space<hbm>>)
        tpu.yield
      }) : () -> ()
    } else {
    }
    return
  }
}

module attributes {stable_mosaic.version = 14 : i64} {
  func.func @_pre_body(%arg0: i32, %arg1: memref<2000x128xf32, #tpu.memory_space<vmem>>, %arg2: memref<2000x8xf32, #tpu.memory_space<vmem>>, %arg3: memref<128x128xf32, #tpu.memory_space<vmem>>, %arg4: memref<8x128xf32, #tpu.memory_space<vmem>>, %arg5: memref<1x128xf32, #tpu.memory_space<vmem>>, %arg6: memref<128x128xf32, #tpu.memory_space<vmem>>, %arg7: memref<1x128xf32, #tpu.memory_space<vmem>>, %arg8: memref<8x64xf32, #tpu.memory_space<vmem>>, %arg9: memref<128x128xf32, #tpu.memory_space<vmem>>, %arg10: memref<1x128xf32, #tpu.memory_space<vmem>>, %arg11: memref<128x8xf32, #tpu.memory_space<vmem>>, %arg12: memref<1x8xf32, #tpu.memory_space<vmem>>, %arg13: memref<128x128xf32, #tpu.memory_space<vmem>>, %arg14: memref<1x128xf32, #tpu.memory_space<vmem>>, %arg15: memref<2000x128xf32, #tpu.memory_space<vmem>>, %arg16: memref<2000x128xf32, #tpu.memory_space<vmem>>, %arg17: memref<2000x128xf32, #tpu.memory_space<vmem>>, %arg18: memref<2000x8xf32, #tpu.memory_space<vmem>>) attributes {dimension_semantics = [#tpu.dimension_semantics<arbitrary>], iteration_bounds = array<i64: 5>, scalar_prefetch = 0 : i64, scratch_operands = 0 : i64, tpu.core_type = #tpu.core_type<tc>, window_params = [{transform_indices = @transform_0, window_bounds = array<i64: 2000, 128>}, {transform_indices = @transform_1, window_bounds = array<i64: 2000, 8>}, {pipeline_mode = #tpu.pipeline_mode<synchronous>, transform_indices = @transform_2, window_bounds = array<i64: 128, 128>}, {pipeline_mode = #tpu.pipeline_mode<synchronous>, transform_indices = @transform_3, window_bounds = array<i64: 8, 128>}, {pipeline_mode = #tpu.pipeline_mode<synchronous>, transform_indices = @transform_4, window_bounds = array<i64: 1, 128>}, {pipeline_mode = #tpu.pipeline_mode<synchronous>, transform_indices = @transform_5, window_bounds = array<i64: 128, 128>}, {pipeline_mode = #tpu.pipeline_mode<synchronous>, transform_indices = @transform_6, window_bounds = array<i64: 1, 128>}, {pipeline_mode = #tpu.pipeline_mode<synchronous>, transform_indices = @transform_7, window_bounds = array<i64: 8, 64>}, {pipeline_mode = #tpu.pipeline_mode<synchronous>, transform_indices = @transform_8, window_bounds = array<i64: 128, 128>}, {pipeline_mode = #tpu.pipeline_mode<synchronous>, transform_indices = @transform_9, window_bounds = array<i64: 1, 128>}, {pipeline_mode = #tpu.pipeline_mode<synchronous>, transform_indices = @transform_10, window_bounds = array<i64: 128, 8>}, {pipeline_mode = #tpu.pipeline_mode<synchronous>, transform_indices = @transform_11, window_bounds = array<i64: 1, 8>}, {pipeline_mode = #tpu.pipeline_mode<synchronous>, transform_indices = @transform_12, window_bounds = array<i64: 128, 128>}, {pipeline_mode = #tpu.pipeline_mode<synchronous>, transform_indices = @transform_13, window_bounds = array<i64: 1, 128>}, {transform_indices = @transform_14, window_bounds = array<i64: 2000, 128>}, {transform_indices = @transform_15, window_bounds = array<i64: 2000, 128>}, {transform_indices = @transform_16, window_bounds = array<i64: 2000, 128>}, {transform_indices = @transform_17, window_bounds = array<i64: 2000, 8>}]} {
    %get3A = arith.constant 0 : index
    %get3A_0 = arith.constant 0 : index
    %get3A_1 = vector.load %arg1[%get3A, %get3A_0] : memref<2000x128xf32, #tpu.memory_space<vmem>>, vector<2000x128xf32>
    %get3A_2 = arith.constant 0 : index
    %get3A_3 = arith.constant 0 : index
    %get3A_4 = vector.load %arg2[%get3A_2, %get3A_3] : memref<2000x8xf32, #tpu.memory_space<vmem>>, vector<2000x8xf32>
    %get3A_5 = arith.constant 0 : index
    %get3A_6 = arith.constant 0 : index
    %get3A_7 = vector.load %arg3[%get3A_5, %get3A_6] : memref<128x128xf32, #tpu.memory_space<vmem>>, vector<128x128xf32>
    %dot_general3A = arith.constant dense<0.000000e+00> : vector<2000x128xf32>
    %dot_general3A_8 = tpu.matmul %get3A_1, %get3A_7, %dot_general3A {dimension_numbers = #tpu.dot_dimension_numbers<[1], [0], [0], [1], [0, 0, 1, 1], [], []>, transpose_lhs_hint = false} : vector<2000x128xf32>, vector<128x128xf32>, vector<2000x128xf32> -> vector<2000x128xf32>
    %get3A_9 = arith.constant 0 : index
    %get3A_10 = arith.constant 0 : index
    %get3A_11 = vector.load %arg4[%get3A_9, %get3A_10] : memref<8x128xf32, #tpu.memory_space<vmem>>, vector<8x128xf32>
    %dot_general3A_12 = arith.constant dense<0.000000e+00> : vector<2000x128xf32>
    %dot_general3A_13 = tpu.matmul %get3A_4, %get3A_11, %dot_general3A_12 {dimension_numbers = #tpu.dot_dimension_numbers<[1], [0], [0], [1], [0, 0, 1, 1], [], []>, transpose_lhs_hint = false} : vector<2000x8xf32>, vector<8x128xf32>, vector<2000x128xf32> -> vector<2000x128xf32>
    %add3A = arith.addf %dot_general3A_8, %dot_general3A_13 : vector<2000x128xf32>
    %get3A_14 = arith.constant 0 : index
    %get3A_15 = arith.constant 0 : index
    %get3A_16 = vector.load %arg5[%get3A_14, %get3A_15] : memref<1x128xf32, #tpu.memory_space<vmem>>, vector<1x128xf32>
    %add3A_17 = vector.broadcast %get3A_16 : vector<1x128xf32> to vector<2000x128xf32>
    %add3A_18 = arith.addf %add3A, %add3A_17 : vector<2000x128xf32>
    %ge3A = arith.constant 0.000000e+00 : f32
    %ge3A_19 = vector.broadcast %ge3A : f32 to vector<2000x128xf32>
    %ge3A_20 = arith.cmpf oge, %add3A_18, %ge3A_19 : vector<2000x128xf32>
    %mul3A = arith.constant 0.00999999977 : f32
    %mul3A_21 = vector.broadcast %mul3A : f32 to vector<2000x128xf32>
    %mul3A_22 = arith.mulf %mul3A_21, %add3A_18 : vector<2000x128xf32>
    %select_n3A = arith.select %ge3A_20, %add3A_18, %mul3A_22 : vector<2000x128xi1>, vector<2000x128xf32>
    %get3A_23 = arith.constant 0 : index
    %get3A_24 = arith.constant 0 : index
    %get3A_25 = vector.load %arg6[%get3A_23, %get3A_24] : memref<128x128xf32, #tpu.memory_space<vmem>>, vector<128x128xf32>
    %dot_general3A_26 = arith.constant dense<0.000000e+00> : vector<2000x128xf32>
    %dot_general3A_27 = tpu.matmul %select_n3A, %get3A_25, %dot_general3A_26 {dimension_numbers = #tpu.dot_dimension_numbers<[1], [0], [0], [1], [0, 0, 1, 1], [], []>, transpose_lhs_hint = false} : vector<2000x128xf32>, vector<128x128xf32>, vector<2000x128xf32> -> vector<2000x128xf32>
    %get3A_28 = arith.constant 0 : index
    %get3A_29 = arith.constant 0 : index
    %get3A_30 = vector.load %arg7[%get3A_28, %get3A_29] : memref<1x128xf32, #tpu.memory_space<vmem>>, vector<1x128xf32>
    %add3A_31 = vector.broadcast %get3A_30 : vector<1x128xf32> to vector<2000x128xf32>
    %add3A_32 = arith.addf %dot_general3A_27, %add3A_31 : vector<2000x128xf32>
    %ge3A_33 = arith.constant 0.000000e+00 : f32
    %ge3A_34 = vector.broadcast %ge3A_33 : f32 to vector<2000x128xf32>
    %ge3A_35 = arith.cmpf oge, %add3A_32, %ge3A_34 : vector<2000x128xf32>
    %mul3A_36 = arith.constant 0.00999999977 : f32
    %mul3A_37 = vector.broadcast %mul3A_36 : f32 to vector<2000x128xf32>
    %mul3A_38 = arith.mulf %mul3A_37, %add3A_32 : vector<2000x128xf32>
    %select_n3A_39 = arith.select %ge3A_35, %add3A_32, %mul3A_38 : vector<2000x128xi1>, vector<2000x128xf32>
    %swap3A = arith.constant 0 : index
    %swap3A_40 = arith.constant 0 : index
    %swap3A_41 = vector.load %arg15[%swap3A, %swap3A_40] : memref<2000x128xf32, #tpu.memory_space<vmem>>, vector<2000x128xf32>
    tpu.vector_store %arg15[%swap3A, %swap3A_40], %select_n3A_39 {strides = array<i32>} : memref<2000x128xf32, #tpu.memory_space<vmem>>, vector<2000x128xf32>,
    %get3A_42 = arith.constant 0 : index
    %get3A_43 = arith.constant 0 : index
    %get3A_44 = vector.load %arg8[%get3A_42, %get3A_43] : memref<8x64xf32, #tpu.memory_space<vmem>>, vector<8x64xf32>
    %dot_general3A_45 = arith.constant dense<0.000000e+00> : vector<2000x64xf32>
    %dot_general3A_46 = tpu.matmul %get3A_4, %get3A_44, %dot_general3A_45 {dimension_numbers = #tpu.dot_dimension_numbers<[1], [0], [0], [1], [0, 0, 1, 1], [], []>, transpose_lhs_hint = false} : vector<2000x8xf32>, vector<8x64xf32>, vector<2000x64xf32> -> vector<2000x64xf32>
    %mul3A_47 = arith.constant 6.28318548 : f32
    %mul3A_48 = vector.broadcast %mul3A_47 : f32 to vector<2000x64xf32>
    %mul3A_49 = arith.mulf %mul3A_48, %dot_general3A_46 : vector<2000x64xf32>
    %cos3A = math.cos %mul3A_49 : vector<2000x64xf32>
    %sin3A = math.sin %mul3A_49 : vector<2000x64xf32>
    %concatenate3A = tpu.concatenate %cos3A, %sin3A in 1 : vector<2000x64xf32>, vector<2000x64xf32> -> vector<2000x128xf32>
    %swap3A_50 = arith.constant 0 : index
    %swap3A_51 = arith.constant 0 : index
    %swap3A_52 = vector.load %arg16[%swap3A_50, %swap3A_51] : memref<2000x128xf32, #tpu.memory_space<vmem>>, vector<2000x128xf32>
    tpu.vector_store %arg16[%swap3A_50, %swap3A_51], %concatenate3A {strides = array<i32>} : memref<2000x128xf32, #tpu.memory_space<vmem>>, vector<2000x128xf32>,
    %get3A_53 = arith.constant 0 : index
    %get3A_54 = arith.constant 0 : index
    %get3A_55 = vector.load %arg9[%get3A_53, %get3A_54] : memref<128x128xf32, #tpu.memory_space<vmem>>, vector<128x128xf32>
    %dot_general3A_56 = arith.constant dense<0.000000e+00> : vector<2000x128xf32>
    %dot_general3A_57 = tpu.matmul %concatenate3A, %get3A_55, %dot_general3A_56 {dimension_numbers = #tpu.dot_dimension_numbers<[1], [0], [0], [1], [0, 0, 1, 1], [], []>, transpose_lhs_hint = false} : vector<2000x128xf32>, vector<128x128xf32>, vector<2000x128xf32> -> vector<2000x128xf32>
    %get3A_58 = arith.constant 0 : index
    %get3A_59 = arith.constant 0 : index
    %get3A_60 = vector.load %arg10[%get3A_58, %get3A_59] : memref<1x128xf32, #tpu.memory_space<vmem>>, vector<1x128xf32>
    %add3A_61 = vector.broadcast %get3A_60 : vector<1x128xf32> to vector<2000x128xf32>
    %add3A_62 = arith.addf %dot_general3A_57, %add3A_61 : vector<2000x128xf32>
    %max3A = arith.constant 0.000000e+00 : f32
    %max3A_63 = vector.broadcast %max3A : f32 to vector<2000x128xf32>
    %max3A_64 = arith.maximumf %add3A_62, %max3A_63 : vector<2000x128xf32>
    %get3A_65 = arith.constant 0 : index
    %get3A_66 = arith.constant 0 : index
    %get3A_67 = vector.load %arg11[%get3A_65, %get3A_66] : memref<128x8xf32, #tpu.memory_space<vmem>>, vector<128x8xf32>
    %dot_general3A_68 = arith.constant dense<0.000000e+00> : vector<2000x8xf32>
    %dot_general3A_69 = tpu.matmul %max3A_64, %get3A_67, %dot_general3A_68 {dimension_numbers = #tpu.dot_dimension_numbers<[1], [0], [0], [1], [0, 0, 1, 1], [], []>, transpose_lhs_hint = false} : vector<2000x128xf32>, vector<128x8xf32>, vector<2000x8xf32> -> vector<2000x8xf32>
    %get3A_70 = arith.constant 0 : index
    %get3A_71 = arith.constant 0 : index
    %get3A_72 = vector.load %arg12[%get3A_70, %get3A_71] : memref<1x8xf32, #tpu.memory_space<vmem>>, vector<1x8xf32>
    %add3A_73 = vector.broadcast %get3A_72 : vector<1x8xf32> to vector<2000x8xf32>
    %add3A_74 = arith.addf %dot_general3A_69, %add3A_73 : vector<2000x8xf32>
    %tanh3A = math.tanh %add3A_74 : vector<2000x8xf32>
    %swap3A_75 = arith.constant 0 : index
    %swap3A_76 = arith.constant 0 : index
    %swap3A_77 = vector.load %arg18[%swap3A_75, %swap3A_76] : memref<2000x8xf32, #tpu.memory_space<vmem>>, vector<2000x8xf32>
    tpu.vector_store %arg18[%swap3A_75, %swap3A_76], %tanh3A {strides = array<i32>} : memref<2000x8xf32, #tpu.memory_space<vmem>>, vector<2000x8xf32>,
    %get3A_78 = arith.constant 0 : index
    %get3A_79 = arith.constant 0 : index
    %get3A_80 = vector.load %arg13[%get3A_78, %get3A_79] : memref<128x128xf32, #tpu.memory_space<vmem>>, vector<128x128xf32>
    %dot_general3A_81 = arith.constant dense<0.000000e+00> : vector<2000x128xf32>
    %dot_general3A_82 = tpu.matmul %concatenate3A, %get3A_80, %dot_general3A_81 {dimension_numbers = #tpu.dot_dimension_numbers<[1], [0], [0], [1], [0, 0, 1, 1], [], []>, transpose_lhs_hint = false} : vector<2000x128xf32>, vector<128x128xf32>, vector<2000x128xf32> -> vector<2000x128xf32>
    %get3A_83 = arith.constant 0 : index
    %get3A_84 = arith.constant 0 : index
    %get3A_85 = vector.load %arg14[%get3A_83, %get3A_84] : memref<1x128xf32, #tpu.memory_space<vmem>>, vector<1x128xf32>
    %add3A_86 = vector.broadcast %get3A_85 : vector<1x128xf32> to vector<2000x128xf32>
    %add3A_87 = arith.addf %dot_general3A_82, %add3A_86 : vector<2000x128xf32>
    %swap3A_88 = arith.constant 0 : index
    %swap3A_89 = arith.constant 0 : index
    %swap3A_90 = vector.load %arg17[%swap3A_88, %swap3A_89] : memref<2000x128xf32, #tpu.memory_space<vmem>>, vector<2000x128xf32>
    tpu.vector_store %arg17[%swap3A_88, %swap3A_89], %add3A_87 {strides = array<i32>} : memref<2000x128xf32, #tpu.memory_space<vmem>>, vector<2000x128xf32>,
    return
  }
  func.func @transform_0(%arg0: i32) -> (i32, i32) {
    %c0_i32 = arith.constant 0 : i32
    %c0_i32_0 = arith.constant 0 : i32
    return %arg0, %c0_i32 : i32, i32
  }
  func.func @transform_1(%arg0: i32) -> (i32, i32) {
    %c0_i32 = arith.constant 0 : i32
    %c0_i32_0 = arith.constant 0 : i32
    return %arg0, %c0_i32 : i32, i32
  }
  func.func @transform_2(%arg0: i32) -> (i32, i32) {
    %c0_i32 = arith.constant 0 : i32
    %c0_i32_0 = arith.constant 0 : i32
    %c0_i32_1 = arith.constant 0 : i32
    return %c0_i32, %c0_i32_0 : i32, i32
  }
  func.func @transform_3(%arg0: i32) -> (i32, i32) {
    %c0_i32 = arith.constant 0 : i32
    %c0_i32_0 = arith.constant 0 : i32
    %c0_i32_1 = arith.constant 0 : i32
    return %c0_i32, %c0_i32_0 : i32, i32
  }
  func.func @transform_4(%arg0: i32) -> (i32, i32) {
    %c0_i32 = arith.constant 0 : i32
    %c0_i32_0 = arith.constant 0 : i32
    %c0_i32_1 = arith.constant 0 : i32
    return %c0_i32, %c0_i32_0 : i32, i32
  }
  func.func @transform_5(%arg0: i32) -> (i32, i32) {
    %c0_i32 = arith.constant 0 : i32
    %c0_i32_0 = arith.constant 0 : i32
    %c0_i32_1 = arith.constant 0 : i32
    return %c0_i32, %c0_i32_0 : i32, i32
  }
  func.func @transform_6(%arg0: i32) -> (i32, i32) {
    %c0_i32 = arith.constant 0 : i32
    %c0_i32_0 = arith.constant 0 : i32
    %c0_i32_1 = arith.constant 0 : i32
    return %c0_i32, %c0_i32_0 : i32, i32
  }
  func.func @transform_7(%arg0: i32) -> (i32, i32) {
    %c0_i32 = arith.constant 0 : i32
    %c0_i32_0 = arith.constant 0 : i32
    %c0_i32_1 = arith.constant 0 : i32
    return %c0_i32, %c0_i32_0 : i32, i32
  }
  func.func @transform_8(%arg0: i32) -> (i32, i32) {
    %c0_i32 = arith.constant 0 : i32
    %c0_i32_0 = arith.constant 0 : i32
    %c0_i32_1 = arith.constant 0 : i32
    return %c0_i32, %c0_i32_0 : i32, i32
  }
  func.func @transform_9(%arg0: i32) -> (i32, i32) {
    %c0_i32 = arith.constant 0 : i32
    %c0_i32_0 = arith.constant 0 : i32
    %c0_i32_1 = arith.constant 0 : i32
    return %c0_i32, %c0_i32_0 : i32, i32
  }
  func.func @transform_10(%arg0: i32) -> (i32, i32) {
    %c0_i32 = arith.constant 0 : i32
    %c0_i32_0 = arith.constant 0 : i32
    %c0_i32_1 = arith.constant 0 : i32
    return %c0_i32, %c0_i32_0 : i32, i32
  }
  func.func @transform_11(%arg0: i32) -> (i32, i32) {
    %c0_i32 = arith.constant 0 : i32
    %c0_i32_0 = arith.constant 0 : i32
    %c0_i32_1 = arith.constant 0 : i32
    return %c0_i32, %c0_i32_0 : i32, i32
  }
  func.func @transform_12(%arg0: i32) -> (i32, i32) {
    %c0_i32 = arith.constant 0 : i32
    %c0_i32_0 = arith.constant 0 : i32
    %c0_i32_1 = arith.constant 0 : i32
    return %c0_i32, %c0_i32_0 : i32, i32
  }
  func.func @transform_13(%arg0: i32) -> (i32, i32) {
    %c0_i32 = arith.constant 0 : i32
    %c0_i32_0 = arith.constant 0 : i32
    %c0_i32_1 = arith.constant 0 : i32
    return %c0_i32, %c0_i32_0 : i32, i32
  }
  func.func @transform_14(%arg0: i32) -> (i32, i32) {
    %c0_i32 = arith.constant 0 : i32
    %c0_i32_0 = arith.constant 0 : i32
    return %arg0, %c0_i32 : i32, i32
  }
  func.func @transform_15(%arg0: i32) -> (i32, i32) {
    %c0_i32 = arith.constant 0 : i32
    %c0_i32_0 = arith.constant 0 : i32
    return %arg0, %c0_i32 : i32, i32
  }
  func.func @transform_16(%arg0: i32) -> (i32, i32) {
    %c0_i32 = arith.constant 0 : i32
    %c0_i32_0 = arith.constant 0 : i32
    return %arg0, %c0_i32 : i32, i32
  }
  func.func @transform_17(%arg0: i32) -> (i32, i32) {
    %c0_i32 = arith.constant 0 : i32
    %c0_i32_0 = arith.constant 0 : i32
    return %arg0, %c0_i32 : i32, i32
  }
}

module attributes {stable_mosaic.version = 14 : i64} {
  func.func @_pe_body(%arg0: i32, %arg1: memref<4096x8xf32, #tpu.memory_space<vmem>>, %arg2: memref<8x128xf32, #tpu.memory_space<vmem>>, %arg3: memref<4096x128xf32, #tpu.memory_space<vmem>>) attributes {dimension_semantics = [#tpu.dimension_semantics<arbitrary>], iteration_bounds = array<i64: 79>, scalar_prefetch = 0 : i64, scratch_operands = 0 : i64, tpu.core_type = #tpu.core_type<tc>, window_params = [{transform_indices = @transform_0, window_bounds = array<i64: 4096, 8>}, {pipeline_mode = #tpu.pipeline_mode<synchronous>, transform_indices = @transform_1, window_bounds = array<i64: 8, 128>}, {transform_indices = @transform_2, window_bounds = array<i64: 4096, 128>}]} {
    %get3A = arith.constant 0 : index
    %get3A_0 = arith.constant 0 : index
    %get3A_1 = vector.load %arg1[%get3A, %get3A_0] : memref<4096x8xf32, #tpu.memory_space<vmem>>, vector<4096x8xf32>
    %get3A_2 = arith.constant 0 : index
    %get3A_3 = arith.constant 0 : index
    %get3A_4 = vector.load %arg2[%get3A_2, %get3A_3] : memref<8x128xf32, #tpu.memory_space<vmem>>, vector<8x128xf32>
    %dot_general3A = arith.constant dense<0.000000e+00> : vector<4096x128xf32>
    %dot_general3A_5 = tpu.matmul %get3A_1, %get3A_4, %dot_general3A {dimension_numbers = #tpu.dot_dimension_numbers<[1], [0], [0], [1], [0, 0, 1, 1], [], []>, transpose_lhs_hint = false} : vector<4096x8xf32>, vector<8x128xf32>, vector<4096x128xf32> -> vector<4096x128xf32>
    %swap3A = arith.constant 0 : index
    %swap3A_6 = arith.constant 0 : index
    %swap3A_7 = vector.load %arg3[%swap3A, %swap3A_6] : memref<4096x128xf32, #tpu.memory_space<vmem>>, vector<4096x128xf32>
    tpu.vector_store %arg3[%swap3A, %swap3A_6], %dot_general3A_5 {strides = array<i32>} : memref<4096x128xf32, #tpu.memory_space<vmem>>, vector<4096x128xf32>,
    return
  }
  func.func @transform_0(%arg0: i32) -> (i32, i32) {
    %c0_i32 = arith.constant 0 : i32
    %c0_i32_0 = arith.constant 0 : i32
    return %arg0, %c0_i32 : i32, i32
  }
  func.func @transform_1(%arg0: i32) -> (i32, i32) {
    %c0_i32 = arith.constant 0 : i32
    %c0_i32_0 = arith.constant 0 : i32
    %c0_i32_1 = arith.constant 0 : i32
    return %c0_i32, %c0_i32_0 : i32, i32
  }
  func.func @transform_2(%arg0: i32) -> (i32, i32) {
    %c0_i32 = arith.constant 0 : i32
    %c0_i32_0 = arith.constant 0 : i32
    return %arg0, %c0_i32 : i32, i32
  }
}

module attributes {stable_mosaic.version = 14 : i64} {
  func.func @_mida_body(%arg0: i32, %arg1: memref<2000x128xf32, #tpu.memory_space<vmem>>, %arg2: memref<2000x128xf32, #tpu.memory_space<vmem>>, %arg3: memref<2000x128xf32, #tpu.memory_space<vmem>>, %arg4: memref<128x128xf32, #tpu.memory_space<vmem>>, %arg5: memref<1x128xf32, #tpu.memory_space<vmem>>, %arg6: memref<128x128xf32, #tpu.memory_space<vmem>>, %arg7: memref<1x128xf32, #tpu.memory_space<vmem>>, %arg8: memref<2000x128xf32, #tpu.memory_space<vmem>>, %arg9: memref<8x128xf32, #tpu.memory_space<vmem>>) attributes {dimension_semantics = [#tpu.dimension_semantics<arbitrary>], iteration_bounds = array<i64: 5>, scalar_prefetch = 0 : i64, scratch_operands = 0 : i64, tpu.core_type = #tpu.core_type<tc>, window_params = [{transform_indices = @transform_0, window_bounds = array<i64: 2000, 128>}, {transform_indices = @transform_1, window_bounds = array<i64: 2000, 128>}, {transform_indices = @transform_2, window_bounds = array<i64: 2000, 128>}, {pipeline_mode = #tpu.pipeline_mode<synchronous>, transform_indices = @transform_3, window_bounds = array<i64: 128, 128>}, {pipeline_mode = #tpu.pipeline_mode<synchronous>, transform_indices = @transform_4, window_bounds = array<i64: 1, 128>}, {pipeline_mode = #tpu.pipeline_mode<synchronous>, transform_indices = @transform_5, window_bounds = array<i64: 128, 128>}, {pipeline_mode = #tpu.pipeline_mode<synchronous>, transform_indices = @transform_6, window_bounds = array<i64: 1, 128>}, {transform_indices = @transform_7, window_bounds = array<i64: 2000, 128>}, {pipeline_mode = #tpu.pipeline_mode<synchronous>, transform_indices = @transform_8, window_bounds = array<i64: 8, 128>}]} {
    %get3A = arith.constant 0 : index
    %get3A_0 = arith.constant 0 : index
    %get3A_1 = vector.load %arg1[%get3A, %get3A_0] : memref<2000x128xf32, #tpu.memory_space<vmem>>, vector<2000x128xf32>
    %get3A_2 = arith.constant 0 : index
    %get3A_3 = arith.constant 0 : index
    %get3A_4 = vector.load %arg2[%get3A_2, %get3A_3] : memref<2000x128xf32, #tpu.memory_space<vmem>>, vector<2000x128xf32>
    %add3A = arith.addf %get3A_1, %get3A_4 : vector<2000x128xf32>
    %get3A_5 = arith.constant 0 : index
    %get3A_6 = arith.constant 0 : index
    %get3A_7 = vector.load %arg4[%get3A_5, %get3A_6] : memref<128x128xf32, #tpu.memory_space<vmem>>, vector<128x128xf32>
    %dot_general3A = arith.constant dense<0.000000e+00> : vector<2000x128xf32>
    %dot_general3A_8 = tpu.matmul %add3A, %get3A_7, %dot_general3A {dimension_numbers = #tpu.dot_dimension_numbers<[1], [0], [0], [1], [0, 0, 1, 1], [], []>, transpose_lhs_hint = false} : vector<2000x128xf32>, vector<128x128xf32>, vector<2000x128xf32> -> vector<2000x128xf32>
    %get3A_9 = arith.constant 0 : index
    %get3A_10 = arith.constant 0 : index
    %get3A_11 = vector.load %arg5[%get3A_9, %get3A_10] : memref<1x128xf32, #tpu.memory_space<vmem>>, vector<1x128xf32>
    %add3A_12 = vector.broadcast %get3A_11 : vector<1x128xf32> to vector<2000x128xf32>
    %add3A_13 = arith.addf %dot_general3A_8, %add3A_12 : vector<2000x128xf32>
    %max3A = arith.constant 0.000000e+00 : f32
    %max3A_14 = vector.broadcast %max3A : f32 to vector<2000x128xf32>
    %max3A_15 = arith.maximumf %add3A_13, %max3A_14 : vector<2000x128xf32>
    %get3A_16 = arith.constant 0 : index
    %get3A_17 = arith.constant 0 : index
    %get3A_18 = vector.load %arg6[%get3A_16, %get3A_17] : memref<128x128xf32, #tpu.memory_space<vmem>>, vector<128x128xf32>
    %dot_general3A_19 = arith.constant dense<0.000000e+00> : vector<2000x128xf32>
    %dot_general3A_20 = tpu.matmul %max3A_15, %get3A_18, %dot_general3A_19 {dimension_numbers = #tpu.dot_dimension_numbers<[1], [0], [0], [1], [0, 0, 1, 1], [], []>, transpose_lhs_hint = false} : vector<2000x128xf32>, vector<128x128xf32>, vector<2000x128xf32> -> vector<2000x128xf32>
    %get3A_21 = arith.constant 0 : index
    %get3A_22 = arith.constant 0 : index
    %get3A_23 = vector.load %arg7[%get3A_21, %get3A_22] : memref<1x128xf32, #tpu.memory_space<vmem>>, vector<1x128xf32>
    %add3A_24 = vector.broadcast %get3A_23 : vector<1x128xf32> to vector<2000x128xf32>
    %add3A_25 = arith.addf %dot_general3A_20, %add3A_24 : vector<2000x128xf32>
    %get3A_26 = arith.constant 0 : index
    %get3A_27 = arith.constant 0 : index
    %get3A_28 = vector.load %arg3[%get3A_26, %get3A_27] : memref<2000x128xf32, #tpu.memory_space<vmem>>, vector<2000x128xf32>
    %add3A_29 = arith.addf %get3A_28, %add3A_25 : vector<2000x128xf32>
    %ge3A = arith.constant 0.000000e+00 : f32
    %ge3A_30 = vector.broadcast %ge3A : f32 to vector<2000x128xf32>
    %ge3A_31 = arith.cmpf oge, %add3A_29, %ge3A_30 : vector<2000x128xf32>
    %mul3A = arith.constant 2.000000e-01 : f32
    %mul3A_32 = vector.broadcast %mul3A : f32 to vector<2000x128xf32>
    %mul3A_33 = arith.mulf %mul3A_32, %add3A_29 : vector<2000x128xf32>
    %select_n3A = arith.select %ge3A_31, %add3A_29, %mul3A_33 : vector<2000x128xi1>, vector<2000x128xf32>
    %swap3A = arith.constant 0 : index
    %swap3A_34 = arith.constant 0 : index
    %swap3A_35 = vector.load %arg8[%swap3A, %swap3A_34] : memref<2000x128xf32, #tpu.memory_space<vmem>>, vector<2000x128xf32>
    tpu.vector_store %arg8[%swap3A, %swap3A_34], %select_n3A {strides = array<i32>} : memref<2000x128xf32, #tpu.memory_space<vmem>>, vector<2000x128xf32>,
    %reduce_sum3A = arith.constant dense<0.000000e+00> : vector<128xf32>
    %reduce_sum3A_36 = vector.multi_reduction <add>, %select_n3A, %reduce_sum3A [0] : vector<2000x128xf32> to vector<128xf32>
    %broadcast_in_dim3A = vector.shape_cast %reduce_sum3A_36 : vector<128xf32> to vector<1x128xf32>
    %broadcast_in_dim3A_37 = vector.shape_cast %broadcast_in_dim3A : vector<1x128xf32> to vector<1x128xf32>
    %broadcast_in_dim3A_38 = vector.broadcast %broadcast_in_dim3A_37 : vector<1x128xf32> to vector<8x128xf32>
    %eq3A = arith.constant 0 : i32
    %eq3A_39 = arith.cmpi eq, %arg0, %eq3A : i32
    %convert_element_type3A = arith.extui %eq3A_39 : i1 to i32
    %cond3A = arith.constant 0 : i32
    %cond3A_40 = arith.cmpi ne, %convert_element_type3A, %cond3A : i32
    scf.if %cond3A_40 {
      %swap3A_45 = arith.constant 0 : index
      %swap3A_46 = arith.constant 0 : index
      %swap3A_47 = vector.load %arg9[%swap3A_45, %swap3A_46] : memref<8x128xf32, #tpu.memory_space<vmem>>, vector<8x128xf32>
      tpu.vector_store %arg9[%swap3A_45, %swap3A_46], %broadcast_in_dim3A_38 {strides = array<i32>} : memref<8x128xf32, #tpu.memory_space<vmem>>, vector<8x128xf32>,
    } else {
    }
    %gt3A = arith.constant 0 : i32
    %gt3A_41 = arith.cmpi sgt, %arg0, %gt3A : i32
    %convert_element_type3A_42 = arith.extui %gt3A_41 : i1 to i32
    %cond3A_43 = arith.constant 0 : i32
    %cond3A_44 = arith.cmpi ne, %convert_element_type3A_42, %cond3A_43 : i32
    scf.if %cond3A_44 {
      %get3A_45 = arith.constant 0 : index
      %get3A_46 = arith.constant 0 : index
      %get3A_47 = vector.load %arg9[%get3A_45, %get3A_46] : memref<8x128xf32, #tpu.memory_space<vmem>>, vector<8x128xf32>
      %add3A_48 = arith.addf %get3A_47, %broadcast_in_dim3A_38 : vector<8x128xf32>
      %swap3A_49 = arith.constant 0 : index
      %swap3A_50 = arith.constant 0 : index
      %swap3A_51 = vector.load %arg9[%swap3A_49, %swap3A_50] : memref<8x128xf32, #tpu.memory_space<vmem>>, vector<8x128xf32>
      tpu.vector_store %arg9[%swap3A_49, %swap3A_50], %add3A_48 {strides = array<i32>} : memref<8x128xf32, #tpu.memory_space<vmem>>, vector<8x128xf32>,
    } else {
    }
    return
  }
  func.func @transform_0(%arg0: i32) -> (i32, i32) {
    %c0_i32 = arith.constant 0 : i32
    %c0_i32_0 = arith.constant 0 : i32
    return %arg0, %c0_i32 : i32, i32
  }
  func.func @transform_1(%arg0: i32) -> (i32, i32) {
    %c0_i32 = arith.constant 0 : i32
    %c0_i32_0 = arith.constant 0 : i32
    return %arg0, %c0_i32 : i32, i32
  }
  func.func @transform_2(%arg0: i32) -> (i32, i32) {
    %c0_i32 = arith.constant 0 : i32
    %c0_i32_0 = arith.constant 0 : i32
    return %arg0, %c0_i32 : i32, i32
  }
  func.func @transform_3(%arg0: i32) -> (i32, i32) {
    %c0_i32 = arith.constant 0 : i32
    %c0_i32_0 = arith.constant 0 : i32
    %c0_i32_1 = arith.constant 0 : i32
    return %c0_i32, %c0_i32_0 : i32, i32
  }
  func.func @transform_4(%arg0: i32) -> (i32, i32) {
    %c0_i32 = arith.constant 0 : i32
    %c0_i32_0 = arith.constant 0 : i32
    %c0_i32_1 = arith.constant 0 : i32
    return %c0_i32, %c0_i32_0 : i32, i32
  }
  func.func @transform_5(%arg0: i32) -> (i32, i32) {
    %c0_i32 = arith.constant 0 : i32
    %c0_i32_0 = arith.constant 0 : i32
    %c0_i32_1 = arith.constant 0 : i32
    return %c0_i32, %c0_i32_0 : i32, i32
  }
  func.func @transform_6(%arg0: i32) -> (i32, i32) {
    %c0_i32 = arith.constant 0 : i32
    %c0_i32_0 = arith.constant 0 : i32
    %c0_i32_1 = arith.constant 0 : i32
    return %c0_i32, %c0_i32_0 : i32, i32
  }
  func.func @transform_7(%arg0: i32) -> (i32, i32) {
    %c0_i32 = arith.constant 0 : i32
    %c0_i32_0 = arith.constant 0 : i32
    return %arg0, %c0_i32 : i32, i32
  }
  func.func @transform_8(%arg0: i32) -> (i32, i32) {
    %c0_i32 = arith.constant 0 : i32
    %c0_i32_0 = arith.constant 0 : i32
    %c0_i32_1 = arith.constant 0 : i32
    return %c0_i32, %c0_i32_0 : i32, i32
  }
}

module attributes {stable_mosaic.version = 14 : i64} {
  func.func @_var_body(%arg0: i32, %arg1: memref<2000x128xf32, #tpu.memory_space<vmem>>, %arg2: memref<8x128xf32, #tpu.memory_space<vmem>>, %arg3: memref<8x128xf32, #tpu.memory_space<vmem>>) attributes {dimension_semantics = [#tpu.dimension_semantics<arbitrary>], iteration_bounds = array<i64: 5>, scalar_prefetch = 0 : i64, scratch_operands = 0 : i64, tpu.core_type = #tpu.core_type<tc>, window_params = [{transform_indices = @transform_0, window_bounds = array<i64: 2000, 128>}, {pipeline_mode = #tpu.pipeline_mode<synchronous>, transform_indices = @transform_1, window_bounds = array<i64: 8, 128>}, {pipeline_mode = #tpu.pipeline_mode<synchronous>, transform_indices = @transform_2, window_bounds = array<i64: 8, 128>}]} {
    %get3A = arith.constant 0 : index
    %get3A_0 = arith.constant 0 : index
    %get3A_1 = vector.load %arg2[%get3A, %get3A_0] : memref<8x128xf32, #tpu.memory_space<vmem>>, vector<1x128xf32>
    %div3A = arith.constant 1.000000e+04 : f32
    %div3A_2 = vector.broadcast %div3A : f32 to vector<1x128xf32>
    %div3A_3 = arith.divf %get3A_1, %div3A_2 : vector<1x128xf32>
    %get3A_4 = arith.constant 0 : index
    %get3A_5 = arith.constant 0 : index
    %get3A_6 = vector.load %arg1[%get3A_4, %get3A_5] : memref<2000x128xf32, #tpu.memory_space<vmem>>, vector<2000x128xf32>
    %sub3A = vector.broadcast %div3A_3 : vector<1x128xf32> to vector<2000x128xf32>
    %sub3A_7 = arith.subf %get3A_6, %sub3A : vector<2000x128xf32>
    %mul3A = arith.mulf %sub3A_7, %sub3A_7 : vector<2000x128xf32>
    %reduce_sum3A = arith.constant dense<0.000000e+00> : vector<128xf32>
    %reduce_sum3A_8 = vector.multi_reduction <add>, %mul3A, %reduce_sum3A [0] : vector<2000x128xf32> to vector<128xf32>
    %broadcast_in_dim3A = vector.shape_cast %reduce_sum3A_8 : vector<128xf32> to vector<1x128xf32>
    %broadcast_in_dim3A_9 = vector.shape_cast %broadcast_in_dim3A : vector<1x128xf32> to vector<1x128xf32>
    %broadcast_in_dim3A_10 = vector.broadcast %broadcast_in_dim3A_9 : vector<1x128xf32> to vector<8x128xf32>
    %eq3A = arith.constant 0 : i32
    %eq3A_11 = arith.cmpi eq, %arg0, %eq3A : i32
    %convert_element_type3A = arith.extui %eq3A_11 : i1 to i32
    %cond3A = arith.constant 0 : i32
    %cond3A_12 = arith.cmpi ne, %convert_element_type3A, %cond3A : i32
    scf.if %cond3A_12 {
      %swap3A = arith.constant 0 : index
      %swap3A_17 = arith.constant 0 : index
      %swap3A_18 = vector.load %arg3[%swap3A, %swap3A_17] : memref<8x128xf32, #tpu.memory_space<vmem>>, vector<8x128xf32>
      tpu.vector_store %arg3[%swap3A, %swap3A_17], %broadcast_in_dim3A_10 {strides = array<i32>} : memref<8x128xf32, #tpu.memory_space<vmem>>, vector<8x128xf32>,
    } else {
    }
    %gt3A = arith.constant 0 : i32
    %gt3A_13 = arith.cmpi sgt, %arg0, %gt3A : i32
    %convert_element_type3A_14 = arith.extui %gt3A_13 : i1 to i32
    %cond3A_15 = arith.constant 0 : i32
    %cond3A_16 = arith.cmpi ne, %convert_element_type3A_14, %cond3A_15 : i32
    scf.if %cond3A_16 {
      %get3A_17 = arith.constant 0 : index
      %get3A_18 = arith.constant 0 : index
      %get3A_19 = vector.load %arg3[%get3A_17, %get3A_18] : memref<8x128xf32, #tpu.memory_space<vmem>>, vector<8x128xf32>
      %add3A = arith.addf %get3A_19, %broadcast_in_dim3A_10 : vector<8x128xf32>
      %swap3A = arith.constant 0 : index
      %swap3A_20 = arith.constant 0 : index
      %swap3A_21 = vector.load %arg3[%swap3A, %swap3A_20] : memref<8x128xf32, #tpu.memory_space<vmem>>, vector<8x128xf32>
      tpu.vector_store %arg3[%swap3A, %swap3A_20], %add3A {strides = array<i32>} : memref<8x128xf32, #tpu.memory_space<vmem>>, vector<8x128xf32>,
    } else {
    }
    return
  }
  func.func @transform_0(%arg0: i32) -> (i32, i32) {
    %c0_i32 = arith.constant 0 : i32
    %c0_i32_0 = arith.constant 0 : i32
    return %arg0, %c0_i32 : i32, i32
  }
  func.func @transform_1(%arg0: i32) -> (i32, i32) {
    %c0_i32 = arith.constant 0 : i32
    %c0_i32_0 = arith.constant 0 : i32
    %c0_i32_1 = arith.constant 0 : i32
    return %c0_i32, %c0_i32_0 : i32, i32
  }
  func.func @transform_2(%arg0: i32) -> (i32, i32) {
    %c0_i32 = arith.constant 0 : i32
    %c0_i32_0 = arith.constant 0 : i32
    %c0_i32_1 = arith.constant 0 : i32
    return %c0_i32, %c0_i32_0 : i32, i32
  }
}

module attributes {stable_mosaic.version = 14 : i64} {
  func.func @_midb_next_body(%arg0: i32, %arg1: memref<2000x128xf32, #tpu.memory_space<vmem>>, %arg2: memref<8x128xf32, #tpu.memory_space<vmem>>, %arg3: memref<8x128xf32, #tpu.memory_space<vmem>>, %arg4: memref<2000x128xf32, #tpu.memory_space<vmem>>, %arg5: memref<128x128xf32, #tpu.memory_space<vmem>>, %arg6: memref<1x128xf32, #tpu.memory_space<vmem>>, %arg7: memref<128x128xf32, #tpu.memory_space<vmem>>, %arg8: memref<1x128xf32, #tpu.memory_space<vmem>>, %arg9: memref<128x128xf32, #tpu.memory_space<vmem>>, %arg10: memref<1x128xf32, #tpu.memory_space<vmem>>, %arg11: memref<128x8xf32, #tpu.memory_space<vmem>>, %arg12: memref<1x8xf32, #tpu.memory_space<vmem>>, %arg13: memref<128x128xf32, #tpu.memory_space<vmem>>, %arg14: memref<1x128xf32, #tpu.memory_space<vmem>>, %arg15: memref<2000x128xf32, #tpu.memory_space<vmem>>, %arg16: memref<2000x128xf32, #tpu.memory_space<vmem>>, %arg17: memref<2000x8xf32, #tpu.memory_space<vmem>>) attributes {dimension_semantics = [#tpu.dimension_semantics<arbitrary>], iteration_bounds = array<i64: 5>, scalar_prefetch = 0 : i64, scratch_operands = 0 : i64, tpu.core_type = #tpu.core_type<tc>, window_params = [{transform_indices = @transform_0, window_bounds = array<i64: 2000, 128>}, {pipeline_mode = #tpu.pipeline_mode<synchronous>, transform_indices = @transform_1, window_bounds = array<i64: 8, 128>}, {pipeline_mode = #tpu.pipeline_mode<synchronous>, transform_indices = @transform_2, window_bounds = array<i64: 8, 128>}, {transform_indices = @transform_3, window_bounds = array<i64: 2000, 128>}, {pipeline_mode = #tpu.pipeline_mode<synchronous>, transform_indices = @transform_4, window_bounds = array<i64: 128, 128>}, {pipeline_mode = #tpu.pipeline_mode<synchronous>, transform_indices = @transform_5, window_bounds = array<i64: 1, 128>}, {pipeline_mode = #tpu.pipeline_mode<synchronous>, transform_indices = @transform_6, window_bounds = array<i64: 128, 128>}, {pipeline_mode = #tpu.pipeline_mode<synchronous>, transform_indices = @transform_7, window_bounds = array<i64: 1, 128>}, {pipeline_mode = #tpu.pipeline_mode<synchronous>, transform_indices = @transform_8, window_bounds = array<i64: 128, 128>}, {pipeline_mode = #tpu.pipeline_mode<synchronous>, transform_indices = @transform_9, window_bounds = array<i64: 1, 128>}, {pipeline_mode = #tpu.pipeline_mode<synchronous>, transform_indices = @transform_10, window_bounds = array<i64: 128, 8>}, {pipeline_mode = #tpu.pipeline_mode<synchronous>, transform_indices = @transform_11, window_bounds = array<i64: 1, 8>}, {pipeline_mode = #tpu.pipeline_mode<synchronous>, transform_indices = @transform_12, window_bounds = array<i64: 128, 128>}, {pipeline_mode = #tpu.pipeline_mode<synchronous>, transform_indices = @transform_13, window_bounds = array<i64: 1, 128>}, {transform_indices = @transform_14, window_bounds = array<i64: 2000, 128>}, {transform_indices = @transform_15, window_bounds = array<i64: 2000, 128>}, {transform_indices = @transform_16, window_bounds = array<i64: 2000, 8>}]} {
    %get3A = arith.constant 0 : index
    %get3A_0 = arith.constant 0 : index
    %get3A_1 = vector.load %arg2[%get3A, %get3A_0] : memref<8x128xf32, #tpu.memory_space<vmem>>, vector<1x128xf32>
    %div3A = arith.constant 1.000000e+04 : f32
    %div3A_2 = vector.broadcast %div3A : f32 to vector<1x128xf32>
    %div3A_3 = arith.divf %get3A_1, %div3A_2 : vector<1x128xf32>
    %get3A_4 = arith.constant 0 : index
    %get3A_5 = arith.constant 0 : index
    %get3A_6 = vector.load %arg3[%get3A_4, %get3A_5] : memref<8x128xf32, #tpu.memory_space<vmem>>, vector<1x128xf32>
    %div3A_7 = arith.constant 1.000000e+04 : f32
    %div3A_8 = vector.broadcast %div3A_7 : f32 to vector<1x128xf32>
    %div3A_9 = arith.divf %get3A_6, %div3A_8 : vector<1x128xf32>
    %get3A_10 = arith.constant 0 : index
    %get3A_11 = arith.constant 0 : index
    %get3A_12 = vector.load %arg4[%get3A_10, %get3A_11] : memref<2000x128xf32, #tpu.memory_space<vmem>>, vector<2000x128xf32>
    %get3A_13 = arith.constant 0 : index
    %get3A_14 = arith.constant 0 : index
    %get3A_15 = vector.load %arg5[%get3A_13, %get3A_14] : memref<128x128xf32, #tpu.memory_space<vmem>>, vector<128x128xf32>
    %dot_general3A = arith.constant dense<0.000000e+00> : vector<2000x128xf32>
    %dot_general3A_16 = tpu.matmul %get3A_12, %get3A_15, %dot_general3A {dimension_numbers = #tpu.dot_dimension_numbers<[1], [0], [0], [1], [0, 0, 1, 1], [], []>, transpose_lhs_hint = false} : vector<2000x128xf32>, vector<128x128xf32>, vector<2000x128xf32> -> vector<2000x128xf32>
    %get3A_17 = arith.constant 0 : index
    %get3A_18 = arith.constant 0 : index
    %get3A_19 = vector.load %arg6[%get3A_17, %get3A_18] : memref<1x128xf32, #tpu.memory_space<vmem>>, vector<1x128xf32>
    %add3A = vector.broadcast %get3A_19 : vector<1x128xf32> to vector<2000x128xf32>
    %add3A_20 = arith.addf %dot_general3A_16, %add3A : vector<2000x128xf32>
    %get3A_21 = arith.constant 0 : index
    %get3A_22 = arith.constant 0 : index
    %get3A_23 = vector.load %arg7[%get3A_21, %get3A_22] : memref<128x128xf32, #tpu.memory_space<vmem>>, vector<128x128xf32>
    %dot_general3A_24 = arith.constant dense<0.000000e+00> : vector<2000x128xf32>
    %dot_general3A_25 = tpu.matmul %get3A_12, %get3A_23, %dot_general3A_24 {dimension_numbers = #tpu.dot_dimension_numbers<[1], [0], [0], [1], [0, 0, 1, 1], [], []>, transpose_lhs_hint = false} : vector<2000x128xf32>, vector<128x128xf32>, vector<2000x128xf32> -> vector<2000x128xf32>
    %get3A_26 = arith.constant 0 : index
    %get3A_27 = arith.constant 0 : index
    %get3A_28 = vector.load %arg8[%get3A_26, %get3A_27] : memref<1x128xf32, #tpu.memory_space<vmem>>, vector<1x128xf32>
    %add3A_29 = vector.broadcast %get3A_28 : vector<1x128xf32> to vector<2000x128xf32>
    %add3A_30 = arith.addf %dot_general3A_25, %add3A_29 : vector<2000x128xf32>
    %get3A_31 = arith.constant 0 : index
    %get3A_32 = arith.constant 0 : index
    %get3A_33 = vector.load %arg1[%get3A_31, %get3A_32] : memref<2000x128xf32, #tpu.memory_space<vmem>>, vector<2000x128xf32>
    %sub3A = vector.broadcast %div3A_3 : vector<1x128xf32> to vector<2000x128xf32>
    %sub3A_34 = arith.subf %get3A_33, %sub3A : vector<2000x128xf32>
    %add3A_35 = arith.constant 9.99999974E-6 : f32
    %add3A_36 = vector.broadcast %add3A_35 : f32 to vector<1x128xf32>
    %add3A_37 = arith.addf %div3A_9, %add3A_36 : vector<1x128xf32>
    %sqrt3A = math.sqrt %add3A_37 : vector<1x128xf32>
    %div3A_38 = vector.broadcast %sqrt3A : vector<1x128xf32> to vector<2000x128xf32>
    %div3A_39 = arith.divf %sub3A_34, %div3A_38 : vector<2000x128xf32>
    %mul3A = arith.mulf %add3A_20, %div3A_39 : vector<2000x128xf32>
    %add3A_40 = arith.addf %mul3A, %add3A_30 : vector<2000x128xf32>
    %swap3A = arith.constant 0 : index
    %swap3A_41 = arith.constant 0 : index
    %swap3A_42 = vector.load %arg15[%swap3A, %swap3A_41] : memref<2000x128xf32, #tpu.memory_space<vmem>>, vector<2000x128xf32>
    tpu.vector_store %arg15[%swap3A, %swap3A_41], %add3A_40 {strides = array<i32>} : memref<2000x128xf32, #tpu.memory_space<vmem>>, vector<2000x128xf32>,
    %get3A_43 = arith.constant 0 : index
    %get3A_44 = arith.constant 0 : index
    %get3A_45 = vector.load %arg9[%get3A_43, %get3A_44] : memref<128x128xf32, #tpu.memory_space<vmem>>, vector<128x128xf32>
    %dot_general3A_46 = arith.constant dense<0.000000e+00> : vector<2000x128xf32>
    %dot_general3A_47 = tpu.matmul %add3A_40, %get3A_45, %dot_general3A_46 {dimension_numbers = #tpu.dot_dimension_numbers<[1], [0], [0], [1], [0, 0, 1, 1], [], []>, transpose_lhs_hint = false} : vector<2000x128xf32>, vector<128x128xf32>, vector<2000x128xf32> -> vector<2000x128xf32>
    %get3A_48 = arith.constant 0 : index
    %get3A_49 = arith.constant 0 : index
    %get3A_50 = vector.load %arg10[%get3A_48, %get3A_49] : memref<1x128xf32, #tpu.memory_space<vmem>>, vector<1x128xf32>
    %add3A_51 = vector.broadcast %get3A_50 : vector<1x128xf32> to vector<2000x128xf32>
    %add3A_52 = arith.addf %dot_general3A_47, %add3A_51 : vector<2000x128xf32>
    %max3A = arith.constant 0.000000e+00 : f32
    %max3A_53 = vector.broadcast %max3A : f32 to vector<2000x128xf32>
    %max3A_54 = arith.maximumf %add3A_52, %max3A_53 : vector<2000x128xf32>
    %get3A_55 = arith.constant 0 : index
    %get3A_56 = arith.constant 0 : index
    %get3A_57 = vector.load %arg11[%get3A_55, %get3A_56] : memref<128x8xf32, #tpu.memory_space<vmem>>, vector<128x8xf32>
    %dot_general3A_58 = arith.constant dense<0.000000e+00> : vector<2000x8xf32>
    %dot_general3A_59 = tpu.matmul %max3A_54, %get3A_57, %dot_general3A_58 {dimension_numbers = #tpu.dot_dimension_numbers<[1], [0], [0], [1], [0, 0, 1, 1], [], []>, transpose_lhs_hint = false} : vector<2000x128xf32>, vector<128x8xf32>, vector<2000x8xf32> -> vector<2000x8xf32>
    %get3A_60 = arith.constant 0 : index
    %get3A_61 = arith.constant 0 : index
    %get3A_62 = vector.load %arg12[%get3A_60, %get3A_61] : memref<1x8xf32, #tpu.memory_space<vmem>>, vector<1x8xf32>
    %add3A_63 = vector.broadcast %get3A_62 : vector<1x8xf32> to vector<2000x8xf32>
    %add3A_64 = arith.addf %dot_general3A_59, %add3A_63 : vector<2000x8xf32>
    %tanh3A = math.tanh %add3A_64 : vector<2000x8xf32>
    %swap3A_65 = arith.constant 0 : index
    %swap3A_66 = arith.constant 0 : index
    %swap3A_67 = vector.load %arg17[%swap3A_65, %swap3A_66] : memref<2000x8xf32, #tpu.memory_space<vmem>>, vector<2000x8xf32>
    tpu.vector_store %arg17[%swap3A_65, %swap3A_66], %tanh3A {strides = array<i32>} : memref<2000x8xf32, #tpu.memory_space<vmem>>, vector<2000x8xf32>,
    %get3A_68 = arith.constant 0 : index
    %get3A_69 = arith.constant 0 : index
    %get3A_70 = vector.load %arg13[%get3A_68, %get3A_69] : memref<128x128xf32, #tpu.memory_space<vmem>>, vector<128x128xf32>
    %dot_general3A_71 = arith.constant dense<0.000000e+00> : vector<2000x128xf32>
    %dot_general3A_72 = tpu.matmul %add3A_40, %get3A_70, %dot_general3A_71 {dimension_numbers = #tpu.dot_dimension_numbers<[1], [0], [0], [1], [0, 0, 1, 1], [], []>, transpose_lhs_hint = false} : vector<2000x128xf32>, vector<128x128xf32>, vector<2000x128xf32> -> vector<2000x128xf32>
    %get3A_73 = arith.constant 0 : index
    %get3A_74 = arith.constant 0 : index
    %get3A_75 = vector.load %arg14[%get3A_73, %get3A_74] : memref<1x128xf32, #tpu.memory_space<vmem>>, vector<1x128xf32>
    %add3A_76 = vector.broadcast %get3A_75 : vector<1x128xf32> to vector<2000x128xf32>
    %add3A_77 = arith.addf %dot_general3A_72, %add3A_76 : vector<2000x128xf32>
    %swap3A_78 = arith.constant 0 : index
    %swap3A_79 = arith.constant 0 : index
    %swap3A_80 = vector.load %arg16[%swap3A_78, %swap3A_79] : memref<2000x128xf32, #tpu.memory_space<vmem>>, vector<2000x128xf32>
    tpu.vector_store %arg16[%swap3A_78, %swap3A_79], %add3A_77 {strides = array<i32>} : memref<2000x128xf32, #tpu.memory_space<vmem>>, vector<2000x128xf32>,
    return
  }
  func.func @transform_0(%arg0: i32) -> (i32, i32) {
    %c0_i32 = arith.constant 0 : i32
    %c0_i32_0 = arith.constant 0 : i32
    return %arg0, %c0_i32 : i32, i32
  }
  func.func @transform_1(%arg0: i32) -> (i32, i32) {
    %c0_i32 = arith.constant 0 : i32
    %c0_i32_0 = arith.constant 0 : i32
    %c0_i32_1 = arith.constant 0 : i32
    return %c0_i32, %c0_i32_0 : i32, i32
  }
  func.func @transform_2(%arg0: i32) -> (i32, i32) {
    %c0_i32 = arith.constant 0 : i32
    %c0_i32_0 = arith.constant 0 : i32
    %c0_i32_1 = arith.constant 0 : i32
    return %c0_i32, %c0_i32_0 : i32, i32
  }
  func.func @transform_3(%arg0: i32) -> (i32, i32) {
    %c0_i32 = arith.constant 0 : i32
    %c0_i32_0 = arith.constant 0 : i32
    return %arg0, %c0_i32 : i32, i32
  }
  func.func @transform_4(%arg0: i32) -> (i32, i32) {
    %c0_i32 = arith.constant 0 : i32
    %c0_i32_0 = arith.constant 0 : i32
    %c0_i32_1 = arith.constant 0 : i32
    return %c0_i32, %c0_i32_0 : i32, i32
  }
  func.func @transform_5(%arg0: i32) -> (i32, i32) {
    %c0_i32 = arith.constant 0 : i32
    %c0_i32_0 = arith.constant 0 : i32
    %c0_i32_1 = arith.constant 0 : i32
    return %c0_i32, %c0_i32_0 : i32, i32
  }
  func.func @transform_6(%arg0: i32) -> (i32, i32) {
    %c0_i32 = arith.constant 0 : i32
    %c0_i32_0 = arith.constant 0 : i32
    %c0_i32_1 = arith.constant 0 : i32
    return %c0_i32, %c0_i32_0 : i32, i32
  }
  func.func @transform_7(%arg0: i32) -> (i32, i32) {
    %c0_i32 = arith.constant 0 : i32
    %c0_i32_0 = arith.constant 0 : i32
    %c0_i32_1 = arith.constant 0 : i32
    return %c0_i32, %c0_i32_0 : i32, i32
  }
  func.func @transform_8(%arg0: i32) -> (i32, i32) {
    %c0_i32 = arith.constant 0 : i32
    %c0_i32_0 = arith.constant 0 : i32
    %c0_i32_1 = arith.constant 0 : i32
    return %c0_i32, %c0_i32_0 : i32, i32
  }
  func.func @transform_9(%arg0: i32) -> (i32, i32) {
    %c0_i32 = arith.constant 0 : i32
    %c0_i32_0 = arith.constant 0 : i32
    %c0_i32_1 = arith.constant 0 : i32
    return %c0_i32, %c0_i32_0 : i32, i32
  }
  func.func @transform_10(%arg0: i32) -> (i32, i32) {
    %c0_i32 = arith.constant 0 : i32
    %c0_i32_0 = arith.constant 0 : i32
    %c0_i32_1 = arith.constant 0 : i32
    return %c0_i32, %c0_i32_0 : i32, i32
  }
  func.func @transform_11(%arg0: i32) -> (i32, i32) {
    %c0_i32 = arith.constant 0 : i32
    %c0_i32_0 = arith.constant 0 : i32
    %c0_i32_1 = arith.constant 0 : i32
    return %c0_i32, %c0_i32_0 : i32, i32
  }
  func.func @transform_12(%arg0: i32) -> (i32, i32) {
    %c0_i32 = arith.constant 0 : i32
    %c0_i32_0 = arith.constant 0 : i32
    %c0_i32_1 = arith.constant 0 : i32
    return %c0_i32, %c0_i32_0 : i32, i32
  }
  func.func @transform_13(%arg0: i32) -> (i32, i32) {
    %c0_i32 = arith.constant 0 : i32
    %c0_i32_0 = arith.constant 0 : i32
    %c0_i32_1 = arith.constant 0 : i32
    return %c0_i32, %c0_i32_0 : i32, i32
  }
  func.func @transform_14(%arg0: i32) -> (i32, i32) {
    %c0_i32 = arith.constant 0 : i32
    %c0_i32_0 = arith.constant 0 : i32
    return %arg0, %c0_i32 : i32, i32
  }
  func.func @transform_15(%arg0: i32) -> (i32, i32) {
    %c0_i32 = arith.constant 0 : i32
    %c0_i32_0 = arith.constant 0 : i32
    return %arg0, %c0_i32 : i32, i32
  }
  func.func @transform_16(%arg0: i32) -> (i32, i32) {
    %c0_i32 = arith.constant 0 : i32
    %c0_i32_0 = arith.constant 0 : i32
    return %arg0, %c0_i32 : i32, i32
  }
}

module attributes {stable_mosaic.version = 14 : i64} {
  func.func @_midb_final_body(%arg0: i32, %arg1: memref<2000x128xf32, #tpu.memory_space<vmem>>, %arg2: memref<8x128xf32, #tpu.memory_space<vmem>>, %arg3: memref<8x128xf32, #tpu.memory_space<vmem>>, %arg4: memref<2000x128xf32, #tpu.memory_space<vmem>>, %arg5: memref<2000x8xf32, #tpu.memory_space<vmem>>, %arg6: memref<128x128xf32, #tpu.memory_space<vmem>>, %arg7: memref<1x128xf32, #tpu.memory_space<vmem>>, %arg8: memref<128x128xf32, #tpu.memory_space<vmem>>, %arg9: memref<1x128xf32, #tpu.memory_space<vmem>>, %arg10: memref<2000x128xf32, #tpu.memory_space<vmem>>, %arg11: memref<8x128xf32, #tpu.memory_space<vmem>>) attributes {dimension_semantics = [#tpu.dimension_semantics<arbitrary>], iteration_bounds = array<i64: 5>, scalar_prefetch = 0 : i64, scratch_operands = 0 : i64, tpu.core_type = #tpu.core_type<tc>, window_params = [{transform_indices = @transform_0, window_bounds = array<i64: 2000, 128>}, {pipeline_mode = #tpu.pipeline_mode<synchronous>, transform_indices = @transform_1, window_bounds = array<i64: 8, 128>}, {pipeline_mode = #tpu.pipeline_mode<synchronous>, transform_indices = @transform_2, window_bounds = array<i64: 8, 128>}, {transform_indices = @transform_3, window_bounds = array<i64: 2000, 128>}, {transform_indices = @transform_4, window_bounds = array<i64: 2000, 8>}, {pipeline_mode = #tpu.pipeline_mode<synchronous>, transform_indices = @transform_5, window_bounds = array<i64: 128, 128>}, {pipeline_mode = #tpu.pipeline_mode<synchronous>, transform_indices = @transform_6, window_bounds = array<i64: 1, 128>}, {pipeline_mode = #tpu.pipeline_mode<synchronous>, transform_indices = @transform_7, window_bounds = array<i64: 128, 128>}, {pipeline_mode = #tpu.pipeline_mode<synchronous>, transform_indices = @transform_8, window_bounds = array<i64: 1, 128>}, {transform_indices = @transform_9, window_bounds = array<i64: 2000, 128>}, {pipeline_mode = #tpu.pipeline_mode<synchronous>, transform_indices = @transform_10, window_bounds = array<i64: 8, 128>}]} {
    %get3A = arith.constant 0 : index
    %get3A_0 = arith.constant 0 : index
    %get3A_1 = vector.load %arg2[%get3A, %get3A_0] : memref<8x128xf32, #tpu.memory_space<vmem>>, vector<1x128xf32>
    %div3A = arith.constant 1.000000e+04 : f32
    %div3A_2 = vector.broadcast %div3A : f32 to vector<1x128xf32>
    %div3A_3 = arith.divf %get3A_1, %div3A_2 : vector<1x128xf32>
    %get3A_4 = arith.constant 0 : index
    %get3A_5 = arith.constant 0 : index
    %get3A_6 = vector.load %arg3[%get3A_4, %get3A_5] : memref<8x128xf32, #tpu.memory_space<vmem>>, vector<1x128xf32>
    %div3A_7 = arith.constant 1.000000e+04 : f32
    %div3A_8 = vector.broadcast %div3A_7 : f32 to vector<1x128xf32>
    %div3A_9 = arith.divf %get3A_6, %div3A_8 : vector<1x128xf32>
    %get3A_10 = arith.constant 0 : index
    %get3A_11 = arith.constant 0 : index
    %get3A_12 = vector.load %arg4[%get3A_10, %get3A_11] : memref<2000x128xf32, #tpu.memory_space<vmem>>, vector<2000x128xf32>
    %get3A_13 = arith.constant 0 : index
    %get3A_14 = arith.constant 0 : index
    %get3A_15 = vector.load %arg6[%get3A_13, %get3A_14] : memref<128x128xf32, #tpu.memory_space<vmem>>, vector<128x128xf32>
    %dot_general3A = arith.constant dense<0.000000e+00> : vector<2000x128xf32>
    %dot_general3A_16 = tpu.matmul %get3A_12, %get3A_15, %dot_general3A {dimension_numbers = #tpu.dot_dimension_numbers<[1], [0], [0], [1], [0, 0, 1, 1], [], []>, transpose_lhs_hint = false} : vector<2000x128xf32>, vector<128x128xf32>, vector<2000x128xf32> -> vector<2000x128xf32>
    %get3A_17 = arith.constant 0 : index
    %get3A_18 = arith.constant 0 : index
    %get3A_19 = vector.load %arg7[%get3A_17, %get3A_18] : memref<1x128xf32, #tpu.memory_space<vmem>>, vector<1x128xf32>
    %add3A = vector.broadcast %get3A_19 : vector<1x128xf32> to vector<2000x128xf32>
    %add3A_20 = arith.addf %dot_general3A_16, %add3A : vector<2000x128xf32>
    %get3A_21 = arith.constant 0 : index
    %get3A_22 = arith.constant 0 : index
    %get3A_23 = vector.load %arg8[%get3A_21, %get3A_22] : memref<128x128xf32, #tpu.memory_space<vmem>>, vector<128x128xf32>
    %dot_general3A_24 = arith.constant dense<0.000000e+00> : vector<2000x128xf32>
    %dot_general3A_25 = tpu.matmul %get3A_12, %get3A_23, %dot_general3A_24 {dimension_numbers = #tpu.dot_dimension_numbers<[1], [0], [0], [1], [0, 0, 1, 1], [], []>, transpose_lhs_hint = false} : vector<2000x128xf32>, vector<128x128xf32>, vector<2000x128xf32> -> vector<2000x128xf32>
    %get3A_26 = arith.constant 0 : index
    %get3A_27 = arith.constant 0 : index
    %get3A_28 = vector.load %arg9[%get3A_26, %get3A_27] : memref<1x128xf32, #tpu.memory_space<vmem>>, vector<1x128xf32>
    %add3A_29 = vector.broadcast %get3A_28 : vector<1x128xf32> to vector<2000x128xf32>
    %add3A_30 = arith.addf %dot_general3A_25, %add3A_29 : vector<2000x128xf32>
    %get3A_31 = arith.constant 0 : index
    %get3A_32 = arith.constant 0 : index
    %get3A_33 = vector.load %arg1[%get3A_31, %get3A_32] : memref<2000x128xf32, #tpu.memory_space<vmem>>, vector<2000x128xf32>
    %sub3A = vector.broadcast %div3A_3 : vector<1x128xf32> to vector<2000x128xf32>
    %sub3A_34 = arith.subf %get3A_33, %sub3A : vector<2000x128xf32>
    %add3A_35 = arith.constant 9.99999974E-6 : f32
    %add3A_36 = vector.broadcast %add3A_35 : f32 to vector<1x128xf32>
    %add3A_37 = arith.addf %div3A_9, %add3A_36 : vector<1x128xf32>
    %sqrt3A = math.sqrt %add3A_37 : vector<1x128xf32>
    %div3A_38 = vector.broadcast %sqrt3A : vector<1x128xf32> to vector<2000x128xf32>
    %div3A_39 = arith.divf %sub3A_34, %div3A_38 : vector<2000x128xf32>
    %mul3A = arith.mulf %add3A_20, %div3A_39 : vector<2000x128xf32>
    %add3A_40 = arith.addf %mul3A, %add3A_30 : vector<2000x128xf32>
    %swap3A = arith.constant 0 : index
    %swap3A_41 = arith.constant 0 : index
    %swap3A_42 = vector.load %arg10[%swap3A, %swap3A_41] : memref<2000x128xf32, #tpu.memory_space<vmem>>, vector<2000x128xf32>
    tpu.vector_store %arg10[%swap3A, %swap3A_41], %add3A_40 {strides = array<i32>} : memref<2000x128xf32, #tpu.memory_space<vmem>>, vector<2000x128xf32>,
    %get3A_43 = arith.constant 0 : index
    %get3A_44 = arith.constant 0 : index
    %get3A_45 = vector.load %arg5[%get3A_43, %get3A_44] : memref<2000x8xf32, #tpu.memory_space<vmem>>, vector<2000x8xf32>
    %slice3A = vector.extract_strided_slice %get3A_45 {offsets = [0, 0], sizes = [2000, 1], strides = [1, 1]} : vector<2000x8xf32> to vector<2000x1xf32>
    %gt3A = arith.constant 5.000000e-01 : f32
    %gt3A_46 = vector.broadcast %gt3A : f32 to vector<2000x1xf32>
    %gt3A_47 = arith.cmpf ogt, %slice3A, %gt3A_46 : vector<2000x1xf32>
    %jit3A = arith.constant -3.400000e+38 : f32
    %broadcast_in_dim3A = vector.shape_cast %gt3A_47 : vector<2000x1xi1> to vector<2000x1xi1>
    %broadcast_in_dim3A_48 = vector.broadcast %broadcast_in_dim3A : vector<2000x1xi1> to vector<2000x128xi1>
    %broadcast_in_dim3A_49 = vector.broadcast %jit3A : f32 to vector<2000x128xf32>
    %select_n3A = arith.select %broadcast_in_dim3A_48, %add3A_40, %broadcast_in_dim3A_49 : vector<2000x128xi1>, vector<2000x128xf32>
    %reduce_max3A = arith.constant dense<0xFF800000> : vector<128xf32>
    %reduce_max3A_50 = vector.multi_reduction <maximumf>, %select_n3A, %reduce_max3A [0] : vector<2000x128xf32> to vector<128xf32>
    %broadcast_in_dim3A_51 = vector.shape_cast %reduce_max3A_50 : vector<128xf32> to vector<1x128xf32>
    %slice3A_52 = vector.extract_strided_slice %get3A_45 {offsets = [0, 1], sizes = [2000, 1], strides = [1, 1]} : vector<2000x8xf32> to vector<2000x1xf32>
    %gt3A_53 = arith.constant 5.000000e-01 : f32
    %gt3A_54 = vector.broadcast %gt3A_53 : f32 to vector<2000x1xf32>
    %gt3A_55 = arith.cmpf ogt, %slice3A_52, %gt3A_54 : vector<2000x1xf32>
    %jit3A_56 = arith.constant -3.400000e+38 : f32
    %broadcast_in_dim3A_57 = vector.shape_cast %gt3A_55 : vector<2000x1xi1> to vector<2000x1xi1>
    %broadcast_in_dim3A_58 = vector.broadcast %broadcast_in_dim3A_57 : vector<2000x1xi1> to vector<2000x128xi1>
    %broadcast_in_dim3A_59 = vector.broadcast %jit3A_56 : f32 to vector<2000x128xf32>
    %select_n3A_60 = arith.select %broadcast_in_dim3A_58, %add3A_40, %broadcast_in_dim3A_59 : vector<2000x128xi1>, vector<2000x128xf32>
    %reduce_max3A_61 = arith.constant dense<0xFF800000> : vector<128xf32>
    %reduce_max3A_62 = vector.multi_reduction <maximumf>, %select_n3A_60, %reduce_max3A_61 [0] : vector<2000x128xf32> to vector<128xf32>
    %broadcast_in_dim3A_63 = vector.shape_cast %reduce_max3A_62 : vector<128xf32> to vector<1x128xf32>
    %slice3A_64 = vector.extract_strided_slice %get3A_45 {offsets = [0, 2], sizes = [2000, 1], strides = [1, 1]} : vector<2000x8xf32> to vector<2000x1xf32>
    %gt3A_65 = arith.constant 5.000000e-01 : f32
    %gt3A_66 = vector.broadcast %gt3A_65 : f32 to vector<2000x1xf32>
    %gt3A_67 = arith.cmpf ogt, %slice3A_64, %gt3A_66 : vector<2000x1xf32>
    %jit3A_68 = arith.constant -3.400000e+38 : f32
    %broadcast_in_dim3A_69 = vector.shape_cast %gt3A_67 : vector<2000x1xi1> to vector<2000x1xi1>
    %broadcast_in_dim3A_70 = vector.broadcast %broadcast_in_dim3A_69 : vector<2000x1xi1> to vector<2000x128xi1>
    %broadcast_in_dim3A_71 = vector.broadcast %jit3A_68 : f32 to vector<2000x128xf32>
    %select_n3A_72 = arith.select %broadcast_in_dim3A_70, %add3A_40, %broadcast_in_dim3A_71 : vector<2000x128xi1>, vector<2000x128xf32>
    %reduce_max3A_73 = arith.constant dense<0xFF800000> : vector<128xf32>
    %reduce_max3A_74 = vector.multi_reduction <maximumf>, %select_n3A_72, %reduce_max3A_73 [0] : vector<2000x128xf32> to vector<128xf32>
    %broadcast_in_dim3A_75 = vector.shape_cast %reduce_max3A_74 : vector<128xf32> to vector<1x128xf32>
    %slice3A_76 = vector.extract_strided_slice %get3A_45 {offsets = [0, 3], sizes = [2000, 1], strides = [1, 1]} : vector<2000x8xf32> to vector<2000x1xf32>
    %gt3A_77 = arith.constant 5.000000e-01 : f32
    %gt3A_78 = vector.broadcast %gt3A_77 : f32 to vector<2000x1xf32>
    %gt3A_79 = arith.cmpf ogt, %slice3A_76, %gt3A_78 : vector<2000x1xf32>
    %jit3A_80 = arith.constant -3.400000e+38 : f32
    %broadcast_in_dim3A_81 = vector.shape_cast %gt3A_79 : vector<2000x1xi1> to vector<2000x1xi1>
    %broadcast_in_dim3A_82 = vector.broadcast %broadcast_in_dim3A_81 : vector<2000x1xi1> to vector<2000x128xi1>
    %broadcast_in_dim3A_83 = vector.broadcast %jit3A_80 : f32 to vector<2000x128xf32>
    %select_n3A_84 = arith.select %broadcast_in_dim3A_82, %add3A_40, %broadcast_in_dim3A_83 : vector<2000x128xi1>, vector<2000x128xf32>
    %reduce_max3A_85 = arith.constant dense<0xFF800000> : vector<128xf32>
    %reduce_max3A_86 = vector.multi_reduction <maximumf>, %select_n3A_84, %reduce_max3A_85 [0] : vector<2000x128xf32> to vector<128xf32>
    %broadcast_in_dim3A_87 = vector.shape_cast %reduce_max3A_86 : vector<128xf32> to vector<1x128xf32>
    %slice3A_88 = vector.extract_strided_slice %get3A_45 {offsets = [0, 4], sizes = [2000, 1], strides = [1, 1]} : vector<2000x8xf32> to vector<2000x1xf32>
    %gt3A_89 = arith.constant 5.000000e-01 : f32
    %gt3A_90 = vector.broadcast %gt3A_89 : f32 to vector<2000x1xf32>
    %gt3A_91 = arith.cmpf ogt, %slice3A_88, %gt3A_90 : vector<2000x1xf32>
    %jit3A_92 = arith.constant -3.400000e+38 : f32
    %broadcast_in_dim3A_93 = vector.shape_cast %gt3A_91 : vector<2000x1xi1> to vector<2000x1xi1>
    %broadcast_in_dim3A_94 = vector.broadcast %broadcast_in_dim3A_93 : vector<2000x1xi1> to vector<2000x128xi1>
    %broadcast_in_dim3A_95 = vector.broadcast %jit3A_92 : f32 to vector<2000x128xf32>
    %select_n3A_96 = arith.select %broadcast_in_dim3A_94, %add3A_40, %broadcast_in_dim3A_95 : vector<2000x128xi1>, vector<2000x128xf32>
    %reduce_max3A_97 = arith.constant dense<0xFF800000> : vector<128xf32>
    %reduce_max3A_98 = vector.multi_reduction <maximumf>, %select_n3A_96, %reduce_max3A_97 [0] : vector<2000x128xf32> to vector<128xf32>
    %broadcast_in_dim3A_99 = vector.shape_cast %reduce_max3A_98 : vector<128xf32> to vector<1x128xf32>
    %slice3A_100 = vector.extract_strided_slice %get3A_45 {offsets = [0, 5], sizes = [2000, 1], strides = [1, 1]} : vector<2000x8xf32> to vector<2000x1xf32>
    %gt3A_101 = arith.constant 5.000000e-01 : f32
    %gt3A_102 = vector.broadcast %gt3A_101 : f32 to vector<2000x1xf32>
    %gt3A_103 = arith.cmpf ogt, %slice3A_100, %gt3A_102 : vector<2000x1xf32>
    %jit3A_104 = arith.constant -3.400000e+38 : f32
    %broadcast_in_dim3A_105 = vector.shape_cast %gt3A_103 : vector<2000x1xi1> to vector<2000x1xi1>
    %broadcast_in_dim3A_106 = vector.broadcast %broadcast_in_dim3A_105 : vector<2000x1xi1> to vector<2000x128xi1>
    %broadcast_in_dim3A_107 = vector.broadcast %jit3A_104 : f32 to vector<2000x128xf32>
    %select_n3A_108 = arith.select %broadcast_in_dim3A_106, %add3A_40, %broadcast_in_dim3A_107 : vector<2000x128xi1>, vector<2000x128xf32>
    %reduce_max3A_109 = arith.constant dense<0xFF800000> : vector<128xf32>
    %reduce_max3A_110 = vector.multi_reduction <maximumf>, %select_n3A_108, %reduce_max3A_109 [0] : vector<2000x128xf32> to vector<128xf32>
    %broadcast_in_dim3A_111 = vector.shape_cast %reduce_max3A_110 : vector<128xf32> to vector<1x128xf32>
    %slice3A_112 = vector.extract_strided_slice %get3A_45 {offsets = [0, 6], sizes = [2000, 1], strides = [1, 1]} : vector<2000x8xf32> to vector<2000x1xf32>
    %gt3A_113 = arith.constant 5.000000e-01 : f32
    %gt3A_114 = vector.broadcast %gt3A_113 : f32 to vector<2000x1xf32>
    %gt3A_115 = arith.cmpf ogt, %slice3A_112, %gt3A_114 : vector<2000x1xf32>
    %jit3A_116 = arith.constant -3.400000e+38 : f32
    %broadcast_in_dim3A_117 = vector.shape_cast %gt3A_115 : vector<2000x1xi1> to vector<2000x1xi1>
    %broadcast_in_dim3A_118 = vector.broadcast %broadcast_in_dim3A_117 : vector<2000x1xi1> to vector<2000x128xi1>
    %broadcast_in_dim3A_119 = vector.broadcast %jit3A_116 : f32 to vector<2000x128xf32>
    %select_n3A_120 = arith.select %broadcast_in_dim3A_118, %add3A_40, %broadcast_in_dim3A_119 : vector<2000x128xi1>, vector<2000x128xf32>
    %reduce_max3A_121 = arith.constant dense<0xFF800000> : vector<128xf32>
    %reduce_max3A_122 = vector.multi_reduction <maximumf>, %select_n3A_120, %reduce_max3A_121 [0] : vector<2000x128xf32> to vector<128xf32>
    %broadcast_in_dim3A_123 = vector.shape_cast %reduce_max3A_122 : vector<128xf32> to vector<1x128xf32>
    %slice3A_124 = vector.extract_strided_slice %get3A_45 {offsets = [0, 7], sizes = [2000, 1], strides = [1, 1]} : vector<2000x8xf32> to vector<2000x1xf32>
    %gt3A_125 = arith.constant 5.000000e-01 : f32
    %gt3A_126 = vector.broadcast %gt3A_125 : f32 to vector<2000x1xf32>
    %gt3A_127 = arith.cmpf ogt, %slice3A_124, %gt3A_126 : vector<2000x1xf32>
    %jit3A_128 = arith.constant -3.400000e+38 : f32
    %broadcast_in_dim3A_129 = vector.shape_cast %gt3A_127 : vector<2000x1xi1> to vector<2000x1xi1>
    %broadcast_in_dim3A_130 = vector.broadcast %broadcast_in_dim3A_129 : vector<2000x1xi1> to vector<2000x128xi1>
    %broadcast_in_dim3A_131 = vector.broadcast %jit3A_128 : f32 to vector<2000x128xf32>
    %select_n3A_132 = arith.select %broadcast_in_dim3A_130, %add3A_40, %broadcast_in_dim3A_131 : vector<2000x128xi1>, vector<2000x128xf32>
    %reduce_max3A_133 = arith.constant dense<0xFF800000> : vector<128xf32>
    %reduce_max3A_134 = vector.multi_reduction <maximumf>, %select_n3A_132, %reduce_max3A_133 [0] : vector<2000x128xf32> to vector<128xf32>
    %broadcast_in_dim3A_135 = vector.shape_cast %reduce_max3A_134 : vector<128xf32> to vector<1x128xf32>
    %concatenate3A = tpu.concatenate %broadcast_in_dim3A_51, %broadcast_in_dim3A_63, %broadcast_in_dim3A_75, %broadcast_in_dim3A_87, %broadcast_in_dim3A_99, %broadcast_in_dim3A_111, %broadcast_in_dim3A_123, %broadcast_in_dim3A_135 in 0 : vector<1x128xf32>, vector<1x128xf32>, vector<1x128xf32>, vector<1x128xf32>, vector<1x128xf32>, vector<1x128xf32>, vector<1x128xf32>, vector<1x128xf32> -> vector<8x128xf32>
    %eq3A = arith.constant 0 : i32
    %eq3A_136 = arith.cmpi eq, %arg0, %eq3A : i32
    %convert_element_type3A = arith.extui %eq3A_136 : i1 to i32
    %cond3A = arith.constant 0 : i32
    %cond3A_137 = arith.cmpi ne, %convert_element_type3A, %cond3A : i32
    scf.if %cond3A_137 {
      %swap3A_143 = arith.constant 0 : index
      %swap3A_144 = arith.constant 0 : index
      %swap3A_145 = vector.load %arg11[%swap3A_143, %swap3A_144] : memref<8x128xf32, #tpu.memory_space<vmem>>, vector<8x128xf32>
      tpu.vector_store %arg11[%swap3A_143, %swap3A_144], %concatenate3A {strides = array<i32>} : memref<8x128xf32, #tpu.memory_space<vmem>>, vector<8x128xf32>,
    } else {
    }
    %gt3A_138 = arith.constant 0 : i32
    %gt3A_139 = arith.cmpi sgt, %arg0, %gt3A_138 : i32
    %convert_element_type3A_140 = arith.extui %gt3A_139 : i1 to i32
    %cond3A_141 = arith.constant 0 : i32
    %cond3A_142 = arith.cmpi ne, %convert_element_type3A_140, %cond3A_141 : i32
    scf.if %cond3A_142 {
      %get3A_143 = arith.constant 0 : index
      %get3A_144 = arith.constant 0 : index
      %get3A_145 = vector.load %arg11[%get3A_143, %get3A_144] : memref<8x128xf32, #tpu.memory_space<vmem>>, vector<8x128xf32>
      %max3A = arith.maximumf %get3A_145, %concatenate3A : vector<8x128xf32>
      %swap3A_146 = arith.constant 0 : index
      %swap3A_147 = arith.constant 0 : index
      %swap3A_148 = vector.load %arg11[%swap3A_146, %swap3A_147] : memref<8x128xf32, #tpu.memory_space<vmem>>, vector<8x128xf32>
      tpu.vector_store %arg11[%swap3A_146, %swap3A_147], %max3A {strides = array<i32>} : memref<8x128xf32, #tpu.memory_space<vmem>>, vector<8x128xf32>,
    } else {
    }
    return
  }
  func.func @transform_0(%arg0: i32) -> (i32, i32) {
    %c0_i32 = arith.constant 0 : i32
    %c0_i32_0 = arith.constant 0 : i32
    return %arg0, %c0_i32 : i32, i32
  }
  func.func @transform_1(%arg0: i32) -> (i32, i32) {
    %c0_i32 = arith.constant 0 : i32
    %c0_i32_0 = arith.constant 0 : i32
    %c0_i32_1 = arith.constant 0 : i32
    return %c0_i32, %c0_i32_0 : i32, i32
  }
  func.func @transform_2(%arg0: i32) -> (i32, i32) {
    %c0_i32 = arith.constant 0 : i32
    %c0_i32_0 = arith.constant 0 : i32
    %c0_i32_1 = arith.constant 0 : i32
    return %c0_i32, %c0_i32_0 : i32, i32
  }
  func.func @transform_3(%arg0: i32) -> (i32, i32) {
    %c0_i32 = arith.constant 0 : i32
    %c0_i32_0 = arith.constant 0 : i32
    return %arg0, %c0_i32 : i32, i32
  }
  func.func @transform_4(%arg0: i32) -> (i32, i32) {
    %c0_i32 = arith.constant 0 : i32
    %c0_i32_0 = arith.constant 0 : i32
    return %arg0, %c0_i32 : i32, i32
  }
  func.func @transform_5(%arg0: i32) -> (i32, i32) {
    %c0_i32 = arith.constant 0 : i32
    %c0_i32_0 = arith.constant 0 : i32
    %c0_i32_1 = arith.constant 0 : i32
    return %c0_i32, %c0_i32_0 : i32, i32
  }
  func.func @transform_6(%arg0: i32) -> (i32, i32) {
    %c0_i32 = arith.constant 0 : i32
    %c0_i32_0 = arith.constant 0 : i32
    %c0_i32_1 = arith.constant 0 : i32
    return %c0_i32, %c0_i32_0 : i32, i32
  }
  func.func @transform_7(%arg0: i32) -> (i32, i32) {
    %c0_i32 = arith.constant 0 : i32
    %c0_i32_0 = arith.constant 0 : i32
    %c0_i32_1 = arith.constant 0 : i32
    return %c0_i32, %c0_i32_0 : i32, i32
  }
  func.func @transform_8(%arg0: i32) -> (i32, i32) {
    %c0_i32 = arith.constant 0 : i32
    %c0_i32_0 = arith.constant 0 : i32
    %c0_i32_1 = arith.constant 0 : i32
    return %c0_i32, %c0_i32_0 : i32, i32
  }
  func.func @transform_9(%arg0: i32) -> (i32, i32) {
    %c0_i32 = arith.constant 0 : i32
    %c0_i32_0 = arith.constant 0 : i32
    return %arg0, %c0_i32 : i32, i32
  }
  func.func @transform_10(%arg0: i32) -> (i32, i32) {
    %c0_i32 = arith.constant 0 : i32
    %c0_i32_0 = arith.constant 0 : i32
    %c0_i32_1 = arith.constant 0 : i32
    return %c0_i32, %c0_i32_0 : i32, i32
  }
}

module attributes {stable_mosaic.version = 14 : i64} {
  func.func @_gc_body(%arg0: i32, %arg1: memref<8x128xf32, #tpu.memory_space<vmem>>, %arg2: memref<128x128xf32, #tpu.memory_space<vmem>>, %arg3: memref<1x128xf32, #tpu.memory_space<vmem>>, %arg4: memref<128x128xf32, #tpu.memory_space<vmem>>, %arg5: memref<1x128xf32, #tpu.memory_space<vmem>>, %arg6: memref<8x128xf32, #tpu.memory_space<vmem>>) attributes {dimension_semantics = [#tpu.dimension_semantics<arbitrary>], iteration_bounds = array<i64: 1>, scalar_prefetch = 0 : i64, scratch_operands = 0 : i64, tpu.core_type = #tpu.core_type<tc>, window_params = [{pipeline_mode = #tpu.pipeline_mode<synchronous>, transform_indices = @transform_0, window_bounds = array<i64: 8, 128>}, {pipeline_mode = #tpu.pipeline_mode<synchronous>, transform_indices = @transform_1, window_bounds = array<i64: 128, 128>}, {pipeline_mode = #tpu.pipeline_mode<synchronous>, transform_indices = @transform_2, window_bounds = array<i64: 1, 128>}, {pipeline_mode = #tpu.pipeline_mode<synchronous>, transform_indices = @transform_3, window_bounds = array<i64: 128, 128>}, {pipeline_mode = #tpu.pipeline_mode<synchronous>, transform_indices = @transform_4, window_bounds = array<i64: 1, 128>}, {pipeline_mode = #tpu.pipeline_mode<synchronous>, transform_indices = @transform_5, window_bounds = array<i64: 8, 128>}]} {
    %get3A = arith.constant 0 : index
    %get3A_0 = arith.constant 0 : index
    %get3A_1 = vector.load %arg1[%get3A, %get3A_0] : memref<8x128xf32, #tpu.memory_space<vmem>>, vector<8x128xf32>
    %get3A_2 = arith.constant 0 : index
    %get3A_3 = arith.constant 0 : index
    %get3A_4 = vector.load %arg2[%get3A_2, %get3A_3] : memref<128x128xf32, #tpu.memory_space<vmem>>, vector<128x128xf32>
    %dot_general3A = arith.constant dense<0.000000e+00> : vector<8x128xf32>
    %dot_general3A_5 = tpu.matmul %get3A_1, %get3A_4, %dot_general3A {dimension_numbers = #tpu.dot_dimension_numbers<[1], [0], [0], [1], [0, 0, 1, 1], [], []>, transpose_lhs_hint = false} : vector<8x128xf32>, vector<128x128xf32>, vector<8x128xf32> -> vector<8x128xf32>
    %get3A_6 = arith.constant 0 : index
    %get3A_7 = arith.constant 0 : index
    %get3A_8 = vector.load %arg3[%get3A_6, %get3A_7] : memref<1x128xf32, #tpu.memory_space<vmem>>, vector<1x128xf32>
    %add3A = vector.broadcast %get3A_8 : vector<1x128xf32> to vector<8x128xf32>
    %add3A_9 = arith.addf %dot_general3A_5, %add3A : vector<8x128xf32>
    %ge3A = arith.constant 0.000000e+00 : f32
    %ge3A_10 = vector.broadcast %ge3A : f32 to vector<8x128xf32>
    %ge3A_11 = arith.cmpf oge, %add3A_9, %ge3A_10 : vector<8x128xf32>
    %mul3A = arith.constant 0.00999999977 : f32
    %mul3A_12 = vector.broadcast %mul3A : f32 to vector<8x128xf32>
    %mul3A_13 = arith.mulf %mul3A_12, %add3A_9 : vector<8x128xf32>
    %select_n3A = arith.select %ge3A_11, %add3A_9, %mul3A_13 : vector<8x128xi1>, vector<8x128xf32>
    %get3A_14 = arith.constant 0 : index
    %get3A_15 = arith.constant 0 : index
    %get3A_16 = vector.load %arg4[%get3A_14, %get3A_15] : memref<128x128xf32, #tpu.memory_space<vmem>>, vector<128x128xf32>
    %dot_general3A_17 = arith.constant dense<0.000000e+00> : vector<8x128xf32>
    %dot_general3A_18 = tpu.matmul %select_n3A, %get3A_16, %dot_general3A_17 {dimension_numbers = #tpu.dot_dimension_numbers<[1], [0], [0], [1], [0, 0, 1, 1], [], []>, transpose_lhs_hint = false} : vector<8x128xf32>, vector<128x128xf32>, vector<8x128xf32> -> vector<8x128xf32>
    %get3A_19 = arith.constant 0 : index
    %get3A_20 = arith.constant 0 : index
    %get3A_21 = vector.load %arg5[%get3A_19, %get3A_20] : memref<1x128xf32, #tpu.memory_space<vmem>>, vector<1x128xf32>
    %add3A_22 = vector.broadcast %get3A_21 : vector<1x128xf32> to vector<8x128xf32>
    %add3A_23 = arith.addf %dot_general3A_18, %add3A_22 : vector<8x128xf32>
    %ge3A_24 = arith.constant 0.000000e+00 : f32
    %ge3A_25 = vector.broadcast %ge3A_24 : f32 to vector<8x128xf32>
    %ge3A_26 = arith.cmpf oge, %add3A_23, %ge3A_25 : vector<8x128xf32>
    %mul3A_27 = arith.constant 0.00999999977 : f32
    %mul3A_28 = vector.broadcast %mul3A_27 : f32 to vector<8x128xf32>
    %mul3A_29 = arith.mulf %mul3A_28, %add3A_23 : vector<8x128xf32>
    %select_n3A_30 = arith.select %ge3A_26, %add3A_23, %mul3A_29 : vector<8x128xi1>, vector<8x128xf32>
    %swap3A = arith.constant 0 : index
    %swap3A_31 = arith.constant 0 : index
    %swap3A_32 = vector.load %arg6[%swap3A, %swap3A_31] : memref<8x128xf32, #tpu.memory_space<vmem>>, vector<8x128xf32>
    tpu.vector_store %arg6[%swap3A, %swap3A_31], %select_n3A_30 {strides = array<i32>} : memref<8x128xf32, #tpu.memory_space<vmem>>, vector<8x128xf32>,
    return
  }
  func.func @transform_0(%arg0: i32) -> (i32, i32) {
    %c0_i32 = arith.constant 0 : i32
    %c0_i32_0 = arith.constant 0 : i32
    %c0_i32_1 = arith.constant 0 : i32
    return %c0_i32, %c0_i32_0 : i32, i32
  }
  func.func @transform_1(%arg0: i32) -> (i32, i32) {
    %c0_i32 = arith.constant 0 : i32
    %c0_i32_0 = arith.constant 0 : i32
    %c0_i32_1 = arith.constant 0 : i32
    return %c0_i32, %c0_i32_0 : i32, i32
  }
  func.func @transform_2(%arg0: i32) -> (i32, i32) {
    %c0_i32 = arith.constant 0 : i32
    %c0_i32_0 = arith.constant 0 : i32
    %c0_i32_1 = arith.constant 0 : i32
    return %c0_i32, %c0_i32_0 : i32, i32
  }
  func.func @transform_3(%arg0: i32) -> (i32, i32) {
    %c0_i32 = arith.constant 0 : i32
    %c0_i32_0 = arith.constant 0 : i32
    %c0_i32_1 = arith.constant 0 : i32
    return %c0_i32, %c0_i32_0 : i32, i32
  }
  func.func @transform_4(%arg0: i32) -> (i32, i32) {
    %c0_i32 = arith.constant 0 : i32
    %c0_i32_0 = arith.constant 0 : i32
    %c0_i32_1 = arith.constant 0 : i32
    return %c0_i32, %c0_i32_0 : i32, i32
  }
  func.func @transform_5(%arg0: i32) -> (i32, i32) {
    %c0_i32 = arith.constant 0 : i32
    %c0_i32_0 = arith.constant 0 : i32
    %c0_i32_1 = arith.constant 0 : i32
    return %c0_i32, %c0_i32_0 : i32, i32
  }
}

module attributes {stable_mosaic.version = 14 : i64} {
  func.func @_tail_body(%arg0: i32, %arg1: memref<2000x128xf32, #tpu.memory_space<vmem>>, %arg2: memref<2000x8xf32, #tpu.memory_space<vmem>>, %arg3: memref<8x128xf32, #tpu.memory_space<vmem>>, %arg4: memref<128x128xf32, #tpu.memory_space<vmem>>, %arg5: memref<128x128xf32, #tpu.memory_space<vmem>>, %arg6: memref<1x128xf32, #tpu.memory_space<vmem>>, %arg7: memref<128x64xf32, #tpu.memory_space<vmem>>, %arg8: memref<1x64xf32, #tpu.memory_space<vmem>>, %arg9: memref<64x8xf32, #tpu.memory_space<vmem>>, %arg10: memref<1x8xf32, #tpu.memory_space<vmem>>, %arg11: memref<2000x8xf32, #tpu.memory_space<vmem>>, %arg12: memref<2000x256xf32, #tpu.memory_space<vmem>>) attributes {dimension_semantics = [#tpu.dimension_semantics<arbitrary>], iteration_bounds = array<i64: 5>, scalar_prefetch = 0 : i64, scratch_operands = 0 : i64, tpu.core_type = #tpu.core_type<tc>, window_params = [{transform_indices = @transform_0, window_bounds = array<i64: 2000, 128>}, {transform_indices = @transform_1, window_bounds = array<i64: 2000, 8>}, {pipeline_mode = #tpu.pipeline_mode<synchronous>, transform_indices = @transform_2, window_bounds = array<i64: 8, 128>}, {pipeline_mode = #tpu.pipeline_mode<synchronous>, transform_indices = @transform_3, window_bounds = array<i64: 128, 128>}, {pipeline_mode = #tpu.pipeline_mode<synchronous>, transform_indices = @transform_4, window_bounds = array<i64: 128, 128>}, {pipeline_mode = #tpu.pipeline_mode<synchronous>, transform_indices = @transform_5, window_bounds = array<i64: 1, 128>}, {pipeline_mode = #tpu.pipeline_mode<synchronous>, transform_indices = @transform_6, window_bounds = array<i64: 128, 64>}, {pipeline_mode = #tpu.pipeline_mode<synchronous>, transform_indices = @transform_7, window_bounds = array<i64: 1, 64>}, {pipeline_mode = #tpu.pipeline_mode<synchronous>, transform_indices = @transform_8, window_bounds = array<i64: 64, 8>}, {pipeline_mode = #tpu.pipeline_mode<synchronous>, transform_indices = @transform_9, window_bounds = array<i64: 1, 8>}, {transform_indices = @transform_10, window_bounds = array<i64: 2000, 8>}, {transform_indices = @transform_11, window_bounds = array<i64: 2000, 256>}]} {
    %get3A = arith.constant 0 : index
    %get3A_0 = arith.constant 0 : index
    %get3A_1 = vector.load %arg1[%get3A, %get3A_0] : memref<2000x128xf32, #tpu.memory_space<vmem>>, vector<2000x128xf32>
    %get3A_2 = arith.constant 0 : index
    %get3A_3 = arith.constant 0 : index
    %get3A_4 = vector.load %arg2[%get3A_2, %get3A_3] : memref<2000x8xf32, #tpu.memory_space<vmem>>, vector<2000x8xf32>
    %broadcast_in_dim3A = arith.constant 0.000000e+00 : f32
    %broadcast_in_dim3A_5 = vector.broadcast %broadcast_in_dim3A : f32 to vector<2000x128xf32>
    %get3A_6 = arith.constant 0 : index
    %get3A_7 = arith.constant 0 : index
    %get3A_8 = vector.load %arg3[%get3A_6, %get3A_7] : memref<8x128xf32, #tpu.memory_space<vmem>>, vector<1x128xf32>
    %broadcast_in_dim3A_9 = vector.shape_cast %get3A_8 : vector<1x128xf32> to vector<1x128xf32>
    %broadcast_in_dim3A_10 = vector.broadcast %broadcast_in_dim3A_9 : vector<1x128xf32> to vector<2000x128xf32>
    %slice3A = vector.extract_strided_slice %get3A_4 {offsets = [0, 0], sizes = [2000, 1], strides = [1, 1]} : vector<2000x8xf32> to vector<2000x1xf32>
    %gt3A = arith.constant 5.000000e-01 : f32
    %gt3A_11 = vector.broadcast %gt3A : f32 to vector<2000x1xf32>
    %gt3A_12 = arith.cmpf ogt, %slice3A, %gt3A_11 : vector<2000x1xf32>
    %broadcast_in_dim3A_13 = vector.shape_cast %gt3A_12 : vector<2000x1xi1> to vector<2000x1xi1>
    %broadcast_in_dim3A_14 = vector.broadcast %broadcast_in_dim3A_13 : vector<2000x1xi1> to vector<2000x128xi1>
    %select_n3A = arith.select %broadcast_in_dim3A_14, %broadcast_in_dim3A_10, %broadcast_in_dim3A_5 : vector<2000x128xi1>, vector<2000x128xf32>
    %get3A_15 = arith.constant 1 : index
    %get3A_16 = arith.constant 0 : index
    %get3A_17 = vector.load %arg3[%get3A_15, %get3A_16] : memref<8x128xf32, #tpu.memory_space<vmem>>, vector<1x128xf32>
    %broadcast_in_dim3A_18 = vector.shape_cast %get3A_17 : vector<1x128xf32> to vector<1x128xf32>
    %broadcast_in_dim3A_19 = vector.broadcast %broadcast_in_dim3A_18 : vector<1x128xf32> to vector<2000x128xf32>
    %slice3A_20 = vector.extract_strided_slice %get3A_4 {offsets = [0, 1], sizes = [2000, 1], strides = [1, 1]} : vector<2000x8xf32> to vector<2000x1xf32>
    %gt3A_21 = arith.constant 5.000000e-01 : f32
    %gt3A_22 = vector.broadcast %gt3A_21 : f32 to vector<2000x1xf32>
    %gt3A_23 = arith.cmpf ogt, %slice3A_20, %gt3A_22 : vector<2000x1xf32>
    %broadcast_in_dim3A_24 = vector.shape_cast %gt3A_23 : vector<2000x1xi1> to vector<2000x1xi1>
    %broadcast_in_dim3A_25 = vector.broadcast %broadcast_in_dim3A_24 : vector<2000x1xi1> to vector<2000x128xi1>
    %select_n3A_26 = arith.select %broadcast_in_dim3A_25, %broadcast_in_dim3A_19, %select_n3A : vector<2000x128xi1>, vector<2000x128xf32>
    %get3A_27 = arith.constant 2 : index
    %get3A_28 = arith.constant 0 : index
    %get3A_29 = vector.load %arg3[%get3A_27, %get3A_28] : memref<8x128xf32, #tpu.memory_space<vmem>>, vector<1x128xf32>
    %broadcast_in_dim3A_30 = vector.shape_cast %get3A_29 : vector<1x128xf32> to vector<1x128xf32>
    %broadcast_in_dim3A_31 = vector.broadcast %broadcast_in_dim3A_30 : vector<1x128xf32> to vector<2000x128xf32>
    %slice3A_32 = vector.extract_strided_slice %get3A_4 {offsets = [0, 2], sizes = [2000, 1], strides = [1, 1]} : vector<2000x8xf32> to vector<2000x1xf32>
    %gt3A_33 = arith.constant 5.000000e-01 : f32
    %gt3A_34 = vector.broadcast %gt3A_33 : f32 to vector<2000x1xf32>
    %gt3A_35 = arith.cmpf ogt, %slice3A_32, %gt3A_34 : vector<2000x1xf32>
    %broadcast_in_dim3A_36 = vector.shape_cast %gt3A_35 : vector<2000x1xi1> to vector<2000x1xi1>
    %broadcast_in_dim3A_37 = vector.broadcast %broadcast_in_dim3A_36 : vector<2000x1xi1> to vector<2000x128xi1>
    %select_n3A_38 = arith.select %broadcast_in_dim3A_37, %broadcast_in_dim3A_31, %select_n3A_26 : vector<2000x128xi1>, vector<2000x128xf32>
    %get3A_39 = arith.constant 3 : index
    %get3A_40 = arith.constant 0 : index
    %get3A_41 = vector.load %arg3[%get3A_39, %get3A_40] : memref<8x128xf32, #tpu.memory_space<vmem>>, vector<1x128xf32>
    %broadcast_in_dim3A_42 = vector.shape_cast %get3A_41 : vector<1x128xf32> to vector<1x128xf32>
    %broadcast_in_dim3A_43 = vector.broadcast %broadcast_in_dim3A_42 : vector<1x128xf32> to vector<2000x128xf32>
    %slice3A_44 = vector.extract_strided_slice %get3A_4 {offsets = [0, 3], sizes = [2000, 1], strides = [1, 1]} : vector<2000x8xf32> to vector<2000x1xf32>
    %gt3A_45 = arith.constant 5.000000e-01 : f32
    %gt3A_46 = vector.broadcast %gt3A_45 : f32 to vector<2000x1xf32>
    %gt3A_47 = arith.cmpf ogt, %slice3A_44, %gt3A_46 : vector<2000x1xf32>
    %broadcast_in_dim3A_48 = vector.shape_cast %gt3A_47 : vector<2000x1xi1> to vector<2000x1xi1>
    %broadcast_in_dim3A_49 = vector.broadcast %broadcast_in_dim3A_48 : vector<2000x1xi1> to vector<2000x128xi1>
    %select_n3A_50 = arith.select %broadcast_in_dim3A_49, %broadcast_in_dim3A_43, %select_n3A_38 : vector<2000x128xi1>, vector<2000x128xf32>
    %get3A_51 = arith.constant 4 : index
    %get3A_52 = arith.constant 0 : index
    %get3A_53 = vector.load %arg3[%get3A_51, %get3A_52] : memref<8x128xf32, #tpu.memory_space<vmem>>, vector<1x128xf32>
    %broadcast_in_dim3A_54 = vector.shape_cast %get3A_53 : vector<1x128xf32> to vector<1x128xf32>
    %broadcast_in_dim3A_55 = vector.broadcast %broadcast_in_dim3A_54 : vector<1x128xf32> to vector<2000x128xf32>
    %slice3A_56 = vector.extract_strided_slice %get3A_4 {offsets = [0, 4], sizes = [2000, 1], strides = [1, 1]} : vector<2000x8xf32> to vector<2000x1xf32>
    %gt3A_57 = arith.constant 5.000000e-01 : f32
    %gt3A_58 = vector.broadcast %gt3A_57 : f32 to vector<2000x1xf32>
    %gt3A_59 = arith.cmpf ogt, %slice3A_56, %gt3A_58 : vector<2000x1xf32>
    %broadcast_in_dim3A_60 = vector.shape_cast %gt3A_59 : vector<2000x1xi1> to vector<2000x1xi1>
    %broadcast_in_dim3A_61 = vector.broadcast %broadcast_in_dim3A_60 : vector<2000x1xi1> to vector<2000x128xi1>
    %select_n3A_62 = arith.select %broadcast_in_dim3A_61, %broadcast_in_dim3A_55, %select_n3A_50 : vector<2000x128xi1>, vector<2000x128xf32>
    %get3A_63 = arith.constant 5 : index
    %get3A_64 = arith.constant 0 : index
    %get3A_65 = vector.load %arg3[%get3A_63, %get3A_64] : memref<8x128xf32, #tpu.memory_space<vmem>>, vector<1x128xf32>
    %broadcast_in_dim3A_66 = vector.shape_cast %get3A_65 : vector<1x128xf32> to vector<1x128xf32>
    %broadcast_in_dim3A_67 = vector.broadcast %broadcast_in_dim3A_66 : vector<1x128xf32> to vector<2000x128xf32>
    %slice3A_68 = vector.extract_strided_slice %get3A_4 {offsets = [0, 5], sizes = [2000, 1], strides = [1, 1]} : vector<2000x8xf32> to vector<2000x1xf32>
    %gt3A_69 = arith.constant 5.000000e-01 : f32
    %gt3A_70 = vector.broadcast %gt3A_69 : f32 to vector<2000x1xf32>
    %gt3A_71 = arith.cmpf ogt, %slice3A_68, %gt3A_70 : vector<2000x1xf32>
    %broadcast_in_dim3A_72 = vector.shape_cast %gt3A_71 : vector<2000x1xi1> to vector<2000x1xi1>
    %broadcast_in_dim3A_73 = vector.broadcast %broadcast_in_dim3A_72 : vector<2000x1xi1> to vector<2000x128xi1>
    %select_n3A_74 = arith.select %broadcast_in_dim3A_73, %broadcast_in_dim3A_67, %select_n3A_62 : vector<2000x128xi1>, vector<2000x128xf32>
    %get3A_75 = arith.constant 6 : index
    %get3A_76 = arith.constant 0 : index
    %get3A_77 = vector.load %arg3[%get3A_75, %get3A_76] : memref<8x128xf32, #tpu.memory_space<vmem>>, vector<1x128xf32>
    %broadcast_in_dim3A_78 = vector.shape_cast %get3A_77 : vector<1x128xf32> to vector<1x128xf32>
    %broadcast_in_dim3A_79 = vector.broadcast %broadcast_in_dim3A_78 : vector<1x128xf32> to vector<2000x128xf32>
    %slice3A_80 = vector.extract_strided_slice %get3A_4 {offsets = [0, 6], sizes = [2000, 1], strides = [1, 1]} : vector<2000x8xf32> to vector<2000x1xf32>
    %gt3A_81 = arith.constant 5.000000e-01 : f32
    %gt3A_82 = vector.broadcast %gt3A_81 : f32 to vector<2000x1xf32>
    %gt3A_83 = arith.cmpf ogt, %slice3A_80, %gt3A_82 : vector<2000x1xf32>
    %broadcast_in_dim3A_84 = vector.shape_cast %gt3A_83 : vector<2000x1xi1> to vector<2000x1xi1>
    %broadcast_in_dim3A_85 = vector.broadcast %broadcast_in_dim3A_84 : vector<2000x1xi1> to vector<2000x128xi1>
    %select_n3A_86 = arith.select %broadcast_in_dim3A_85, %broadcast_in_dim3A_79, %select_n3A_74 : vector<2000x128xi1>, vector<2000x128xf32>
    %get3A_87 = arith.constant 7 : index
    %get3A_88 = arith.constant 0 : index
    %get3A_89 = vector.load %arg3[%get3A_87, %get3A_88] : memref<8x128xf32, #tpu.memory_space<vmem>>, vector<1x128xf32>
    %broadcast_in_dim3A_90 = vector.shape_cast %get3A_89 : vector<1x128xf32> to vector<1x128xf32>
    %broadcast_in_dim3A_91 = vector.broadcast %broadcast_in_dim3A_90 : vector<1x128xf32> to vector<2000x128xf32>
    %slice3A_92 = vector.extract_strided_slice %get3A_4 {offsets = [0, 7], sizes = [2000, 1], strides = [1, 1]} : vector<2000x8xf32> to vector<2000x1xf32>
    %gt3A_93 = arith.constant 5.000000e-01 : f32
    %gt3A_94 = vector.broadcast %gt3A_93 : f32 to vector<2000x1xf32>
    %gt3A_95 = arith.cmpf ogt, %slice3A_92, %gt3A_94 : vector<2000x1xf32>
    %broadcast_in_dim3A_96 = vector.shape_cast %gt3A_95 : vector<2000x1xi1> to vector<2000x1xi1>
    %broadcast_in_dim3A_97 = vector.broadcast %broadcast_in_dim3A_96 : vector<2000x1xi1> to vector<2000x128xi1>
    %select_n3A_98 = arith.select %broadcast_in_dim3A_97, %broadcast_in_dim3A_91, %select_n3A_86 : vector<2000x128xi1>, vector<2000x128xf32>
    %concatenate3A = tpu.concatenate %get3A_1, %select_n3A_98 in 1 : vector<2000x128xf32>, vector<2000x128xf32> -> vector<2000x256xf32>
    %swap3A = arith.constant 0 : index
    %swap3A_99 = arith.constant 0 : index
    %swap3A_100 = vector.load %arg12[%swap3A, %swap3A_99] : memref<2000x256xf32, #tpu.memory_space<vmem>>, vector<2000x256xf32>
    tpu.vector_store %arg12[%swap3A, %swap3A_99], %concatenate3A {strides = array<i32>} : memref<2000x256xf32, #tpu.memory_space<vmem>>, vector<2000x256xf32>,
    %get3A_101 = arith.constant 0 : index
    %get3A_102 = arith.constant 0 : index
    %get3A_103 = vector.load %arg4[%get3A_101, %get3A_102] : memref<128x128xf32, #tpu.memory_space<vmem>>, vector<128x128xf32>
    %dot_general3A = arith.constant dense<0.000000e+00> : vector<2000x128xf32>
    %dot_general3A_104 = tpu.matmul %get3A_1, %get3A_103, %dot_general3A {dimension_numbers = #tpu.dot_dimension_numbers<[1], [0], [0], [1], [0, 0, 1, 1], [], []>, transpose_lhs_hint = false} : vector<2000x128xf32>, vector<128x128xf32>, vector<2000x128xf32> -> vector<2000x128xf32>
    %get3A_105 = arith.constant 0 : index
    %get3A_106 = arith.constant 0 : index
    %get3A_107 = vector.load %arg5[%get3A_105, %get3A_106] : memref<128x128xf32, #tpu.memory_space<vmem>>, vector<128x128xf32>
    %dot_general3A_108 = arith.constant dense<0.000000e+00> : vector<2000x128xf32>
    %dot_general3A_109 = tpu.matmul %select_n3A_98, %get3A_107, %dot_general3A_108 {dimension_numbers = #tpu.dot_dimension_numbers<[1], [0], [0], [1], [0, 0, 1, 1], [], []>, transpose_lhs_hint = false} : vector<2000x128xf32>, vector<128x128xf32>, vector<2000x128xf32> -> vector<2000x128xf32>
    %add3A = arith.addf %dot_general3A_104, %dot_general3A_109 : vector<2000x128xf32>
    %get3A_110 = arith.constant 0 : index
    %get3A_111 = arith.constant 0 : index
    %get3A_112 = vector.load %arg6[%get3A_110, %get3A_111] : memref<1x128xf32, #tpu.memory_space<vmem>>, vector<1x128xf32>
    %add3A_113 = vector.broadcast %get3A_112 : vector<1x128xf32> to vector<2000x128xf32>
    %add3A_114 = arith.addf %add3A, %add3A_113 : vector<2000x128xf32>
    %ge3A = arith.constant 0.000000e+00 : f32
    %ge3A_115 = vector.broadcast %ge3A : f32 to vector<2000x128xf32>
    %ge3A_116 = arith.cmpf oge, %add3A_114, %ge3A_115 : vector<2000x128xf32>
    %mul3A = arith.constant 0.00999999977 : f32
    %mul3A_117 = vector.broadcast %mul3A : f32 to vector<2000x128xf32>
    %mul3A_118 = arith.mulf %mul3A_117, %add3A_114 : vector<2000x128xf32>
    %select_n3A_119 = arith.select %ge3A_116, %add3A_114, %mul3A_118 : vector<2000x128xi1>, vector<2000x128xf32>
    %get3A_120 = arith.constant 0 : index
    %get3A_121 = arith.constant 0 : index
    %get3A_122 = vector.load %arg7[%get3A_120, %get3A_121] : memref<128x64xf32, #tpu.memory_space<vmem>>, vector<128x64xf32>
    %dot_general3A_123 = arith.constant dense<0.000000e+00> : vector<2000x64xf32>
    %dot_general3A_124 = tpu.matmul %select_n3A_119, %get3A_122, %dot_general3A_123 {dimension_numbers = #tpu.dot_dimension_numbers<[1], [0], [0], [1], [0, 0, 1, 1], [], []>, transpose_lhs_hint = false} : vector<2000x128xf32>, vector<128x64xf32>, vector<2000x64xf32> -> vector<2000x64xf32>
    %get3A_125 = arith.constant 0 : index
    %get3A_126 = arith.constant 0 : index
    %get3A_127 = vector.load %arg8[%get3A_125, %get3A_126] : memref<1x64xf32, #tpu.memory_space<vmem>>, vector<1x64xf32>
    %add3A_128 = vector.broadcast %get3A_127 : vector<1x64xf32> to vector<2000x64xf32>
    %add3A_129 = arith.addf %dot_general3A_124, %add3A_128 : vector<2000x64xf32>
    %ge3A_130 = arith.constant 0.000000e+00 : f32
    %ge3A_131 = vector.broadcast %ge3A_130 : f32 to vector<2000x64xf32>
    %ge3A_132 = arith.cmpf oge, %add3A_129, %ge3A_131 : vector<2000x64xf32>
    %mul3A_133 = arith.constant 0.00999999977 : f32
    %mul3A_134 = vector.broadcast %mul3A_133 : f32 to vector<2000x64xf32>
    %mul3A_135 = arith.mulf %mul3A_134, %add3A_129 : vector<2000x64xf32>
    %select_n3A_136 = arith.select %ge3A_132, %add3A_129, %mul3A_135 : vector<2000x64xi1>, vector<2000x64xf32>
    %get3A_137 = arith.constant 0 : index
    %get3A_138 = arith.constant 0 : index
    %get3A_139 = vector.load %arg9[%get3A_137, %get3A_138] : memref<64x8xf32, #tpu.memory_space<vmem>>, vector<64x8xf32>
    %dot_general3A_140 = arith.constant dense<0.000000e+00> : vector<2000x8xf32>
    %dot_general3A_141 = tpu.matmul %select_n3A_136, %get3A_139, %dot_general3A_140 {dimension_numbers = #tpu.dot_dimension_numbers<[1], [0], [0], [1], [0, 0, 1, 1], [], []>, transpose_lhs_hint = false} : vector<2000x64xf32>, vector<64x8xf32>, vector<2000x8xf32> -> vector<2000x8xf32>
    %get3A_142 = arith.constant 0 : index
    %get3A_143 = arith.constant 0 : index
    %get3A_144 = vector.load %arg10[%get3A_142, %get3A_143] : memref<1x8xf32, #tpu.memory_space<vmem>>, vector<1x8xf32>
    %add3A_145 = vector.broadcast %get3A_144 : vector<1x8xf32> to vector<2000x8xf32>
    %add3A_146 = arith.addf %dot_general3A_141, %add3A_145 : vector<2000x8xf32>
    %tanh3A = math.tanh %add3A_146 : vector<2000x8xf32>
    %mul3A_147 = arith.constant 7.500000e-01 : f32
    %mul3A_148 = vector.broadcast %mul3A_147 : f32 to vector<2000x8xf32>
    %mul3A_149 = arith.mulf %tanh3A, %mul3A_148 : vector<2000x8xf32>
    %swap3A_150 = arith.constant 0 : index
    %swap3A_151 = arith.constant 0 : index
    %swap3A_152 = vector.load %arg11[%swap3A_150, %swap3A_151] : memref<2000x8xf32, #tpu.memory_space<vmem>>, vector<2000x8xf32>
    tpu.vector_store %arg11[%swap3A_150, %swap3A_151], %mul3A_149 {strides = array<i32>} : memref<2000x8xf32, #tpu.memory_space<vmem>>, vector<2000x8xf32>,
    return
  }
  func.func @transform_0(%arg0: i32) -> (i32, i32) {
    %c0_i32 = arith.constant 0 : i32
    %c0_i32_0 = arith.constant 0 : i32
    return %arg0, %c0_i32 : i32, i32
  }
  func.func @transform_1(%arg0: i32) -> (i32, i32) {
    %c0_i32 = arith.constant 0 : i32
    %c0_i32_0 = arith.constant 0 : i32
    return %arg0, %c0_i32 : i32, i32
  }
  func.func @transform_2(%arg0: i32) -> (i32, i32) {
    %c0_i32 = arith.constant 0 : i32
    %c0_i32_0 = arith.constant 0 : i32
    %c0_i32_1 = arith.constant 0 : i32
    return %c0_i32, %c0_i32_0 : i32, i32
  }
  func.func @transform_3(%arg0: i32) -> (i32, i32) {
    %c0_i32 = arith.constant 0 : i32
    %c0_i32_0 = arith.constant 0 : i32
    %c0_i32_1 = arith.constant 0 : i32
    return %c0_i32, %c0_i32_0 : i32, i32
  }
  func.func @transform_4(%arg0: i32) -> (i32, i32) {
    %c0_i32 = arith.constant 0 : i32
    %c0_i32_0 = arith.constant 0 : i32
    %c0_i32_1 = arith.constant 0 : i32
    return %c0_i32, %c0_i32_0 : i32, i32
  }
  func.func @transform_5(%arg0: i32) -> (i32, i32) {
    %c0_i32 = arith.constant 0 : i32
    %c0_i32_0 = arith.constant 0 : i32
    %c0_i32_1 = arith.constant 0 : i32
    return %c0_i32, %c0_i32_0 : i32, i32
  }
  func.func @transform_6(%arg0: i32) -> (i32, i32) {
    %c0_i32 = arith.constant 0 : i32
    %c0_i32_0 = arith.constant 0 : i32
    %c0_i32_1 = arith.constant 0 : i32
    return %c0_i32, %c0_i32_0 : i32, i32
  }
  func.func @transform_7(%arg0: i32) -> (i32, i32) {
    %c0_i32 = arith.constant 0 : i32
    %c0_i32_0 = arith.constant 0 : i32
    %c0_i32_1 = arith.constant 0 : i32
    return %c0_i32, %c0_i32_0 : i32, i32
  }
  func.func @transform_8(%arg0: i32) -> (i32, i32) {
    %c0_i32 = arith.constant 0 : i32
    %c0_i32_0 = arith.constant 0 : i32
    %c0_i32_1 = arith.constant 0 : i32
    return %c0_i32, %c0_i32_0 : i32, i32
  }
  func.func @transform_9(%arg0: i32) -> (i32, i32) {
    %c0_i32 = arith.constant 0 : i32
    %c0_i32_0 = arith.constant 0 : i32
    %c0_i32_1 = arith.constant 0 : i32
    return %c0_i32, %c0_i32_0 : i32, i32
  }
  func.func @transform_10(%arg0: i32) -> (i32, i32) {
    %c0_i32 = arith.constant 0 : i32
    %c0_i32_0 = arith.constant 0 : i32
    return %arg0, %c0_i32 : i32, i32
  }
  func.func @transform_11(%arg0: i32) -> (i32, i32) {
    %c0_i32 = arith.constant 0 : i32
    %c0_i32_0 = arith.constant 0 : i32
    return %arg0, %c0_i32 : i32, i32
  }
}

</mosaic_0001>

<sc_bundles>
// kernel: kernel.17.cloned.1.call-start
scs
__scs_entry_jumppad:
0x0: {  	(pc) =	sbr.rel $0x88, $3  }
0x1: {  	(tag) =	ssettag $0x0;
	lr =	simm.s32 $0x1  }
0x2: {  	[smem:$0x3F76] =	sst lr;
	_ =	strace $0xD0000000  }
0x3: {  	_ = 	snop  }
0x4: {  	_ = 	snop  }
0x5: {  	_ = 	snop  }
0x6: {  	_ = 	snop  }
0x7: {  	_ = 	snop  }
__scs_overlays_trampoline_lowered:
0x8: {  	[smem:$0x3F85] =	sst s0  }
0x9: {  	[smem:$0x3F86] =	sst s1  }
0xa: {  	[smem:$0x3F87] =	sst s2  }
0xb: {  	[smem:$0x3F88] =	sst s3  }
0xc: {  	[smem:$0x3F89] =	sst s4  }
0xd: {  	[smem:$0x3F8A] =	sst s5  }
0xe: {  	[smem:$0x3F8B] =	sst s6  }
0xf: {  	[smem:$0x3F8C] =	sst s7  }
0x10: {  	[smem:$0x3F8D] =	sst s8  }
0x11: {  	[smem:$0x3F8E] =	sst s9;
	s0 =	simm.s32 @!p0 $0x0  }
0x12: {  	s1 =	sld [smem:$0x3F74];
	s0 =	simm.s32 @p0 $0x1  }
0x13: {  	[smem:$0x3F8F] =	sst s0;
	s0 =	simm.s32 @!p1 $0x0  }
0x14: {  	s2 =	sld [smem:$0x3F73];
	s0 =	simm.s32 @p1 $0x1  }
0x15: {  	[smem:$0x3F90] =	sst s0;
	s0 =	simm.s32 @!p2 $0x0  }
0x16: {  	s3 =	sld [smem:$0x3FDB];
	s0 =	simm.s32 @p2 $0x1  }
0x17: {  	s4 =	simm.s32 $0x1BF5;
	[smem:$0x3F92] =	sst s0  }
0x18: {  	s0 =	sld [smem:$0x3F75];
	_ =	swait.ge [sflag:s4], $0x0  }
0x19: {  	s7 =	sld [smem:$0x3F76]  }
0x1a: {  	s8 =	sadd.s32 $0xFFFFE003, lr  }
0x1b: {  	s9 =	sadd.s32 $0xFFFFFEF7, lr;
	s5 =	simm.s32 $0xFFFFFFFF;
	p2 =	slt.u32 s8, $0xFFFFF086  }
0x1c: {  	p1 =	slt.u32 s9, $0xF7A;
	s5 =	simm.s32 @!p2 $0x0  }
0x1d: {  	s5 =	simm.s32 @p1 $0x1;
	p0 =	seq.s32 s7, s2  }
0x1e: {  	s7 =	smul.u32 @!p0 $0xF7A, s2;
	p2 =	seq.s32 @!p0 s5, $0x0  }
0x1f: {  	s9 =	smul.u32 $0xF7A, s1;
	s8 =	simm.s32 @!p0 $0x1BF5;
	p2 =	por !p2, p0  }
0x20: {  	[sflag:s8] =	ssyncset.s32 @!p0 $0xFFFFF086;
	s6 =	sadd.s32 @!p0 s3, s7;
	s7 =	simm.s32 @!p0 $0x108  }
0x21: {  	s3 =	sadd.s32 s3, s9;
	s6 =	sadd.s32 @!p0 $0x88, s6;
	s7 =	simm.s32 @p2 $0x1082  }
0x22: {  	[simem:s7], [sflag:s8] =	dma.local @!p0 [hbm:s6], $0xF7A  }
0x23: {  	s9 =	sor.u32 $0xD0000000, s2;
	s6 =	simm.s32 $0x108;
	_ =	swait.ge @!p0 [sflag:s8], $0x0  }
0x24: {  	s3 =	sadd.s32 $0x88, s3;
	s6 =	simm.s32 @!p1 $0x1082;
	[sflag:s4] =	ssyncset.s32 $0xFFFFF086  }
0x25: {  	[simem:s6], [sflag:s4] =	dma.local [hbm:s3], $0xF7A  }
0x26: {  	[smem:$0x3F76] =	sst s1;
	(tag) =	ssettag s2;
	_ =	strace s9  }
0x27: {  	s1 =	sld [smem:$0x3F86]  }
0x28: {  	s2 =	sld [smem:$0x3F87]  }
0x29: {  	s4 =	sld [smem:$0x3F89]  }
0x2a: {  	p0 =	seq.s32 s5, $0x0;
	s5 =	sld [smem:$0x3F8A]  }
0x2b: {  	s6 =	sld [smem:$0x3F8B]  }
0x2c: {  	s7 =	sld [smem:$0x3F8C]  }
0x2d: {  	s3 =	simm.s32 $0x108;
	s8 =	sld [smem:$0x3F8D]  }
0x2e: {  	s3 =	simm.s32 @!p0 $0x1082;
	s9 =	sld [smem:$0x3F8E]  }
0x2f: {  	lr =	sadd.s32 s0, s3;
	s0 =	sld [smem:$0x3F85]  }
0x30: {  	s3 =	sld [smem:$0x3F88]  }
0x31: {  	[smem:$0x3F91] =	sst s10  }
0x32: {  	s10 =	sld [smem:$0x3F8F];
	_ =	sdelay $0x3  }
0x33: {  	p0 =	seq.s32 s10, $0x1;
	s10 =	sld [smem:$0x3F91];
	_ =	sdelay $0x3  }
0x34: {  	[smem:$0x3F91] =	sst s10  }
0x35: {  	s10 =	sld [smem:$0x3F90];
	_ =	sdelay $0x3  }
0x36: {  	p1 =	seq.s32 s10, $0x1;
	s10 =	sld [smem:$0x3F91];
	_ =	sdelay $0x3  }
0x37: {  	[smem:$0x3F91] =	sst s10  }
0x38: {  	s10 =	sld [smem:$0x3F92]  }
0x39: {  	_ = 	snop;
	(pc) =	sbr.ind lr, $3  }
0x3a: {  	_ = 	snop  }
0x3b: {  	_ = 	snop  }
0x3c: {  	p2 =	seq.s32 s10, $0x1;
	s10 =	sld [smem:$0x3F91]  }
0x3d: {  	_ =	shalt  }
0x3e: {  	_ =	shalt  }
0x3f: {  	_ =	shalt  }
0x40: {  	_ =	shalt  }
0x41: {  	_ =	shalt  }
0x42: {  	_ =	shalt  }
0x43: {  	_ =	shalt  }
0x44: {  	_ =	shalt  }
0x45: {  	_ =	shalt  }
0x46: {  	_ =	shalt  }
0x47: {  	_ =	shalt  }
0x48: {  	_ =	shalt  }
0x49: {  	_ =	shalt  }
0x4a: {  	_ =	shalt  }
0x4b: {  	_ =	shalt  }
0x4c: {  	_ =	shalt  }
0x4d: {  	_ =	shalt  }
0x4e: {  	_ =	shalt  }
0x4f: {  	_ =	shalt  }
0x50: {  	_ =	shalt  }
0x51: {  	_ =	shalt  }
0x52: {  	_ =	shalt  }
0x53: {  	_ =	shalt  }
0x54: {  	_ =	shalt  }
0x55: {  	_ =	shalt  }
0x56: {  	_ =	shalt  }
0x57: {  	_ =	shalt  }
0x58: {  	_ =	shalt  }
0x59: {  	_ =	shalt  }
0x5a: {  	_ =	shalt  }
0x5b: {  	_ =	shalt  }
0x5c: {  	_ =	shalt  }
0x5d: {  	_ =	shalt  }
0x5e: {  	_ =	shalt  }
0x5f: {  	_ =	shalt  }
0x60: {  	_ =	shalt  }
0x61: {  	_ =	shalt  }
0x62: {  	_ =	shalt  }
0x63: {  	_ =	shalt  }
0x64: {  	_ =	shalt  }
0x65: {  	_ =	shalt  }
0x66: {  	_ =	shalt  }
0x67: {  	_ =	shalt  }
0x68: {  	_ =	shalt  }
0x69: {  	_ =	shalt  }
0x6a: {  	_ =	shalt  }
0x6b: {  	_ =	shalt  }
0x6c: {  	_ =	shalt  }
0x6d: {  	_ =	shalt  }
0x6e: {  	_ =	shalt  }
0x6f: {  	_ =	shalt  }
0x70: {  	_ =	shalt  }
0x71: {  	_ =	shalt  }
0x72: {  	_ =	shalt  }
0x73: {  	_ =	shalt  }
0x74: {  	_ =	shalt  }
0x75: {  	_ =	shalt  }
0x76: {  	_ =	shalt  }
0x77: {  	_ =	shalt  }
0x78: {  	_ =	shalt  }
0x79: {  	_ =	shalt  }
0x7a: {  	_ =	shalt  }
0x7b: {  	_ =	shalt  }
0x7c: {  	_ =	shalt  }
0x7d: {  	_ =	shalt  }
0x7e: {  	_ =	shalt  }
0x7f: {  	_ =	shalt  }
0x80: {  	_ =	shalt  }
0x81: {  	_ =	shalt  }
0x82: {  	_ =	shalt  }
0x83: {  	_ =	shalt  }
0x84: {  	_ =	shalt  }
0x85: {  	_ =	shalt  }
0x86: {  	_ =	shalt  }
0x87: {  	_ =	shalt  }
.Lfunc_end0:
.L_simem_size_0:
called_computation_lowered:
.L_overlay_start_0:
0x88: {  	s2 =	sld [smem:$0x3FD9]  }
0x89: {  	s3 =	sld [smem:$0x3FFE];
	_ =	sdelay $0x1  }
0x8a: {  	s1 =	srdreg.scid  }
0x8b: {  	s0 =	sand.u32 $0x1, s1  }
0x8c: {  	s14 =	sshll.u32 s0, $0xA;
	s2 =	sadd.s32 s3, s2  }
0x8d: {  	s2 =	sadd.s32 s2, s14  }
0x8e: {  	[smem:$0x3F9D] =	sst s2  }
0x8f: {  	_ = 	snop  }
0x90: {  	s2 =	sld [smem:$0x3FD0];
	_ =	sdelay $0x2  }
0x91: {  	s15 =	simm.s32 $0xA;
	s4 =	simm.s32 $0x10  }
0x92: {  	[smem:s4], [sflag:s15] =	dma.local [hbm:s2], $0x1  }
0x93: {  	_ =	swait.eq [sflag:s15], $0x1  }
0x94: {  	[sflag:s15] =	ssyncset.done $0x0  }
0x95: {  	s16 =	sld [smem:$0x10];
	[sflag:s15] =	ssyncadd.s32 $0xFFFFFFFF  }
0x96: {  	s17 =	sld [smem:$0x11];
	(tm) =	ssettm $0x1  }
0x97: {  	s18 =	sld [smem:$0x3FFB];
	_ =	sdelay $0x3  }
0x98: {  	_ =	strace s18  }
0x99: {  	s4 =	sld [smem:$0x3FFC];
	_ =	sdelay $0x3  }
0x9a: {  	_ =	strace s4  }
0x9b: {  	s4 =	sld [smem:$0x3FFD];
	_ =	sdelay $0x3  }
0x9c: {  	_ =	strace s4  }
0x9d: {  	_ =	strace $0x8FFFFFFF  }
0x9e: {  	s19 =	sld [smem:$0x3FDB];
	_ =	sdelay $0x1  }
0x9f: {  	s5 =	simm.s32 $_scs_section_size  }
0xa0: {  	s6 =	simm.s32 $_size__tile_overlayer_lowered;
	s7 =	simm.s32 $_tile_overlayer_lowered  }
0xa1: {  	s22 =	simm.s32 $0x1BFF;
	s21 =	sshll.u32 s7, $0x1;
	s4 =	sadd.s32 s5, s19  }
0xa2: {  	s8 =	simm.s32 $0x0;
	s20 =	sshll.u32 s6, $0x1;
	s6 =	sadd.s32 s21, s4  }
0xa3: {  	[timem:s8], [sflag:s22] =	dma.local [hbm:s6], s20  }
0xa4: {  	_ =	swait.ge [sflag:s22], s20  }
0xa5: {  	s5 =	ssub.s32 $0x0, s20;
	[sflag:s22] =	ssyncset.done $0x0  }
0xa6: {  	[sflag:s22] =	ssyncadd.s32 s5;
	_ =	sdelay $0x1  }
0xa7: {  	s23 =	simm.s32 $0x1B8B  }
0xa8: {  	_ =	swait.ge [sflag:s23], $0x1  }
0xa9: {  	[sflag:s23] =	ssyncset.done $0x0  }
0xaa: {  	s25 =	simm.s32 $0x1B8E;
	s24 =	sld [smem:$0x3FFE];
	[sflag:s23] =	ssyncadd.s32 $0xFFFFFFFF  }
0xab: {  	s26 =	simm.s32 $execute0_lowered;
	[smem:$0x3FD2] =	sst s25  }
0xac: {  	s6 =	sshll.u32 s26, $0x1;
	_ =	strace $0x80000046;
	[dreg:$0x1] =	wrdreg $0xFFFFFFFF  }
0xad: {  	s28 =	simm.s32 $_size_execute0_lowered;
	s4 =	sadd.s32 s4, s6;
	[dreg:$0x0] =	wrdreg $0x0  }
0xae: {  	s6 =	sshll.u32 s28, $0x1;
	[dreg:$0x2] =	wrdreg s4  }
0xaf: {  	[dreg:$0x3] =	wrdreg s6  }
0xb0: {  	[dreg:$0x4] =	wrdreg $0xC0  }
0xb1: {  	_ =	task [dreg:s8], $0x5FFFF  }
0xb2: {  	[dreg:$0x1] =	wrdreg $0xFFFFFFFF  }
0xb3: {  	[dreg:$0x0] =	wrdreg $0x60  }
0xb4: {  	[dreg:$0x2] =	wrdreg s16  }
0xb5: {  	[dreg:$0x3] =	wrdreg s17  }
0xb6: {  	[dreg:$0x4] =	wrdreg s24  }
0xb7: {  	[dreg:$0x5] =	wrdreg $0x9  }
0xb8: {  	_ =	task.clear_ibuf [dreg:s8], $0x6FFFF;
	_ =	strace $0x90000046  }
0xb9: {  	s29 =	simm.s32 $0x9;
	_ =	strace $0x80000048  }
0xba: {  	_ =	swait.ge [sflag:s29], $0x1  }
0xbb: {  	[sflag:s29] =	ssyncadd.s32 $0xFFFFFFFF  }
0xbc: {  	_ =	strace $0x90000048  }
0xbd: {  	_ =	sfence  }
0xbe: {  	s30 =	sld [smem:$0x0];
	_ =	sdelay $0x2  }
0xbf: {  	s31 =	sshll.u32 s1, $0xD;
	s1 =	sshrl.u32 s1, $0x2  }
0xc0: {  	s3 =	sand.u32 $0x4000, s31;
	s1 =	sadd.s32 s1, s30  }
0xc1: {  	s0 =	sor.u32 s3, s0;
	s1 =	sshll.u32 s1, $0x11  }
0xc2: {  	s0 =	sor.u32 s1, s0  }
0xc3: {  	s0 =	sadd.s32 $0x8F2B, s0  }
0xc4: {  	[sflag:s0] =	ssyncadd.remote.s32 $0x1  }
0xc5: {  	_ =	sfence.sel $0xFFFF  }
0xc6: {  	[dreg:$0x0] =	wrdreg $0xFFFFFFFF;
	(pc) =	sbr.abs _section_cstart, $3  }
0xc7: {  	[dreg:$0x1] =	wrdreg $0xFFFFFFFF  }
0xc8: {  	_ =	task.clear_ibuf [dreg:s8], $0x2FFFF;
	_ =	strace $0x9FFFFFFF  }
0xc9: {  	(tm) =	ssettm $0x7FFFFFFF  }
tec
execute0_lowered:
.L_overlay_start_1:
0x0: {  	(tag) =	ssettag $0x1  }
0x1: {  	s0 =	rddreg [dreg:$0x0]  }
0x2: {  	v0 =	vlaneseq.u32;
	s2 =	rddreg [dreg:$0x1]  }
0x3: {  	s7 =	rddreg [dreg:$0x2];
	v0 =	vmul.u32 $0x8, v0  }
0x4: {  	s1 =	srdreg.scid;
	s3 =	rddreg [dreg:$0x3]  }
0x5: {  	v1 =	vimm.f32 $0.0e+00;
	s4 =	simm.s32 $0x0;
	s10 =	simm.s32 $0x7580;
	s5 =	sand.u32 $0x1, s1;
	v2 =	vor.u32 $0x1, v0;
	v3 =	vor.u32 $0x2, v0  }
0x6: {  	s11 =	simm.s32 $0xEB00;
	s1 =	stileid.u32;
	s6 =	smul.u32 $0x27800, s5;
	v4 =	vor.u32 $0x80, v0;
	v5 =	vor.u32 $0x81, v0;
	v6 =	vor.u32 $0x82, v0  }
0x7: {  	s12 =	simm.s32 $0xEB80;
	s13 =	simm.s32 $0xEC00;
	s8 =	smul.u32 $0x2780, s1;
	v7 =	vor.u32 $0x100, v0;
	v8 =	vor.u32 $0x101, v0;
	v9 =	vor.u32 $0x102, v0  }
0x8: {  	s14 =	simm.s32 $0x0;
	[smem:$0x7FF] =	sst s4;
	s5 =	ssub.s32 $0x2, s5;
	v10 =	vor.u32 $0x180, v0;
	v11 =	vor.u32 $0x181, v0;
	v12 =	vor.u32 $0x182, v0  }
0x9: {  	_ =	strace $0x80000047;
	s30 =	sshrl.u32 s5, $0x1;
	v13 =	vor.u32 $0x200, v0;
	v14 =	vor.u32 $0x201, v0;
	v15 =	vor.u32 $0x202, v0;
	s6 =	sadd.s32 s8, s6  }
0xa: {  	v16 =	vor.u32 $0x280, v0;
	v17 =	vor.u32 $0x281, v0;
	v18 =	vor.u32 $0x282, v0;
	s5 =	ssub.s32 s5, s30;
	s9 =	sshrl.u32 s6, $0x3;
	s6 =	sadd.s32 s6, s7  }
0xb: {  	v19 =	vor.u32 $0x300, v0;
	v20 =	vor.u32 $0x301, v0;
	v21 =	vor.u32 $0x302, v0;
	s5 =	smax.u32 s5, $0x1;
	s31 =	sadd.s32 s9, s7;
	s6 =	sadd.s32 $0x69000, s6  }
0xc: {  	v22 =	vor.u32 $0x380, v0;
	v23 =	vor.u32 $0x381, v0;
	v24 =	vor.u32 $0x382, v0;
	s9 =	simm.s32 $0x1;
	s7 =	sadd.s32 $0x5F000, s31;
	s8 =	sadd.s32 $0x55200, s31  }
.LBB2_1:
0xd: {  	[tilespmem:s4], [sflag:$0x1] =	stream.linear.gather [hbm4b:s0+s4], $0x7580, $0x38;
	[tilespmem:$0xF000] =	vst v63  }
0xe: {  	_ =	swait.ge [sflag:s9], $0x7580  }
0xf: {  	[sflag:s9] =	ssyncset.done $0x0  }
0x10: {  	[sflag:s9] =	ssyncadd.s32 $0xFFFF8A80  }
0x11: {  	[tilespmem:s10], [sflag:$0x1] =	stream.linear.gather [hbm4b:s2+s4], $0x7580, $0x38;
	[tilespmem:$0xF000] =	vst v63  }
0x12: {  	_ =	swait.ge [sflag:s9], $0x7580  }
0x13: {  	[sflag:s9] =	ssyncset.done $0x0  }
0x14: {  	s15 =	simm.s32 $0x0;
	[sflag:s9] =	ssyncadd.s32 $0xFFFF8A80  }
.LBB2_2:
0x15: {  	p0 =	sne.s32 s15, $0xFC0  }
.Ltmp0:
0x16: {  	_ = 	snop;
	(pc) =	sbr.rel @p0 .LBB2_2-.Ltmp0, $3  }
0x17: {  	_ =	sdelay $0x1  }
0x18: {  	s16 =	sshra.s32 s15, $0x2  }
0x19: {  	s15 =	sadd.s32 $0x40, s15;
	[tilespmem:s16+$0xEC00] =	vst v1  }
0x1a: {  	s15 =	simm.s32 $0x0;
	s16 =	smov.u32 s6  }
.LBB2_4:
0x1b: {  	s17 =	sadd.s32 s15, s8  }
0x1c: {  	[tilespmem:s11], [sflag:$0x1] =	stream.linear.gather [hbm4b:s17+s4], $0x80, $0x38;
	[tilespmem:$0xF000] =	vst v63  }
0x1d: {  	_ =	swait.ge [sflag:s9], $0x80  }
0x1e: {  	[sflag:s9] =	ssyncset.done $0x0  }
0x1f: {  	s31 =	sadd.s32 s15, s7;
	[sflag:s9] =	ssyncadd.s32 $0xFFFFFF80  }
0x20: {  	[tilespmem:s12], [sflag:$0x1] =	stream.linear.gather [hbm4b:s31+s4], $0x80, $0x38;
	[tilespmem:$0xF000] =	vst v63  }
0x21: {  	_ =	swait.ge [sflag:s9], $0x80  }
0x22: {  	[sflag:s9] =	ssyncset.done $0x0  }
0x23: {  	[sflag:s9] =	ssyncadd.s32 $0xFFFFFF80  }
0x24: {  	v25 =	vld [tilespmem:$0xEB00]  }
0x25: {  	v26 =	vld [tilespmem:$0xEB80];
	_ =	sdelay $0x6  }
0x26: {  	v27 =	vld.idx.msk [tilespmem:v25+s4+$0x0], $0xffff  }
0x27: {  	v28 =	vld.idx.msk [tilespmem:v26+s4+$0x0], $0xffff;
	_ =	sdelay $0x1  }
0x28: {  	v29 =	vld.idx.msk [tilespmem:v26+s10+$0x0], $0xffff;
	_ =	sdelay $0x2  }
0x29: {  	v51 =	vadd.s32 $0x2718, v25;
	v27 =	vsub.f32 v27, v28  }
0x2a: {  	v30 =	vadd.s32 $0x2718, v26  }
0x2b: {  	v27 =	vadd.f32 v29, v27;
	_ =	sdelay $0x1  }
0x2c: {  	[tilespmem:v0+s13+$0x0] =	vst.idx.msk $0xffff, v27  }
0x2d: {  	v27 =	vld.idx.msk [tilespmem:v51+s4+$0x0], $0xffff  }
0x2e: {  	v52 =	vld.idx.msk [tilespmem:v30+s4+$0x0], $0xffff;
	_ =	sdelay $0x1  }
0x2f: {  	v53 =	vld.idx.msk [tilespmem:v30+s10+$0x0], $0xffff;
	_ =	sdelay $0x2  }
0x30: {  	v25 =	vadd.s32 $0x4E30, v25;
	v27 =	vsub.f32 v27, v52  }
0x31: {  	v26 =	vadd.s32 $0x4E30, v26  }
0x32: {  	v27 =	vadd.f32 v53, v27;
	_ =	sdelay $0x1  }
0x33: {  	[tilespmem:v2+s13+$0x0] =	vst.idx.msk $0xffff, v27  }
0x34: {  	v25 =	vld.idx.msk [tilespmem:v25+s4+$0x0], $0xffff  }
0x35: {  	v27 =	vld.idx.msk [tilespmem:v26+s4+$0x0], $0xffff;
	_ =	sdelay $0x1  }
0x36: {  	v26 =	vld.idx.msk [tilespmem:v26+s10+$0x0], $0xffff;
	_ =	sdelay $0x2  }
0x37: {  	v25 =	vsub.f32 v25, v27;
	_ =	sdelay $0x1  }
0x38: {  	v25 =	vadd.f32 v26, v25;
	_ =	sdelay $0x1  }
0x39: {  	[tilespmem:v3+s13+$0x0] =	vst.idx.msk $0xffff, v25  }
0x3a: {  	v25 =	vld [tilespmem:$0xEB10]  }
0x3b: {  	v26 =	vld [tilespmem:$0xEB90];
	_ =	sdelay $0x6  }
0x3c: {  	v27 =	vld.idx.msk [tilespmem:v25+s4+$0x0], $0xffff  }
0x3d: {  	v54 =	vld.idx.msk [tilespmem:v26+s4+$0x0], $0xffff;
	_ =	sdelay $0x1  }
0x3e: {  	v55 =	vld.idx.msk [tilespmem:v26+s10+$0x0], $0xffff;
	_ =	sdelay $0x2  }
0x3f: {  	v56 =	vadd.s32 $0x2718, v25;
	v27 =	vsub.f32 v27, v54  }
0x40: {  	v57 =	vadd.s32 $0x2718, v26  }
0x41: {  	v27 =	vadd.f32 v55, v27;
	_ =	sdelay $0x1  }
0x42: {  	[tilespmem:v4+s13+$0x0] =	vst.idx.msk $0xffff, v27  }
0x43: {  	v27 =	vld.idx.msk [tilespmem:v56+s4+$0x0], $0xffff  }
0x44: {  	v58 =	vld.idx.msk [tilespmem:v57+s4+$0x0], $0xffff;
	_ =	sdelay $0x1  }
0x45: {  	v59 =	vld.idx.msk [tilespmem:v57+s10+$0x0], $0xffff;
	_ =	sdelay $0x2  }
0x46: {  	v25 =	vadd.s32 $0x4E30, v25;
	v27 =	vsub.f32 v27, v58  }
0x47: {  	v26 =	vadd.s32 $0x4E30, v26  }
0x48: {  	v27 =	vadd.f32 v59, v27;
	_ =	sdelay $0x1  }
0x49: {  	[tilespmem:v5+s13+$0x0] =	vst.idx.msk $0xffff, v27  }
0x4a: {  	v25 =	vld.idx.msk [tilespmem:v25+s4+$0x0], $0xffff  }
0x4b: {  	v27 =	vld.idx.msk [tilespmem:v26+s4+$0x0], $0xffff;
	_ =	sdelay $0x1  }
0x4c: {  	v26 =	vld.idx.msk [tilespmem:v26+s10+$0x0], $0xffff;
	_ =	sdelay $0x2  }
0x4d: {  	v25 =	vsub.f32 v25, v27;
	_ =	sdelay $0x1  }
0x4e: {  	v25 =	vadd.f32 v26, v25;
	_ =	sdelay $0x1  }
0x4f: {  	[tilespmem:v6+s13+$0x0] =	vst.idx.msk $0xffff, v25  }
0x50: {  	v25 =	vld [tilespmem:$0xEB20]  }
0x51: {  	v26 =	vld [tilespmem:$0xEBA0];
	_ =	sdelay $0x6  }
0x52: {  	v27 =	vld.idx.msk [tilespmem:v25+s4+$0x0], $0xffff  }
0x53: {  	v60 =	vld.idx.msk [tilespmem:v26+s4+$0x0], $0xffff;
	_ =	sdelay $0x1  }
0x54: {  	v61 =	vld.idx.msk [tilespmem:v26+s10+$0x0], $0xffff;
	_ =	sdelay $0x2  }
0x55: {  	v62 =	vadd.s32 $0x2718, v25;
	v27 =	vsub.f32 v27, v60  }
0x56: {  	v63 =	vadd.s32 $0x2718, v26  }
0x57: {  	v27 =	vadd.f32 v61, v27;
	_ =	sdelay $0x1  }
0x58: {  	[tilespmem:v7+s13+$0x0] =	vst.idx.msk $0xffff, v27  }
0x59: {  	v27 =	vld.idx.msk [tilespmem:v62+s4+$0x0], $0xffff  }
0x5a: {  	v32 =	vld.idx.msk [tilespmem:v63+s4+$0x0], $0xffff;
	_ =	sdelay $0x1  }
0x5b: {  	v33 =	vld.idx.msk [tilespmem:v63+s10+$0x0], $0xffff;
	_ =	sdelay $0x2  }
0x5c: {  	v25 =	vadd.s32 $0x4E30, v25;
	v27 =	vsub.f32 v27, v32  }
0x5d: {  	v26 =	vadd.s32 $0x4E30, v26  }
0x5e: {  	v27 =	vadd.f32 v33, v27;
	_ =	sdelay $0x1  }
0x5f: {  	[tilespmem:v8+s13+$0x0] =	vst.idx.msk $0xffff, v27  }
0x60: {  	v25 =	vld.idx.msk [tilespmem:v25+s4+$0x0], $0xffff  }
0x61: {  	v27 =	vld.idx.msk [tilespmem:v26+s4+$0x0], $0xffff;
	_ =	sdelay $0x1  }
0x62: {  	v26 =	vld.idx.msk [tilespmem:v26+s10+$0x0], $0xffff;
	_ =	sdelay $0x2  }
0x63: {  	v25 =	vsub.f32 v25, v27;
	_ =	sdelay $0x1  }
0x64: {  	v25 =	vadd.f32 v26, v25;
	_ =	sdelay $0x1  }
0x65: {  	[tilespmem:v9+s13+$0x0] =	vst.idx.msk $0xffff, v25  }
0x66: {  	v25 =	vld [tilespmem:$0xEB30]  }
0x67: {  	v26 =	vld [tilespmem:$0xEBB0];
	_ =	sdelay $0x6  }
0x68: {  	v27 =	vld.idx.msk [tilespmem:v25+s4+$0x0], $0xffff  }
0x69: {  	v34 =	vld.idx.msk [tilespmem:v26+s4+$0x0], $0xffff;
	_ =	sdelay $0x1  }
0x6a: {  	v35 =	vld.idx.msk [tilespmem:v26+s10+$0x0], $0xffff;
	_ =	sdelay $0x2  }
0x6b: {  	v36 =	vadd.s32 $0x2718, v25;
	v27 =	vsub.f32 v27, v34  }
0x6c: {  	v37 =	vadd.s32 $0x2718, v26  }
0x6d: {  	v27 =	vadd.f32 v35, v27;
	_ =	sdelay $0x1  }
0x6e: {  	[tilespmem:v10+s13+$0x0] =	vst.idx.msk $0xffff, v27  }
0x6f: {  	v27 =	vld.idx.msk [tilespmem:v36+s4+$0x0], $0xffff  }
0x70: {  	v38 =	vld.idx.msk [tilespmem:v37+s4+$0x0], $0xffff;
	_ =	sdelay $0x1  }
0x71: {  	v39 =	vld.idx.msk [tilespmem:v37+s10+$0x0], $0xffff;
	_ =	sdelay $0x2  }
0x72: {  	v25 =	vadd.s32 $0x4E30, v25;
	v27 =	vsub.f32 v27, v38  }
0x73: {  	v26 =	vadd.s32 $0x4E30, v26  }
0x74: {  	v27 =	vadd.f32 v39, v27;
	_ =	sdelay $0x1  }
0x75: {  	[tilespmem:v11+s13+$0x0] =	vst.idx.msk $0xffff, v27  }
0x76: {  	v25 =	vld.idx.msk [tilespmem:v25+s4+$0x0], $0xffff  }
0x77: {  	v27 =	vld.idx.msk [tilespmem:v26+s4+$0x0], $0xffff;
	_ =	sdelay $0x1  }
0x78: {  	v26 =	vld.idx.msk [tilespmem:v26+s10+$0x0], $0xffff;
	_ =	sdelay $0x2  }
0x79: {  	v25 =	vsub.f32 v25, v27;
	_ =	sdelay $0x1  }
0x7a: {  	v25 =	vadd.f32 v26, v25;
	_ =	sdelay $0x1  }
0x7b: {  	[tilespmem:v12+s13+$0x0] =	vst.idx.msk $0xffff, v25  }
0x7c: {  	v25 =	vld [tilespmem:$0xEB40]  }
0x7d: {  	v26 =	vld [tilespmem:$0xEBC0];
	_ =	sdelay $0x6  }
0x7e: {  	v27 =	vld.idx.msk [tilespmem:v25+s4+$0x0], $0xffff  }
0x7f: {  	v40 =	vld.idx.msk [tilespmem:v26+s4+$0x0], $0xffff;
	_ =	sdelay $0x1  }
0x80: {  	v41 =	vld.idx.msk [tilespmem:v26+s10+$0x0], $0xffff;
	_ =	sdelay $0x2  }
0x81: {  	v42 =	vadd.s32 $0x2718, v25;
	v27 =	vsub.f32 v27, v40  }
0x82: {  	v43 =	vadd.s32 $0x2718, v26  }
0x83: {  	v27 =	vadd.f32 v41, v27;
	_ =	sdelay $0x1  }
0x84: {  	[tilespmem:v13+s13+$0x0] =	vst.idx.msk $0xffff, v27  }
0x85: {  	v27 =	vld.idx.msk [tilespmem:v42+s4+$0x0], $0xffff  }
0x86: {  	v44 =	vld.idx.msk [tilespmem:v43+s4+$0x0], $0xffff;
	_ =	sdelay $0x1  }
0x87: {  	v45 =	vld.idx.msk [tilespmem:v43+s10+$0x0], $0xffff;
	_ =	sdelay $0x2  }
0x88: {  	v25 =	vadd.s32 $0x4E30, v25;
	v27 =	vsub.f32 v27, v44  }
0x89: {  	v26 =	vadd.s32 $0x4E30, v26  }
0x8a: {  	v27 =	vadd.f32 v45, v27;
	_ =	sdelay $0x1  }
0x8b: {  	[tilespmem:v14+s13+$0x0] =	vst.idx.msk $0xffff, v27  }
0x8c: {  	v25 =	vld.idx.msk [tilespmem:v25+s4+$0x0], $0xffff  }
0x8d: {  	v27 =	vld.idx.msk [tilespmem:v26+s4+$0x0], $0xffff;
	_ =	sdelay $0x1  }
0x8e: {  	v26 =	vld.idx.msk [tilespmem:v26+s10+$0x0], $0xffff;
	_ =	sdelay $0x2  }
0x8f: {  	v25 =	vsub.f32 v25, v27;
	_ =	sdelay $0x1  }
0x90: {  	v25 =	vadd.f32 v26, v25;
	_ =	sdelay $0x1  }
0x91: {  	[tilespmem:v15+s13+$0x0] =	vst.idx.msk $0xffff, v25  }
0x92: {  	v25 =	vld [tilespmem:$0xEB50]  }
0x93: {  	v26 =	vld [tilespmem:$0xEBD0];
	_ =	sdelay $0x6  }
0x94: {  	v27 =	vld.idx.msk [tilespmem:v25+s4+$0x0], $0xffff  }
0x95: {  	v46 =	vld.idx.msk [tilespmem:v26+s4+$0x0], $0xffff;
	_ =	sdelay $0x1  }
0x96: {  	v47 =	vld.idx.msk [tilespmem:v26+s10+$0x0], $0xffff;
	_ =	sdelay $0x2  }
0x97: {  	v48 =	vadd.s32 $0x2718, v25;
	v27 =	vsub.f32 v27, v46  }
0x98: {  	v49 =	vadd.s32 $0x2718, v26  }
0x99: {  	v27 =	vadd.f32 v47, v27;
	_ =	sdelay $0x1  }
0x9a: {  	[tilespmem:v16+s13+$0x0] =	vst.idx.msk $0xffff, v27  }
0x9b: {  	v27 =	vld.idx.msk [tilespmem:v48+s4+$0x0], $0xffff  }
0x9c: {  	v50 =	vld.idx.msk [tilespmem:v49+s4+$0x0], $0xffff;
	_ =	sdelay $0x1  }
0x9d: {  	v51 =	vld.idx.msk [tilespmem:v49+s10+$0x0], $0xffff;
	_ =	sdelay $0x2  }
0x9e: {  	v25 =	vadd.s32 $0x4E30, v25;
	v27 =	vsub.f32 v27, v50  }
0x9f: {  	v26 =	vadd.s32 $0x4E30, v26  }
0xa0: {  	v27 =	vadd.f32 v51, v27;
	_ =	sdelay $0x1  }
0xa1: {  	[tilespmem:v17+s13+$0x0] =	vst.idx.msk $0xffff, v27  }
0xa2: {  	v25 =	vld.idx.msk [tilespmem:v25+s4+$0x0], $0xffff  }
0xa3: {  	v27 =	vld.idx.msk [tilespmem:v26+s4+$0x0], $0xffff;
	_ =	sdelay $0x1  }
0xa4: {  	v26 =	vld.idx.msk [tilespmem:v26+s10+$0x0], $0xffff;
	_ =	sdelay $0x2  }
0xa5: {  	v25 =	vsub.f32 v25, v27;
	_ =	sdelay $0x1  }
0xa6: {  	v25 =	vadd.f32 v26, v25;
	_ =	sdelay $0x1  }
0xa7: {  	[tilespmem:v18+s13+$0x0] =	vst.idx.msk $0xffff, v25  }
0xa8: {  	v25 =	vld [tilespmem:$0xEB60]  }
0xa9: {  	v26 =	vld [tilespmem:$0xEBE0];
	_ =	sdelay $0x6  }
0xaa: {  	v27 =	vld.idx.msk [tilespmem:v25+s4+$0x0], $0xffff  }
0xab: {  	v52 =	vld.idx.msk [tilespmem:v26+s4+$0x0], $0xffff;
	_ =	sdelay $0x1  }
0xac: {  	v53 =	vld.idx.msk [tilespmem:v26+s10+$0x0], $0xffff;
	_ =	sdelay $0x2  }
0xad: {  	v54 =	vadd.s32 $0x2718, v25;
	v27 =	vsub.f32 v27, v52  }
0xae: {  	v55 =	vadd.s32 $0x2718, v26  }
0xaf: {  	v27 =	vadd.f32 v53, v27;
	_ =	sdelay $0x1  }
0xb0: {  	[tilespmem:v19+s13+$0x0] =	vst.idx.msk $0xffff, v27  }
0xb1: {  	v27 =	vld.idx.msk [tilespmem:v54+s4+$0x0], $0xffff  }
0xb2: {  	v56 =	vld.idx.msk [tilespmem:v55+s4+$0x0], $0xffff;
	_ =	sdelay $0x1  }
0xb3: {  	v57 =	vld.idx.msk [tilespmem:v55+s10+$0x0], $0xffff;
	_ =	sdelay $0x2  }
0xb4: {  	v25 =	vadd.s32 $0x4E30, v25;
	v27 =	vsub.f32 v27, v56  }
0xb5: {  	v26 =	vadd.s32 $0x4E30, v26  }
0xb6: {  	v27 =	vadd.f32 v57, v27;
	_ =	sdelay $0x1  }
0xb7: {  	[tilespmem:v20+s13+$0x0] =	vst.idx.msk $0xffff, v27  }
0xb8: {  	v25 =	vld.idx.msk [tilespmem:v25+s4+$0x0], $0xffff  }
0xb9: {  	v27 =	vld.idx.msk [tilespmem:v26+s4+$0x0], $0xffff;
	_ =	sdelay $0x1  }
0xba: {  	v26 =	vld.idx.msk [tilespmem:v26+s10+$0x0], $0xffff;
	_ =	sdelay $0x2  }
0xbb: {  	v25 =	vsub.f32 v25, v27;
	_ =	sdelay $0x1  }
0xbc: {  	v25 =	vadd.f32 v26, v25;
	_ =	sdelay $0x1  }
0xbd: {  	[tilespmem:v21+s13+$0x0] =	vst.idx.msk $0xffff, v25  }
0xbe: {  	v25 =	vld [tilespmem:$0xEB70]  }
0xbf: {  	v26 =	vld [tilespmem:$0xEBF0];
	_ =	sdelay $0x6  }
0xc0: {  	v27 =	vld.idx.msk [tilespmem:v25+s4+$0x0], $0xffff  }
0xc1: {  	v58 =	vld.idx.msk [tilespmem:v26+s4+$0x0], $0xffff;
	_ =	sdelay $0x1  }
0xc2: {  	v59 =	vld.idx.msk [tilespmem:v26+s10+$0x0], $0xffff;
	_ =	sdelay $0x2  }
0xc3: {  	v60 =	vadd.s32 $0x2718, v25;
	v27 =	vsub.f32 v27, v58  }
0xc4: {  	v61 =	vadd.s32 $0x2718, v26  }
0xc5: {  	v27 =	vadd.f32 v59, v27;
	_ =	sdelay $0x1  }
0xc6: {  	[tilespmem:v22+s13+$0x0] =	vst.idx.msk $0xffff, v27  }
0xc7: {  	v27 =	vld.idx.msk [tilespmem:v60+s4+$0x0], $0xffff  }
0xc8: {  	v62 =	vld.idx.msk [tilespmem:v61+s4+$0x0], $0xffff;
	_ =	sdelay $0x1  }
0xc9: {  	v63 =	vld.idx.msk [tilespmem:v61+s10+$0x0], $0xffff;
	_ =	sdelay $0x2  }
0xca: {  	v25 =	vadd.s32 $0x4E30, v25;
	v27 =	vsub.f32 v27, v62  }
0xcb: {  	v26 =	vadd.s32 $0x4E30, v26  }
0xcc: {  	v27 =	vadd.f32 v63, v27;
	_ =	sdelay $0x1  }
0xcd: {  	[tilespmem:v23+s13+$0x0] =	vst.idx.msk $0xffff, v27  }
0xce: {  	v25 =	vld.idx.msk [tilespmem:v25+s4+$0x0], $0xffff  }
0xcf: {  	v27 =	vld.idx.msk [tilespmem:v26+s4+$0x0], $0xffff;
	_ =	sdelay $0x1  }
0xd0: {  	v26 =	vld.idx.msk [tilespmem:v26+s10+$0x0], $0xffff;
	_ =	sdelay $0x2  }
0xd1: {  	v25 =	vsub.f32 v25, v27;
	_ =	sdelay $0x1  }
0xd2: {  	v25 =	vadd.f32 v26, v25  }
0xd3: {  	p0 =	sne.s32 s15, $0x4E0  }
.Ltmp1:
0xd4: {  	[tilespmem:v24+s13+$0x0] =	vst.idx.msk $0xffff, v25;
	(pc) =	sbr.rel @p0 .LBB2_4-.Ltmp1, $4  }
0xd5: {  	[hbm4b:s16+s4] =	stream.linear.scatter [tilespmem:s13], [sflag:$0x1], $0x400, $0x38;
	[tilespmem:$0xF000] =	vst v63  }
0xd6: {  	_ =	swait.ge [sflag:s9], $0x400  }
0xd7: {  	[sflag:s9] =	ssyncset.done $0x0  }
0xd8: {  	s15 =	sadd.s32 $0x10, s15;
	s16 =	sadd.s32 $0x80, s16;
	[sflag:s9] =	ssyncadd.s32 $0xFFFFFC00  }
0xd9: {  	s14 =	sadd.s32 $0x1, s14  }
0xda: {  	p0 =	sne.s32 s14, s5  }
.Ltmp2:
0xdb: {  	_ = 	snop;
	(pc) =	sbr.rel @p0 .LBB2_1-.Ltmp2, $1  }
0xdc: {  	_ =	sdelay $0x3  }
0xdd: {  	_ =	sfence.sel $0x180000  }
0xde: {  	[bflag:$0x0] =	sbarrier.arrive $0xFFFF  }
0xdf: {  	p0 =	sne.s32 s1, $0x0;
	_ =	strace $0x90000047  }
0xe0: {  	s0 =	sadd.s32 @!p0 $0x100000, s3;
	[bflag:$0x2] =	sbarrier.arrive $0xFFFF  }
0xe1: {  	[sflag:s0] =	ssyncadd.tile.s32 @!p0 $0x1;
	_ =	shalt  }
.Lfunc_end2:
_tile_overlayer_lowered:
.L_overlay_start_2:
0xe2: {  	(tag) =	ssettag $0x2  }
0xe3: {  	s0 =	rddreg [dreg:$0x0];
	s2 =	stileid.u32  }
0xe4: {  	s1 =	rddreg [dreg:$0x1];
	p0 =	sne.s32 s2, $0x0  }
0xe5: {  	s3 =	rddreg [dreg:$0x2];
	[bflag:$0x3] =	sbarrier.arrive $0xFFFF;
	s2 =	simm.s32 @!p0 $0x1C01  }
0xe6: {  	[timem:s3], [sflag:s2] =	dma.local @!p0 [hbm:s0], s1  }
0xe7: {  	s0 =	simm.s32 @!p0 $0x1  }
0xe8: {  	_ =	swait.ge @!p0 [sflag:s0], s1  }
0xe9: {  	s1 =	ssub.s32 @!p0 $0x0, s1;
	[sflag:s0] =	ssyncset.done @!p0 $0x0  }
0xea: {  	[sflag:s0] =	ssyncadd.s32 @!p0 s1  }
0xeb: {  	[bflag:$0x3] =	sbarrier.arrive $0xFFFF  }
0xec: {  	_ =	shalt  }

// kernel: kernel.20.cloned.1.call-start
scs
__scs_entry_jumppad:
0x0: {  	(pc) =	sbr.rel $0x88, $3  }
0x1: {  	(tag) =	ssettag $0x0;
	lr =	simm.s32 $0x1  }
0x2: {  	[smem:$0x3F76] =	sst lr;
	_ =	strace $0xD0000000  }
0x3: {  	_ = 	snop  }
0x4: {  	_ = 	snop  }
0x5: {  	_ = 	snop  }
0x6: {  	_ = 	snop  }
0x7: {  	_ = 	snop  }
__scs_overlays_trampoline_lowered:
0x8: {  	[smem:$0x3F85] =	sst s0  }
0x9: {  	[smem:$0x3F86] =	sst s1  }
0xa: {  	[smem:$0x3F87] =	sst s2  }
0xb: {  	[smem:$0x3F88] =	sst s3  }
0xc: {  	[smem:$0x3F89] =	sst s4  }
0xd: {  	[smem:$0x3F8A] =	sst s5  }
0xe: {  	[smem:$0x3F8B] =	sst s6  }
0xf: {  	[smem:$0x3F8C] =	sst s7  }
0x10: {  	[smem:$0x3F8D] =	sst s8  }
0x11: {  	[smem:$0x3F8E] =	sst s9;
	s0 =	simm.s32 @!p0 $0x0  }
0x12: {  	s1 =	sld [smem:$0x3F74];
	s0 =	simm.s32 @p0 $0x1  }
0x13: {  	[smem:$0x3F8F] =	sst s0;
	s0 =	simm.s32 @!p1 $0x0  }
0x14: {  	s2 =	sld [smem:$0x3F73];
	s0 =	simm.s32 @p1 $0x1  }
0x15: {  	[smem:$0x3F90] =	sst s0;
	s0 =	simm.s32 @!p2 $0x0  }
0x16: {  	s3 =	sld [smem:$0x3FDB];
	s0 =	simm.s32 @p2 $0x1  }
0x17: {  	s4 =	simm.s32 $0x1BF5;
	[smem:$0x3F92] =	sst s0  }
0x18: {  	s0 =	sld [smem:$0x3F75];
	_ =	swait.ge [sflag:s4], $0x0  }
0x19: {  	s7 =	sld [smem:$0x3F76]  }
0x1a: {  	s8 =	sadd.s32 $0xFFFFE003, lr  }
0x1b: {  	s9 =	sadd.s32 $0xFFFFFEF7, lr;
	s5 =	simm.s32 $0xFFFFFFFF;
	p2 =	slt.u32 s8, $0xFFFFF086  }
0x1c: {  	p1 =	slt.u32 s9, $0xF7A;
	s5 =	simm.s32 @!p2 $0x0  }
0x1d: {  	s5 =	simm.s32 @p1 $0x1;
	p0 =	seq.s32 s7, s2  }
0x1e: {  	s7 =	smul.u32 @!p0 $0xF7A, s2;
	p2 =	seq.s32 @!p0 s5, $0x0  }
0x1f: {  	s9 =	smul.u32 $0xF7A, s1;
	s8 =	simm.s32 @!p0 $0x1BF5;
	p2 =	por !p2, p0  }
0x20: {  	[sflag:s8] =	ssyncset.s32 @!p0 $0xFFFFF086;
	s6 =	sadd.s32 @!p0 s3, s7;
	s7 =	simm.s32 @!p0 $0x108  }
0x21: {  	s3 =	sadd.s32 s3, s9;
	s6 =	sadd.s32 @!p0 $0x88, s6;
	s7 =	simm.s32 @p2 $0x1082  }
0x22: {  	[simem:s7], [sflag:s8] =	dma.local @!p0 [hbm:s6], $0xF7A  }
0x23: {  	s9 =	sor.u32 $0xD0000000, s2;
	s6 =	simm.s32 $0x108;
	_ =	swait.ge @!p0 [sflag:s8], $0x0  }
0x24: {  	s3 =	sadd.s32 $0x88, s3;
	s6 =	simm.s32 @!p1 $0x1082;
	[sflag:s4] =	ssyncset.s32 $0xFFFFF086  }
0x25: {  	[simem:s6], [sflag:s4] =	dma.local [hbm:s3], $0xF7A  }
0x26: {  	[smem:$0x3F76] =	sst s1;
	(tag) =	ssettag s2;
	_ =	strace s9  }
0x27: {  	s1 =	sld [smem:$0x3F86]  }
0x28: {  	s2 =	sld [smem:$0x3F87]  }
0x29: {  	s4 =	sld [smem:$0x3F89]  }
0x2a: {  	p0 =	seq.s32 s5, $0x0;
	s5 =	sld [smem:$0x3F8A]  }
0x2b: {  	s6 =	sld [smem:$0x3F8B]  }
0x2c: {  	s7 =	sld [smem:$0x3F8C]  }
0x2d: {  	s3 =	simm.s32 $0x108;
	s8 =	sld [smem:$0x3F8D]  }
0x2e: {  	s3 =	simm.s32 @!p0 $0x1082;
	s9 =	sld [smem:$0x3F8E]  }
0x2f: {  	lr =	sadd.s32 s0, s3;
	s0 =	sld [smem:$0x3F85]  }
0x30: {  	s3 =	sld [smem:$0x3F88]  }
0x31: {  	[smem:$0x3F91] =	sst s10  }
0x32: {  	s10 =	sld [smem:$0x3F8F];
	_ =	sdelay $0x3  }
0x33: {  	p0 =	seq.s32 s10, $0x1;
	s10 =	sld [smem:$0x3F91];
	_ =	sdelay $0x3  }
0x34: {  	[smem:$0x3F91] =	sst s10  }
0x35: {  	s10 =	sld [smem:$0x3F90];
	_ =	sdelay $0x3  }
0x36: {  	p1 =	seq.s32 s10, $0x1;
	s10 =	sld [smem:$0x3F91];
	_ =	sdelay $0x3  }
0x37: {  	[smem:$0x3F91] =	sst s10  }
0x38: {  	s10 =	sld [smem:$0x3F92]  }
0x39: {  	_ = 	snop;
	(pc) =	sbr.ind lr, $3  }
0x3a: {  	_ = 	snop  }
0x3b: {  	_ = 	snop  }
0x3c: {  	p2 =	seq.s32 s10, $0x1;
	s10 =	sld [smem:$0x3F91]  }
0x3d: {  	_ =	shalt  }
0x3e: {  	_ =	shalt  }
0x3f: {  	_ =	shalt  }
0x40: {  	_ =	shalt  }
0x41: {  	_ =	shalt  }
0x42: {  	_ =	shalt  }
0x43: {  	_ =	shalt  }
0x44: {  	_ =	shalt  }
0x45: {  	_ =	shalt  }
0x46: {  	_ =	shalt  }
0x47: {  	_ =	shalt  }
0x48: {  	_ =	shalt  }
0x49: {  	_ =	shalt  }
0x4a: {  	_ =	shalt  }
0x4b: {  	_ =	shalt  }
0x4c: {  	_ =	shalt  }
0x4d: {  	_ =	shalt  }
0x4e: {  	_ =	shalt  }
0x4f: {  	_ =	shalt  }
0x50: {  	_ =	shalt  }
0x51: {  	_ =	shalt  }
0x52: {  	_ =	shalt  }
0x53: {  	_ =	shalt  }
0x54: {  	_ =	shalt  }
0x55: {  	_ =	shalt  }
0x56: {  	_ =	shalt  }
0x57: {  	_ =	shalt  }
0x58: {  	_ =	shalt  }
0x59: {  	_ =	shalt  }
0x5a: {  	_ =	shalt  }
0x5b: {  	_ =	shalt  }
0x5c: {  	_ =	shalt  }
0x5d: {  	_ =	shalt  }
0x5e: {  	_ =	shalt  }
0x5f: {  	_ =	shalt  }
0x60: {  	_ =	shalt  }
0x61: {  	_ =	shalt  }
0x62: {  	_ =	shalt  }
0x63: {  	_ =	shalt  }
0x64: {  	_ =	shalt  }
0x65: {  	_ =	shalt  }
0x66: {  	_ =	shalt  }
0x67: {  	_ =	shalt  }
0x68: {  	_ =	shalt  }
0x69: {  	_ =	shalt  }
0x6a: {  	_ =	shalt  }
0x6b: {  	_ =	shalt  }
0x6c: {  	_ =	shalt  }
0x6d: {  	_ =	shalt  }
0x6e: {  	_ =	shalt  }
0x6f: {  	_ =	shalt  }
0x70: {  	_ =	shalt  }
0x71: {  	_ =	shalt  }
0x72: {  	_ =	shalt  }
0x73: {  	_ =	shalt  }
0x74: {  	_ =	shalt  }
0x75: {  	_ =	shalt  }
0x76: {  	_ =	shalt  }
0x77: {  	_ =	shalt  }
0x78: {  	_ =	shalt  }
0x79: {  	_ =	shalt  }
0x7a: {  	_ =	shalt  }
0x7b: {  	_ =	shalt  }
0x7c: {  	_ =	shalt  }
0x7d: {  	_ =	shalt  }
0x7e: {  	_ =	shalt  }
0x7f: {  	_ =	shalt  }
0x80: {  	_ =	shalt  }
0x81: {  	_ =	shalt  }
0x82: {  	_ =	shalt  }
0x83: {  	_ =	shalt  }
0x84: {  	_ =	shalt  }
0x85: {  	_ =	shalt  }
0x86: {  	_ =	shalt  }
0x87: {  	_ =	shalt  }
.Lfunc_end0:
.L_simem_size_0:
called_computation.1_lowered:
.L_overlay_start_0:
0x88: {  	s2 =	sld [smem:$0x3FD9]  }
0x89: {  	s3 =	sld [smem:$0x3FFE];
	_ =	sdelay $0x1  }
0x8a: {  	s1 =	srdreg.scid  }
0x8b: {  	s0 =	sand.u32 $0x1, s1  }
0x8c: {  	s14 =	sshll.u32 s0, $0xA;
	s2 =	sadd.s32 s3, s2  }
0x8d: {  	s2 =	sadd.s32 s2, s14  }
0x8e: {  	[smem:$0x3F9D] =	sst s2  }
0x8f: {  	_ = 	snop  }
0x90: {  	s2 =	sld [smem:$0x3FD0];
	_ =	sdelay $0x2  }
0x91: {  	s15 =	simm.s32 $0xA;
	s4 =	simm.s32 $0x10  }
0x92: {  	[smem:s4], [sflag:s15] =	dma.local [hbm:s2], $0x1  }
0x93: {  	_ =	swait.eq [sflag:s15], $0x1  }
0x94: {  	[sflag:s15] =	ssyncset.done $0x0  }
0x95: {  	[sflag:s15] =	ssyncadd.s32 $0xFFFFFFFF  }
0x96: {  	s16 =	sld [smem:$0x11];
	(tm) =	ssettm $0x1  }
0x97: {  	s17 =	sld [smem:$0x3FFB];
	_ =	sdelay $0x3  }
0x98: {  	_ =	strace s17  }
0x99: {  	s3 =	sld [smem:$0x3FFC];
	_ =	sdelay $0x3  }
0x9a: {  	_ =	strace s3  }
0x9b: {  	s3 =	sld [smem:$0x3FFD];
	_ =	sdelay $0x3  }
0x9c: {  	_ =	strace s3  }
0x9d: {  	_ =	strace $0x8FFFFFFF  }
0x9e: {  	s18 =	sld [smem:$0x3FDB];
	_ =	sdelay $0x1  }
0x9f: {  	s19 =	simm.s32 $_scs_section_size  }
0xa0: {  	s5 =	simm.s32 $_size__tile_overlayer_lowered;
	s6 =	simm.s32 $_tile_overlayer_lowered  }
0xa1: {  	s22 =	simm.s32 $0x1BFF;
	s21 =	sshll.u32 s6, $0x1;
	s3 =	sadd.s32 s19, s18  }
0xa2: {  	s7 =	simm.s32 $0x0;
	s20 =	sshll.u32 s5, $0x1;
	s5 =	sadd.s32 s21, s3  }
0xa3: {  	[timem:s7], [sflag:s22] =	dma.local [hbm:s5], s20  }
0xa4: {  	_ =	swait.ge [sflag:s22], s20  }
0xa5: {  	s4 =	ssub.s32 $0x0, s20;
	[sflag:s22] =	ssyncset.done $0x0  }
0xa6: {  	[sflag:s22] =	ssyncadd.s32 s4;
	_ =	sdelay $0x1  }
0xa7: {  	s23 =	simm.s32 $0x1B8B  }
0xa8: {  	_ =	swait.ge [sflag:s23], $0x1  }
0xa9: {  	[sflag:s23] =	ssyncset.done $0x0  }
0xaa: {  	s25 =	simm.s32 $0x1B8E;
	s24 =	sld [smem:$0x3FFE];
	[sflag:s23] =	ssyncadd.s32 $0xFFFFFFFF  }
0xab: {  	s26 =	simm.s32 $execute0_lowered;
	[smem:$0x3FD2] =	sst s25  }
0xac: {  	s5 =	sshll.u32 s26, $0x1;
	_ =	strace $0x80000049;
	[dreg:$0x1] =	wrdreg $0xFFFFFFFF  }
0xad: {  	s28 =	simm.s32 $_size_execute0_lowered;
	s3 =	sadd.s32 s3, s5;
	[dreg:$0x0] =	wrdreg $0x0  }
0xae: {  	s5 =	sshll.u32 s28, $0x1;
	[dreg:$0x2] =	wrdreg s3  }
0xaf: {  	[dreg:$0x3] =	wrdreg s5  }
0xb0: {  	[dreg:$0x4] =	wrdreg $0xC0  }
0xb1: {  	_ =	task [dreg:s7], $0x5FFFF  }
0xb2: {  	[dreg:$0x1] =	wrdreg $0xFFFFFFFF  }
0xb3: {  	[dreg:$0x0] =	wrdreg $0x60  }
0xb4: {  	[dreg:$0x2] =	wrdreg s24  }
0xb5: {  	[dreg:$0x3] =	wrdreg s16  }
0xb6: {  	[dreg:$0x4] =	wrdreg $0x0  }
0xb7: {  	[dreg:$0x5] =	wrdreg $0x9  }
0xb8: {  	_ =	task.clear_ibuf [dreg:s7], $0x6FFFF;
	_ =	strace $0x90000049  }
0xb9: {  	s29 =	simm.s32 $0x9;
	_ =	strace $0x8000004B  }
0xba: {  	_ =	swait.ge [sflag:s29], $0x1  }
0xbb: {  	[sflag:s29] =	ssyncadd.s32 $0xFFFFFFFF  }
0xbc: {  	_ =	strace $0x9000004B  }
0xbd: {  	_ =	sfence  }
0xbe: {  	s30 =	sld [smem:$0x0];
	_ =	sdelay $0x2  }
0xbf: {  	s31 =	sshll.u32 s1, $0xD;
	s1 =	sshrl.u32 s1, $0x2  }
0xc0: {  	s3 =	sand.u32 $0x4000, s31;
	s1 =	sadd.s32 s1, s30  }
0xc1: {  	s0 =	sor.u32 s3, s0;
	s1 =	sshll.u32 s1, $0x11  }
0xc2: {  	s0 =	sor.u32 s1, s0  }
0xc3: {  	s0 =	sadd.s32 $0x8F2B, s0  }
0xc4: {  	[sflag:s0] =	ssyncadd.remote.s32 $0x1  }
0xc5: {  	_ =	sfence.sel $0xFFFF  }
0xc6: {  	[dreg:$0x0] =	wrdreg $0xFFFFFFFF;
	(pc) =	sbr.abs _section_cstart, $3  }
0xc7: {  	[dreg:$0x1] =	wrdreg $0xFFFFFFFF  }
0xc8: {  	_ =	task.clear_ibuf [dreg:s7], $0x2FFFF;
	_ =	strace $0x9FFFFFFF  }
0xc9: {  	(tm) =	ssettm $0x7FFFFFFF  }
tec
execute0_lowered:
.L_overlay_start_1:
0x0: {  	(tag) =	ssettag $0x1  }
0x1: {  	s8 =	rddreg [dreg:$0x0]  }
0x2: {  	s10 =	rddreg [dreg:$0x1]  }
0x3: {  	s1 =	rddreg [dreg:$0x2]  }
0x4: {  	s0 =	rddreg [dreg:$0x3];
	s2 =	simm.s32 $0x0  }
0x5: {  	s7 =	srdreg.scid;
	s3 =	stileid.u32;
	s17 =	simm.s32 $0x2  }
0x6: {  	s18 =	simm.s32 $0x13940;
	s19 =	simm.s32 $0x80;
	s20 =	simm.s32 $0x139C0  }
0x7: {  	s21 =	simm.s32 $0x179C0;
	s22 =	simm.s32 $0x1;
	s28 =	simm.s32 $0x0  }
0x8: {  	[smem:$0x7FF] =	sst s2;
	s4 =	sadd.s32 $0xB8000, s8;
	s5 =	sadd.s32 $0x5CF200, s8  }
0x9: {  	s6 =	sadd.s32 $0x55200, s8;
	s9 =	sand.u32 $0x1, s7;
	s12 =	smul.u32 $0x4F000, s3  }
0xa: {  	s7 =	sadd.s32 $0x5F000, s8;
	s8 =	sadd.s32 $0x69000, s8;
	s31 =	smul.u32 $0x2780, s3  }
0xb: {  	s16 =	sadd.s32 $0x128400, s1;
	p0 =	seq.s32 s3, $0xF;
	s14 =	smul.u32 $0x27100, s9  }
0xc: {  	_ =	strace $0x8000004A;
	s11 =	ssub.s32 $0x2, s9;
	s30 =	smul.u32 $0x138800, s9  }
0xd: {  	s9 =	sshll.u32 s9, $0x4;
	s13 =	sshrl.u32 s11, $0x1;
	s29 =	sshrl.u32 s12, $0x2  }
0xe: {  	s9 =	sor.u32 s3, s9;
	s13 =	ssub.s32 s11, s13;
	s15 =	sadd.s32 s29, s1  }
0xf: {  	s12 =	sshrl.u32 s30, $0x3;
	s9 =	smul.u32 $0x2780, s9;
	s11 =	sadd.s32 s31, s14  }
0x10: {  	s14 =	sshll.u32 @!p0 s3, $0x6;
	s12 =	sadd.s32 s10, s12;
	s10 =	sadd.s32 s10, s11  }
0x11: {  	s14 =	sor.u32 @!p0 $0x1C02, s14;
	s15 =	sshrl.u32 @!p0 s15, $0x3;
	s11 =	sadd.s32 $0x25080, s12  }
0x12: {  	s12 =	smax.u32 s13, $0x1;
	s13 =	sshrl.u32 @p0 s16, $0x3;
	s16 =	simm.s32 $0x138C0  }
.LBB2_1:
0x13: {  	s23 =	simm.s32 @p0 $0x1FC2  }
0x14: {  	[spmem:s13], [sflag:s23] =	dma.local @p0 [hbm:s8], $0x2100  }
0x15: {  	s23 =	simm.s32 @p0 $0x2  }
0x16: {  	_ =	swait.ge @p0 [sflag:s23], $0x2100  }
0x17: {  	[sflag:s23] =	ssyncset.done @p0 $0x0  }
0x18: {  	[sflag:s23] =	ssyncadd.s32 @p0 $0xFFFFDF00;
	s23 =	simm.s32 @!p0 $0x2  }
0x19: {  	[spmem:s15], [sflag:s14] =	dma.local @!p0 [hbm:s8], $0x2780  }
0x1a: {  	_ =	swait.ge @!p0 [sflag:s23], $0x2780  }
0x1b: {  	[sflag:s23] =	ssyncset.done @!p0 $0x0  }
0x1c: {  	[sflag:s23] =	ssyncadd.s32 @!p0 $0xFFFFD880  }
0x1d: {  	s23 =	simm.s32 $0x0;
	[bflag:$0x0] =	sbarrier.arrive $0xFFFF  }
.LBB2_2:
0x1e: {  	s24 =	sshll.u32 s23, $0x7  }
0x1f: {  	s24 =	sadd.s32 s9, s24  }
0x20: {  	s25 =	sshrl.u32 s24, $0x3  }
0x21: {  	s26 =	sadd.s32 s6, s25  }
0x22: {  	[tilespmem:s16], [sflag:$0x2] =	stream.linear.gather [hbm4b:s26+s28], $0x80, $0x38;
	[tilespmem:$0x1B9C0] =	vst v63  }
0x23: {  	_ =	swait.ge [sflag:s17], $0x80  }
0x24: {  	[sflag:s17] =	ssyncset.done $0x0  }
0x25: {  	s25 =	sadd.s32 s7, s25;
	[sflag:s17] =	ssyncadd.s32 $0xFFFFFF80  }
0x26: {  	[tilespmem:s18], [sflag:$0x2] =	stream.linear.gather [hbm4b:s25+s28], $0x80, $0x38;
	[tilespmem:$0x1B9C0] =	vst v63  }
0x27: {  	_ =	swait.ge [sflag:s17], $0x80  }
0x28: {  	[sflag:s17] =	ssyncset.done $0x0  }
0x29: {  	s24 =	sshll.u32 s24, $0x4;
	[sflag:s17] =	ssyncadd.s32 $0xFFFFFF80  }
0x2a: {  	[tilespmem:s20], [sflag:$0x1] =	stream.indirect.gather [hbm4b:s4+s19], $0x80, s16, s19, $0xb8;
	[tilespmem:$0x1B9C0] =	vst v63  }
0x2b: {  	s24 =	sadd.s32 s5, s24  }
0x2c: {  	[tilespmem:s21], [sflag:$0x2] =	stream.linear.gather [hbm4b:s24+s28], $0x4000, $0x38;
	[tilespmem:$0x1B9C0] =	vst v63  }
0x2d: {  	_ =	swait.ge [sflag:s17], $0x4000  }
0x2e: {  	[sflag:s17] =	ssyncset.done $0x0  }
0x2f: {  	[sflag:s17] =	ssyncadd.s32 $0xFFFFC000  }
0x30: {  	_ =	swait.ge [sflag:s22], $0x4000  }
0x31: {  	[sflag:s22] =	ssyncset.done $0x0  }
0x32: {  	s24 =	simm.s32 $0x0;
	[sflag:s22] =	ssyncadd.s32 $0xFFFFC000  }
0x33: {  	v6 =	vld [tilespmem:s24+$0x179C0]  }
0x34: {  	v11 =	vld [tilespmem:s24+$0x179D0]  }
0x35: {  	v5 =	vld [tilespmem:s24+$0x179E0]  }
0x36: {  	v4 =	vld [tilespmem:s24+$0x179F0]  }
0x37: {  	v3 =	vld [tilespmem:s24+$0x17A00]  }
0x38: {  	v2 =	vld [tilespmem:s24+$0x17A10]  }
0x39: {  	v1 =	vld [tilespmem:s24+$0x17A20]  }
0x3a: {  	v0 =	vld [tilespmem:s24+$0x17A30]  }
0x3b: {  	v12 =	vld [tilespmem:s24+$0x139C0]  }
0x3c: {  	v13 =	vld [tilespmem:s24+$0x139D0]  }
0x3d: {  	v10 =	vld [tilespmem:s24+$0x139E0]  }
0x3e: {  	v9 =	vld [tilespmem:s24+$0x139F0]  }
0x3f: {  	v8 =	vld [tilespmem:s24+$0x13A00]  }
0x40: {  	v7 =	vld [tilespmem:s24+$0x13A10];
	v12 =	vadd.f32 v6, v12  }
0x41: {  	s25 =	simm.s32 $0x200;
	v11 =	vadd.f32 v11, v13;
	v6 =	vld [tilespmem:s24+$0x13A20]  }
.LBB2_3:
0x42: {  	s26 =	sshra.s32 s25, $0x2;
	p1 =	sne.s32 s25, $0xFE00;
	v12 =	vmax.f32 v12, $0.0e+00;
	v5 =	vadd.f32 v5, v10;
	v10 =	vld [tilespmem:s24+$0x13A30]  }
0x43: {  	v13 =	vld [tilespmem:s26+$0x179C0];
	[tilespmem:s24+$0x139C0] =	vst v12;
	v11 =	vmax.f32 v11, $0.0e+00;
	v4 =	vadd.f32 v4, v9  }
0x44: {  	v14 =	vld [tilespmem:s26+$0x179D0];
	[tilespmem:s24+$0x139D0] =	vst v11;
	v9 =	vmax.f32 v5, $0.0e+00;
	v3 =	vadd.f32 v3, v8  }
0x45: {  	v5 =	vld [tilespmem:s26+$0x179E0];
	[tilespmem:s24+$0x139E0] =	vst v9;
	v8 =	vmax.f32 v4, $0.0e+00;
	v2 =	vadd.f32 v2, v7  }
0x46: {  	v4 =	vld [tilespmem:s26+$0x179F0];
	[tilespmem:s24+$0x139F0] =	vst v8;
	v7 =	vmax.f32 v3, $0.0e+00;
	v1 =	vadd.f32 v1, v6  }
0x47: {  	v3 =	vld [tilespmem:s26+$0x17A00];
	[tilespmem:s24+$0x13A00] =	vst v7;
	v6 =	vmax.f32 v2, $0.0e+00;
	v0 =	vadd.f32 v0, v10  }
0x48: {  	v2 =	vld [tilespmem:s26+$0x17A10];
	[tilespmem:s24+$0x13A10] =	vst v6;
	v6 =	vmax.f32 v1, $0.0e+00  }
0x49: {  	v1 =	vld [tilespmem:s26+$0x17A20];
	[tilespmem:s24+$0x13A20] =	vst v6;
	v6 =	vmax.f32 v0, $0.0e+00  }
0x4a: {  	v0 =	vld [tilespmem:s26+$0x17A30];
	[tilespmem:s24+$0x13A30] =	vst v6;
	s24 =	smov.u32 s26  }
0x4b: {  	v6 =	vld [tilespmem:s24+$0x139C0]  }
0x4c: {  	v11 =	vld [tilespmem:s24+$0x139D0]  }
.Ltmp0:
0x4d: {  	v10 =	vld [tilespmem:s24+$0x139E0];
	(pc) =	sbr.rel @p1 .LBB2_3-.Ltmp0, $4  }
0x4e: {  	v9 =	vld [tilespmem:s24+$0x139F0]  }
0x4f: {  	v8 =	vld [tilespmem:s24+$0x13A00]  }
0x50: {  	v12 =	vadd.f32 v13, v6;
	v7 =	vld [tilespmem:s24+$0x13A10]  }
0x51: {  	s25 =	sadd.s32 $0x200, s25;
	v11 =	vadd.f32 v14, v11;
	v6 =	vld [tilespmem:s24+$0x13A20]  }
0x52: {  	v12 =	vmax.f32 v12, $0.0e+00;
	v5 =	vadd.f32 v5, v10;
	v63 =	vld [tilespmem:s24+$0x13A30]  }
0x53: {  	[tilespmem:s24+$0x139C0] =	vst v12;
	v11 =	vmax.f32 v11, $0.0e+00;
	v4 =	vadd.f32 v4, v9  }
0x54: {  	[tilespmem:s24+$0x139D0] =	vst v11;
	v5 =	vmax.f32 v5, $0.0e+00;
	v3 =	vadd.f32 v3, v8  }
0x55: {  	[tilespmem:s24+$0x139E0] =	vst v5;
	v4 =	vmax.f32 v4, $0.0e+00;
	v2 =	vadd.f32 v2, v7  }
0x56: {  	[tilespmem:s24+$0x139F0] =	vst v4;
	v3 =	vmax.f32 v3, $0.0e+00;
	v1 =	vadd.f32 v1, v6  }
0x57: {  	[tilespmem:s24+$0x13A00] =	vst v3;
	v2 =	vmax.f32 v2, $0.0e+00;
	v0 =	vadd.f32 v0, v63  }
0x58: {  	s23 =	sadd.s32 $0x1, s23;
	[tilespmem:s24+$0x13A10] =	vst v2;
	v1 =	vmax.f32 v1, $0.0e+00  }
0x59: {  	p1 =	sne.s32 s23, $0x4F;
	[tilespmem:s24+$0x13A20] =	vst v1;
	v0 =	vmax.f32 v0, $0.0e+00  }
.Ltmp1:
0x5a: {  	[tilespmem:s24+$0x13A30] =	vst v0;
	(pc) =	sbr.rel @p1 .LBB2_2-.Ltmp1, $4  }
0x5b: {  	[spmem:s1] =	stream.indirect.scatter.add.f32 [tilespmem:s20], [sflag:$0x2], $0x80, s18, s19, $0xb8;
	[tilespmem:$0x1B9C0] =	vst v63  }
0x5c: {  	_ =	swait.ge [sflag:s17], $0x4000  }
0x5d: {  	[sflag:s17] =	ssyncset.done $0x0  }
0x5e: {  	[sflag:s17] =	ssyncadd.s32 $0xFFFFC000  }
0x5f: {  	[bflag:$0x0] =	sbarrier.arrive $0xFFFF;
	s23 =	simm.s32 @p0 $0x1FC2  }
0x60: {  	[hbm:s11], [sflag:s23] =	dma.local @p0 [spmem:s13], $0x2080  }
0x61: {  	s23 =	simm.s32 @p0 $0x2  }
0x62: {  	s2 =	sadd.s32 $0x1, s2;
	_ =	swait.ge @p0 [sflag:s23], $0x2080  }
0x63: {  	p1 =	sne.s32 s2, s12;
	[sflag:s23] =	ssyncset.done @p0 $0x0  }
.Ltmp2:
0x64: {  	[sflag:s23] =	ssyncadd.s32 @p0 $0xFFFFDF80;
	s23 =	simm.s32 @!p0 $0x2;
	(pc) =	sbr.rel @p1 .LBB2_1-.Ltmp2, $4  }
0x65: {  	[hbm:s10], [sflag:s14] =	dma.local @!p0 [spmem:s15], $0x2780  }
0x66: {  	_ =	swait.ge @!p0 [sflag:s23], $0x2780  }
0x67: {  	[sflag:s23] =	ssyncset.done @!p0 $0x0  }
0x68: {  	[sflag:s23] =	ssyncadd.s32 @!p0 $0xFFFFD880  }
0x69: {  	_ =	sfence.sel $0x180000  }
0x6a: {  	[bflag:$0x0] =	sbarrier.arrive $0xFFFF  }
0x6b: {  	p0 =	sne.s32 s3, $0x0;
	_ =	strace $0x9000004A  }
0x6c: {  	s0 =	sadd.s32 @!p0 $0x100000, s0;
	[bflag:$0x2] =	sbarrier.arrive $0xFFFF  }
0x6d: {  	[sflag:s0] =	ssyncadd.tile.s32 @!p0 $0x1;
	_ =	shalt  }
.Lfunc_end2:
_tile_overlayer_lowered:
.L_overlay_start_2:
0x6e: {  	(tag) =	ssettag $0x2  }
0x6f: {  	s0 =	rddreg [dreg:$0x0];
	s2 =	stileid.u32  }
0x70: {  	s1 =	rddreg [dreg:$0x1];
	p0 =	sne.s32 s2, $0x0  }
0x71: {  	s3 =	rddreg [dreg:$0x2];
	[bflag:$0x3] =	sbarrier.arrive $0xFFFF;
	s2 =	simm.s32 @!p0 $0x1C02  }
0x72: {  	[timem:s3], [sflag:s2] =	dma.local @!p0 [hbm:s0], s1  }
0x73: {  	s0 =	simm.s32 @!p0 $0x2  }
0x74: {  	_ =	swait.ge @!p0 [sflag:s0], s1  }
0x75: {  	s1 =	ssub.s32 @!p0 $0x0, s1;
	[sflag:s0] =	ssyncset.done @!p0 $0x0  }
0x76: {  	[sflag:s0] =	ssyncadd.s32 @!p0 s1  }
0x77: {  	[bflag:$0x3] =	sbarrier.arrive $0xFFFF  }
0x78: {  	_ =	shalt  }

// kernel: kernel.23.cloned.1.call-start
scs
__scs_entry_jumppad:
0x0: {  	(pc) =	sbr.rel $0x88, $3  }
0x1: {  	(tag) =	ssettag $0x0;
	lr =	simm.s32 $0x1  }
0x2: {  	[smem:$0x3F76] =	sst lr;
	_ =	strace $0xD0000000  }
0x3: {  	_ = 	snop  }
0x4: {  	_ = 	snop  }
0x5: {  	_ = 	snop  }
0x6: {  	_ = 	snop  }
0x7: {  	_ = 	snop  }
__scs_overlays_trampoline_lowered:
0x8: {  	[smem:$0x3F85] =	sst s0  }
0x9: {  	[smem:$0x3F86] =	sst s1  }
0xa: {  	[smem:$0x3F87] =	sst s2  }
0xb: {  	[smem:$0x3F88] =	sst s3  }
0xc: {  	[smem:$0x3F89] =	sst s4  }
0xd: {  	[smem:$0x3F8A] =	sst s5  }
0xe: {  	[smem:$0x3F8B] =	sst s6  }
0xf: {  	[smem:$0x3F8C] =	sst s7  }
0x10: {  	[smem:$0x3F8D] =	sst s8  }
0x11: {  	[smem:$0x3F8E] =	sst s9;
	s0 =	simm.s32 @!p0 $0x0  }
0x12: {  	s1 =	sld [smem:$0x3F74];
	s0 =	simm.s32 @p0 $0x1  }
0x13: {  	[smem:$0x3F8F] =	sst s0;
	s0 =	simm.s32 @!p1 $0x0  }
0x14: {  	s2 =	sld [smem:$0x3F73];
	s0 =	simm.s32 @p1 $0x1  }
0x15: {  	[smem:$0x3F90] =	sst s0;
	s0 =	simm.s32 @!p2 $0x0  }
0x16: {  	s3 =	sld [smem:$0x3FDB];
	s0 =	simm.s32 @p2 $0x1  }
0x17: {  	s4 =	simm.s32 $0x1BF5;
	[smem:$0x3F92] =	sst s0  }
0x18: {  	s0 =	sld [smem:$0x3F75];
	_ =	swait.ge [sflag:s4], $0x0  }
0x19: {  	s7 =	sld [smem:$0x3F76]  }
0x1a: {  	s8 =	sadd.s32 $0xFFFFE003, lr  }
0x1b: {  	s9 =	sadd.s32 $0xFFFFFEF7, lr;
	s5 =	simm.s32 $0xFFFFFFFF;
	p2 =	slt.u32 s8, $0xFFFFF086  }
0x1c: {  	p1 =	slt.u32 s9, $0xF7A;
	s5 =	simm.s32 @!p2 $0x0  }
0x1d: {  	s5 =	simm.s32 @p1 $0x1;
	p0 =	seq.s32 s7, s2  }
0x1e: {  	s7 =	smul.u32 @!p0 $0xF7A, s2;
	p2 =	seq.s32 @!p0 s5, $0x0  }
0x1f: {  	s9 =	smul.u32 $0xF7A, s1;
	s8 =	simm.s32 @!p0 $0x1BF5;
	p2 =	por !p2, p0  }
0x20: {  	[sflag:s8] =	ssyncset.s32 @!p0 $0xFFFFF086;
	s6 =	sadd.s32 @!p0 s3, s7;
	s7 =	simm.s32 @!p0 $0x108  }
0x21: {  	s3 =	sadd.s32 s3, s9;
	s6 =	sadd.s32 @!p0 $0x88, s6;
	s7 =	simm.s32 @p2 $0x1082  }
0x22: {  	[simem:s7], [sflag:s8] =	dma.local @!p0 [hbm:s6], $0xF7A  }
0x23: {  	s9 =	sor.u32 $0xD0000000, s2;
	s6 =	simm.s32 $0x108;
	_ =	swait.ge @!p0 [sflag:s8], $0x0  }
0x24: {  	s3 =	sadd.s32 $0x88, s3;
	s6 =	simm.s32 @!p1 $0x1082;
	[sflag:s4] =	ssyncset.s32 $0xFFFFF086  }
0x25: {  	[simem:s6], [sflag:s4] =	dma.local [hbm:s3], $0xF7A  }
0x26: {  	[smem:$0x3F76] =	sst s1;
	(tag) =	ssettag s2;
	_ =	strace s9  }
0x27: {  	s1 =	sld [smem:$0x3F86]  }
0x28: {  	s2 =	sld [smem:$0x3F87]  }
0x29: {  	s4 =	sld [smem:$0x3F89]  }
0x2a: {  	p0 =	seq.s32 s5, $0x0;
	s5 =	sld [smem:$0x3F8A]  }
0x2b: {  	s6 =	sld [smem:$0x3F8B]  }
0x2c: {  	s7 =	sld [smem:$0x3F8C]  }
0x2d: {  	s3 =	simm.s32 $0x108;
	s8 =	sld [smem:$0x3F8D]  }
0x2e: {  	s3 =	simm.s32 @!p0 $0x1082;
	s9 =	sld [smem:$0x3F8E]  }
0x2f: {  	lr =	sadd.s32 s0, s3;
	s0 =	sld [smem:$0x3F85]  }
0x30: {  	s3 =	sld [smem:$0x3F88]  }
0x31: {  	[smem:$0x3F91] =	sst s10  }
0x32: {  	s10 =	sld [smem:$0x3F8F];
	_ =	sdelay $0x3  }
0x33: {  	p0 =	seq.s32 s10, $0x1;
	s10 =	sld [smem:$0x3F91];
	_ =	sdelay $0x3  }
0x34: {  	[smem:$0x3F91] =	sst s10  }
0x35: {  	s10 =	sld [smem:$0x3F90];
	_ =	sdelay $0x3  }
0x36: {  	p1 =	seq.s32 s10, $0x1;
	s10 =	sld [smem:$0x3F91];
	_ =	sdelay $0x3  }
0x37: {  	[smem:$0x3F91] =	sst s10  }
0x38: {  	s10 =	sld [smem:$0x3F92]  }
0x39: {  	_ = 	snop;
	(pc) =	sbr.ind lr, $3  }
0x3a: {  	_ = 	snop  }
0x3b: {  	_ = 	snop  }
0x3c: {  	p2 =	seq.s32 s10, $0x1;
	s10 =	sld [smem:$0x3F91]  }
0x3d: {  	_ =	shalt  }
0x3e: {  	_ =	shalt  }
0x3f: {  	_ =	shalt  }
0x40: {  	_ =	shalt  }
0x41: {  	_ =	shalt  }
0x42: {  	_ =	shalt  }
0x43: {  	_ =	shalt  }
0x44: {  	_ =	shalt  }
0x45: {  	_ =	shalt  }
0x46: {  	_ =	shalt  }
0x47: {  	_ =	shalt  }
0x48: {  	_ =	shalt  }
0x49: {  	_ =	shalt  }
0x4a: {  	_ =	shalt  }
0x4b: {  	_ =	shalt  }
0x4c: {  	_ =	shalt  }
0x4d: {  	_ =	shalt  }
0x4e: {  	_ =	shalt  }
0x4f: {  	_ =	shalt  }
0x50: {  	_ =	shalt  }
0x51: {  	_ =	shalt  }
0x52: {  	_ =	shalt  }
0x53: {  	_ =	shalt  }
0x54: {  	_ =	shalt  }
0x55: {  	_ =	shalt  }
0x56: {  	_ =	shalt  }
0x57: {  	_ =	shalt  }
0x58: {  	_ =	shalt  }
0x59: {  	_ =	shalt  }
0x5a: {  	_ =	shalt  }
0x5b: {  	_ =	shalt  }
0x5c: {  	_ =	shalt  }
0x5d: {  	_ =	shalt  }
0x5e: {  	_ =	shalt  }
0x5f: {  	_ =	shalt  }
0x60: {  	_ =	shalt  }
0x61: {  	_ =	shalt  }
0x62: {  	_ =	shalt  }
0x63: {  	_ =	shalt  }
0x64: {  	_ =	shalt  }
0x65: {  	_ =	shalt  }
0x66: {  	_ =	shalt  }
0x67: {  	_ =	shalt  }
0x68: {  	_ =	shalt  }
0x69: {  	_ =	shalt  }
0x6a: {  	_ =	shalt  }
0x6b: {  	_ =	shalt  }
0x6c: {  	_ =	shalt  }
0x6d: {  	_ =	shalt  }
0x6e: {  	_ =	shalt  }
0x6f: {  	_ =	shalt  }
0x70: {  	_ =	shalt  }
0x71: {  	_ =	shalt  }
0x72: {  	_ =	shalt  }
0x73: {  	_ =	shalt  }
0x74: {  	_ =	shalt  }
0x75: {  	_ =	shalt  }
0x76: {  	_ =	shalt  }
0x77: {  	_ =	shalt  }
0x78: {  	_ =	shalt  }
0x79: {  	_ =	shalt  }
0x7a: {  	_ =	shalt  }
0x7b: {  	_ =	shalt  }
0x7c: {  	_ =	shalt  }
0x7d: {  	_ =	shalt  }
0x7e: {  	_ =	shalt  }
0x7f: {  	_ =	shalt  }
0x80: {  	_ =	shalt  }
0x81: {  	_ =	shalt  }
0x82: {  	_ =	shalt  }
0x83: {  	_ =	shalt  }
0x84: {  	_ =	shalt  }
0x85: {  	_ =	shalt  }
0x86: {  	_ =	shalt  }
0x87: {  	_ =	shalt  }
.Lfunc_end0:
.L_simem_size_0:
called_computation.2_lowered:
.L_overlay_start_0:
0x88: {  	s2 =	sld [smem:$0x3FD9]  }
0x89: {  	s3 =	sld [smem:$0x3FFE];
	_ =	sdelay $0x1  }
0x8a: {  	s1 =	srdreg.scid  }
0x8b: {  	s0 =	sand.u32 $0x1, s1  }
0x8c: {  	s14 =	sshll.u32 s0, $0xA;
	s2 =	sadd.s32 s3, s2  }
0x8d: {  	s2 =	sadd.s32 s2, s14  }
0x8e: {  	[smem:$0x3F9D] =	sst s2  }
0x8f: {  	_ = 	snop  }
0x90: {  	s2 =	sld [smem:$0x3FD0];
	_ =	sdelay $0x2  }
0x91: {  	s15 =	simm.s32 $0xA;
	s4 =	simm.s32 $0x10  }
0x92: {  	[smem:s4], [sflag:s15] =	dma.local [hbm:s2], $0x1  }
0x93: {  	_ =	swait.eq [sflag:s15], $0x1  }
0x94: {  	[sflag:s15] =	ssyncset.done $0x0  }
0x95: {  	s16 =	sld [smem:$0x10];
	[sflag:s15] =	ssyncadd.s32 $0xFFFFFFFF  }
0x96: {  	s17 =	sld [smem:$0x11];
	(tm) =	ssettm $0x1  }
0x97: {  	s18 =	sld [smem:$0x3FFB];
	_ =	sdelay $0x3  }
0x98: {  	_ =	strace s18  }
0x99: {  	s4 =	sld [smem:$0x3FFC];
	_ =	sdelay $0x3  }
0x9a: {  	_ =	strace s4  }
0x9b: {  	s4 =	sld [smem:$0x3FFD];
	_ =	sdelay $0x3  }
0x9c: {  	_ =	strace s4  }
0x9d: {  	_ =	strace $0x8FFFFFFF  }
0x9e: {  	s19 =	sld [smem:$0x3FDB];
	_ =	sdelay $0x1  }
0x9f: {  	s5 =	simm.s32 $_scs_section_size  }
0xa0: {  	s6 =	simm.s32 $_size__tile_overlayer_lowered;
	s7 =	simm.s32 $_tile_overlayer_lowered  }
0xa1: {  	s22 =	simm.s32 $0x1BFF;
	s21 =	sshll.u32 s7, $0x1;
	s4 =	sadd.s32 s5, s19  }
0xa2: {  	s8 =	simm.s32 $0x0;
	s20 =	sshll.u32 s6, $0x1;
	s6 =	sadd.s32 s21, s4  }
0xa3: {  	[timem:s8], [sflag:s22] =	dma.local [hbm:s6], s20  }
0xa4: {  	_ =	swait.ge [sflag:s22], s20  }
0xa5: {  	s5 =	ssub.s32 $0x0, s20;
	[sflag:s22] =	ssyncset.done $0x0  }
0xa6: {  	[sflag:s22] =	ssyncadd.s32 s5;
	_ =	sdelay $0x1  }
0xa7: {  	s23 =	simm.s32 $0x1B8B  }
0xa8: {  	_ =	swait.ge [sflag:s23], $0x1  }
0xa9: {  	[sflag:s23] =	ssyncset.done $0x0  }
0xaa: {  	s25 =	simm.s32 $0x1B8E;
	s24 =	sld [smem:$0x3FFE];
	[sflag:s23] =	ssyncadd.s32 $0xFFFFFFFF  }
0xab: {  	s26 =	simm.s32 $execute0_lowered;
	[smem:$0x3FD2] =	sst s25  }
0xac: {  	s6 =	sshll.u32 s26, $0x1;
	_ =	strace $0x8000004C;
	[dreg:$0x1] =	wrdreg $0xFFFFFFFF  }
0xad: {  	s28 =	simm.s32 $_size_execute0_lowered;
	s4 =	sadd.s32 s4, s6;
	[dreg:$0x0] =	wrdreg $0x0  }
0xae: {  	s6 =	sshll.u32 s28, $0x1;
	[dreg:$0x2] =	wrdreg s4  }
0xaf: {  	[dreg:$0x3] =	wrdreg s6  }
0xb0: {  	[dreg:$0x4] =	wrdreg $0xC0  }
0xb1: {  	_ =	task [dreg:s8], $0x5FFFF  }
0xb2: {  	[dreg:$0x1] =	wrdreg $0xFFFFFFFF  }
0xb3: {  	[dreg:$0x0] =	wrdreg $0x60  }
0xb4: {  	[dreg:$0x2] =	wrdreg s16  }
0xb5: {  	[dreg:$0x3] =	wrdreg s17  }
0xb6: {  	[dreg:$0x4] =	wrdreg s24  }
0xb7: {  	[dreg:$0x5] =	wrdreg $0x9  }
0xb8: {  	_ =	task.clear_ibuf [dreg:s8], $0x6FFFF;
	_ =	strace $0x9000004C  }
0xb9: {  	s29 =	simm.s32 $0x9;
	_ =	strace $0x8000004E  }
0xba: {  	_ =	swait.ge [sflag:s29], $0x1  }
0xbb: {  	[sflag:s29] =	ssyncadd.s32 $0xFFFFFFFF  }
0xbc: {  	_ =	strace $0x9000004E  }
0xbd: {  	_ =	sfence  }
0xbe: {  	s30 =	sld [smem:$0x0];
	_ =	sdelay $0x2  }
0xbf: {  	s31 =	sshll.u32 s1, $0xD;
	s1 =	sshrl.u32 s1, $0x2  }
0xc0: {  	s3 =	sand.u32 $0x4000, s31;
	s1 =	sadd.s32 s1, s30  }
0xc1: {  	s0 =	sor.u32 s3, s0;
	s1 =	sshll.u32 s1, $0x11  }
0xc2: {  	s0 =	sor.u32 s1, s0  }
0xc3: {  	s0 =	sadd.s32 $0x8F2B, s0  }
0xc4: {  	[sflag:s0] =	ssyncadd.remote.s32 $0x1  }
0xc5: {  	_ =	sfence.sel $0xFFFF  }
0xc6: {  	[dreg:$0x0] =	wrdreg $0xFFFFFFFF;
	(pc) =	sbr.abs _section_cstart, $3  }
0xc7: {  	[dreg:$0x1] =	wrdreg $0xFFFFFFFF  }
0xc8: {  	_ =	task.clear_ibuf [dreg:s8], $0x2FFFF;
	_ =	strace $0x9FFFFFFF  }
0xc9: {  	(tm) =	ssettm $0x7FFFFFFF  }
tec
execute0_lowered:
.L_overlay_start_1:
0x0: {  	(tag) =	ssettag $0x1  }
0x1: {  	s0 =	rddreg [dreg:$0x0]  }
0x2: {  	v0 =	vlaneseq.u32;
	s2 =	rddreg [dreg:$0x1]  }
0x3: {  	s7 =	rddreg [dreg:$0x2];
	v0 =	vmul.u32 $0x8, v0  }
0x4: {  	s1 =	srdreg.scid;
	s3 =	rddreg [dreg:$0x3]  }
0x5: {  	v1 =	vimm.f32 $0.0e+00;
	s4 =	simm.s32 $0x0;
	s10 =	simm.s32 $0x7580;
	s5 =	sand.u32 $0x1, s1;
	v2 =	vor.u32 $0x1, v0;
	v3 =	vor.u32 $0x2, v0  }
0x6: {  	s11 =	simm.s32 $0xEB00;
	s1 =	stileid.u32;
	s6 =	smul.u32 $0x27800, s5;
	v4 =	vor.u32 $0x80, v0;
	v5 =	vor.u32 $0x81, v0;
	v6 =	vor.u32 $0x82, v0  }
0x7: {  	s12 =	simm.s32 $0xEB80;
	s13 =	simm.s32 $0xEC00;
	s8 =	smul.u32 $0x2780, s1;
	v7 =	vor.u32 $0x100, v0;
	v8 =	vor.u32 $0x101, v0;
	v9 =	vor.u32 $0x102, v0  }
0x8: {  	s14 =	simm.s32 $0x0;
	[smem:$0x7FF] =	sst s4;
	s5 =	ssub.s32 $0x2, s5;
	v10 =	vor.u32 $0x180, v0;
	v11 =	vor.u32 $0x181, v0;
	v12 =	vor.u32 $0x182, v0  }
0x9: {  	_ =	strace $0x8000004D;
	s30 =	sshrl.u32 s5, $0x1;
	v13 =	vor.u32 $0x200, v0;
	v14 =	vor.u32 $0x201, v0;
	v15 =	vor.u32 $0x202, v0;
	s6 =	sadd.s32 s8, s6  }
0xa: {  	v16 =	vor.u32 $0x280, v0;
	v17 =	vor.u32 $0x281, v0;
	v18 =	vor.u32 $0x282, v0;
	s5 =	ssub.s32 s5, s30;
	s9 =	sshrl.u32 s6, $0x3;
	s6 =	sadd.s32 s6, s7  }
0xb: {  	v19 =	vor.u32 $0x300, v0;
	v20 =	vor.u32 $0x301, v0;
	v21 =	vor.u32 $0x302, v0;
	s5 =	smax.u32 s5, $0x1;
	s31 =	sadd.s32 s9, s7;
	s6 =	sadd.s32 $0x6B800, s6  }
0xc: {  	v22 =	vor.u32 $0x380, v0;
	v23 =	vor.u32 $0x381, v0;
	v24 =	vor.u32 $0x382, v0;
	s9 =	simm.s32 $0x1;
	s7 =	sadd.s32 $0x5F000, s31;
	s8 =	sadd.s32 $0x55200, s31  }
.LBB2_1:
0xd: {  	[tilespmem:s4], [sflag:$0x1] =	stream.linear.gather [hbm4b:s0+s4], $0x7580, $0x38;
	[tilespmem:$0xF000] =	vst v63  }
0xe: {  	_ =	swait.ge [sflag:s9], $0x7580  }
0xf: {  	[sflag:s9] =	ssyncset.done $0x0  }
0x10: {  	[sflag:s9] =	ssyncadd.s32 $0xFFFF8A80  }
0x11: {  	[tilespmem:s10], [sflag:$0x1] =	stream.linear.gather [hbm4b:s2+s4], $0x7580, $0x38;
	[tilespmem:$0xF000] =	vst v63  }
0x12: {  	_ =	swait.ge [sflag:s9], $0x7580  }
0x13: {  	[sflag:s9] =	ssyncset.done $0x0  }
0x14: {  	s15 =	simm.s32 $0x0;
	[sflag:s9] =	ssyncadd.s32 $0xFFFF8A80  }
.LBB2_2:
0x15: {  	p0 =	sne.s32 s15, $0xFC0  }
.Ltmp0:
0x16: {  	_ = 	snop;
	(pc) =	sbr.rel @p0 .LBB2_2-.Ltmp0, $3  }
0x17: {  	_ =	sdelay $0x1  }
0x18: {  	s16 =	sshra.s32 s15, $0x2  }
0x19: {  	s15 =	sadd.s32 $0x40, s15;
	[tilespmem:s16+$0xEC00] =	vst v1  }
0x1a: {  	s15 =	simm.s32 $0x0;
	s16 =	smov.u32 s6  }
.LBB2_4:
0x1b: {  	s17 =	sadd.s32 s15, s8  }
0x1c: {  	[tilespmem:s11], [sflag:$0x1] =	stream.linear.gather [hbm4b:s17+s4], $0x80, $0x38;
	[tilespmem:$0xF000] =	vst v63  }
0x1d: {  	_ =	swait.ge [sflag:s9], $0x80  }
0x1e: {  	[sflag:s9] =	ssyncset.done $0x0  }
0x1f: {  	s31 =	sadd.s32 s15, s7;
	[sflag:s9] =	ssyncadd.s32 $0xFFFFFF80  }
0x20: {  	[tilespmem:s12], [sflag:$0x1] =	stream.linear.gather [hbm4b:s31+s4], $0x80, $0x38;
	[tilespmem:$0xF000] =	vst v63  }
0x21: {  	_ =	swait.ge [sflag:s9], $0x80  }
0x22: {  	[sflag:s9] =	ssyncset.done $0x0  }
0x23: {  	[sflag:s9] =	ssyncadd.s32 $0xFFFFFF80  }
0x24: {  	v25 =	vld [tilespmem:$0xEB00]  }
0x25: {  	v26 =	vld [tilespmem:$0xEB80];
	_ =	sdelay $0x6  }
0x26: {  	v27 =	vld.idx.msk [tilespmem:v25+s4+$0x0], $0xffff  }
0x27: {  	v28 =	vld.idx.msk [tilespmem:v26+s4+$0x0], $0xffff;
	_ =	sdelay $0x1  }
0x28: {  	v29 =	vld.idx.msk [tilespmem:v26+s10+$0x0], $0xffff;
	_ =	sdelay $0x2  }
0x29: {  	v51 =	vadd.s32 $0x2718, v25;
	v27 =	vsub.f32 v27, v28  }
0x2a: {  	v30 =	vadd.s32 $0x2718, v26  }
0x2b: {  	v27 =	vadd.f32 v29, v27;
	_ =	sdelay $0x1  }
0x2c: {  	[tilespmem:v0+s13+$0x0] =	vst.idx.msk $0xffff, v27  }
0x2d: {  	v27 =	vld.idx.msk [tilespmem:v51+s4+$0x0], $0xffff  }
0x2e: {  	v52 =	vld.idx.msk [tilespmem:v30+s4+$0x0], $0xffff;
	_ =	sdelay $0x1  }
0x2f: {  	v53 =	vld.idx.msk [tilespmem:v30+s10+$0x0], $0xffff;
	_ =	sdelay $0x2  }
0x30: {  	v25 =	vadd.s32 $0x4E30, v25;
	v27 =	vsub.f32 v27, v52  }
0x31: {  	v26 =	vadd.s32 $0x4E30, v26  }
0x32: {  	v27 =	vadd.f32 v53, v27;
	_ =	sdelay $0x1  }
0x33: {  	[tilespmem:v2+s13+$0x0] =	vst.idx.msk $0xffff, v27  }
0x34: {  	v25 =	vld.idx.msk [tilespmem:v25+s4+$0x0], $0xffff  }
0x35: {  	v27 =	vld.idx.msk [tilespmem:v26+s4+$0x0], $0xffff;
	_ =	sdelay $0x1  }
0x36: {  	v26 =	vld.idx.msk [tilespmem:v26+s10+$0x0], $0xffff;
	_ =	sdelay $0x2  }
0x37: {  	v25 =	vsub.f32 v25, v27;
	_ =	sdelay $0x1  }
0x38: {  	v25 =	vadd.f32 v26, v25;
	_ =	sdelay $0x1  }
0x39: {  	[tilespmem:v3+s13+$0x0] =	vst.idx.msk $0xffff, v25  }
0x3a: {  	v25 =	vld [tilespmem:$0xEB10]  }
0x3b: {  	v26 =	vld [tilespmem:$0xEB90];
	_ =	sdelay $0x6  }
0x3c: {  	v27 =	vld.idx.msk [tilespmem:v25+s4+$0x0], $0xffff  }
0x3d: {  	v54 =	vld.idx.msk [tilespmem:v26+s4+$0x0], $0xffff;
	_ =	sdelay $0x1  }
0x3e: {  	v55 =	vld.idx.msk [tilespmem:v26+s10+$0x0], $0xffff;
	_ =	sdelay $0x2  }
0x3f: {  	v56 =	vadd.s32 $0x2718, v25;
	v27 =	vsub.f32 v27, v54  }
0x40: {  	v57 =	vadd.s32 $0x2718, v26  }
0x41: {  	v27 =	vadd.f32 v55, v27;
	_ =	sdelay $0x1  }
0x42: {  	[tilespmem:v4+s13+$0x0] =	vst.idx.msk $0xffff, v27  }
0x43: {  	v27 =	vld.idx.msk [tilespmem:v56+s4+$0x0], $0xffff  }
0x44: {  	v58 =	vld.idx.msk [tilespmem:v57+s4+$0x0], $0xffff;
	_ =	sdelay $0x1  }
0x45: {  	v59 =	vld.idx.msk [tilespmem:v57+s10+$0x0], $0xffff;
	_ =	sdelay $0x2  }
0x46: {  	v25 =	vadd.s32 $0x4E30, v25;
	v27 =	vsub.f32 v27, v58  }
0x47: {  	v26 =	vadd.s32 $0x4E30, v26  }
0x48: {  	v27 =	vadd.f32 v59, v27;
	_ =	sdelay $0x1  }
0x49: {  	[tilespmem:v5+s13+$0x0] =	vst.idx.msk $0xffff, v27  }
0x4a: {  	v25 =	vld.idx.msk [tilespmem:v25+s4+$0x0], $0xffff  }
0x4b: {  	v27 =	vld.idx.msk [tilespmem:v26+s4+$0x0], $0xffff;
	_ =	sdelay $0x1  }
0x4c: {  	v26 =	vld.idx.msk [tilespmem:v26+s10+$0x0], $0xffff;
	_ =	sdelay $0x2  }
0x4d: {  	v25 =	vsub.f32 v25, v27;
	_ =	sdelay $0x1  }
0x4e: {  	v25 =	vadd.f32 v26, v25;
	_ =	sdelay $0x1  }
0x4f: {  	[tilespmem:v6+s13+$0x0] =	vst.idx.msk $0xffff, v25  }
0x50: {  	v25 =	vld [tilespmem:$0xEB20]  }
0x51: {  	v26 =	vld [tilespmem:$0xEBA0];
	_ =	sdelay $0x6  }
0x52: {  	v27 =	vld.idx.msk [tilespmem:v25+s4+$0x0], $0xffff  }
0x53: {  	v60 =	vld.idx.msk [tilespmem:v26+s4+$0x0], $0xffff;
	_ =	sdelay $0x1  }
0x54: {  	v61 =	vld.idx.msk [tilespmem:v26+s10+$0x0], $0xffff;
	_ =	sdelay $0x2  }
0x55: {  	v62 =	vadd.s32 $0x2718, v25;
	v27 =	vsub.f32 v27, v60  }
0x56: {  	v63 =	vadd.s32 $0x2718, v26  }
0x57: {  	v27 =	vadd.f32 v61, v27;
	_ =	sdelay $0x1  }
0x58: {  	[tilespmem:v7+s13+$0x0] =	vst.idx.msk $0xffff, v27  }
0x59: {  	v27 =	vld.idx.msk [tilespmem:v62+s4+$0x0], $0xffff  }
0x5a: {  	v32 =	vld.idx.msk [tilespmem:v63+s4+$0x0], $0xffff;
	_ =	sdelay $0x1  }
0x5b: {  	v33 =	vld.idx.msk [tilespmem:v63+s10+$0x0], $0xffff;
	_ =	sdelay $0x2  }
0x5c: {  	v25 =	vadd.s32 $0x4E30, v25;
	v27 =	vsub.f32 v27, v32  }
0x5d: {  	v26 =	vadd.s32 $0x4E30, v26  }
0x5e: {  	v27 =	vadd.f32 v33, v27;
	_ =	sdelay $0x1  }
0x5f: {  	[tilespmem:v8+s13+$0x0] =	vst.idx.msk $0xffff, v27  }
0x60: {  	v25 =	vld.idx.msk [tilespmem:v25+s4+$0x0], $0xffff  }
0x61: {  	v27 =	vld.idx.msk [tilespmem:v26+s4+$0x0], $0xffff;
	_ =	sdelay $0x1  }
0x62: {  	v26 =	vld.idx.msk [tilespmem:v26+s10+$0x0], $0xffff;
	_ =	sdelay $0x2  }
0x63: {  	v25 =	vsub.f32 v25, v27;
	_ =	sdelay $0x1  }
0x64: {  	v25 =	vadd.f32 v26, v25;
	_ =	sdelay $0x1  }
0x65: {  	[tilespmem:v9+s13+$0x0] =	vst.idx.msk $0xffff, v25  }
0x66: {  	v25 =	vld [tilespmem:$0xEB30]  }
0x67: {  	v26 =	vld [tilespmem:$0xEBB0];
	_ =	sdelay $0x6  }
0x68: {  	v27 =	vld.idx.msk [tilespmem:v25+s4+$0x0], $0xffff  }
0x69: {  	v34 =	vld.idx.msk [tilespmem:v26+s4+$0x0], $0xffff;
	_ =	sdelay $0x1  }
0x6a: {  	v35 =	vld.idx.msk [tilespmem:v26+s10+$0x0], $0xffff;
	_ =	sdelay $0x2  }
0x6b: {  	v36 =	vadd.s32 $0x2718, v25;
	v27 =	vsub.f32 v27, v34  }
0x6c: {  	v37 =	vadd.s32 $0x2718, v26  }
0x6d: {  	v27 =	vadd.f32 v35, v27;
	_ =	sdelay $0x1  }
0x6e: {  	[tilespmem:v10+s13+$0x0] =	vst.idx.msk $0xffff, v27  }
0x6f: {  	v27 =	vld.idx.msk [tilespmem:v36+s4+$0x0], $0xffff  }
0x70: {  	v38 =	vld.idx.msk [tilespmem:v37+s4+$0x0], $0xffff;
	_ =	sdelay $0x1  }
0x71: {  	v39 =	vld.idx.msk [tilespmem:v37+s10+$0x0], $0xffff;
	_ =	sdelay $0x2  }
0x72: {  	v25 =	vadd.s32 $0x4E30, v25;
	v27 =	vsub.f32 v27, v38  }
0x73: {  	v26 =	vadd.s32 $0x4E30, v26  }
0x74: {  	v27 =	vadd.f32 v39, v27;
	_ =	sdelay $0x1  }
0x75: {  	[tilespmem:v11+s13+$0x0] =	vst.idx.msk $0xffff, v27  }
0x76: {  	v25 =	vld.idx.msk [tilespmem:v25+s4+$0x0], $0xffff  }
0x77: {  	v27 =	vld.idx.msk [tilespmem:v26+s4+$0x0], $0xffff;
	_ =	sdelay $0x1  }
0x78: {  	v26 =	vld.idx.msk [tilespmem:v26+s10+$0x0], $0xffff;
	_ =	sdelay $0x2  }
0x79: {  	v25 =	vsub.f32 v25, v27;
	_ =	sdelay $0x1  }
0x7a: {  	v25 =	vadd.f32 v26, v25;
	_ =	sdelay $0x1  }
0x7b: {  	[tilespmem:v12+s13+$0x0] =	vst.idx.msk $0xffff, v25  }
0x7c: {  	v25 =	vld [tilespmem:$0xEB40]  }
0x7d: {  	v26 =	vld [tilespmem:$0xEBC0];
	_ =	sdelay $0x6  }
0x7e: {  	v27 =	vld.idx.msk [tilespmem:v25+s4+$0x0], $0xffff  }
0x7f: {  	v40 =	vld.idx.msk [tilespmem:v26+s4+$0x0], $0xffff;
	_ =	sdelay $0x1  }
0x80: {  	v41 =	vld.idx.msk [tilespmem:v26+s10+$0x0], $0xffff;
	_ =	sdelay $0x2  }
0x81: {  	v42 =	vadd.s32 $0x2718, v25;
	v27 =	vsub.f32 v27, v40  }
0x82: {  	v43 =	vadd.s32 $0x2718, v26  }
0x83: {  	v27 =	vadd.f32 v41, v27;
	_ =	sdelay $0x1  }
0x84: {  	[tilespmem:v13+s13+$0x0] =	vst.idx.msk $0xffff, v27  }
0x85: {  	v27 =	vld.idx.msk [tilespmem:v42+s4+$0x0], $0xffff  }
0x86: {  	v44 =	vld.idx.msk [tilespmem:v43+s4+$0x0], $0xffff;
	_ =	sdelay $0x1  }
0x87: {  	v45 =	vld.idx.msk [tilespmem:v43+s10+$0x0], $0xffff;
	_ =	sdelay $0x2  }
0x88: {  	v25 =	vadd.s32 $0x4E30, v25;
	v27 =	vsub.f32 v27, v44  }
0x89: {  	v26 =	vadd.s32 $0x4E30, v26  }
0x8a: {  	v27 =	vadd.f32 v45, v27;
	_ =	sdelay $0x1  }
0x8b: {  	[tilespmem:v14+s13+$0x0] =	vst.idx.msk $0xffff, v27  }
0x8c: {  	v25 =	vld.idx.msk [tilespmem:v25+s4+$0x0], $0xffff  }
0x8d: {  	v27 =	vld.idx.msk [tilespmem:v26+s4+$0x0], $0xffff;
	_ =	sdelay $0x1  }
0x8e: {  	v26 =	vld.idx.msk [tilespmem:v26+s10+$0x0], $0xffff;
	_ =	sdelay $0x2  }
0x8f: {  	v25 =	vsub.f32 v25, v27;
	_ =	sdelay $0x1  }
0x90: {  	v25 =	vadd.f32 v26, v25;
	_ =	sdelay $0x1  }
0x91: {  	[tilespmem:v15+s13+$0x0] =	vst.idx.msk $0xffff, v25  }
0x92: {  	v25 =	vld [tilespmem:$0xEB50]  }
0x93: {  	v26 =	vld [tilespmem:$0xEBD0];
	_ =	sdelay $0x6  }
0x94: {  	v27 =	vld.idx.msk [tilespmem:v25+s4+$0x0], $0xffff  }
0x95: {  	v46 =	vld.idx.msk [tilespmem:v26+s4+$0x0], $0xffff;
	_ =	sdelay $0x1  }
0x96: {  	v47 =	vld.idx.msk [tilespmem:v26+s10+$0x0], $0xffff;
	_ =	sdelay $0x2  }
0x97: {  	v48 =	vadd.s32 $0x2718, v25;
	v27 =	vsub.f32 v27, v46  }
0x98: {  	v49 =	vadd.s32 $0x2718, v26  }
0x99: {  	v27 =	vadd.f32 v47, v27;
	_ =	sdelay $0x1  }
0x9a: {  	[tilespmem:v16+s13+$0x0] =	vst.idx.msk $0xffff, v27  }
0x9b: {  	v27 =	vld.idx.msk [tilespmem:v48+s4+$0x0], $0xffff  }
0x9c: {  	v50 =	vld.idx.msk [tilespmem:v49+s4+$0x0], $0xffff;
	_ =	sdelay $0x1  }
0x9d: {  	v51 =	vld.idx.msk [tilespmem:v49+s10+$0x0], $0xffff;
	_ =	sdelay $0x2  }
0x9e: {  	v25 =	vadd.s32 $0x4E30, v25;
	v27 =	vsub.f32 v27, v50  }
0x9f: {  	v26 =	vadd.s32 $0x4E30, v26  }
0xa0: {  	v27 =	vadd.f32 v51, v27;
	_ =	sdelay $0x1  }
0xa1: {  	[tilespmem:v17+s13+$0x0] =	vst.idx.msk $0xffff, v27  }
0xa2: {  	v25 =	vld.idx.msk [tilespmem:v25+s4+$0x0], $0xffff  }
0xa3: {  	v27 =	vld.idx.msk [tilespmem:v26+s4+$0x0], $0xffff;
	_ =	sdelay $0x1  }
0xa4: {  	v26 =	vld.idx.msk [tilespmem:v26+s10+$0x0], $0xffff;
	_ =	sdelay $0x2  }
0xa5: {  	v25 =	vsub.f32 v25, v27;
	_ =	sdelay $0x1  }
0xa6: {  	v25 =	vadd.f32 v26, v25;
	_ =	sdelay $0x1  }
0xa7: {  	[tilespmem:v18+s13+$0x0] =	vst.idx.msk $0xffff, v25  }
0xa8: {  	v25 =	vld [tilespmem:$0xEB60]  }
0xa9: {  	v26 =	vld [tilespmem:$0xEBE0];
	_ =	sdelay $0x6  }
0xaa: {  	v27 =	vld.idx.msk [tilespmem:v25+s4+$0x0], $0xffff  }
0xab: {  	v52 =	vld.idx.msk [tilespmem:v26+s4+$0x0], $0xffff;
	_ =	sdelay $0x1  }
0xac: {  	v53 =	vld.idx.msk [tilespmem:v26+s10+$0x0], $0xffff;
	_ =	sdelay $0x2  }
0xad: {  	v54 =	vadd.s32 $0x2718, v25;
	v27 =	vsub.f32 v27, v52  }
0xae: {  	v55 =	vadd.s32 $0x2718, v26  }
0xaf: {  	v27 =	vadd.f32 v53, v27;
	_ =	sdelay $0x1  }
0xb0: {  	[tilespmem:v19+s13+$0x0] =	vst.idx.msk $0xffff, v27  }
0xb1: {  	v27 =	vld.idx.msk [tilespmem:v54+s4+$0x0], $0xffff  }
0xb2: {  	v56 =	vld.idx.msk [tilespmem:v55+s4+$0x0], $0xffff;
	_ =	sdelay $0x1  }
0xb3: {  	v57 =	vld.idx.msk [tilespmem:v55+s10+$0x0], $0xffff;
	_ =	sdelay $0x2  }
0xb4: {  	v25 =	vadd.s32 $0x4E30, v25;
	v27 =	vsub.f32 v27, v56  }
0xb5: {  	v26 =	vadd.s32 $0x4E30, v26  }
0xb6: {  	v27 =	vadd.f32 v57, v27;
	_ =	sdelay $0x1  }
0xb7: {  	[tilespmem:v20+s13+$0x0] =	vst.idx.msk $0xffff, v27  }
0xb8: {  	v25 =	vld.idx.msk [tilespmem:v25+s4+$0x0], $0xffff  }
0xb9: {  	v27 =	vld.idx.msk [tilespmem:v26+s4+$0x0], $0xffff;
	_ =	sdelay $0x1  }
0xba: {  	v26 =	vld.idx.msk [tilespmem:v26+s10+$0x0], $0xffff;
	_ =	sdelay $0x2  }
0xbb: {  	v25 =	vsub.f32 v25, v27;
	_ =	sdelay $0x1  }
0xbc: {  	v25 =	vadd.f32 v26, v25;
	_ =	sdelay $0x1  }
0xbd: {  	[tilespmem:v21+s13+$0x0] =	vst.idx.msk $0xffff, v25  }
0xbe: {  	v25 =	vld [tilespmem:$0xEB70]  }
0xbf: {  	v26 =	vld [tilespmem:$0xEBF0];
	_ =	sdelay $0x6  }
0xc0: {  	v27 =	vld.idx.msk [tilespmem:v25+s4+$0x0], $0xffff  }
0xc1: {  	v58 =	vld.idx.msk [tilespmem:v26+s4+$0x0], $0xffff;
	_ =	sdelay $0x1  }
0xc2: {  	v59 =	vld.idx.msk [tilespmem:v26+s10+$0x0], $0xffff;
	_ =	sdelay $0x2  }
0xc3: {  	v60 =	vadd.s32 $0x2718, v25;
	v27 =	vsub.f32 v27, v58  }
0xc4: {  	v61 =	vadd.s32 $0x2718, v26  }
0xc5: {  	v27 =	vadd.f32 v59, v27;
	_ =	sdelay $0x1  }
0xc6: {  	[tilespmem:v22+s13+$0x0] =	vst.idx.msk $0xffff, v27  }
0xc7: {  	v27 =	vld.idx.msk [tilespmem:v60+s4+$0x0], $0xffff  }
0xc8: {  	v62 =	vld.idx.msk [tilespmem:v61+s4+$0x0], $0xffff;
	_ =	sdelay $0x1  }
0xc9: {  	v63 =	vld.idx.msk [tilespmem:v61+s10+$0x0], $0xffff;
	_ =	sdelay $0x2  }
0xca: {  	v25 =	vadd.s32 $0x4E30, v25;
	v27 =	vsub.f32 v27, v62  }
0xcb: {  	v26 =	vadd.s32 $0x4E30, v26  }
0xcc: {  	v27 =	vadd.f32 v63, v27;
	_ =	sdelay $0x1  }
0xcd: {  	[tilespmem:v23+s13+$0x0] =	vst.idx.msk $0xffff, v27  }
0xce: {  	v25 =	vld.idx.msk [tilespmem:v25+s4+$0x0], $0xffff  }
0xcf: {  	v27 =	vld.idx.msk [tilespmem:v26+s4+$0x0], $0xffff;
	_ =	sdelay $0x1  }
0xd0: {  	v26 =	vld.idx.msk [tilespmem:v26+s10+$0x0], $0xffff;
	_ =	sdelay $0x2  }
0xd1: {  	v25 =	vsub.f32 v25, v27;
	_ =	sdelay $0x1  }
0xd2: {  	v25 =	vadd.f32 v26, v25  }
0xd3: {  	p0 =	sne.s32 s15, $0x4E0  }
.Ltmp1:
0xd4: {  	[tilespmem:v24+s13+$0x0] =	vst.idx.msk $0xffff, v25;
	(pc) =	sbr.rel @p0 .LBB2_4-.Ltmp1, $4  }
0xd5: {  	[hbm4b:s16+s4] =	stream.linear.scatter [tilespmem:s13], [sflag:$0x1], $0x400, $0x38;
	[tilespmem:$0xF000] =	vst v63  }
0xd6: {  	_ =	swait.ge [sflag:s9], $0x400  }
0xd7: {  	[sflag:s9] =	ssyncset.done $0x0  }
0xd8: {  	s15 =	sadd.s32 $0x10, s15;
	s16 =	sadd.s32 $0x80, s16;
	[sflag:s9] =	ssyncadd.s32 $0xFFFFFC00  }
0xd9: {  	s14 =	sadd.s32 $0x1, s14  }
0xda: {  	p0 =	sne.s32 s14, s5  }
.Ltmp2:
0xdb: {  	_ = 	snop;
	(pc) =	sbr.rel @p0 .LBB2_1-.Ltmp2, $1  }
0xdc: {  	_ =	sdelay $0x3  }
0xdd: {  	_ =	sfence.sel $0x180000  }
0xde: {  	[bflag:$0x0] =	sbarrier.arrive $0xFFFF  }
0xdf: {  	p0 =	sne.s32 s1, $0x0;
	_ =	strace $0x9000004D  }
0xe0: {  	s0 =	sadd.s32 @!p0 $0x100000, s3;
	[bflag:$0x2] =	sbarrier.arrive $0xFFFF  }
0xe1: {  	[sflag:s0] =	ssyncadd.tile.s32 @!p0 $0x1;
	_ =	shalt  }
.Lfunc_end2:
_tile_overlayer_lowered:
.L_overlay_start_2:
0xe2: {  	(tag) =	ssettag $0x2  }
0xe3: {  	s0 =	rddreg [dreg:$0x0];
	s2 =	stileid.u32  }
0xe4: {  	s1 =	rddreg [dreg:$0x1];
	p0 =	sne.s32 s2, $0x0  }
0xe5: {  	s3 =	rddreg [dreg:$0x2];
	[bflag:$0x3] =	sbarrier.arrive $0xFFFF;
	s2 =	simm.s32 @!p0 $0x1C01  }
0xe6: {  	[timem:s3], [sflag:s2] =	dma.local @!p0 [hbm:s0], s1  }
0xe7: {  	s0 =	simm.s32 @!p0 $0x1  }
0xe8: {  	_ =	swait.ge @!p0 [sflag:s0], s1  }
0xe9: {  	s1 =	ssub.s32 @!p0 $0x0, s1;
	[sflag:s0] =	ssyncset.done @!p0 $0x0  }
0xea: {  	[sflag:s0] =	ssyncadd.s32 @!p0 s1  }
0xeb: {  	[bflag:$0x3] =	sbarrier.arrive $0xFFFF  }
0xec: {  	_ =	shalt  }

// kernel: kernel.26.cloned.1.call-start
scs
__scs_entry_jumppad:
0x0: {  	(pc) =	sbr.rel $0x88, $3  }
0x1: {  	(tag) =	ssettag $0x0;
	lr =	simm.s32 $0x1  }
0x2: {  	[smem:$0x3F76] =	sst lr;
	_ =	strace $0xD0000000  }
0x3: {  	_ = 	snop  }
0x4: {  	_ = 	snop  }
0x5: {  	_ = 	snop  }
0x6: {  	_ = 	snop  }
0x7: {  	_ = 	snop  }
__scs_overlays_trampoline_lowered:
0x8: {  	[smem:$0x3F85] =	sst s0  }
0x9: {  	[smem:$0x3F86] =	sst s1  }
0xa: {  	[smem:$0x3F87] =	sst s2  }
0xb: {  	[smem:$0x3F88] =	sst s3  }
0xc: {  	[smem:$0x3F89] =	sst s4  }
0xd: {  	[smem:$0x3F8A] =	sst s5  }
0xe: {  	[smem:$0x3F8B] =	sst s6  }
0xf: {  	[smem:$0x3F8C] =	sst s7  }
0x10: {  	[smem:$0x3F8D] =	sst s8  }
0x11: {  	[smem:$0x3F8E] =	sst s9;
	s0 =	simm.s32 @!p0 $0x0  }
0x12: {  	s1 =	sld [smem:$0x3F74];
	s0 =	simm.s32 @p0 $0x1  }
0x13: {  	[smem:$0x3F8F] =	sst s0;
	s0 =	simm.s32 @!p1 $0x0  }
0x14: {  	s2 =	sld [smem:$0x3F73];
	s0 =	simm.s32 @p1 $0x1  }
0x15: {  	[smem:$0x3F90] =	sst s0;
	s0 =	simm.s32 @!p2 $0x0  }
0x16: {  	s3 =	sld [smem:$0x3FDB];
	s0 =	simm.s32 @p2 $0x1  }
0x17: {  	s4 =	simm.s32 $0x1BF5;
	[smem:$0x3F92] =	sst s0  }
0x18: {  	s0 =	sld [smem:$0x3F75];
	_ =	swait.ge [sflag:s4], $0x0  }
0x19: {  	s7 =	sld [smem:$0x3F76]  }
0x1a: {  	s8 =	sadd.s32 $0xFFFFE003, lr  }
0x1b: {  	s9 =	sadd.s32 $0xFFFFFEF7, lr;
	s5 =	simm.s32 $0xFFFFFFFF;
	p2 =	slt.u32 s8, $0xFFFFF086  }
0x1c: {  	p1 =	slt.u32 s9, $0xF7A;
	s5 =	simm.s32 @!p2 $0x0  }
0x1d: {  	s5 =	simm.s32 @p1 $0x1;
	p0 =	seq.s32 s7, s2  }
0x1e: {  	s7 =	smul.u32 @!p0 $0xF7A, s2;
	p2 =	seq.s32 @!p0 s5, $0x0  }
0x1f: {  	s9 =	smul.u32 $0xF7A, s1;
	s8 =	simm.s32 @!p0 $0x1BF5;
	p2 =	por !p2, p0  }
0x20: {  	[sflag:s8] =	ssyncset.s32 @!p0 $0xFFFFF086;
	s6 =	sadd.s32 @!p0 s3, s7;
	s7 =	simm.s32 @!p0 $0x108  }
0x21: {  	s3 =	sadd.s32 s3, s9;
	s6 =	sadd.s32 @!p0 $0x88, s6;
	s7 =	simm.s32 @p2 $0x1082  }
0x22: {  	[simem:s7], [sflag:s8] =	dma.local @!p0 [hbm:s6], $0xF7A  }
0x23: {  	s9 =	sor.u32 $0xD0000000, s2;
	s6 =	simm.s32 $0x108;
	_ =	swait.ge @!p0 [sflag:s8], $0x0  }
0x24: {  	s3 =	sadd.s32 $0x88, s3;
	s6 =	simm.s32 @!p1 $0x1082;
	[sflag:s4] =	ssyncset.s32 $0xFFFFF086  }
0x25: {  	[simem:s6], [sflag:s4] =	dma.local [hbm:s3], $0xF7A  }
0x26: {  	[smem:$0x3F76] =	sst s1;
	(tag) =	ssettag s2;
	_ =	strace s9  }
0x27: {  	s1 =	sld [smem:$0x3F86]  }
0x28: {  	s2 =	sld [smem:$0x3F87]  }
0x29: {  	s4 =	sld [smem:$0x3F89]  }
0x2a: {  	p0 =	seq.s32 s5, $0x0;
	s5 =	sld [smem:$0x3F8A]  }
0x2b: {  	s6 =	sld [smem:$0x3F8B]  }
0x2c: {  	s7 =	sld [smem:$0x3F8C]  }
0x2d: {  	s3 =	simm.s32 $0x108;
	s8 =	sld [smem:$0x3F8D]  }
0x2e: {  	s3 =	simm.s32 @!p0 $0x1082;
	s9 =	sld [smem:$0x3F8E]  }
0x2f: {  	lr =	sadd.s32 s0, s3;
	s0 =	sld [smem:$0x3F85]  }
0x30: {  	s3 =	sld [smem:$0x3F88]  }
0x31: {  	[smem:$0x3F91] =	sst s10  }
0x32: {  	s10 =	sld [smem:$0x3F8F];
	_ =	sdelay $0x3  }
0x33: {  	p0 =	seq.s32 s10, $0x1;
	s10 =	sld [smem:$0x3F91];
	_ =	sdelay $0x3  }
0x34: {  	[smem:$0x3F91] =	sst s10  }
0x35: {  	s10 =	sld [smem:$0x3F90];
	_ =	sdelay $0x3  }
0x36: {  	p1 =	seq.s32 s10, $0x1;
	s10 =	sld [smem:$0x3F91];
	_ =	sdelay $0x3  }
0x37: {  	[smem:$0x3F91] =	sst s10  }
0x38: {  	s10 =	sld [smem:$0x3F92]  }
0x39: {  	_ = 	snop;
	(pc) =	sbr.ind lr, $3  }
0x3a: {  	_ = 	snop  }
0x3b: {  	_ = 	snop  }
0x3c: {  	p2 =	seq.s32 s10, $0x1;
	s10 =	sld [smem:$0x3F91]  }
0x3d: {  	_ =	shalt  }
0x3e: {  	_ =	shalt  }
0x3f: {  	_ =	shalt  }
0x40: {  	_ =	shalt  }
0x41: {  	_ =	shalt  }
0x42: {  	_ =	shalt  }
0x43: {  	_ =	shalt  }
0x44: {  	_ =	shalt  }
0x45: {  	_ =	shalt  }
0x46: {  	_ =	shalt  }
0x47: {  	_ =	shalt  }
0x48: {  	_ =	shalt  }
0x49: {  	_ =	shalt  }
0x4a: {  	_ =	shalt  }
0x4b: {  	_ =	shalt  }
0x4c: {  	_ =	shalt  }
0x4d: {  	_ =	shalt  }
0x4e: {  	_ =	shalt  }
0x4f: {  	_ =	shalt  }
0x50: {  	_ =	shalt  }
0x51: {  	_ =	shalt  }
0x52: {  	_ =	shalt  }
0x53: {  	_ =	shalt  }
0x54: {  	_ =	shalt  }
0x55: {  	_ =	shalt  }
0x56: {  	_ =	shalt  }
0x57: {  	_ =	shalt  }
0x58: {  	_ =	shalt  }
0x59: {  	_ =	shalt  }
0x5a: {  	_ =	shalt  }
0x5b: {  	_ =	shalt  }
0x5c: {  	_ =	shalt  }
0x5d: {  	_ =	shalt  }
0x5e: {  	_ =	shalt  }
0x5f: {  	_ =	shalt  }
0x60: {  	_ =	shalt  }
0x61: {  	_ =	shalt  }
0x62: {  	_ =	shalt  }
0x63: {  	_ =	shalt  }
0x64: {  	_ =	shalt  }
0x65: {  	_ =	shalt  }
0x66: {  	_ =	shalt  }
0x67: {  	_ =	shalt  }
0x68: {  	_ =	shalt  }
0x69: {  	_ =	shalt  }
0x6a: {  	_ =	shalt  }
0x6b: {  	_ =	shalt  }
0x6c: {  	_ =	shalt  }
0x6d: {  	_ =	shalt  }
0x6e: {  	_ =	shalt  }
0x6f: {  	_ =	shalt  }
0x70: {  	_ =	shalt  }
0x71: {  	_ =	shalt  }
0x72: {  	_ =	shalt  }
0x73: {  	_ =	shalt  }
0x74: {  	_ =	shalt  }
0x75: {  	_ =	shalt  }
0x76: {  	_ =	shalt  }
0x77: {  	_ =	shalt  }
0x78: {  	_ =	shalt  }
0x79: {  	_ =	shalt  }
0x7a: {  	_ =	shalt  }
0x7b: {  	_ =	shalt  }
0x7c: {  	_ =	shalt  }
0x7d: {  	_ =	shalt  }
0x7e: {  	_ =	shalt  }
0x7f: {  	_ =	shalt  }
0x80: {  	_ =	shalt  }
0x81: {  	_ =	shalt  }
0x82: {  	_ =	shalt  }
0x83: {  	_ =	shalt  }
0x84: {  	_ =	shalt  }
0x85: {  	_ =	shalt  }
0x86: {  	_ =	shalt  }
0x87: {  	_ =	shalt  }
.Lfunc_end0:
.L_simem_size_0:
called_computation.3_lowered:
.L_overlay_start_0:
0x88: {  	s2 =	sld [smem:$0x3FD9]  }
0x89: {  	s3 =	sld [smem:$0x3FFE];
	_ =	sdelay $0x1  }
0x8a: {  	s1 =	srdreg.scid  }
0x8b: {  	s0 =	sand.u32 $0x1, s1  }
0x8c: {  	s14 =	sshll.u32 s0, $0xA;
	s2 =	sadd.s32 s3, s2  }
0x8d: {  	s2 =	sadd.s32 s2, s14  }
0x8e: {  	[smem:$0x3F9D] =	sst s2  }
0x8f: {  	_ = 	snop  }
0x90: {  	s2 =	sld [smem:$0x3FD0];
	_ =	sdelay $0x2  }
0x91: {  	s15 =	simm.s32 $0xA;
	s4 =	simm.s32 $0x10  }
0x92: {  	[smem:s4], [sflag:s15] =	dma.local [hbm:s2], $0x1  }
0x93: {  	_ =	swait.eq [sflag:s15], $0x1  }
0x94: {  	[sflag:s15] =	ssyncset.done $0x0  }
0x95: {  	[sflag:s15] =	ssyncadd.s32 $0xFFFFFFFF  }
0x96: {  	s16 =	sld [smem:$0x11];
	(tm) =	ssettm $0x1  }
0x97: {  	s17 =	sld [smem:$0x3FFB];
	_ =	sdelay $0x3  }
0x98: {  	_ =	strace s17  }
0x99: {  	s3 =	sld [smem:$0x3FFC];
	_ =	sdelay $0x3  }
0x9a: {  	_ =	strace s3  }
0x9b: {  	s3 =	sld [smem:$0x3FFD];
	_ =	sdelay $0x3  }
0x9c: {  	_ =	strace s3  }
0x9d: {  	_ =	strace $0x8FFFFFFF  }
0x9e: {  	s18 =	sld [smem:$0x3FDB];
	_ =	sdelay $0x1  }
0x9f: {  	s19 =	simm.s32 $_scs_section_size  }
0xa0: {  	s5 =	simm.s32 $_size__tile_overlayer_lowered;
	s6 =	simm.s32 $_tile_overlayer_lowered  }
0xa1: {  	s22 =	simm.s32 $0x1BFF;
	s21 =	sshll.u32 s6, $0x1;
	s3 =	sadd.s32 s19, s18  }
0xa2: {  	s7 =	simm.s32 $0x0;
	s20 =	sshll.u32 s5, $0x1;
	s5 =	sadd.s32 s21, s3  }
0xa3: {  	[timem:s7], [sflag:s22] =	dma.local [hbm:s5], s20  }
0xa4: {  	_ =	swait.ge [sflag:s22], s20  }
0xa5: {  	s4 =	ssub.s32 $0x0, s20;
	[sflag:s22] =	ssyncset.done $0x0  }
0xa6: {  	[sflag:s22] =	ssyncadd.s32 s4;
	_ =	sdelay $0x1  }
0xa7: {  	s23 =	simm.s32 $0x1B8B  }
0xa8: {  	_ =	swait.ge [sflag:s23], $0x1  }
0xa9: {  	[sflag:s23] =	ssyncset.done $0x0  }
0xaa: {  	s25 =	simm.s32 $0x1B8E;
	s24 =	sld [smem:$0x3FFE];
	[sflag:s23] =	ssyncadd.s32 $0xFFFFFFFF  }
0xab: {  	s26 =	simm.s32 $execute0_lowered;
	[smem:$0x3FD2] =	sst s25  }
0xac: {  	s5 =	sshll.u32 s26, $0x1;
	_ =	strace $0x8000004F;
	[dreg:$0x1] =	wrdreg $0xFFFFFFFF  }
0xad: {  	s28 =	simm.s32 $_size_execute0_lowered;
	s3 =	sadd.s32 s3, s5;
	[dreg:$0x0] =	wrdreg $0x0  }
0xae: {  	s5 =	sshll.u32 s28, $0x1;
	[dreg:$0x2] =	wrdreg s3  }
0xaf: {  	[dreg:$0x3] =	wrdreg s5  }
0xb0: {  	[dreg:$0x4] =	wrdreg $0xC0  }
0xb1: {  	_ =	task [dreg:s7], $0x5FFFF  }
0xb2: {  	[dreg:$0x1] =	wrdreg $0xFFFFFFFF  }
0xb3: {  	[dreg:$0x0] =	wrdreg $0x60  }
0xb4: {  	[dreg:$0x2] =	wrdreg s24  }
0xb5: {  	[dreg:$0x3] =	wrdreg s16  }
0xb6: {  	[dreg:$0x4] =	wrdreg $0x0  }
0xb7: {  	[dreg:$0x5] =	wrdreg $0x9  }
0xb8: {  	_ =	task.clear_ibuf [dreg:s7], $0x6FFFF;
	_ =	strace $0x9000004F  }
0xb9: {  	s29 =	simm.s32 $0x9;
	_ =	strace $0x80000051  }
0xba: {  	_ =	swait.ge [sflag:s29], $0x1  }
0xbb: {  	[sflag:s29] =	ssyncadd.s32 $0xFFFFFFFF  }
0xbc: {  	_ =	strace $0x90000051  }
0xbd: {  	_ =	sfence  }
0xbe: {  	s30 =	sld [smem:$0x0];
	_ =	sdelay $0x2  }
0xbf: {  	s31 =	sshll.u32 s1, $0xD;
	s1 =	sshrl.u32 s1, $0x2  }
0xc0: {  	s3 =	sand.u32 $0x4000, s31;
	s1 =	sadd.s32 s1, s30  }
0xc1: {  	s0 =	sor.u32 s3, s0;
	s1 =	sshll.u32 s1, $0x11  }
0xc2: {  	s0 =	sor.u32 s1, s0  }
0xc3: {  	s0 =	sadd.s32 $0x8F2B, s0  }
0xc4: {  	[sflag:s0] =	ssyncadd.remote.s32 $0x1  }
0xc5: {  	_ =	sfence.sel $0xFFFF  }
0xc6: {  	[dreg:$0x0] =	wrdreg $0xFFFFFFFF;
	(pc) =	sbr.abs _section_cstart, $3  }
0xc7: {  	[dreg:$0x1] =	wrdreg $0xFFFFFFFF  }
0xc8: {  	_ =	task.clear_ibuf [dreg:s7], $0x2FFFF;
	_ =	strace $0x9FFFFFFF  }
0xc9: {  	(tm) =	ssettm $0x7FFFFFFF  }
tec
execute0_lowered:
.L_overlay_start_1:
0x0: {  	(tag) =	ssettag $0x1  }
0x1: {  	s8 =	rddreg [dreg:$0x0]  }
0x2: {  	s10 =	rddreg [dreg:$0x1]  }
0x3: {  	s1 =	rddreg [dreg:$0x2]  }
0x4: {  	s0 =	rddreg [dreg:$0x3];
	s2 =	simm.s32 $0x0  }
0x5: {  	s7 =	srdreg.scid;
	s3 =	stileid.u32;
	s17 =	simm.s32 $0x2  }
0x6: {  	s18 =	simm.s32 $0x13940;
	s19 =	simm.s32 $0x80;
	s20 =	simm.s32 $0x139C0  }
0x7: {  	s21 =	simm.s32 $0x179C0;
	s22 =	simm.s32 $0x1;
	s28 =	simm.s32 $0x0  }
0x8: {  	[smem:$0x7FF] =	sst s2;
	s4 =	sadd.s32 $0xBA800, s8;
	s5 =	sadd.s32 $0x5D1A00, s8  }
0x9: {  	s6 =	sadd.s32 $0x55200, s8;
	s9 =	sand.u32 $0x1, s7;
	s12 =	smul.u32 $0x4F000, s3  }
0xa: {  	s7 =	sadd.s32 $0x5F000, s8;
	s8 =	sadd.s32 $0x69000, s8;
	s31 =	smul.u32 $0x2780, s3  }
0xb: {  	s16 =	sadd.s32 $0x128400, s1;
	p0 =	seq.s32 s3, $0xF;
	s14 =	smul.u32 $0x27100, s9  }
0xc: {  	_ =	strace $0x80000050;
	s11 =	ssub.s32 $0x2, s9;
	s30 =	smul.u32 $0x138800, s9  }
0xd: {  	s9 =	sshll.u32 s9, $0x4;
	s13 =	sshrl.u32 s11, $0x1;
	s29 =	sshrl.u32 s12, $0x2  }
0xe: {  	s9 =	sor.u32 s3, s9;
	s13 =	ssub.s32 s11, s13;
	s15 =	sadd.s32 s29, s1  }
0xf: {  	s12 =	sshrl.u32 s30, $0x3;
	s9 =	smul.u32 $0x2780, s9;
	s11 =	sadd.s32 s31, s14  }
0x10: {  	s14 =	sshll.u32 @!p0 s3, $0x6;
	s12 =	sadd.s32 s10, s12;
	s10 =	sadd.s32 s10, s11  }
0x11: {  	s14 =	sor.u32 @!p0 $0x1C02, s14;
	s15 =	sshrl.u32 @!p0 s15, $0x3;
	s11 =	sadd.s32 $0x25080, s12  }
0x12: {  	s12 =	smax.u32 s13, $0x1;
	s13 =	sshrl.u32 @p0 s16, $0x3;
	s16 =	simm.s32 $0x138C0  }
.LBB2_1:
0x13: {  	s23 =	simm.s32 @p0 $0x1FC2  }
0x14: {  	[spmem:s13], [sflag:s23] =	dma.local @p0 [hbm:s8], $0x2100  }
0x15: {  	s23 =	simm.s32 @p0 $0x2  }
0x16: {  	_ =	swait.ge @p0 [sflag:s23], $0x2100  }
0x17: {  	[sflag:s23] =	ssyncset.done @p0 $0x0  }
0x18: {  	[sflag:s23] =	ssyncadd.s32 @p0 $0xFFFFDF00;
	s23 =	simm.s32 @!p0 $0x2  }
0x19: {  	[spmem:s15], [sflag:s14] =	dma.local @!p0 [hbm:s8], $0x2780  }
0x1a: {  	_ =	swait.ge @!p0 [sflag:s23], $0x2780  }
0x1b: {  	[sflag:s23] =	ssyncset.done @!p0 $0x0  }
0x1c: {  	[sflag:s23] =	ssyncadd.s32 @!p0 $0xFFFFD880  }
0x1d: {  	s23 =	simm.s32 $0x0;
	[bflag:$0x0] =	sbarrier.arrive $0xFFFF  }
.LBB2_2:
0x1e: {  	s24 =	sshll.u32 s23, $0x7  }
0x1f: {  	s24 =	sadd.s32 s9, s24  }
0x20: {  	s25 =	sshrl.u32 s24, $0x3  }
0x21: {  	s26 =	sadd.s32 s6, s25  }
0x22: {  	[tilespmem:s16], [sflag:$0x2] =	stream.linear.gather [hbm4b:s26+s28], $0x80, $0x38;
	[tilespmem:$0x1B9C0] =	vst v63  }
0x23: {  	_ =	swait.ge [sflag:s17], $0x80  }
0x24: {  	[sflag:s17] =	ssyncset.done $0x0  }
0x25: {  	s25 =	sadd.s32 s7, s25;
	[sflag:s17] =	ssyncadd.s32 $0xFFFFFF80  }
0x26: {  	[tilespmem:s18], [sflag:$0x2] =	stream.linear.gather [hbm4b:s25+s28], $0x80, $0x38;
	[tilespmem:$0x1B9C0] =	vst v63  }
0x27: {  	_ =	swait.ge [sflag:s17], $0x80  }
0x28: {  	[sflag:s17] =	ssyncset.done $0x0  }
0x29: {  	s24 =	sshll.u32 s24, $0x4;
	[sflag:s17] =	ssyncadd.s32 $0xFFFFFF80  }
0x2a: {  	[tilespmem:s20], [sflag:$0x1] =	stream.indirect.gather [hbm4b:s4+s19], $0x80, s16, s19, $0xb8;
	[tilespmem:$0x1B9C0] =	vst v63  }
0x2b: {  	s24 =	sadd.s32 s5, s24  }
0x2c: {  	[tilespmem:s21], [sflag:$0x2] =	stream.linear.gather [hbm4b:s24+s28], $0x4000, $0x38;
	[tilespmem:$0x1B9C0] =	vst v63  }
0x2d: {  	_ =	swait.ge [sflag:s17], $0x4000  }
0x2e: {  	[sflag:s17] =	ssyncset.done $0x0  }
0x2f: {  	[sflag:s17] =	ssyncadd.s32 $0xFFFFC000  }
0x30: {  	_ =	swait.ge [sflag:s22], $0x4000  }
0x31: {  	[sflag:s22] =	ssyncset.done $0x0  }
0x32: {  	s24 =	simm.s32 $0x0;
	[sflag:s22] =	ssyncadd.s32 $0xFFFFC000  }
0x33: {  	v6 =	vld [tilespmem:s24+$0x179C0]  }
0x34: {  	v11 =	vld [tilespmem:s24+$0x179D0]  }
0x35: {  	v5 =	vld [tilespmem:s24+$0x179E0]  }
0x36: {  	v4 =	vld [tilespmem:s24+$0x179F0]  }
0x37: {  	v3 =	vld [tilespmem:s24+$0x17A00]  }
0x38: {  	v2 =	vld [tilespmem:s24+$0x17A10]  }
0x39: {  	v1 =	vld [tilespmem:s24+$0x17A20]  }
0x3a: {  	v0 =	vld [tilespmem:s24+$0x17A30]  }
0x3b: {  	v12 =	vld [tilespmem:s24+$0x139C0]  }
0x3c: {  	v13 =	vld [tilespmem:s24+$0x139D0]  }
0x3d: {  	v10 =	vld [tilespmem:s24+$0x139E0]  }
0x3e: {  	v9 =	vld [tilespmem:s24+$0x139F0]  }
0x3f: {  	v8 =	vld [tilespmem:s24+$0x13A00]  }
0x40: {  	v7 =	vld [tilespmem:s24+$0x13A10];
	v12 =	vadd.f32 v6, v12  }
0x41: {  	s25 =	simm.s32 $0x200;
	v11 =	vadd.f32 v11, v13;
	v6 =	vld [tilespmem:s24+$0x13A20]  }
.LBB2_3:
0x42: {  	s26 =	sshra.s32 s25, $0x2;
	p1 =	sne.s32 s25, $0xFE00;
	v12 =	vmax.f32 v12, $0.0e+00;
	v5 =	vadd.f32 v5, v10;
	v10 =	vld [tilespmem:s24+$0x13A30]  }
0x43: {  	v13 =	vld [tilespmem:s26+$0x179C0];
	[tilespmem:s24+$0x139C0] =	vst v12;
	v11 =	vmax.f32 v11, $0.0e+00;
	v4 =	vadd.f32 v4, v9  }
0x44: {  	v14 =	vld [tilespmem:s26+$0x179D0];
	[tilespmem:s24+$0x139D0] =	vst v11;
	v9 =	vmax.f32 v5, $0.0e+00;
	v3 =	vadd.f32 v3, v8  }
0x45: {  	v5 =	vld [tilespmem:s26+$0x179E0];
	[tilespmem:s24+$0x139E0] =	vst v9;
	v8 =	vmax.f32 v4, $0.0e+00;
	v2 =	vadd.f32 v2, v7  }
0x46: {  	v4 =	vld [tilespmem:s26+$0x179F0];
	[tilespmem:s24+$0x139F0] =	vst v8;
	v7 =	vmax.f32 v3, $0.0e+00;
	v1 =	vadd.f32 v1, v6  }
0x47: {  	v3 =	vld [tilespmem:s26+$0x17A00];
	[tilespmem:s24+$0x13A00] =	vst v7;
	v6 =	vmax.f32 v2, $0.0e+00;
	v0 =	vadd.f32 v0, v10  }
0x48: {  	v2 =	vld [tilespmem:s26+$0x17A10];
	[tilespmem:s24+$0x13A10] =	vst v6;
	v6 =	vmax.f32 v1, $0.0e+00  }
0x49: {  	v1 =	vld [tilespmem:s26+$0x17A20];
	[tilespmem:s24+$0x13A20] =	vst v6;
	v6 =	vmax.f32 v0, $0.0e+00  }
0x4a: {  	v0 =	vld [tilespmem:s26+$0x17A30];
	[tilespmem:s24+$0x13A30] =	vst v6;
	s24 =	smov.u32 s26  }
0x4b: {  	v6 =	vld [tilespmem:s24+$0x139C0]  }
0x4c: {  	v11 =	vld [tilespmem:s24+$0x139D0]  }
.Ltmp0:
0x4d: {  	v10 =	vld [tilespmem:s24+$0x139E0];
	(pc) =	sbr.rel @p1 .LBB2_3-.Ltmp0, $4  }
0x4e: {  	v9 =	vld [tilespmem:s24+$0x139F0]  }
0x4f: {  	v8 =	vld [tilespmem:s24+$0x13A00]  }
0x50: {  	v12 =	vadd.f32 v13, v6;
	v7 =	vld [tilespmem:s24+$0x13A10]  }
0x51: {  	s25 =	sadd.s32 $0x200, s25;
	v11 =	vadd.f32 v14, v11;
	v6 =	vld [tilespmem:s24+$0x13A20]  }
0x52: {  	v12 =	vmax.f32 v12, $0.0e+00;
	v5 =	vadd.f32 v5, v10;
	v63 =	vld [tilespmem:s24+$0x13A30]  }
0x53: {  	[tilespmem:s24+$0x139C0] =	vst v12;
	v11 =	vmax.f32 v11, $0.0e+00;
	v4 =	vadd.f32 v4, v9  }
0x54: {  	[tilespmem:s24+$0x139D0] =	vst v11;
	v5 =	vmax.f32 v5, $0.0e+00;
	v3 =	vadd.f32 v3, v8  }
0x55: {  	[tilespmem:s24+$0x139E0] =	vst v5;
	v4 =	vmax.f32 v4, $0.0e+00;
	v2 =	vadd.f32 v2, v7  }
0x56: {  	[tilespmem:s24+$0x139F0] =	vst v4;
	v3 =	vmax.f32 v3, $0.0e+00;
	v1 =	vadd.f32 v1, v6  }
0x57: {  	[tilespmem:s24+$0x13A00] =	vst v3;
	v2 =	vmax.f32 v2, $0.0e+00;
	v0 =	vadd.f32 v0, v63  }
0x58: {  	s23 =	sadd.s32 $0x1, s23;
	[tilespmem:s24+$0x13A10] =	vst v2;
	v1 =	vmax.f32 v1, $0.0e+00  }
0x59: {  	p1 =	sne.s32 s23, $0x4F;
	[tilespmem:s24+$0x13A20] =	vst v1;
	v0 =	vmax.f32 v0, $0.0e+00  }
.Ltmp1:
0x5a: {  	[tilespmem:s24+$0x13A30] =	vst v0;
	(pc) =	sbr.rel @p1 .LBB2_2-.Ltmp1, $4  }
0x5b: {  	[spmem:s1] =	stream.indirect.scatter.add.f32 [tilespmem:s20], [sflag:$0x2], $0x80, s18, s19, $0xb8;
	[tilespmem:$0x1B9C0] =	vst v63  }
0x5c: {  	_ =	swait.ge [sflag:s17], $0x4000  }
0x5d: {  	[sflag:s17] =	ssyncset.done $0x0  }
0x5e: {  	[sflag:s17] =	ssyncadd.s32 $0xFFFFC000  }
0x5f: {  	[bflag:$0x0] =	sbarrier.arrive $0xFFFF;
	s23 =	simm.s32 @p0 $0x1FC2  }
0x60: {  	[hbm:s11], [sflag:s23] =	dma.local @p0 [spmem:s13], $0x2080  }
0x61: {  	s23 =	simm.s32 @p0 $0x2  }
0x62: {  	s2 =	sadd.s32 $0x1, s2;
	_ =	swait.ge @p0 [sflag:s23], $0x2080  }
0x63: {  	p1 =	sne.s32 s2, s12;
	[sflag:s23] =	ssyncset.done @p0 $0x0  }
.Ltmp2:
0x64: {  	[sflag:s23] =	ssyncadd.s32 @p0 $0xFFFFDF80;
	s23 =	simm.s32 @!p0 $0x2;
	(pc) =	sbr.rel @p1 .LBB2_1-.Ltmp2, $4  }
0x65: {  	[hbm:s10], [sflag:s14] =	dma.local @!p0 [spmem:s15], $0x2780  }
0x66: {  	_ =	swait.ge @!p0 [sflag:s23], $0x2780  }
0x67: {  	[sflag:s23] =	ssyncset.done @!p0 $0x0  }
0x68: {  	[sflag:s23] =	ssyncadd.s32 @!p0 $0xFFFFD880  }
0x69: {  	_ =	sfence.sel $0x180000  }
0x6a: {  	[bflag:$0x0] =	sbarrier.arrive $0xFFFF  }
0x6b: {  	p0 =	sne.s32 s3, $0x0;
	_ =	strace $0x90000050  }
0x6c: {  	s0 =	sadd.s32 @!p0 $0x100000, s0;
	[bflag:$0x2] =	sbarrier.arrive $0xFFFF  }
0x6d: {  	[sflag:s0] =	ssyncadd.tile.s32 @!p0 $0x1;
	_ =	shalt  }
.Lfunc_end2:
_tile_overlayer_lowered:
.L_overlay_start_2:
0x6e: {  	(tag) =	ssettag $0x2  }
0x6f: {  	s0 =	rddreg [dreg:$0x0];
	s2 =	stileid.u32  }
0x70: {  	s1 =	rddreg [dreg:$0x1];
	p0 =	sne.s32 s2, $0x0  }
0x71: {  	s3 =	rddreg [dreg:$0x2];
	[bflag:$0x3] =	sbarrier.arrive $0xFFFF;
	s2 =	simm.s32 @!p0 $0x1C02  }
0x72: {  	[timem:s3], [sflag:s2] =	dma.local @!p0 [hbm:s0], s1  }
0x73: {  	s0 =	simm.s32 @!p0 $0x2  }
0x74: {  	_ =	swait.ge @!p0 [sflag:s0], s1  }
0x75: {  	s1 =	ssub.s32 @!p0 $0x0, s1;
	[sflag:s0] =	ssyncset.done @!p0 $0x0  }
0x76: {  	[sflag:s0] =	ssyncadd.s32 @!p0 s1  }
0x77: {  	[bflag:$0x3] =	sbarrier.arrive $0xFFFF  }
0x78: {  	_ =	shalt  }

</sc_bundles>
